<compile_context>
chip_gen: v7x
topology: tpu7x:2x2x1
jax: 0.10.2.dev20260603
libtpu: 0.0.44.dev20260713+nightly
codegen_flags: <defaults>
</compile_context>

<pallas_src>
import functools
import math

import jax
import jax.numpy as jnp
from jax import lax
from jax.experimental import pallas as pl
from jax.experimental.pallas import tpu as pltpu
from jax.experimental.pallas import tpu_sc as plsc

D_MODEL = 384
NHEAD = 8
DS = 4
OFFSET_SCALE = 4.0
B = 8
H = 56
W = 56
HQ = H // DS
WQ = W // DS
NQ = HQ * WQ
DH = D_MODEL // NHEAD
NPTS = B * NQ * NHEAD
NROWS = B * H * W

NW = 32
NPTS_PAD = NPTS
ROWS_PER_W = NPTS // NW
CHUNK = 56
NCHUNK = ROWS_PER_W // CHUNK



def _prep_body(fm_ref, pool_ref, wqT_ref, wkbig_ref, wox_ref, woy_ref,
               qk_ref, idx_ref, w_ref):
    b = pl.program_id(0)
    fm = fm_ref[0]

    q_feat = jnp.dot(pool_ref[...], fm, preferred_element_type=jnp.float32,
                     precision=jax.lax.Precision.HIGHEST)

    queries = jnp.dot(q_feat, wqT_ref[...],
                      preferred_element_type=jnp.float32)
    off_x = jnp.dot(q_feat, wox_ref[...],
                    preferred_element_type=jnp.float32) * OFFSET_SCALE
    off_y = jnp.dot(q_feat, woy_ref[...],
                    preferred_element_type=jnp.float32) * OFFSET_SCALE

    qq = lax.broadcasted_iota(jnp.int32, (NQ, NHEAD), 0)
    ref_x = (qq % WQ).astype(jnp.float32) * (2.0 / (WQ - 1)) - 1.0
    ref_y = (qq // WQ).astype(jnp.float32) * (2.0 / (HQ - 1)) - 1.0

    x = (ref_x + off_x + 1.0) * (0.5 * (W - 1))
    y = (ref_y + off_y + 1.0) * (0.5 * (H - 1))
    x0 = jnp.floor(x)
    y0 = jnp.floor(y)
    wx1 = x - x0
    wx0 = 1.0 - wx1
    wy1 = y - y0
    wy0 = 1.0 - wy1
    x0c = jnp.clip(x0, 0, W - 1).astype(jnp.int32)
    x1c = jnp.clip(x0 + 1.0, 0, W - 1).astype(jnp.int32)
    y0c = jnp.clip(y0, 0, H - 1).astype(jnp.int32)
    y1c = jnp.clip(y0 + 1.0, 0, H - 1).astype(jnp.int32)

    base = b * (H * W)
    i00 = base + y0c * W + x0c
    i01 = base + y0c * W + x1c
    i10 = base + y1c * W + x0c
    i11 = base + y1c * W + x1c
    idx_ref[0] = jnp.concatenate([i00, i01, i10, i11], axis=-1)
    w_ref[0] = jnp.concatenate([wy0 * wx0, wy0 * wx1, wy1 * wx0, wy1 * wx1],
                               axis=-1)

    scale = 1.0 / math.sqrt(float(DH))
    qk_ref[0] = (jnp.dot(queries, wkbig_ref[...],
                         preferred_element_type=jnp.float32)
                 * scale).astype(jnp.bfloat16)


def _prep_call(fm_hw3, pool_mat, wqT, wkbig, wox, woy):
    return pl.pallas_call(
        _prep_body,
        grid=(B,),
        in_specs=[
            pl.BlockSpec((1, H * W, D_MODEL), lambda b: (b, 0, 0)),
            pl.BlockSpec((NQ, H * W), lambda b: (0, 0)),
            pl.BlockSpec((D_MODEL, D_MODEL), lambda b: (0, 0)),
            pl.BlockSpec((D_MODEL, NHEAD * D_MODEL), lambda b: (0, 0)),
            pl.BlockSpec((D_MODEL, NHEAD), lambda b: (0, 0)),
            pl.BlockSpec((D_MODEL, NHEAD), lambda b: (0, 0)),
        ],
        out_specs=[
            pl.BlockSpec((1, NQ, NHEAD * D_MODEL), lambda b: (b, 0, 0)),
            pl.BlockSpec((1, NQ, 4 * NHEAD), lambda b: (b, 0, 0)),
            pl.BlockSpec((1, NQ, 4 * NHEAD), lambda b: (b, 0, 0)),
        ],
        out_shape=[
            jax.ShapeDtypeStruct((B, NQ, NHEAD * D_MODEL), jnp.bfloat16),
            jax.ShapeDtypeStruct((B, NQ, 4 * NHEAD), jnp.int32),
            jax.ShapeDtypeStruct((B, NQ, 4 * NHEAD), jnp.float32),
        ],
    )(fm_hw3, pool_mat, wqT, wkbig, wox, woy)



def _sc_gather_body(fm_hbm, idx_hbm, w_hbm, out_hbm, idx_a, idx_b, w_all,
                    buf_a, buf_b, out_v, sem_a, sem_b):
    cid = lax.axis_index("c")
    sid = lax.axis_index("s")
    wid = sid * 2 + cid
    base0 = wid * ROWS_PER_W

    for n in range(4):
        pltpu.sync_copy(w_hbm.at[pl.ds(n * NPTS_PAD + base0, ROWS_PER_W)],
                        w_all.at[pl.ds(n * ROWS_PER_W, ROWS_PER_W)])

    def issue(j, pair, idxbuf, buf, sem):
        for k in range(2):
            n = pair * 2 + k
            pltpu.sync_copy(
                idx_hbm.at[pl.ds(n * NPTS + base0 + j * CHUNK, CHUNK)],
                idxbuf.at[k])
            pltpu.async_copy(fm_hbm.at[idxbuf.at[k]], buf.at[k], sem)

    issue(0, 0, idx_a, buf_a, sem_a)

    @pl.loop(0, NCHUNK, unroll=1)
    def chunk_body(j):
        jbase = j * CHUNK
        issue(j, 1, idx_b, buf_b, sem_b)
        for k in range(2):
            pltpu.make_async_copy(fm_hbm.at[pl.ds(0, CHUNK)], buf_a.at[k],
                                  sem_a).wait()

        @pl.loop(0, CHUNK, unroll=1)
        def row0_body(r):
            w0 = w_all[pl.ds(jbase + r, 16)][0]
            w1 = w_all[pl.ds(ROWS_PER_W + jbase + r, 16)][0]
            for cth in range(D_MODEL // 16):
                col = pl.ds(cth * 16, 16)
                out_v[r, col] = w0 * buf_a[0, r, col] + w1 * buf_a[1, r, col]

        @pl.when(j + 1 < NCHUNK)
        def _():
            issue(j + 1, 0, idx_a, buf_a, sem_a)

        for k in range(2):
            pltpu.make_async_copy(fm_hbm.at[pl.ds(0, CHUNK)], buf_b.at[k],
                                  sem_b).wait()

        @pl.loop(0, CHUNK, unroll=1)
        def row1_body(r):
            w2 = w_all[pl.ds(2 * ROWS_PER_W + jbase + r, 16)][0]
            w3 = w_all[pl.ds(3 * ROWS_PER_W + jbase + r, 16)][0]
            for cth in range(D_MODEL // 16):
                col = pl.ds(cth * 16, 16)
                acc = w2 * buf_b[0, r, col] + w3 * buf_b[1, r, col]
                out_v[r, col] += acc

        pltpu.sync_copy(out_v, out_hbm.at[pl.ds(base0 + jbase, CHUNK)])


def _sc_gather_call(fm_flat, idx4, w4):
    mesh = plsc.VectorSubcoreMesh(core_axis_name="c", subcore_axis_name="s")
    kern = functools.partial(
        pl.kernel,
        mesh=mesh,
        out_type=jax.ShapeDtypeStruct((NPTS, D_MODEL), jnp.float32),
        scratch_types=[
            pltpu.VMEM((2, CHUNK), jnp.int32),
            pltpu.VMEM((2, CHUNK), jnp.int32),
            pltpu.VMEM((4 * ROWS_PER_W + 16,), jnp.float32),
            pltpu.VMEM((2, CHUNK, D_MODEL), jnp.float32),
            pltpu.VMEM((2, CHUNK, D_MODEL), jnp.float32),
            pltpu.VMEM((CHUNK, D_MODEL), jnp.float32),
            pltpu.SemaphoreType.DMA,
            pltpu.SemaphoreType.DMA,
        ],
    )(_sc_gather_body)
    return kern(fm_flat, idx4, w4)



def _attn_body(smp_ref, qk_ref, wvbd_ref, out_ref):
    smp_p = [smp_ref[0, p] for p in range(NHEAD)]
    s_cats = []
    for h in range(NHEAD):
        qk_h = qk_ref[0, :, h * D_MODEL:(h + 1) * D_MODEL].astype(
            jnp.float32)
        logit_cols = [
            jnp.sum(smp_p[p] * qk_h, axis=-1, keepdims=True)
            for p in range(NHEAD)
        ]
        logits = jnp.concatenate(logit_cols, axis=-1)
        m = jnp.max(logits, axis=-1, keepdims=True)
        e = jnp.exp(logits - m)
        attn = e / jnp.sum(e, axis=-1, keepdims=True)
        s_attn = attn[:, 0:1] * smp_p[0]
        for p in range(1, NHEAD):
            s_attn += attn[:, p:p + 1] * smp_p[p]
        s_cats.append(s_attn)
    s_cat = jnp.concatenate(s_cats, axis=-1)
    out_ref[0] = jnp.dot(s_cat, wvbd_ref[...],
                         preferred_element_type=jnp.float32)


def _attn_call(sampled4, qk, wvbd):
    return pl.pallas_call(
        _attn_body,
        grid=(B,),
        in_specs=[
            pl.BlockSpec((1, NHEAD, NQ, D_MODEL), lambda b: (b, 0, 0, 0)),
            pl.BlockSpec((1, NQ, NHEAD * D_MODEL), lambda b: (b, 0, 0)),
            pl.BlockSpec((NHEAD * D_MODEL, D_MODEL), lambda b: (0, 0)),
        ],
        out_specs=pl.BlockSpec((1, NQ, D_MODEL), lambda b: (b, 0, 0)),
        out_shape=jax.ShapeDtypeStruct((B, NQ, D_MODEL), jnp.float32),
    )(sampled4, qk, wvbd)



def kernel(feature_map, W_q, W_k, W_v, W_off):
    fm_hw3 = feature_map.transpose(0, 2, 3, 1).reshape(B, H * W, D_MODEL)
    wqT = W_q.T
    wox = W_off[:, 0::2]
    woy = W_off[:, 1::2]
    hmask_d = jnp.repeat(jnp.eye(NHEAD, dtype=jnp.float32), DH, axis=0)
    wkbig = (W_k.T[:, None, :] * hmask_d[:, :, None]).reshape(
        D_MODEL, NHEAD * D_MODEL)
    wvbd = (W_v[None, :, :] * hmask_d.T[:, None, :]).reshape(
        NHEAD * D_MODEL, D_MODEL)

    s_io = jnp.arange(H * W, dtype=jnp.int32)[None, :]
    q_io = jnp.arange(NQ, dtype=jnp.int32)[:, None]
    pgroup = (s_io // (W * DS)) * WQ + (s_io % W) // DS
    pool_mat = jnp.where(pgroup == q_io, 1.0 / (DS * DS), 0.0
                         ).astype(jnp.float32)

    qk, idx_cat, w_cat = _prep_call(fm_hw3, pool_mat, wqT, wkbig, wox, woy)

    idx4 = idx_cat.reshape(B, NQ, 4, NHEAD).transpose(2, 0, 3, 1).reshape(4 * NPTS)
    w4 = w_cat.reshape(B, NQ, 4, NHEAD).transpose(2, 0, 3, 1).reshape(4 * NPTS)

    fm_flat = fm_hw3.reshape(NROWS, D_MODEL)
    sampled = _sc_gather_call(fm_flat, idx4, w4)

    sampled4 = sampled.reshape(B, NHEAD, NQ, D_MODEL)
    return _attn_call(sampled4, qk, wvbd)

# --- scband reference (transcript-rebuilt; emitter-appended) ---
"""Pipeline reference for scband-deformable-attention-module-3341484556406 (READ-ONLY COPY).

The authoritative reference and input builder live on the scoring server;
editing this copy changes nothing except your own understanding.
"""

import jax, jax.numpy as jnp
import numpy as np

D_MODEL = 384
NHEAD = 8
DS = 4
OFFSET_SCALE = 4.0


def _bilinear_interpolate(feature_map, pts):
    # feature_map: [B, C, H, W]; pts: [B, Nq, P, 2] normalized coords in [-1, 1] (x, y)
    B, C, H, W = feature_map.shape
    fm = feature_map.transpose(0, 2, 3, 1).reshape(B, H * W, C)
    x = (pts[..., 0] + 1.0) * 0.5 * (W - 1)
    y = (pts[..., 1] + 1.0) * 0.5 * (H - 1)
    x0 = jnp.floor(x)
    y0 = jnp.floor(y)
    wx1 = x - x0
    wx0 = 1.0 - wx1
    wy1 = y - y0
    wy0 = 1.0 - wy1
    x0c = jnp.clip(x0, 0, W - 1).astype(jnp.int32)
    x1c = jnp.clip(x0 + 1.0, 0, W - 1).astype(jnp.int32)
    y0c = jnp.clip(y0, 0, H - 1).astype(jnp.int32)
    y1c = jnp.clip(y0 + 1.0, 0, H - 1).astype(jnp.int32)
    gather = jax.vmap(lambda f, i: f[i])
    v00 = gather(fm, y0c * W + x0c)
    v01 = gather(fm, y0c * W + x1c)
    v10 = gather(fm, y1c * W + x0c)
    v11 = gather(fm, y1c * W + x1c)
    out = (v00 * (wy0 * wx0)[..., None] + v01 * (wy0 * wx1)[..., None]
           + v10 * (wy1 * wx0)[..., None] + v11 * (wy1 * wx1)[..., None])
    return out


def _forward(feature_map, W_q, W_k, W_v, W_off):
    B, C, H, W = feature_map.shape
    Hq, Wq = H // DS, W // DS
    Nq = Hq * Wq
    # reference points on the downsampled grid, normalized to [-1, 1]
    ys = jnp.linspace(-1.0, 1.0, Hq)
    xs = jnp.linspace(-1.0, 1.0, Wq)
    yg, xg = jnp.meshgrid(ys, xs, indexing='ij')
    ref = jnp.stack([xg.reshape(-1), yg.reshape(-1)], axis=-1)
    ref = jnp.broadcast_to(ref[None], (B, Nq, 2))
    # query features: average-pool the feature map down to the reference grid
    q_feat = feature_map.reshape(B, C, Hq, DS, Wq, DS).mean(axis=(3, 5))
    q_feat = q_feat.reshape(B, C, Nq).transpose(0, 2, 1)  # [B, Nq, C]
    queries = q_feat @ W_q.T  # nn.Linear convention
    # offset network (linear projection), scaled by offset_scale
    offsets = (q_feat @ W_off) * OFFSET_SCALE  # [B, Nq, NHEAD*2]
    samp = ref[:, :, None, :] + offsets.reshape(B, Nq, NHEAD, 2)  # [B, Nq, P, 2]
    sampled = _bilinear_interpolate(feature_map, samp)  # [B, Nq, P, C]
    # original code uses torch.matmul(sampled_features, W_k) (no transpose)
    keys = sampled @ W_k
    values = sampled @ W_v
    dh = C // NHEAD
    q = queries.reshape(B, Nq, NHEAD, dh)
    k = keys.reshape(B, Nq, NHEAD, NHEAD, dh)  # [B, Nq, P, H, dh]
    v = values.reshape(B, Nq, NHEAD, NHEAD, dh)
    attn = jnp.einsum('bqhd,bqphd->bqhp', q, k) / jnp.sqrt(float(dh))
    attn = jax.nn.softmax(attn, axis=-1)
    out = jnp.einsum('bqhp,bqphd->bqhd', attn, v)
    return out.reshape(B, Nq, C)


def setup_inputs(seed: int = 0):
    key = jax.random.key(seed)
    k1, k2, k3, k4, k5 = jax.random.split(key, 5)
    feature_map = jax.random.normal(k1, (8, D_MODEL, 56, 56), dtype=jnp.float32)
    W_q = jax.random.normal(k2, (D_MODEL, D_MODEL), dtype=jnp.float32) * 0.05
    W_k = jax.random.normal(k3, (D_MODEL, D_MODEL), dtype=jnp.float32) * 0.05
    W_v = jax.random.normal(k4, (D_MODEL, D_MODEL), dtype=jnp.float32) * 0.05
    W_off = jax.random.normal(k5, (D_MODEL, NHEAD * 2), dtype=jnp.float32) * 0.05
    return {"feature_map": feature_map, "W_q": W_q, "W_k": W_k, "W_v": W_v, "W_off": W_off}


def reference(feature_map, W_q, W_k, W_v, W_off):
    return _forward(feature_map, W_q, W_k, W_v, W_off)

if __name__ == "__main__":
    import jax
    _d = setup_inputs()
    print(jax.jit(kernel)(*tuple(_d.values())))

</pallas_src>

<mosaic_0001>
#map = affine_map<(d0, d1) -> (0, 0)>
#map1 = affine_map<(d0, d1) -> (0)>
module attributes {stable_mosaic.version = 14 : i64} {
  func.func @_sc_gather_body(%arg0: i32, %arg1: i32, %arg2: memref<25088x384xf32, #tpu.memory_space<hbm>>, %arg3: memref<50176xi32, #tpu.memory_space<hbm>>, %arg4: memref<50176xf32, #tpu.memory_space<hbm>>, %arg5: memref<12544x384xf32, #tpu.memory_space<hbm>>, %arg6: memref<2x56xi32, #tpu.memory_space<vmem>>, %arg7: memref<2x56xi32, #tpu.memory_space<vmem>>, %arg8: memref<1584xf32, #tpu.memory_space<vmem>>, %arg9: memref<2x56x384xf32, #tpu.memory_space<vmem>>, %arg10: memref<2x56x384xf32, #tpu.memory_space<vmem>>, %arg11: memref<56x384xf32, #tpu.memory_space<vmem>>, %arg12: memref<!tpu.dma_semaphore, #tpu.memory_space<semaphore_mem>>, %arg13: memref<!tpu.dma_semaphore, #tpu.memory_space<semaphore_mem>>) attributes {dimension_semantics = [#tpu.dimension_semantics<core_parallel>, #tpu.dimension_semantics<subcore_parallel>], iteration_bounds = array<i64: 2, 16>, scalar_prefetch = 0 : i64, scratch_operands = 8 : i64, tpu.core_type = #tpu.core_type<sc_vector_subcore>, window_params = [{transform_indices = #map}, {transform_indices = #map1}, {transform_indices = #map1}, {transform_indices = #map}]} {
    %mul3A = arith.constant 2 : i32
    %mul3A_0 = arith.muli %arg1, %mul3A : i32
    %add3A = arith.addi %mul3A_0, %arg0 : i32
    %mul3A_1 = arith.constant 392 : i32
    %mul3A_2 = arith.muli %add3A, %mul3A_1 : i32
    %add3A_3 = arith.constant 0 : i32
    %add3A_4 = arith.addi %add3A_3, %mul3A_2 : i32
    "tpu.region"() ({
      %run_scoped3A_47 = tpu.sem_alloc : memref<!tpu.dma_semaphore, #tpu.memory_space<semaphore_mem>>
      %dma_start3A_48 = arith.constant 0 : i32
      %dma_start3A_49 = tpu.memref_slice %arg8[%dma_start3A_48] : memref<1584xf32, #tpu.memory_space<vmem>> -> memref<392xf32, #tpu.memory_space<vmem>>
      %dma_start3A_50 = tpu.memref_slice %arg4[%add3A_4] : memref<50176xf32, #tpu.memory_space<hbm>> -> memref<392xf32, #tpu.memory_space<hbm>>
      %dma_start3A_51 = arith.constant 0 : i32
      %dma_start3A_52 = tpu.memref_slice %arg8[%dma_start3A_51] : memref<1584xf32, #tpu.memory_space<vmem>> -> memref<392xf32, #tpu.memory_space<vmem>>
      %dma_start3A_53 = tpu.memref_slice %arg4[%add3A_4] : memref<50176xf32, #tpu.memory_space<hbm>> -> memref<392xf32, #tpu.memory_space<hbm>>
      tpu.enqueue_dma source(%dma_start3A_53 : memref<392xf32, #tpu.memory_space<hbm>>) target(%dma_start3A_52 : memref<392xf32, #tpu.memory_space<vmem>>) target_semaphore(%run_scoped3A_47 : memref<!tpu.dma_semaphore, #tpu.memory_space<semaphore_mem>>)
      %dma_wait3A = arith.constant 0 : i32
      %dma_wait3A_54 = tpu.memref_slice %arg8[%dma_wait3A] : memref<1584xf32, #tpu.memory_space<vmem>> -> memref<392xf32, #tpu.memory_space<vmem>>
      %dma_wait3A_55 = tpu.memref_slice %arg4[%add3A_4] : memref<50176xf32, #tpu.memory_space<hbm>> -> memref<392xf32, #tpu.memory_space<hbm>>
      %dma_wait3A_56 = arith.constant 0 : i32
      %dma_wait3A_57 = tpu.memref_slice %arg8[%dma_wait3A_56] : memref<1584xf32, #tpu.memory_space<vmem>> -> memref<392xf32, #tpu.memory_space<vmem>>
      %dma_wait3A_58 = tpu.memref_slice %arg4[%add3A_4] : memref<50176xf32, #tpu.memory_space<hbm>> -> memref<392xf32, #tpu.memory_space<hbm>>
      tpu.wait_dma2 semaphore(%run_scoped3A_47 : memref<!tpu.dma_semaphore, #tpu.memory_space<semaphore_mem>>) src(%dma_wait3A_58 : memref<392xf32, #tpu.memory_space<hbm>>) dst(%dma_wait3A_57 : memref<392xf32, #tpu.memory_space<vmem>>)
      tpu.yield
    }) : () -> ()
    %add3A_5 = arith.constant 12544 : i32
    %add3A_6 = arith.addi %add3A_5, %mul3A_2 : i32
    "tpu.region"() ({
      %run_scoped3A_47 = tpu.sem_alloc : memref<!tpu.dma_semaphore, #tpu.memory_space<semaphore_mem>>
      %dma_start3A_48 = arith.constant 392 : i32
      %dma_start3A_49 = tpu.memref_slice %arg8[%dma_start3A_48] : memref<1584xf32, #tpu.memory_space<vmem>> -> memref<392xf32, #tpu.memory_space<vmem>>
      %dma_start3A_50 = tpu.memref_slice %arg4[%add3A_6] : memref<50176xf32, #tpu.memory_space<hbm>> -> memref<392xf32, #tpu.memory_space<hbm>>
      %dma_start3A_51 = arith.constant 392 : i32
      %dma_start3A_52 = tpu.memref_slice %arg8[%dma_start3A_51] : memref<1584xf32, #tpu.memory_space<vmem>> -> memref<392xf32, #tpu.memory_space<vmem>>
      %dma_start3A_53 = tpu.memref_slice %arg4[%add3A_6] : memref<50176xf32, #tpu.memory_space<hbm>> -> memref<392xf32, #tpu.memory_space<hbm>>
      tpu.enqueue_dma source(%dma_start3A_53 : memref<392xf32, #tpu.memory_space<hbm>>) target(%dma_start3A_52 : memref<392xf32, #tpu.memory_space<vmem>>) target_semaphore(%run_scoped3A_47 : memref<!tpu.dma_semaphore, #tpu.memory_space<semaphore_mem>>)
      %dma_wait3A = arith.constant 392 : i32
      %dma_wait3A_54 = tpu.memref_slice %arg8[%dma_wait3A] : memref<1584xf32, #tpu.memory_space<vmem>> -> memref<392xf32, #tpu.memory_space<vmem>>
      %dma_wait3A_55 = tpu.memref_slice %arg4[%add3A_6] : memref<50176xf32, #tpu.memory_space<hbm>> -> memref<392xf32, #tpu.memory_space<hbm>>
      %dma_wait3A_56 = arith.constant 392 : i32
      %dma_wait3A_57 = tpu.memref_slice %arg8[%dma_wait3A_56] : memref<1584xf32, #tpu.memory_space<vmem>> -> memref<392xf32, #tpu.memory_space<vmem>>
      %dma_wait3A_58 = tpu.memref_slice %arg4[%add3A_6] : memref<50176xf32, #tpu.memory_space<hbm>> -> memref<392xf32, #tpu.memory_space<hbm>>
      tpu.wait_dma2 semaphore(%run_scoped3A_47 : memref<!tpu.dma_semaphore, #tpu.memory_space<semaphore_mem>>) src(%dma_wait3A_58 : memref<392xf32, #tpu.memory_space<hbm>>) dst(%dma_wait3A_57 : memref<392xf32, #tpu.memory_space<vmem>>)
      tpu.yield
    }) : () -> ()
    %add3A_7 = arith.constant 25088 : i32
    %add3A_8 = arith.addi %add3A_7, %mul3A_2 : i32
    "tpu.region"() ({
      %run_scoped3A_47 = tpu.sem_alloc : memref<!tpu.dma_semaphore, #tpu.memory_space<semaphore_mem>>
      %dma_start3A_48 = arith.constant 784 : i32
      %dma_start3A_49 = tpu.memref_slice %arg8[%dma_start3A_48] : memref<1584xf32, #tpu.memory_space<vmem>> -> memref<392xf32, #tpu.memory_space<vmem>>
      %dma_start3A_50 = tpu.memref_slice %arg4[%add3A_8] : memref<50176xf32, #tpu.memory_space<hbm>> -> memref<392xf32, #tpu.memory_space<hbm>>
      %dma_start3A_51 = arith.constant 784 : i32
      %dma_start3A_52 = tpu.memref_slice %arg8[%dma_start3A_51] : memref<1584xf32, #tpu.memory_space<vmem>> -> memref<392xf32, #tpu.memory_space<vmem>>
      %dma_start3A_53 = tpu.memref_slice %arg4[%add3A_8] : memref<50176xf32, #tpu.memory_space<hbm>> -> memref<392xf32, #tpu.memory_space<hbm>>
      tpu.enqueue_dma source(%dma_start3A_53 : memref<392xf32, #tpu.memory_space<hbm>>) target(%dma_start3A_52 : memref<392xf32, #tpu.memory_space<vmem>>) target_semaphore(%run_scoped3A_47 : memref<!tpu.dma_semaphore, #tpu.memory_space<semaphore_mem>>)
      %dma_wait3A = arith.constant 784 : i32
      %dma_wait3A_54 = tpu.memref_slice %arg8[%dma_wait3A] : memref<1584xf32, #tpu.memory_space<vmem>> -> memref<392xf32, #tpu.memory_space<vmem>>
      %dma_wait3A_55 = tpu.memref_slice %arg4[%add3A_8] : memref<50176xf32, #tpu.memory_space<hbm>> -> memref<392xf32, #tpu.memory_space<hbm>>
      %dma_wait3A_56 = arith.constant 784 : i32
      %dma_wait3A_57 = tpu.memref_slice %arg8[%dma_wait3A_56] : memref<1584xf32, #tpu.memory_space<vmem>> -> memref<392xf32, #tpu.memory_space<vmem>>
      %dma_wait3A_58 = tpu.memref_slice %arg4[%add3A_8] : memref<50176xf32, #tpu.memory_space<hbm>> -> memref<392xf32, #tpu.memory_space<hbm>>
      tpu.wait_dma2 semaphore(%run_scoped3A_47 : memref<!tpu.dma_semaphore, #tpu.memory_space<semaphore_mem>>) src(%dma_wait3A_58 : memref<392xf32, #tpu.memory_space<hbm>>) dst(%dma_wait3A_57 : memref<392xf32, #tpu.memory_space<vmem>>)
      tpu.yield
    }) : () -> ()
    %add3A_9 = arith.constant 37632 : i32
    %add3A_10 = arith.addi %add3A_9, %mul3A_2 : i32
    "tpu.region"() ({
      %run_scoped3A_47 = tpu.sem_alloc : memref<!tpu.dma_semaphore, #tpu.memory_space<semaphore_mem>>
      %dma_start3A_48 = arith.constant 1176 : i32
      %dma_start3A_49 = tpu.memref_slice %arg8[%dma_start3A_48] : memref<1584xf32, #tpu.memory_space<vmem>> -> memref<392xf32, #tpu.memory_space<vmem>>
      %dma_start3A_50 = tpu.memref_slice %arg4[%add3A_10] : memref<50176xf32, #tpu.memory_space<hbm>> -> memref<392xf32, #tpu.memory_space<hbm>>
      %dma_start3A_51 = arith.constant 1176 : i32
      %dma_start3A_52 = tpu.memref_slice %arg8[%dma_start3A_51] : memref<1584xf32, #tpu.memory_space<vmem>> -> memref<392xf32, #tpu.memory_space<vmem>>
      %dma_start3A_53 = tpu.memref_slice %arg4[%add3A_10] : memref<50176xf32, #tpu.memory_space<hbm>> -> memref<392xf32, #tpu.memory_space<hbm>>
      tpu.enqueue_dma source(%dma_start3A_53 : memref<392xf32, #tpu.memory_space<hbm>>) target(%dma_start3A_52 : memref<392xf32, #tpu.memory_space<vmem>>) target_semaphore(%run_scoped3A_47 : memref<!tpu.dma_semaphore, #tpu.memory_space<semaphore_mem>>)
      %dma_wait3A = arith.constant 1176 : i32
      %dma_wait3A_54 = tpu.memref_slice %arg8[%dma_wait3A] : memref<1584xf32, #tpu.memory_space<vmem>> -> memref<392xf32, #tpu.memory_space<vmem>>
      %dma_wait3A_55 = tpu.memref_slice %arg4[%add3A_10] : memref<50176xf32, #tpu.memory_space<hbm>> -> memref<392xf32, #tpu.memory_space<hbm>>
      %dma_wait3A_56 = arith.constant 1176 : i32
      %dma_wait3A_57 = tpu.memref_slice %arg8[%dma_wait3A_56] : memref<1584xf32, #tpu.memory_space<vmem>> -> memref<392xf32, #tpu.memory_space<vmem>>
      %dma_wait3A_58 = tpu.memref_slice %arg4[%add3A_10] : memref<50176xf32, #tpu.memory_space<hbm>> -> memref<392xf32, #tpu.memory_space<hbm>>
      tpu.wait_dma2 semaphore(%run_scoped3A_47 : memref<!tpu.dma_semaphore, #tpu.memory_space<semaphore_mem>>) src(%dma_wait3A_58 : memref<392xf32, #tpu.memory_space<hbm>>) dst(%dma_wait3A_57 : memref<392xf32, #tpu.memory_space<vmem>>)
      tpu.yield
    }) : () -> ()
    %add3A_11 = arith.constant 0 : i32
    %add3A_12 = arith.addi %add3A_11, %mul3A_2 : i32
    %add3A_13 = arith.constant 0 : i32
    %add3A_14 = arith.addi %add3A_12, %add3A_13 : i32
    %run_scoped3A = arith.constant 0 : i32
    "tpu.region"() ({
      %run_scoped3A_47 = tpu.sem_alloc : memref<!tpu.dma_semaphore, #tpu.memory_space<semaphore_mem>>
      %dma_start3A_48 = arith.constant 0 : i32
      %dma_start3A_49 = tpu.memref_slice %arg6[%run_scoped3A, %dma_start3A_48] : memref<2x56xi32, #tpu.memory_space<vmem>> -> memref<1x56xi32, #tpu.memory_space<vmem>>
      %dma_start3A_50 = tpu.memref_squeeze %dma_start3A_49 : memref<1x56xi32, #tpu.memory_space<vmem>> -> memref<56xi32, #tpu.memory_space<vmem>>
      %dma_start3A_51 = tpu.memref_slice %arg3[%add3A_14] : memref<50176xi32, #tpu.memory_space<hbm>> -> memref<56xi32, #tpu.memory_space<hbm>>
      %dma_start3A_52 = arith.constant 0 : i32
      %dma_start3A_53 = tpu.memref_slice %arg6[%run_scoped3A, %dma_start3A_52] : memref<2x56xi32, #tpu.memory_space<vmem>> -> memref<1x56xi32, #tpu.memory_space<vmem>>
      %dma_start3A_54 = tpu.memref_squeeze %dma_start3A_53 : memref<1x56xi32, #tpu.memory_space<vmem>> -> memref<56xi32, #tpu.memory_space<vmem>>
      %dma_start3A_55 = tpu.memref_slice %arg3[%add3A_14] : memref<50176xi32, #tpu.memory_space<hbm>> -> memref<56xi32, #tpu.memory_space<hbm>>
      tpu.enqueue_dma source(%dma_start3A_55 : memref<56xi32, #tpu.memory_space<hbm>>) target(%dma_start3A_54 : memref<56xi32, #tpu.memory_space<vmem>>) target_semaphore(%run_scoped3A_47 : memref<!tpu.dma_semaphore, #tpu.memory_space<semaphore_mem>>)
      %dma_wait3A = arith.constant 0 : i32
      %dma_wait3A_56 = tpu.memref_slice %arg6[%run_scoped3A, %dma_wait3A] : memref<2x56xi32, #tpu.memory_space<vmem>> -> memref<1x56xi32, #tpu.memory_space<vmem>>
      %dma_wait3A_57 = tpu.memref_squeeze %dma_wait3A_56 : memref<1x56xi32, #tpu.memory_space<vmem>> -> memref<56xi32, #tpu.memory_space<vmem>>
      %dma_wait3A_58 = tpu.memref_slice %arg3[%add3A_14] : memref<50176xi32, #tpu.memory_space<hbm>> -> memref<56xi32, #tpu.memory_space<hbm>>
      %dma_wait3A_59 = arith.constant 0 : i32
      %dma_wait3A_60 = tpu.memref_slice %arg6[%run_scoped3A, %dma_wait3A_59] : memref<2x56xi32, #tpu.memory_space<vmem>> -> memref<1x56xi32, #tpu.memory_space<vmem>>
      %dma_wait3A_61 = tpu.memref_squeeze %dma_wait3A_60 : memref<1x56xi32, #tpu.memory_space<vmem>> -> memref<56xi32, #tpu.memory_space<vmem>>
      %dma_wait3A_62 = tpu.memref_slice %arg3[%add3A_14] : memref<50176xi32, #tpu.memory_space<hbm>> -> memref<56xi32, #tpu.memory_space<hbm>>
      tpu.wait_dma2 semaphore(%run_scoped3A_47 : memref<!tpu.dma_semaphore, #tpu.memory_space<semaphore_mem>>) src(%dma_wait3A_62 : memref<56xi32, #tpu.memory_space<hbm>>) dst(%dma_wait3A_61 : memref<56xi32, #tpu.memory_space<vmem>>)
      tpu.yield
    }) : () -> ()
    %dma_start3A = arith.constant 0 : i32
    %dma_start3A_15 = arith.constant 0 : i32
    %dma_start3A_16 = arith.constant 0 : i32
    %dma_start3A_17 = arith.constant 0 : i32
    %dma_start3A_18 = tpu.memref_slice %arg9[%dma_start3A_15, %dma_start3A_16, %dma_start3A_17] : memref<2x56x384xf32, #tpu.memory_space<vmem>> -> memref<1x56x384xf32, #tpu.memory_space<vmem>>
    %dma_start3A_19 = tpu.memref_squeeze %dma_start3A_18 : memref<1x56x384xf32, #tpu.memory_space<vmem>> -> memref<56x384xf32, #tpu.memory_space<vmem>>
    %dma_start3A_20 = arith.constant 0 : i32
    %dma_start3A_21 = tpu.memref_slice %arg6[%dma_start3A, %dma_start3A_20] : memref<2x56xi32, #tpu.memory_space<vmem>> -> memref<1x56xi32, #tpu.memory_space<vmem>>
    %dma_start3A_22 = tpu.memref_squeeze %dma_start3A_21 : memref<1x56xi32, #tpu.memory_space<vmem>> -> memref<56xi32, #tpu.memory_space<vmem>>
    %dma_start3A_23 = arith.constant 0 : i32
    %dma_start3A_24 = arith.constant 0 : i32
    %dma_start3A_25 = tpu.memref_slice %arg2[%dma_start3A_23, %dma_start3A_24] : memref<25088x384xf32, #tpu.memory_space<hbm>> -> memref<25088x384xf32, #tpu.memory_space<hbm>>
    tpu.enqueue_indirect_dma source(%dma_start3A_25 : memref<25088x384xf32, #tpu.memory_space<hbm>>) target(%dma_start3A_19 : memref<56x384xf32, #tpu.memory_space<vmem>>) offsets(%dma_start3A_22 : memref<56xi32, #tpu.memory_space<vmem>>) semaphore(%arg12 : memref<!tpu.dma_semaphore, #tpu.memory_space<semaphore_mem>>)
    %add3A_26 = arith.constant 12544 : i32
    %add3A_27 = arith.addi %add3A_26, %mul3A_2 : i32
    %add3A_28 = arith.constant 0 : i32
    %add3A_29 = arith.addi %add3A_27, %add3A_28 : i32
    %run_scoped3A_30 = arith.constant 1 : i32
    "tpu.region"() ({
      %run_scoped3A_47 = tpu.sem_alloc : memref<!tpu.dma_semaphore, #tpu.memory_space<semaphore_mem>>
      %dma_start3A_48 = arith.constant 0 : i32
      %dma_start3A_49 = tpu.memref_slice %arg6[%run_scoped3A_30, %dma_start3A_48] : memref<2x56xi32, #tpu.memory_space<vmem>> -> memref<1x56xi32, #tpu.memory_space<vmem>>
      %dma_start3A_50 = tpu.memref_squeeze %dma_start3A_49 : memref<1x56xi32, #tpu.memory_space<vmem>> -> memref<56xi32, #tpu.memory_space<vmem>>
      %dma_start3A_51 = tpu.memref_slice %arg3[%add3A_29] : memref<50176xi32, #tpu.memory_space<hbm>> -> memref<56xi32, #tpu.memory_space<hbm>>
      %dma_start3A_52 = arith.constant 0 : i32
      %dma_start3A_53 = tpu.memref_slice %arg6[%run_scoped3A_30, %dma_start3A_52] : memref<2x56xi32, #tpu.memory_space<vmem>> -> memref<1x56xi32, #tpu.memory_space<vmem>>
      %dma_start3A_54 = tpu.memref_squeeze %dma_start3A_53 : memref<1x56xi32, #tpu.memory_space<vmem>> -> memref<56xi32, #tpu.memory_space<vmem>>
      %dma_start3A_55 = tpu.memref_slice %arg3[%add3A_29] : memref<50176xi32, #tpu.memory_space<hbm>> -> memref<56xi32, #tpu.memory_space<hbm>>
      tpu.enqueue_dma source(%dma_start3A_55 : memref<56xi32, #tpu.memory_space<hbm>>) target(%dma_start3A_54 : memref<56xi32, #tpu.memory_space<vmem>>) target_semaphore(%run_scoped3A_47 : memref<!tpu.dma_semaphore, #tpu.memory_space<semaphore_mem>>)
      %dma_wait3A = arith.constant 0 : i32
      %dma_wait3A_56 = tpu.memref_slice %arg6[%run_scoped3A_30, %dma_wait3A] : memref<2x56xi32, #tpu.memory_space<vmem>> -> memref<1x56xi32, #tpu.memory_space<vmem>>
      %dma_wait3A_57 = tpu.memref_squeeze %dma_wait3A_56 : memref<1x56xi32, #tpu.memory_space<vmem>> -> memref<56xi32, #tpu.memory_space<vmem>>
      %dma_wait3A_58 = tpu.memref_slice %arg3[%add3A_29] : memref<50176xi32, #tpu.memory_space<hbm>> -> memref<56xi32, #tpu.memory_space<hbm>>
      %dma_wait3A_59 = arith.constant 0 : i32
      %dma_wait3A_60 = tpu.memref_slice %arg6[%run_scoped3A_30, %dma_wait3A_59] : memref<2x56xi32, #tpu.memory_space<vmem>> -> memref<1x56xi32, #tpu.memory_space<vmem>>
      %dma_wait3A_61 = tpu.memref_squeeze %dma_wait3A_60 : memref<1x56xi32, #tpu.memory_space<vmem>> -> memref<56xi32, #tpu.memory_space<vmem>>
      %dma_wait3A_62 = tpu.memref_slice %arg3[%add3A_29] : memref<50176xi32, #tpu.memory_space<hbm>> -> memref<56xi32, #tpu.memory_space<hbm>>
      tpu.wait_dma2 semaphore(%run_scoped3A_47 : memref<!tpu.dma_semaphore, #tpu.memory_space<semaphore_mem>>) src(%dma_wait3A_62 : memref<56xi32, #tpu.memory_space<hbm>>) dst(%dma_wait3A_61 : memref<56xi32, #tpu.memory_space<vmem>>)
      tpu.yield
    }) : () -> ()
    %dma_start3A_31 = arith.constant 1 : i32
    %dma_start3A_32 = arith.constant 1 : i32
    %dma_start3A_33 = arith.constant 0 : i32
    %dma_start3A_34 = arith.constant 0 : i32
    %dma_start3A_35 = tpu.memref_slice %arg9[%dma_start3A_32, %dma_start3A_33, %dma_start3A_34] : memref<2x56x384xf32, #tpu.memory_space<vmem>> -> memref<1x56x384xf32, #tpu.memory_space<vmem>>
    %dma_start3A_36 = tpu.memref_squeeze %dma_start3A_35 : memref<1x56x384xf32, #tpu.memory_space<vmem>> -> memref<56x384xf32, #tpu.memory_space<vmem>>
    %dma_start3A_37 = arith.constant 0 : i32
    %dma_start3A_38 = tpu.memref_slice %arg6[%dma_start3A_31, %dma_start3A_37] : memref<2x56xi32, #tpu.memory_space<vmem>> -> memref<1x56xi32, #tpu.memory_space<vmem>>
    %dma_start3A_39 = tpu.memref_squeeze %dma_start3A_38 : memref<1x56xi32, #tpu.memory_space<vmem>> -> memref<56xi32, #tpu.memory_space<vmem>>
    %dma_start3A_40 = arith.constant 0 : i32
    %dma_start3A_41 = arith.constant 0 : i32
    %dma_start3A_42 = tpu.memref_slice %arg2[%dma_start3A_40, %dma_start3A_41] : memref<25088x384xf32, #tpu.memory_space<hbm>> -> memref<25088x384xf32, #tpu.memory_space<hbm>>
    tpu.enqueue_indirect_dma source(%dma_start3A_42 : memref<25088x384xf32, #tpu.memory_space<hbm>>) target(%dma_start3A_36 : memref<56x384xf32, #tpu.memory_space<vmem>>) offsets(%dma_start3A_39 : memref<56xi32, #tpu.memory_space<vmem>>) semaphore(%arg12 : memref<!tpu.dma_semaphore, #tpu.memory_space<semaphore_mem>>)
    %scan3A = arith.constant 0 : i32
    %scan3A_43 = arith.constant 7 : i32
    %scan3A_44 = arith.addi %scan3A, %scan3A_43 : i32
    %scan3A_45 = arith.constant 1 : i32
    scf.for %scan3A_47 = %scan3A to %scan3A_44 step %scan3A_45  : i32 {
      %mul3A_48 = arith.constant 1 : i32
      %mul3A_49 = arith.muli %scan3A_47, %mul3A_48 : i32
      %add3A_50 = arith.constant 0 : i32
      %add3A_51 = arith.addi %add3A_50, %mul3A_49 : i32
      %mul3A_52 = arith.constant 56 : i32
      %mul3A_53 = arith.muli %add3A_51, %mul3A_52 : i32
      %add3A_54 = arith.constant 25088 : i32
      %add3A_55 = arith.addi %add3A_54, %mul3A_2 : i32
      %mul3A_56 = arith.constant 56 : i32
      %mul3A_57 = arith.muli %add3A_51, %mul3A_56 : i32
      %add3A_58 = arith.addi %add3A_55, %mul3A_57 : i32
      %run_scoped3A_59 = arith.constant 0 : i32
      "tpu.region"() ({
        %run_scoped3A_164 = tpu.sem_alloc : memref<!tpu.dma_semaphore, #tpu.memory_space<semaphore_mem>>
        %dma_start3A_165 = arith.constant 0 : i32
        %dma_start3A_166 = tpu.memref_slice %arg7[%run_scoped3A_59, %dma_start3A_165] : memref<2x56xi32, #tpu.memory_space<vmem>> -> memref<1x56xi32, #tpu.memory_space<vmem>>
        %dma_start3A_167 = tpu.memref_squeeze %dma_start3A_166 : memref<1x56xi32, #tpu.memory_space<vmem>> -> memref<56xi32, #tpu.memory_space<vmem>>
        %dma_start3A_168 = tpu.memref_slice %arg3[%add3A_58] : memref<50176xi32, #tpu.memory_space<hbm>> -> memref<56xi32, #tpu.memory_space<hbm>>
        %dma_start3A_169 = arith.constant 0 : i32
        %dma_start3A_170 = tpu.memref_slice %arg7[%run_scoped3A_59, %dma_start3A_169] : memref<2x56xi32, #tpu.memory_space<vmem>> -> memref<1x56xi32, #tpu.memory_space<vmem>>
        %dma_start3A_171 = tpu.memref_squeeze %dma_start3A_170 : memref<1x56xi32, #tpu.memory_space<vmem>> -> memref<56xi32, #tpu.memory_space<vmem>>
        %dma_start3A_172 = tpu.memref_slice %arg3[%add3A_58] : memref<50176xi32, #tpu.memory_space<hbm>> -> memref<56xi32, #tpu.memory_space<hbm>>
        tpu.enqueue_dma source(%dma_start3A_172 : memref<56xi32, #tpu.memory_space<hbm>>) target(%dma_start3A_171 : memref<56xi32, #tpu.memory_space<vmem>>) target_semaphore(%run_scoped3A_164 : memref<!tpu.dma_semaphore, #tpu.memory_space<semaphore_mem>>)
        %dma_wait3A_173 = arith.constant 0 : i32
        %dma_wait3A_174 = tpu.memref_slice %arg7[%run_scoped3A_59, %dma_wait3A_173] : memref<2x56xi32, #tpu.memory_space<vmem>> -> memref<1x56xi32, #tpu.memory_space<vmem>>
        %dma_wait3A_175 = tpu.memref_squeeze %dma_wait3A_174 : memref<1x56xi32, #tpu.memory_space<vmem>> -> memref<56xi32, #tpu.memory_space<vmem>>
        %dma_wait3A_176 = tpu.memref_slice %arg3[%add3A_58] : memref<50176xi32, #tpu.memory_space<hbm>> -> memref<56xi32, #tpu.memory_space<hbm>>
        %dma_wait3A_177 = arith.constant 0 : i32
        %dma_wait3A_178 = tpu.memref_slice %arg7[%run_scoped3A_59, %dma_wait3A_177] : memref<2x56xi32, #tpu.memory_space<vmem>> -> memref<1x56xi32, #tpu.memory_space<vmem>>
        %dma_wait3A_179 = tpu.memref_squeeze %dma_wait3A_178 : memref<1x56xi32, #tpu.memory_space<vmem>> -> memref<56xi32, #tpu.memory_space<vmem>>
        %dma_wait3A_180 = tpu.memref_slice %arg3[%add3A_58] : memref<50176xi32, #tpu.memory_space<hbm>> -> memref<56xi32, #tpu.memory_space<hbm>>
        tpu.wait_dma2 semaphore(%run_scoped3A_164 : memref<!tpu.dma_semaphore, #tpu.memory_space<semaphore_mem>>) src(%dma_wait3A_180 : memref<56xi32, #tpu.memory_space<hbm>>) dst(%dma_wait3A_179 : memref<56xi32, #tpu.memory_space<vmem>>)
        tpu.yield
      }) : () -> ()
      %dma_start3A_60 = arith.constant 0 : i32
      %dma_start3A_61 = arith.constant 0 : i32
      %dma_start3A_62 = arith.constant 0 : i32
      %dma_start3A_63 = arith.constant 0 : i32
      %dma_start3A_64 = tpu.memref_slice %arg10[%dma_start3A_61, %dma_start3A_62, %dma_start3A_63] : memref<2x56x384xf32, #tpu.memory_space<vmem>> -> memref<1x56x384xf32, #tpu.memory_space<vmem>>
      %dma_start3A_65 = tpu.memref_squeeze %dma_start3A_64 : memref<1x56x384xf32, #tpu.memory_space<vmem>> -> memref<56x384xf32, #tpu.memory_space<vmem>>
      %dma_start3A_66 = arith.constant 0 : i32
      %dma_start3A_67 = tpu.memref_slice %arg7[%dma_start3A_60, %dma_start3A_66] : memref<2x56xi32, #tpu.memory_space<vmem>> -> memref<1x56xi32, #tpu.memory_space<vmem>>
      %dma_start3A_68 = tpu.memref_squeeze %dma_start3A_67 : memref<1x56xi32, #tpu.memory_space<vmem>> -> memref<56xi32, #tpu.memory_space<vmem>>
      %dma_start3A_69 = arith.constant 0 : i32
      %dma_start3A_70 = arith.constant 0 : i32
      %dma_start3A_71 = tpu.memref_slice %arg2[%dma_start3A_69, %dma_start3A_70] : memref<25088x384xf32, #tpu.memory_space<hbm>> -> memref<25088x384xf32, #tpu.memory_space<hbm>>
      tpu.enqueue_indirect_dma source(%dma_start3A_71 : memref<25088x384xf32, #tpu.memory_space<hbm>>) target(%dma_start3A_65 : memref<56x384xf32, #tpu.memory_space<vmem>>) offsets(%dma_start3A_68 : memref<56xi32, #tpu.memory_space<vmem>>) semaphore(%arg13 : memref<!tpu.dma_semaphore, #tpu.memory_space<semaphore_mem>>)
      %add3A_72 = arith.constant 37632 : i32
      %add3A_73 = arith.addi %add3A_72, %mul3A_2 : i32
      %mul3A_74 = arith.constant 56 : i32
      %mul3A_75 = arith.muli %add3A_51, %mul3A_74 : i32
      %add3A_76 = arith.addi %add3A_73, %mul3A_75 : i32
      %run_scoped3A_77 = arith.constant 1 : i32
      "tpu.region"() ({
        %run_scoped3A_164 = tpu.sem_alloc : memref<!tpu.dma_semaphore, #tpu.memory_space<semaphore_mem>>
        %dma_start3A_165 = arith.constant 0 : i32
        %dma_start3A_166 = tpu.memref_slice %arg7[%run_scoped3A_77, %dma_start3A_165] : memref<2x56xi32, #tpu.memory_space<vmem>> -> memref<1x56xi32, #tpu.memory_space<vmem>>
        %dma_start3A_167 = tpu.memref_squeeze %dma_start3A_166 : memref<1x56xi32, #tpu.memory_space<vmem>> -> memref<56xi32, #tpu.memory_space<vmem>>
        %dma_start3A_168 = tpu.memref_slice %arg3[%add3A_76] : memref<50176xi32, #tpu.memory_space<hbm>> -> memref<56xi32, #tpu.memory_space<hbm>>
        %dma_start3A_169 = arith.constant 0 : i32
        %dma_start3A_170 = tpu.memref_slice %arg7[%run_scoped3A_77, %dma_start3A_169] : memref<2x56xi32, #tpu.memory_space<vmem>> -> memref<1x56xi32, #tpu.memory_space<vmem>>
        %dma_start3A_171 = tpu.memref_squeeze %dma_start3A_170 : memref<1x56xi32, #tpu.memory_space<vmem>> -> memref<56xi32, #tpu.memory_space<vmem>>
        %dma_start3A_172 = tpu.memref_slice %arg3[%add3A_76] : memref<50176xi32, #tpu.memory_space<hbm>> -> memref<56xi32, #tpu.memory_space<hbm>>
        tpu.enqueue_dma source(%dma_start3A_172 : memref<56xi32, #tpu.memory_space<hbm>>) target(%dma_start3A_171 : memref<56xi32, #tpu.memory_space<vmem>>) target_semaphore(%run_scoped3A_164 : memref<!tpu.dma_semaphore, #tpu.memory_space<semaphore_mem>>)
        %dma_wait3A_173 = arith.constant 0 : i32
        %dma_wait3A_174 = tpu.memref_slice %arg7[%run_scoped3A_77, %dma_wait3A_173] : memref<2x56xi32, #tpu.memory_space<vmem>> -> memref<1x56xi32, #tpu.memory_space<vmem>>
        %dma_wait3A_175 = tpu.memref_squeeze %dma_wait3A_174 : memref<1x56xi32, #tpu.memory_space<vmem>> -> memref<56xi32, #tpu.memory_space<vmem>>
        %dma_wait3A_176 = tpu.memref_slice %arg3[%add3A_76] : memref<50176xi32, #tpu.memory_space<hbm>> -> memref<56xi32, #tpu.memory_space<hbm>>
        %dma_wait3A_177 = arith.constant 0 : i32
        %dma_wait3A_178 = tpu.memref_slice %arg7[%run_scoped3A_77, %dma_wait3A_177] : memref<2x56xi32, #tpu.memory_space<vmem>> -> memref<1x56xi32, #tpu.memory_space<vmem>>
        %dma_wait3A_179 = tpu.memref_squeeze %dma_wait3A_178 : memref<1x56xi32, #tpu.memory_space<vmem>> -> memref<56xi32, #tpu.memory_space<vmem>>
        %dma_wait3A_180 = tpu.memref_slice %arg3[%add3A_76] : memref<50176xi32, #tpu.memory_space<hbm>> -> memref<56xi32, #tpu.memory_space<hbm>>
        tpu.wait_dma2 semaphore(%run_scoped3A_164 : memref<!tpu.dma_semaphore, #tpu.memory_space<semaphore_mem>>) src(%dma_wait3A_180 : memref<56xi32, #tpu.memory_space<hbm>>) dst(%dma_wait3A_179 : memref<56xi32, #tpu.memory_space<vmem>>)
        tpu.yield
      }) : () -> ()
      %dma_start3A_78 = arith.constant 1 : i32
      %dma_start3A_79 = arith.constant 1 : i32
      %dma_start3A_80 = arith.constant 0 : i32
      %dma_start3A_81 = arith.constant 0 : i32
      %dma_start3A_82 = tpu.memref_slice %arg10[%dma_start3A_79, %dma_start3A_80, %dma_start3A_81] : memref<2x56x384xf32, #tpu.memory_space<vmem>> -> memref<1x56x384xf32, #tpu.memory_space<vmem>>
      %dma_start3A_83 = tpu.memref_squeeze %dma_start3A_82 : memref<1x56x384xf32, #tpu.memory_space<vmem>> -> memref<56x384xf32, #tpu.memory_space<vmem>>
      %dma_start3A_84 = arith.constant 0 : i32
      %dma_start3A_85 = tpu.memref_slice %arg7[%dma_start3A_78, %dma_start3A_84] : memref<2x56xi32, #tpu.memory_space<vmem>> -> memref<1x56xi32, #tpu.memory_space<vmem>>
      %dma_start3A_86 = tpu.memref_squeeze %dma_start3A_85 : memref<1x56xi32, #tpu.memory_space<vmem>> -> memref<56xi32, #tpu.memory_space<vmem>>
      %dma_start3A_87 = arith.constant 0 : i32
      %dma_start3A_88 = arith.constant 0 : i32
      %dma_start3A_89 = tpu.memref_slice %arg2[%dma_start3A_87, %dma_start3A_88] : memref<25088x384xf32, #tpu.memory_space<hbm>> -> memref<25088x384xf32, #tpu.memory_space<hbm>>
      tpu.enqueue_indirect_dma source(%dma_start3A_89 : memref<25088x384xf32, #tpu.memory_space<hbm>>) target(%dma_start3A_83 : memref<56x384xf32, #tpu.memory_space<vmem>>) offsets(%dma_start3A_86 : memref<56xi32, #tpu.memory_space<vmem>>) semaphore(%arg13 : memref<!tpu.dma_semaphore, #tpu.memory_space<semaphore_mem>>)
      %dma_wait3A = arith.constant 0 : i32
      %dma_wait3A_90 = arith.constant 0 : i32
      %dma_wait3A_91 = arith.constant 0 : i32
      %dma_wait3A_92 = tpu.memref_slice %arg9[%dma_wait3A, %dma_wait3A_90, %dma_wait3A_91] : memref<2x56x384xf32, #tpu.memory_space<vmem>> -> memref<1x56x384xf32, #tpu.memory_space<vmem>>
      %dma_wait3A_93 = tpu.memref_squeeze %dma_wait3A_92 : memref<1x56x384xf32, #tpu.memory_space<vmem>> -> memref<56x384xf32, #tpu.memory_space<vmem>>
      %dma_wait3A_94 = arith.constant 0 : i32
      %dma_wait3A_95 = arith.constant 0 : i32
      %dma_wait3A_96 = tpu.memref_slice %arg2[%dma_wait3A_94, %dma_wait3A_95] : memref<25088x384xf32, #tpu.memory_space<hbm>> -> memref<56x384xf32, #tpu.memory_space<hbm>>
      %dma_wait3A_97 = arith.constant 0 : i32
      %dma_wait3A_98 = arith.constant 0 : i32
      %dma_wait3A_99 = tpu.memref_slice %arg9[%dma_wait3A, %dma_wait3A_97, %dma_wait3A_98] : memref<2x56x384xf32, #tpu.memory_space<vmem>> -> memref<1x56x384xf32, #tpu.memory_space<vmem>>
      %dma_wait3A_100 = tpu.memref_squeeze %dma_wait3A_99 : memref<1x56x384xf32, #tpu.memory_space<vmem>> -> memref<56x384xf32, #tpu.memory_space<vmem>>
      %dma_wait3A_101 = arith.constant 0 : i32
      %dma_wait3A_102 = arith.constant 0 : i32
      %dma_wait3A_103 = tpu.memref_slice %arg2[%dma_wait3A_101, %dma_wait3A_102] : memref<25088x384xf32, #tpu.memory_space<hbm>> -> memref<56x384xf32, #tpu.memory_space<hbm>>
      tpu.wait_dma2 semaphore(%arg12 : memref<!tpu.dma_semaphore, #tpu.memory_space<semaphore_mem>>) src(%dma_wait3A_103 : memref<56x384xf32, #tpu.memory_space<hbm>>) dst(%dma_wait3A_100 : memref<56x384xf32, #tpu.memory_space<vmem>>)
      %dma_wait3A_104 = arith.constant 1 : i32
      %dma_wait3A_105 = arith.constant 0 : i32
      %dma_wait3A_106 = arith.constant 0 : i32
      %dma_wait3A_107 = tpu.memref_slice %arg9[%dma_wait3A_104, %dma_wait3A_105, %dma_wait3A_106] : memref<2x56x384xf32, #tpu.memory_space<vmem>> -> memref<1x56x384xf32, #tpu.memory_space<vmem>>
      %dma_wait3A_108 = tpu.memref_squeeze %dma_wait3A_107 : memref<1x56x384xf32, #tpu.memory_space<vmem>> -> memref<56x384xf32, #tpu.memory_space<vmem>>
      %dma_wait3A_109 = arith.constant 0 : i32
      %dma_wait3A_110 = arith.constant 0 : i32
      %dma_wait3A_111 = tpu.memref_slice %arg2[%dma_wait3A_109, %dma_wait3A_110] : memref<25088x384xf32, #tpu.memory_space<hbm>> -> memref<56x384xf32, #tpu.memory_space<hbm>>
      %dma_wait3A_112 = arith.constant 0 : i32
      %dma_wait3A_113 = arith.constant 0 : i32
      %dma_wait3A_114 = tpu.memref_slice %arg9[%dma_wait3A_104, %dma_wait3A_112, %dma_wait3A_113] : memref<2x56x384xf32, #tpu.memory_space<vmem>> -> memref<1x56x384xf32, #tpu.memory_space<vmem>>
      %dma_wait3A_115 = tpu.memref_squeeze %dma_wait3A_114 : memref<1x56x384xf32, #tpu.memory_space<vmem>> -> memref<56x384xf32, #tpu.memory_space<vmem>>
      %dma_wait3A_116 = arith.constant 0 : i32
      %dma_wait3A_117 = arith.constant 0 : i32
      %dma_wait3A_118 = tpu.memref_slice %arg2[%dma_wait3A_116, %dma_wait3A_117] : memref<25088x384xf32, #tpu.memory_space<hbm>> -> memref<56x384xf32, #tpu.memory_space<hbm>>
      tpu.wait_dma2 semaphore(%arg12 : memref<!tpu.dma_semaphore, #tpu.memory_space<semaphore_mem>>) src(%dma_wait3A_118 : memref<56x384xf32, #tpu.memory_space<hbm>>) dst(%dma_wait3A_115 : memref<56x384xf32, #tpu.memory_space<vmem>>)
      %scan3A_119 = arith.constant 0 : i32
      %scan3A_120 = arith.constant 56 : i32
      %scan3A_121 = arith.addi %scan3A_119, %scan3A_120 : i32
      %scan3A_122 = arith.constant 1 : i32
      scf.for %scan3A_164 = %scan3A_119 to %scan3A_121 step %scan3A_122  : i32 {
        %mul3A_165 = arith.constant 1 : i32
        %mul3A_166 = arith.muli %scan3A_164, %mul3A_165 : i32
        %add3A_167 = arith.constant 0 : i32
        %add3A_168 = arith.addi %add3A_167, %mul3A_166 : i32
        %add3A_169 = arith.addi %mul3A_53, %add3A_168 : i32
        %get3A = arith.index_cast %add3A_169 : i32 to index
        %get3A_170 = tpu.vector_load %arg8[%get3A] {strides = array<i32>} : memref<1584xf32, #tpu.memory_space<vmem>>, vector<16xf32>,
        %get3A_171 = vector.shape_cast %get3A_170 : vector<16xf32> to vector<16xf32>
        %slice3A = vector.extract_strided_slice %get3A_171 {offsets = [0], sizes = [1], strides = [1]} : vector<16xf32> to vector<1xf32>
        %squeeze3A = vector.extract %slice3A[0] : f32 from vector<1xf32>
        %add3A_172 = arith.constant 392 : i32
        %add3A_173 = arith.addi %add3A_172, %mul3A_53 : i32
        %add3A_174 = arith.addi %add3A_173, %add3A_168 : i32
        %get3A_175 = arith.index_cast %add3A_174 : i32 to index
        %get3A_176 = tpu.vector_load %arg8[%get3A_175] {strides = array<i32>} : memref<1584xf32, #tpu.memory_space<vmem>>, vector<16xf32>,
        %get3A_177 = vector.shape_cast %get3A_176 : vector<16xf32> to vector<16xf32>
        %slice3A_178 = vector.extract_strided_slice %get3A_177 {offsets = [0], sizes = [1], strides = [1]} : vector<16xf32> to vector<1xf32>
        %squeeze3A_179 = vector.extract %slice3A_178[0] : f32 from vector<1xf32>
        %get3A_180 = arith.constant 0 : i32
        %get3A_181 = arith.index_cast %get3A_180 : i32 to index
        %get3A_182 = arith.index_cast %add3A_168 : i32 to index
        %get3A_183 = arith.constant 0 : index
        %get3A_184 = tpu.vector_load %arg9[%get3A_181, %get3A_182, %get3A_183] {strides = array<i32>} : memref<2x56x384xf32, #tpu.memory_space<vmem>>, vector<1x1x16xf32>,
        %get3A_185 = vector.shape_cast %get3A_184 : vector<1x1x16xf32> to vector<16xf32>
        %mul3A_186 = vector.broadcast %squeeze3A : f32 to vector<16xf32>
        %mul3A_187 = arith.mulf %mul3A_186, %get3A_185 : vector<16xf32>
        %get3A_188 = arith.constant 1 : i32
        %get3A_189 = arith.index_cast %get3A_188 : i32 to index
        %get3A_190 = arith.index_cast %add3A_168 : i32 to index
        %get3A_191 = arith.constant 0 : index
        %get3A_192 = tpu.vector_load %arg9[%get3A_189, %get3A_190, %get3A_191] {strides = array<i32>} : memref<2x56x384xf32, #tpu.memory_space<vmem>>, vector<1x1x16xf32>,
        %get3A_193 = vector.shape_cast %get3A_192 : vector<1x1x16xf32> to vector<16xf32>
        %mul3A_194 = vector.broadcast %squeeze3A_179 : f32 to vector<16xf32>
        %mul3A_195 = arith.mulf %mul3A_194, %get3A_193 : vector<16xf32>
        %add3A_196 = arith.addf %mul3A_187, %mul3A_195 : vector<16xf32>
        %swap3A = arith.index_cast %add3A_168 : i32 to index
        %swap3A_197 = arith.constant 0 : index
        %swap3A_198 = tpu.vector_load %arg11[%swap3A, %swap3A_197] {strides = array<i32>} : memref<56x384xf32, #tpu.memory_space<vmem>>, vector<1x16xf32>,
        %swap3A_199 = vector.shape_cast %swap3A_198 : vector<1x16xf32> to vector<16xf32>
        %swap3A_200 = vector.shape_cast %add3A_196 : vector<16xf32> to vector<1x16xf32>
        tpu.vector_store %arg11[%swap3A, %swap3A_197], %swap3A_200 {strides = array<i32>} : memref<56x384xf32, #tpu.memory_space<vmem>>, vector<1x16xf32>,
        %get3A_201 = arith.constant 0 : i32
        %get3A_202 = arith.index_cast %get3A_201 : i32 to index
        %get3A_203 = arith.index_cast %add3A_168 : i32 to index
        %get3A_204 = arith.constant 16 : index
        %get3A_205 = tpu.vector_load %arg9[%get3A_202, %get3A_203, %get3A_204] {strides = array<i32>} : memref<2x56x384xf32, #tpu.memory_space<vmem>>, vector<1x1x16xf32>,
        %get3A_206 = vector.shape_cast %get3A_205 : vector<1x1x16xf32> to vector<16xf32>
        %mul3A_207 = vector.broadcast %squeeze3A : f32 to vector<16xf32>
        %mul3A_208 = arith.mulf %mul3A_207, %get3A_206 : vector<16xf32>
        %get3A_209 = arith.constant 1 : i32
        %get3A_210 = arith.index_cast %get3A_209 : i32 to index
        %get3A_211 = arith.index_cast %add3A_168 : i32 to index
        %get3A_212 = arith.constant 16 : index
        %get3A_213 = tpu.vector_load %arg9[%get3A_210, %get3A_211, %get3A_212] {strides = array<i32>} : memref<2x56x384xf32, #tpu.memory_space<vmem>>, vector<1x1x16xf32>,
        %get3A_214 = vector.shape_cast %get3A_213 : vector<1x1x16xf32> to vector<16xf32>
        %mul3A_215 = vector.broadcast %squeeze3A_179 : f32 to vector<16xf32>
        %mul3A_216 = arith.mulf %mul3A_215, %get3A_214 : vector<16xf32>
        %add3A_217 = arith.addf %mul3A_208, %mul3A_216 : vector<16xf32>
        %swap3A_218 = arith.index_cast %add3A_168 : i32 to index
        %swap3A_219 = arith.constant 16 : index
        %swap3A_220 = tpu.vector_load %arg11[%swap3A_218, %swap3A_219] {strides = array<i32>} : memref<56x384xf32, #tpu.memory_space<vmem>>, vector<1x16xf32>,
        %swap3A_221 = vector.shape_cast %swap3A_220 : vector<1x16xf32> to vector<16xf32>
        %swap3A_222 = vector.shape_cast %add3A_217 : vector<16xf32> to vector<1x16xf32>
        tpu.vector_store %arg11[%swap3A_218, %swap3A_219], %swap3A_222 {strides = array<i32>} : memref<56x384xf32, #tpu.memory_space<vmem>>, vector<1x16xf32>,
        %get3A_223 = arith.constant 0 : i32
        %get3A_224 = arith.index_cast %get3A_223 : i32 to index
        %get3A_225 = arith.index_cast %add3A_168 : i32 to index
        %get3A_226 = arith.constant 32 : index
        %get3A_227 = tpu.vector_load %arg9[%get3A_224, %get3A_225, %get3A_226] {strides = array<i32>} : memref<2x56x384xf32, #tpu.memory_space<vmem>>, vector<1x1x16xf32>,
        %get3A_228 = vector.shape_cast %get3A_227 : vector<1x1x16xf32> to vector<16xf32>
        %mul3A_229 = vector.broadcast %squeeze3A : f32 to vector<16xf32>
        %mul3A_230 = arith.mulf %mul3A_229, %get3A_228 : vector<16xf32>
        %get3A_231 = arith.constant 1 : i32
        %get3A_232 = arith.index_cast %get3A_231 : i32 to index
        %get3A_233 = arith.index_cast %add3A_168 : i32 to index
        %get3A_234 = arith.constant 32 : index
        %get3A_235 = tpu.vector_load %arg9[%get3A_232, %get3A_233, %get3A_234] {strides = array<i32>} : memref<2x56x384xf32, #tpu.memory_space<vmem>>, vector<1x1x16xf32>,
        %get3A_236 = vector.shape_cast %get3A_235 : vector<1x1x16xf32> to vector<16xf32>
        %mul3A_237 = vector.broadcast %squeeze3A_179 : f32 to vector<16xf32>
        %mul3A_238 = arith.mulf %mul3A_237, %get3A_236 : vector<16xf32>
        %add3A_239 = arith.addf %mul3A_230, %mul3A_238 : vector<16xf32>
        %swap3A_240 = arith.index_cast %add3A_168 : i32 to index
        %swap3A_241 = arith.constant 32 : index
        %swap3A_242 = tpu.vector_load %arg11[%swap3A_240, %swap3A_241] {strides = array<i32>} : memref<56x384xf32, #tpu.memory_space<vmem>>, vector<1x16xf32>,
        %swap3A_243 = vector.shape_cast %swap3A_242 : vector<1x16xf32> to vector<16xf32>
        %swap3A_244 = vector.shape_cast %add3A_239 : vector<16xf32> to vector<1x16xf32>
        tpu.vector_store %arg11[%swap3A_240, %swap3A_241], %swap3A_244 {strides = array<i32>} : memref<56x384xf32, #tpu.memory_space<vmem>>, vector<1x16xf32>,
        %get3A_245 = arith.constant 0 : i32
        %get3A_246 = arith.index_cast %get3A_245 : i32 to index
        %get3A_247 = arith.index_cast %add3A_168 : i32 to index
        %get3A_248 = arith.constant 48 : index
        %get3A_249 = tpu.vector_load %arg9[%get3A_246, %get3A_247, %get3A_248] {strides = array<i32>} : memref<2x56x384xf32, #tpu.memory_space<vmem>>, vector<1x1x16xf32>,
        %get3A_250 = vector.shape_cast %get3A_249 : vector<1x1x16xf32> to vector<16xf32>
        %mul3A_251 = vector.broadcast %squeeze3A : f32 to vector<16xf32>
        %mul3A_252 = arith.mulf %mul3A_251, %get3A_250 : vector<16xf32>
        %get3A_253 = arith.constant 1 : i32
        %get3A_254 = arith.index_cast %get3A_253 : i32 to index
        %get3A_255 = arith.index_cast %add3A_168 : i32 to index
        %get3A_256 = arith.constant 48 : index
        %get3A_257 = tpu.vector_load %arg9[%get3A_254, %get3A_255, %get3A_256] {strides = array<i32>} : memref<2x56x384xf32, #tpu.memory_space<vmem>>, vector<1x1x16xf32>,
        %get3A_258 = vector.shape_cast %get3A_257 : vector<1x1x16xf32> to vector<16xf32>
        %mul3A_259 = vector.broadcast %squeeze3A_179 : f32 to vector<16xf32>
        %mul3A_260 = arith.mulf %mul3A_259, %get3A_258 : vector<16xf32>
        %add3A_261 = arith.addf %mul3A_252, %mul3A_260 : vector<16xf32>
        %swap3A_262 = arith.index_cast %add3A_168 : i32 to index
        %swap3A_263 = arith.constant 48 : index
        %swap3A_264 = tpu.vector_load %arg11[%swap3A_262, %swap3A_263] {strides = array<i32>} : memref<56x384xf32, #tpu.memory_space<vmem>>, vector<1x16xf32>,
        %swap3A_265 = vector.shape_cast %swap3A_264 : vector<1x16xf32> to vector<16xf32>
        %swap3A_266 = vector.shape_cast %add3A_261 : vector<16xf32> to vector<1x16xf32>
        tpu.vector_store %arg11[%swap3A_262, %swap3A_263], %swap3A_266 {strides = array<i32>} : memref<56x384xf32, #tpu.memory_space<vmem>>, vector<1x16xf32>,
        %get3A_267 = arith.constant 0 : i32
        %get3A_268 = arith.index_cast %get3A_267 : i32 to index
        %get3A_269 = arith.index_cast %add3A_168 : i32 to index
        %get3A_270 = arith.constant 64 : index
        %get3A_271 = tpu.vector_load %arg9[%get3A_268, %get3A_269, %get3A_270] {strides = array<i32>} : memref<2x56x384xf32, #tpu.memory_space<vmem>>, vector<1x1x16xf32>,
        %get3A_272 = vector.shape_cast %get3A_271 : vector<1x1x16xf32> to vector<16xf32>
        %mul3A_273 = vector.broadcast %squeeze3A : f32 to vector<16xf32>
        %mul3A_274 = arith.mulf %mul3A_273, %get3A_272 : vector<16xf32>
        %get3A_275 = arith.constant 1 : i32
        %get3A_276 = arith.index_cast %get3A_275 : i32 to index
        %get3A_277 = arith.index_cast %add3A_168 : i32 to index
        %get3A_278 = arith.constant 64 : index
        %get3A_279 = tpu.vector_load %arg9[%get3A_276, %get3A_277, %get3A_278] {strides = array<i32>} : memref<2x56x384xf32, #tpu.memory_space<vmem>>, vector<1x1x16xf32>,
        %get3A_280 = vector.shape_cast %get3A_279 : vector<1x1x16xf32> to vector<16xf32>
        %mul3A_281 = vector.broadcast %squeeze3A_179 : f32 to vector<16xf32>
        %mul3A_282 = arith.mulf %mul3A_281, %get3A_280 : vector<16xf32>
        %add3A_283 = arith.addf %mul3A_274, %mul3A_282 : vector<16xf32>
        %swap3A_284 = arith.index_cast %add3A_168 : i32 to index
        %swap3A_285 = arith.constant 64 : index
        %swap3A_286 = tpu.vector_load %arg11[%swap3A_284, %swap3A_285] {strides = array<i32>} : memref<56x384xf32, #tpu.memory_space<vmem>>, vector<1x16xf32>,
        %swap3A_287 = vector.shape_cast %swap3A_286 : vector<1x16xf32> to vector<16xf32>
        %swap3A_288 = vector.shape_cast %add3A_283 : vector<16xf32> to vector<1x16xf32>
        tpu.vector_store %arg11[%swap3A_284, %swap3A_285], %swap3A_288 {strides = array<i32>} : memref<56x384xf32, #tpu.memory_space<vmem>>, vector<1x16xf32>,
        %get3A_289 = arith.constant 0 : i32
        %get3A_290 = arith.index_cast %get3A_289 : i32 to index
        %get3A_291 = arith.index_cast %add3A_168 : i32 to index
        %get3A_292 = arith.constant 80 : index
        %get3A_293 = tpu.vector_load %arg9[%get3A_290, %get3A_291, %get3A_292] {strides = array<i32>} : memref<2x56x384xf32, #tpu.memory_space<vmem>>, vector<1x1x16xf32>,
        %get3A_294 = vector.shape_cast %get3A_293 : vector<1x1x16xf32> to vector<16xf32>
        %mul3A_295 = vector.broadcast %squeeze3A : f32 to vector<16xf32>
        %mul3A_296 = arith.mulf %mul3A_295, %get3A_294 : vector<16xf32>
        %get3A_297 = arith.constant 1 : i32
        %get3A_298 = arith.index_cast %get3A_297 : i32 to index
        %get3A_299 = arith.index_cast %add3A_168 : i32 to index
        %get3A_300 = arith.constant 80 : index
        %get3A_301 = tpu.vector_load %arg9[%get3A_298, %get3A_299, %get3A_300] {strides = array<i32>} : memref<2x56x384xf32, #tpu.memory_space<vmem>>, vector<1x1x16xf32>,
        %get3A_302 = vector.shape_cast %get3A_301 : vector<1x1x16xf32> to vector<16xf32>
        %mul3A_303 = vector.broadcast %squeeze3A_179 : f32 to vector<16xf32>
        %mul3A_304 = arith.mulf %mul3A_303, %get3A_302 : vector<16xf32>
        %add3A_305 = arith.addf %mul3A_296, %mul3A_304 : vector<16xf32>
        %swap3A_306 = arith.index_cast %add3A_168 : i32 to index
        %swap3A_307 = arith.constant 80 : index
        %swap3A_308 = tpu.vector_load %arg11[%swap3A_306, %swap3A_307] {strides = array<i32>} : memref<56x384xf32, #tpu.memory_space<vmem>>, vector<1x16xf32>,
        %swap3A_309 = vector.shape_cast %swap3A_308 : vector<1x16xf32> to vector<16xf32>
        %swap3A_310 = vector.shape_cast %add3A_305 : vector<16xf32> to vector<1x16xf32>
        tpu.vector_store %arg11[%swap3A_306, %swap3A_307], %swap3A_310 {strides = array<i32>} : memref<56x384xf32, #tpu.memory_space<vmem>>, vector<1x16xf32>,
        %get3A_311 = arith.constant 0 : i32
        %get3A_312 = arith.index_cast %get3A_311 : i32 to index
        %get3A_313 = arith.index_cast %add3A_168 : i32 to index
        %get3A_314 = arith.constant 96 : index
        %get3A_315 = tpu.vector_load %arg9[%get3A_312, %get3A_313, %get3A_314] {strides = array<i32>} : memref<2x56x384xf32, #tpu.memory_space<vmem>>, vector<1x1x16xf32>,
        %get3A_316 = vector.shape_cast %get3A_315 : vector<1x1x16xf32> to vector<16xf32>
        %mul3A_317 = vector.broadcast %squeeze3A : f32 to vector<16xf32>
        %mul3A_318 = arith.mulf %mul3A_317, %get3A_316 : vector<16xf32>
        %get3A_319 = arith.constant 1 : i32
        %get3A_320 = arith.index_cast %get3A_319 : i32 to index
        %get3A_321 = arith.index_cast %add3A_168 : i32 to index
        %get3A_322 = arith.constant 96 : index
        %get3A_323 = tpu.vector_load %arg9[%get3A_320, %get3A_321, %get3A_322] {strides = array<i32>} : memref<2x56x384xf32, #tpu.memory_space<vmem>>, vector<1x1x16xf32>,
        %get3A_324 = vector.shape_cast %get3A_323 : vector<1x1x16xf32> to vector<16xf32>
        %mul3A_325 = vector.broadcast %squeeze3A_179 : f32 to vector<16xf32>
        %mul3A_326 = arith.mulf %mul3A_325, %get3A_324 : vector<16xf32>
        %add3A_327 = arith.addf %mul3A_318, %mul3A_326 : vector<16xf32>
        %swap3A_328 = arith.index_cast %add3A_168 : i32 to index
        %swap3A_329 = arith.constant 96 : index
        %swap3A_330 = tpu.vector_load %arg11[%swap3A_328, %swap3A_329] {strides = array<i32>} : memref<56x384xf32, #tpu.memory_space<vmem>>, vector<1x16xf32>,
        %swap3A_331 = vector.shape_cast %swap3A_330 : vector<1x16xf32> to vector<16xf32>
        %swap3A_332 = vector.shape_cast %add3A_327 : vector<16xf32> to vector<1x16xf32>
        tpu.vector_store %arg11[%swap3A_328, %swap3A_329], %swap3A_332 {strides = array<i32>} : memref<56x384xf32, #tpu.memory_space<vmem>>, vector<1x16xf32>,
        %get3A_333 = arith.constant 0 : i32
        %get3A_334 = arith.index_cast %get3A_333 : i32 to index
        %get3A_335 = arith.index_cast %add3A_168 : i32 to index
        %get3A_336 = arith.constant 112 : index
        %get3A_337 = tpu.vector_load %arg9[%get3A_334, %get3A_335, %get3A_336] {strides = array<i32>} : memref<2x56x384xf32, #tpu.memory_space<vmem>>, vector<1x1x16xf32>,
        %get3A_338 = vector.shape_cast %get3A_337 : vector<1x1x16xf32> to vector<16xf32>
        %mul3A_339 = vector.broadcast %squeeze3A : f32 to vector<16xf32>
        %mul3A_340 = arith.mulf %mul3A_339, %get3A_338 : vector<16xf32>
        %get3A_341 = arith.constant 1 : i32
        %get3A_342 = arith.index_cast %get3A_341 : i32 to index
        %get3A_343 = arith.index_cast %add3A_168 : i32 to index
        %get3A_344 = arith.constant 112 : index
        %get3A_345 = tpu.vector_load %arg9[%get3A_342, %get3A_343, %get3A_344] {strides = array<i32>} : memref<2x56x384xf32, #tpu.memory_space<vmem>>, vector<1x1x16xf32>,
        %get3A_346 = vector.shape_cast %get3A_345 : vector<1x1x16xf32> to vector<16xf32>
        %mul3A_347 = vector.broadcast %squeeze3A_179 : f32 to vector<16xf32>
        %mul3A_348 = arith.mulf %mul3A_347, %get3A_346 : vector<16xf32>
        %add3A_349 = arith.addf %mul3A_340, %mul3A_348 : vector<16xf32>
        %swap3A_350 = arith.index_cast %add3A_168 : i32 to index
        %swap3A_351 = arith.constant 112 : index
        %swap3A_352 = tpu.vector_load %arg11[%swap3A_350, %swap3A_351] {strides = array<i32>} : memref<56x384xf32, #tpu.memory_space<vmem>>, vector<1x16xf32>,
        %swap3A_353 = vector.shape_cast %swap3A_352 : vector<1x16xf32> to vector<16xf32>
        %swap3A_354 = vector.shape_cast %add3A_349 : vector<16xf32> to vector<1x16xf32>
        tpu.vector_store %arg11[%swap3A_350, %swap3A_351], %swap3A_354 {strides = array<i32>} : memref<56x384xf32, #tpu.memory_space<vmem>>, vector<1x16xf32>,
        %get3A_355 = arith.constant 0 : i32
        %get3A_356 = arith.index_cast %get3A_355 : i32 to index
        %get3A_357 = arith.index_cast %add3A_168 : i32 to index
        %get3A_358 = arith.constant 128 : index
        %get3A_359 = tpu.vector_load %arg9[%get3A_356, %get3A_357, %get3A_358] {strides = array<i32>} : memref<2x56x384xf32, #tpu.memory_space<vmem>>, vector<1x1x16xf32>,
        %get3A_360 = vector.shape_cast %get3A_359 : vector<1x1x16xf32> to vector<16xf32>
        %mul3A_361 = vector.broadcast %squeeze3A : f32 to vector<16xf32>
        %mul3A_362 = arith.mulf %mul3A_361, %get3A_360 : vector<16xf32>
        %get3A_363 = arith.constant 1 : i32
        %get3A_364 = arith.index_cast %get3A_363 : i32 to index
        %get3A_365 = arith.index_cast %add3A_168 : i32 to index
        %get3A_366 = arith.constant 128 : index
        %get3A_367 = tpu.vector_load %arg9[%get3A_364, %get3A_365, %get3A_366] {strides = array<i32>} : memref<2x56x384xf32, #tpu.memory_space<vmem>>, vector<1x1x16xf32>,
        %get3A_368 = vector.shape_cast %get3A_367 : vector<1x1x16xf32> to vector<16xf32>
        %mul3A_369 = vector.broadcast %squeeze3A_179 : f32 to vector<16xf32>
        %mul3A_370 = arith.mulf %mul3A_369, %get3A_368 : vector<16xf32>
        %add3A_371 = arith.addf %mul3A_362, %mul3A_370 : vector<16xf32>
        %swap3A_372 = arith.index_cast %add3A_168 : i32 to index
        %swap3A_373 = arith.constant 128 : index
        %swap3A_374 = tpu.vector_load %arg11[%swap3A_372, %swap3A_373] {strides = array<i32>} : memref<56x384xf32, #tpu.memory_space<vmem>>, vector<1x16xf32>,
        %swap3A_375 = vector.shape_cast %swap3A_374 : vector<1x16xf32> to vector<16xf32>
        %swap3A_376 = vector.shape_cast %add3A_371 : vector<16xf32> to vector<1x16xf32>
        tpu.vector_store %arg11[%swap3A_372, %swap3A_373], %swap3A_376 {strides = array<i32>} : memref<56x384xf32, #tpu.memory_space<vmem>>, vector<1x16xf32>,
        %get3A_377 = arith.constant 0 : i32
        %get3A_378 = arith.index_cast %get3A_377 : i32 to index
        %get3A_379 = arith.index_cast %add3A_168 : i32 to index
        %get3A_380 = arith.constant 144 : index
        %get3A_381 = tpu.vector_load %arg9[%get3A_378, %get3A_379, %get3A_380] {strides = array<i32>} : memref<2x56x384xf32, #tpu.memory_space<vmem>>, vector<1x1x16xf32>,
        %get3A_382 = vector.shape_cast %get3A_381 : vector<1x1x16xf32> to vector<16xf32>
        %mul3A_383 = vector.broadcast %squeeze3A : f32 to vector<16xf32>
        %mul3A_384 = arith.mulf %mul3A_383, %get3A_382 : vector<16xf32>
        %get3A_385 = arith.constant 1 : i32
        %get3A_386 = arith.index_cast %get3A_385 : i32 to index
        %get3A_387 = arith.index_cast %add3A_168 : i32 to index
        %get3A_388 = arith.constant 144 : index
        %get3A_389 = tpu.vector_load %arg9[%get3A_386, %get3A_387, %get3A_388] {strides = array<i32>} : memref<2x56x384xf32, #tpu.memory_space<vmem>>, vector<1x1x16xf32>,
        %get3A_390 = vector.shape_cast %get3A_389 : vector<1x1x16xf32> to vector<16xf32>
        %mul3A_391 = vector.broadcast %squeeze3A_179 : f32 to vector<16xf32>
        %mul3A_392 = arith.mulf %mul3A_391, %get3A_390 : vector<16xf32>
        %add3A_393 = arith.addf %mul3A_384, %mul3A_392 : vector<16xf32>
        %swap3A_394 = arith.index_cast %add3A_168 : i32 to index
        %swap3A_395 = arith.constant 144 : index
        %swap3A_396 = tpu.vector_load %arg11[%swap3A_394, %swap3A_395] {strides = array<i32>} : memref<56x384xf32, #tpu.memory_space<vmem>>, vector<1x16xf32>,
        %swap3A_397 = vector.shape_cast %swap3A_396 : vector<1x16xf32> to vector<16xf32>
        %swap3A_398 = vector.shape_cast %add3A_393 : vector<16xf32> to vector<1x16xf32>
        tpu.vector_store %arg11[%swap3A_394, %swap3A_395], %swap3A_398 {strides = array<i32>} : memref<56x384xf32, #tpu.memory_space<vmem>>, vector<1x16xf32>,
        %get3A_399 = arith.constant 0 : i32
        %get3A_400 = arith.index_cast %get3A_399 : i32 to index
        %get3A_401 = arith.index_cast %add3A_168 : i32 to index
        %get3A_402 = arith.constant 160 : index
        %get3A_403 = tpu.vector_load %arg9[%get3A_400, %get3A_401, %get3A_402] {strides = array<i32>} : memref<2x56x384xf32, #tpu.memory_space<vmem>>, vector<1x1x16xf32>,
        %get3A_404 = vector.shape_cast %get3A_403 : vector<1x1x16xf32> to vector<16xf32>
        %mul3A_405 = vector.broadcast %squeeze3A : f32 to vector<16xf32>
        %mul3A_406 = arith.mulf %mul3A_405, %get3A_404 : vector<16xf32>
        %get3A_407 = arith.constant 1 : i32
        %get3A_408 = arith.index_cast %get3A_407 : i32 to index
        %get3A_409 = arith.index_cast %add3A_168 : i32 to index
        %get3A_410 = arith.constant 160 : index
        %get3A_411 = tpu.vector_load %arg9[%get3A_408, %get3A_409, %get3A_410] {strides = array<i32>} : memref<2x56x384xf32, #tpu.memory_space<vmem>>, vector<1x1x16xf32>,
        %get3A_412 = vector.shape_cast %get3A_411 : vector<1x1x16xf32> to vector<16xf32>
        %mul3A_413 = vector.broadcast %squeeze3A_179 : f32 to vector<16xf32>
        %mul3A_414 = arith.mulf %mul3A_413, %get3A_412 : vector<16xf32>
        %add3A_415 = arith.addf %mul3A_406, %mul3A_414 : vector<16xf32>
        %swap3A_416 = arith.index_cast %add3A_168 : i32 to index
        %swap3A_417 = arith.constant 160 : index
        %swap3A_418 = tpu.vector_load %arg11[%swap3A_416, %swap3A_417] {strides = array<i32>} : memref<56x384xf32, #tpu.memory_space<vmem>>, vector<1x16xf32>,
        %swap3A_419 = vector.shape_cast %swap3A_418 : vector<1x16xf32> to vector<16xf32>
        %swap3A_420 = vector.shape_cast %add3A_415 : vector<16xf32> to vector<1x16xf32>
        tpu.vector_store %arg11[%swap3A_416, %swap3A_417], %swap3A_420 {strides = array<i32>} : memref<56x384xf32, #tpu.memory_space<vmem>>, vector<1x16xf32>,
        %get3A_421 = arith.constant 0 : i32
        %get3A_422 = arith.index_cast %get3A_421 : i32 to index
        %get3A_423 = arith.index_cast %add3A_168 : i32 to index
        %get3A_424 = arith.constant 176 : index
        %get3A_425 = tpu.vector_load %arg9[%get3A_422, %get3A_423, %get3A_424] {strides = array<i32>} : memref<2x56x384xf32, #tpu.memory_space<vmem>>, vector<1x1x16xf32>,
        %get3A_426 = vector.shape_cast %get3A_425 : vector<1x1x16xf32> to vector<16xf32>
        %mul3A_427 = vector.broadcast %squeeze3A : f32 to vector<16xf32>
        %mul3A_428 = arith.mulf %mul3A_427, %get3A_426 : vector<16xf32>
        %get3A_429 = arith.constant 1 : i32
        %get3A_430 = arith.index_cast %get3A_429 : i32 to index
        %get3A_431 = arith.index_cast %add3A_168 : i32 to index
        %get3A_432 = arith.constant 176 : index
        %get3A_433 = tpu.vector_load %arg9[%get3A_430, %get3A_431, %get3A_432] {strides = array<i32>} : memref<2x56x384xf32, #tpu.memory_space<vmem>>, vector<1x1x16xf32>,
        %get3A_434 = vector.shape_cast %get3A_433 : vector<1x1x16xf32> to vector<16xf32>
        %mul3A_435 = vector.broadcast %squeeze3A_179 : f32 to vector<16xf32>
        %mul3A_436 = arith.mulf %mul3A_435, %get3A_434 : vector<16xf32>
        %add3A_437 = arith.addf %mul3A_428, %mul3A_436 : vector<16xf32>
        %swap3A_438 = arith.index_cast %add3A_168 : i32 to index
        %swap3A_439 = arith.constant 176 : index
        %swap3A_440 = tpu.vector_load %arg11[%swap3A_438, %swap3A_439] {strides = array<i32>} : memref<56x384xf32, #tpu.memory_space<vmem>>, vector<1x16xf32>,
        %swap3A_441 = vector.shape_cast %swap3A_440 : vector<1x16xf32> to vector<16xf32>
        %swap3A_442 = vector.shape_cast %add3A_437 : vector<16xf32> to vector<1x16xf32>
        tpu.vector_store %arg11[%swap3A_438, %swap3A_439], %swap3A_442 {strides = array<i32>} : memref<56x384xf32, #tpu.memory_space<vmem>>, vector<1x16xf32>,
        %get3A_443 = arith.constant 0 : i32
        %get3A_444 = arith.index_cast %get3A_443 : i32 to index
        %get3A_445 = arith.index_cast %add3A_168 : i32 to index
        %get3A_446 = arith.constant 192 : index
        %get3A_447 = tpu.vector_load %arg9[%get3A_444, %get3A_445, %get3A_446] {strides = array<i32>} : memref<2x56x384xf32, #tpu.memory_space<vmem>>, vector<1x1x16xf32>,
        %get3A_448 = vector.shape_cast %get3A_447 : vector<1x1x16xf32> to vector<16xf32>
        %mul3A_449 = vector.broadcast %squeeze3A : f32 to vector<16xf32>
        %mul3A_450 = arith.mulf %mul3A_449, %get3A_448 : vector<16xf32>
        %get3A_451 = arith.constant 1 : i32
        %get3A_452 = arith.index_cast %get3A_451 : i32 to index
        %get3A_453 = arith.index_cast %add3A_168 : i32 to index
        %get3A_454 = arith.constant 192 : index
        %get3A_455 = tpu.vector_load %arg9[%get3A_452, %get3A_453, %get3A_454] {strides = array<i32>} : memref<2x56x384xf32, #tpu.memory_space<vmem>>, vector<1x1x16xf32>,
        %get3A_456 = vector.shape_cast %get3A_455 : vector<1x1x16xf32> to vector<16xf32>
        %mul3A_457 = vector.broadcast %squeeze3A_179 : f32 to vector<16xf32>
        %mul3A_458 = arith.mulf %mul3A_457, %get3A_456 : vector<16xf32>
        %add3A_459 = arith.addf %mul3A_450, %mul3A_458 : vector<16xf32>
        %swap3A_460 = arith.index_cast %add3A_168 : i32 to index
        %swap3A_461 = arith.constant 192 : index
        %swap3A_462 = tpu.vector_load %arg11[%swap3A_460, %swap3A_461] {strides = array<i32>} : memref<56x384xf32, #tpu.memory_space<vmem>>, vector<1x16xf32>,
        %swap3A_463 = vector.shape_cast %swap3A_462 : vector<1x16xf32> to vector<16xf32>
        %swap3A_464 = vector.shape_cast %add3A_459 : vector<16xf32> to vector<1x16xf32>
        tpu.vector_store %arg11[%swap3A_460, %swap3A_461], %swap3A_464 {strides = array<i32>} : memref<56x384xf32, #tpu.memory_space<vmem>>, vector<1x16xf32>,
        %get3A_465 = arith.constant 0 : i32
        %get3A_466 = arith.index_cast %get3A_465 : i32 to index
        %get3A_467 = arith.index_cast %add3A_168 : i32 to index
        %get3A_468 = arith.constant 208 : index
        %get3A_469 = tpu.vector_load %arg9[%get3A_466, %get3A_467, %get3A_468] {strides = array<i32>} : memref<2x56x384xf32, #tpu.memory_space<vmem>>, vector<1x1x16xf32>,
        %get3A_470 = vector.shape_cast %get3A_469 : vector<1x1x16xf32> to vector<16xf32>
        %mul3A_471 = vector.broadcast %squeeze3A : f32 to vector<16xf32>
        %mul3A_472 = arith.mulf %mul3A_471, %get3A_470 : vector<16xf32>
        %get3A_473 = arith.constant 1 : i32
        %get3A_474 = arith.index_cast %get3A_473 : i32 to index
        %get3A_475 = arith.index_cast %add3A_168 : i32 to index
        %get3A_476 = arith.constant 208 : index
        %get3A_477 = tpu.vector_load %arg9[%get3A_474, %get3A_475, %get3A_476] {strides = array<i32>} : memref<2x56x384xf32, #tpu.memory_space<vmem>>, vector<1x1x16xf32>,
        %get3A_478 = vector.shape_cast %get3A_477 : vector<1x1x16xf32> to vector<16xf32>
        %mul3A_479 = vector.broadcast %squeeze3A_179 : f32 to vector<16xf32>
        %mul3A_480 = arith.mulf %mul3A_479, %get3A_478 : vector<16xf32>
        %add3A_481 = arith.addf %mul3A_472, %mul3A_480 : vector<16xf32>
        %swap3A_482 = arith.index_cast %add3A_168 : i32 to index
        %swap3A_483 = arith.constant 208 : index
        %swap3A_484 = tpu.vector_load %arg11[%swap3A_482, %swap3A_483] {strides = array<i32>} : memref<56x384xf32, #tpu.memory_space<vmem>>, vector<1x16xf32>,
        %swap3A_485 = vector.shape_cast %swap3A_484 : vector<1x16xf32> to vector<16xf32>
        %swap3A_486 = vector.shape_cast %add3A_481 : vector<16xf32> to vector<1x16xf32>
        tpu.vector_store %arg11[%swap3A_482, %swap3A_483], %swap3A_486 {strides = array<i32>} : memref<56x384xf32, #tpu.memory_space<vmem>>, vector<1x16xf32>,
        %get3A_487 = arith.constant 0 : i32
        %get3A_488 = arith.index_cast %get3A_487 : i32 to index
        %get3A_489 = arith.index_cast %add3A_168 : i32 to index
        %get3A_490 = arith.constant 224 : index
        %get3A_491 = tpu.vector_load %arg9[%get3A_488, %get3A_489, %get3A_490] {strides = array<i32>} : memref<2x56x384xf32, #tpu.memory_space<vmem>>, vector<1x1x16xf32>,
        %get3A_492 = vector.shape_cast %get3A_491 : vector<1x1x16xf32> to vector<16xf32>
        %mul3A_493 = vector.broadcast %squeeze3A : f32 to vector<16xf32>
        %mul3A_494 = arith.mulf %mul3A_493, %get3A_492 : vector<16xf32>
        %get3A_495 = arith.constant 1 : i32
        %get3A_496 = arith.index_cast %get3A_495 : i32 to index
        %get3A_497 = arith.index_cast %add3A_168 : i32 to index
        %get3A_498 = arith.constant 224 : index
        %get3A_499 = tpu.vector_load %arg9[%get3A_496, %get3A_497, %get3A_498] {strides = array<i32>} : memref<2x56x384xf32, #tpu.memory_space<vmem>>, vector<1x1x16xf32>,
        %get3A_500 = vector.shape_cast %get3A_499 : vector<1x1x16xf32> to vector<16xf32>
        %mul3A_501 = vector.broadcast %squeeze3A_179 : f32 to vector<16xf32>
        %mul3A_502 = arith.mulf %mul3A_501, %get3A_500 : vector<16xf32>
        %add3A_503 = arith.addf %mul3A_494, %mul3A_502 : vector<16xf32>
        %swap3A_504 = arith.index_cast %add3A_168 : i32 to index
        %swap3A_505 = arith.constant 224 : index
        %swap3A_506 = tpu.vector_load %arg11[%swap3A_504, %swap3A_505] {strides = array<i32>} : memref<56x384xf32, #tpu.memory_space<vmem>>, vector<1x16xf32>,
        %swap3A_507 = vector.shape_cast %swap3A_506 : vector<1x16xf32> to vector<16xf32>
        %swap3A_508 = vector.shape_cast %add3A_503 : vector<16xf32> to vector<1x16xf32>
        tpu.vector_store %arg11[%swap3A_504, %swap3A_505], %swap3A_508 {strides = array<i32>} : memref<56x384xf32, #tpu.memory_space<vmem>>, vector<1x16xf32>,
        %get3A_509 = arith.constant 0 : i32
        %get3A_510 = arith.index_cast %get3A_509 : i32 to index
        %get3A_511 = arith.index_cast %add3A_168 : i32 to index
        %get3A_512 = arith.constant 240 : index
        %get3A_513 = tpu.vector_load %arg9[%get3A_510, %get3A_511, %get3A_512] {strides = array<i32>} : memref<2x56x384xf32, #tpu.memory_space<vmem>>, vector<1x1x16xf32>,
        %get3A_514 = vector.shape_cast %get3A_513 : vector<1x1x16xf32> to vector<16xf32>
        %mul3A_515 = vector.broadcast %squeeze3A : f32 to vector<16xf32>
        %mul3A_516 = arith.mulf %mul3A_515, %get3A_514 : vector<16xf32>
        %get3A_517 = arith.constant 1 : i32
        %get3A_518 = arith.index_cast %get3A_517 : i32 to index
        %get3A_519 = arith.index_cast %add3A_168 : i32 to index
        %get3A_520 = arith.constant 240 : index
        %get3A_521 = tpu.vector_load %arg9[%get3A_518, %get3A_519, %get3A_520] {strides = array<i32>} : memref<2x56x384xf32, #tpu.memory_space<vmem>>, vector<1x1x16xf32>,
        %get3A_522 = vector.shape_cast %get3A_521 : vector<1x1x16xf32> to vector<16xf32>
        %mul3A_523 = vector.broadcast %squeeze3A_179 : f32 to vector<16xf32>
        %mul3A_524 = arith.mulf %mul3A_523, %get3A_522 : vector<16xf32>
        %add3A_525 = arith.addf %mul3A_516, %mul3A_524 : vector<16xf32>
        %swap3A_526 = arith.index_cast %add3A_168 : i32 to index
        %swap3A_527 = arith.constant 240 : index
        %swap3A_528 = tpu.vector_load %arg11[%swap3A_526, %swap3A_527] {strides = array<i32>} : memref<56x384xf32, #tpu.memory_space<vmem>>, vector<1x16xf32>,
        %swap3A_529 = vector.shape_cast %swap3A_528 : vector<1x16xf32> to vector<16xf32>
        %swap3A_530 = vector.shape_cast %add3A_525 : vector<16xf32> to vector<1x16xf32>
        tpu.vector_store %arg11[%swap3A_526, %swap3A_527], %swap3A_530 {strides = array<i32>} : memref<56x384xf32, #tpu.memory_space<vmem>>, vector<1x16xf32>,
        %get3A_531 = arith.constant 0 : i32
        %get3A_532 = arith.index_cast %get3A_531 : i32 to index
        %get3A_533 = arith.index_cast %add3A_168 : i32 to index
        %get3A_534 = arith.constant 256 : index
        %get3A_535 = tpu.vector_load %arg9[%get3A_532, %get3A_533, %get3A_534] {strides = array<i32>} : memref<2x56x384xf32, #tpu.memory_space<vmem>>, vector<1x1x16xf32>,
        %get3A_536 = vector.shape_cast %get3A_535 : vector<1x1x16xf32> to vector<16xf32>
        %mul3A_537 = vector.broadcast %squeeze3A : f32 to vector<16xf32>
        %mul3A_538 = arith.mulf %mul3A_537, %get3A_536 : vector<16xf32>
        %get3A_539 = arith.constant 1 : i32
        %get3A_540 = arith.index_cast %get3A_539 : i32 to index
        %get3A_541 = arith.index_cast %add3A_168 : i32 to index
        %get3A_542 = arith.constant 256 : index
        %get3A_543 = tpu.vector_load %arg9[%get3A_540, %get3A_541, %get3A_542] {strides = array<i32>} : memref<2x56x384xf32, #tpu.memory_space<vmem>>, vector<1x1x16xf32>,
        %get3A_544 = vector.shape_cast %get3A_543 : vector<1x1x16xf32> to vector<16xf32>
        %mul3A_545 = vector.broadcast %squeeze3A_179 : f32 to vector<16xf32>
        %mul3A_546 = arith.mulf %mul3A_545, %get3A_544 : vector<16xf32>
        %add3A_547 = arith.addf %mul3A_538, %mul3A_546 : vector<16xf32>
        %swap3A_548 = arith.index_cast %add3A_168 : i32 to index
        %swap3A_549 = arith.constant 256 : index
        %swap3A_550 = tpu.vector_load %arg11[%swap3A_548, %swap3A_549] {strides = array<i32>} : memref<56x384xf32, #tpu.memory_space<vmem>>, vector<1x16xf32>,
        %swap3A_551 = vector.shape_cast %swap3A_550 : vector<1x16xf32> to vector<16xf32>
        %swap3A_552 = vector.shape_cast %add3A_547 : vector<16xf32> to vector<1x16xf32>
        tpu.vector_store %arg11[%swap3A_548, %swap3A_549], %swap3A_552 {strides = array<i32>} : memref<56x384xf32, #tpu.memory_space<vmem>>, vector<1x16xf32>,
        %get3A_553 = arith.constant 0 : i32
        %get3A_554 = arith.index_cast %get3A_553 : i32 to index
        %get3A_555 = arith.index_cast %add3A_168 : i32 to index
        %get3A_556 = arith.constant 272 : index
        %get3A_557 = tpu.vector_load %arg9[%get3A_554, %get3A_555, %get3A_556] {strides = array<i32>} : memref<2x56x384xf32, #tpu.memory_space<vmem>>, vector<1x1x16xf32>,
        %get3A_558 = vector.shape_cast %get3A_557 : vector<1x1x16xf32> to vector<16xf32>
        %mul3A_559 = vector.broadcast %squeeze3A : f32 to vector<16xf32>
        %mul3A_560 = arith.mulf %mul3A_559, %get3A_558 : vector<16xf32>
        %get3A_561 = arith.constant 1 : i32
        %get3A_562 = arith.index_cast %get3A_561 : i32 to index
        %get3A_563 = arith.index_cast %add3A_168 : i32 to index
        %get3A_564 = arith.constant 272 : index
        %get3A_565 = tpu.vector_load %arg9[%get3A_562, %get3A_563, %get3A_564] {strides = array<i32>} : memref<2x56x384xf32, #tpu.memory_space<vmem>>, vector<1x1x16xf32>,
        %get3A_566 = vector.shape_cast %get3A_565 : vector<1x1x16xf32> to vector<16xf32>
        %mul3A_567 = vector.broadcast %squeeze3A_179 : f32 to vector<16xf32>
        %mul3A_568 = arith.mulf %mul3A_567, %get3A_566 : vector<16xf32>
        %add3A_569 = arith.addf %mul3A_560, %mul3A_568 : vector<16xf32>
        %swap3A_570 = arith.index_cast %add3A_168 : i32 to index
        %swap3A_571 = arith.constant 272 : index
        %swap3A_572 = tpu.vector_load %arg11[%swap3A_570, %swap3A_571] {strides = array<i32>} : memref<56x384xf32, #tpu.memory_space<vmem>>, vector<1x16xf32>,
        %swap3A_573 = vector.shape_cast %swap3A_572 : vector<1x16xf32> to vector<16xf32>
        %swap3A_574 = vector.shape_cast %add3A_569 : vector<16xf32> to vector<1x16xf32>
        tpu.vector_store %arg11[%swap3A_570, %swap3A_571], %swap3A_574 {strides = array<i32>} : memref<56x384xf32, #tpu.memory_space<vmem>>, vector<1x16xf32>,
        %get3A_575 = arith.constant 0 : i32
        %get3A_576 = arith.index_cast %get3A_575 : i32 to index
        %get3A_577 = arith.index_cast %add3A_168 : i32 to index
        %get3A_578 = arith.constant 288 : index
        %get3A_579 = tpu.vector_load %arg9[%get3A_576, %get3A_577, %get3A_578] {strides = array<i32>} : memref<2x56x384xf32, #tpu.memory_space<vmem>>, vector<1x1x16xf32>,
        %get3A_580 = vector.shape_cast %get3A_579 : vector<1x1x16xf32> to vector<16xf32>
        %mul3A_581 = vector.broadcast %squeeze3A : f32 to vector<16xf32>
        %mul3A_582 = arith.mulf %mul3A_581, %get3A_580 : vector<16xf32>
        %get3A_583 = arith.constant 1 : i32
        %get3A_584 = arith.index_cast %get3A_583 : i32 to index
        %get3A_585 = arith.index_cast %add3A_168 : i32 to index
        %get3A_586 = arith.constant 288 : index
        %get3A_587 = tpu.vector_load %arg9[%get3A_584, %get3A_585, %get3A_586] {strides = array<i32>} : memref<2x56x384xf32, #tpu.memory_space<vmem>>, vector<1x1x16xf32>,
        %get3A_588 = vector.shape_cast %get3A_587 : vector<1x1x16xf32> to vector<16xf32>
        %mul3A_589 = vector.broadcast %squeeze3A_179 : f32 to vector<16xf32>
        %mul3A_590 = arith.mulf %mul3A_589, %get3A_588 : vector<16xf32>
        %add3A_591 = arith.addf %mul3A_582, %mul3A_590 : vector<16xf32>
        %swap3A_592 = arith.index_cast %add3A_168 : i32 to index
        %swap3A_593 = arith.constant 288 : index
        %swap3A_594 = tpu.vector_load %arg11[%swap3A_592, %swap3A_593] {strides = array<i32>} : memref<56x384xf32, #tpu.memory_space<vmem>>, vector<1x16xf32>,
        %swap3A_595 = vector.shape_cast %swap3A_594 : vector<1x16xf32> to vector<16xf32>
        %swap3A_596 = vector.shape_cast %add3A_591 : vector<16xf32> to vector<1x16xf32>
        tpu.vector_store %arg11[%swap3A_592, %swap3A_593], %swap3A_596 {strides = array<i32>} : memref<56x384xf32, #tpu.memory_space<vmem>>, vector<1x16xf32>,
        %get3A_597 = arith.constant 0 : i32
        %get3A_598 = arith.index_cast %get3A_597 : i32 to index
        %get3A_599 = arith.index_cast %add3A_168 : i32 to index
        %get3A_600 = arith.constant 304 : index
        %get3A_601 = tpu.vector_load %arg9[%get3A_598, %get3A_599, %get3A_600] {strides = array<i32>} : memref<2x56x384xf32, #tpu.memory_space<vmem>>, vector<1x1x16xf32>,
        %get3A_602 = vector.shape_cast %get3A_601 : vector<1x1x16xf32> to vector<16xf32>
        %mul3A_603 = vector.broadcast %squeeze3A : f32 to vector<16xf32>
        %mul3A_604 = arith.mulf %mul3A_603, %get3A_602 : vector<16xf32>
        %get3A_605 = arith.constant 1 : i32
        %get3A_606 = arith.index_cast %get3A_605 : i32 to index
        %get3A_607 = arith.index_cast %add3A_168 : i32 to index
        %get3A_608 = arith.constant 304 : index
        %get3A_609 = tpu.vector_load %arg9[%get3A_606, %get3A_607, %get3A_608] {strides = array<i32>} : memref<2x56x384xf32, #tpu.memory_space<vmem>>, vector<1x1x16xf32>,
        %get3A_610 = vector.shape_cast %get3A_609 : vector<1x1x16xf32> to vector<16xf32>
        %mul3A_611 = vector.broadcast %squeeze3A_179 : f32 to vector<16xf32>
        %mul3A_612 = arith.mulf %mul3A_611, %get3A_610 : vector<16xf32>
        %add3A_613 = arith.addf %mul3A_604, %mul3A_612 : vector<16xf32>
        %swap3A_614 = arith.index_cast %add3A_168 : i32 to index
        %swap3A_615 = arith.constant 304 : index
        %swap3A_616 = tpu.vector_load %arg11[%swap3A_614, %swap3A_615] {strides = array<i32>} : memref<56x384xf32, #tpu.memory_space<vmem>>, vector<1x16xf32>,
        %swap3A_617 = vector.shape_cast %swap3A_616 : vector<1x16xf32> to vector<16xf32>
        %swap3A_618 = vector.shape_cast %add3A_613 : vector<16xf32> to vector<1x16xf32>
        tpu.vector_store %arg11[%swap3A_614, %swap3A_615], %swap3A_618 {strides = array<i32>} : memref<56x384xf32, #tpu.memory_space<vmem>>, vector<1x16xf32>,
        %get3A_619 = arith.constant 0 : i32
        %get3A_620 = arith.index_cast %get3A_619 : i32 to index
        %get3A_621 = arith.index_cast %add3A_168 : i32 to index
        %get3A_622 = arith.constant 320 : index
        %get3A_623 = tpu.vector_load %arg9[%get3A_620, %get3A_621, %get3A_622] {strides = array<i32>} : memref<2x56x384xf32, #tpu.memory_space<vmem>>, vector<1x1x16xf32>,
        %get3A_624 = vector.shape_cast %get3A_623 : vector<1x1x16xf32> to vector<16xf32>
        %mul3A_625 = vector.broadcast %squeeze3A : f32 to vector<16xf32>
        %mul3A_626 = arith.mulf %mul3A_625, %get3A_624 : vector<16xf32>
        %get3A_627 = arith.constant 1 : i32
        %get3A_628 = arith.index_cast %get3A_627 : i32 to index
        %get3A_629 = arith.index_cast %add3A_168 : i32 to index
        %get3A_630 = arith.constant 320 : index
        %get3A_631 = tpu.vector_load %arg9[%get3A_628, %get3A_629, %get3A_630] {strides = array<i32>} : memref<2x56x384xf32, #tpu.memory_space<vmem>>, vector<1x1x16xf32>,
        %get3A_632 = vector.shape_cast %get3A_631 : vector<1x1x16xf32> to vector<16xf32>
        %mul3A_633 = vector.broadcast %squeeze3A_179 : f32 to vector<16xf32>
        %mul3A_634 = arith.mulf %mul3A_633, %get3A_632 : vector<16xf32>
        %add3A_635 = arith.addf %mul3A_626, %mul3A_634 : vector<16xf32>
        %swap3A_636 = arith.index_cast %add3A_168 : i32 to index
        %swap3A_637 = arith.constant 320 : index
        %swap3A_638 = tpu.vector_load %arg11[%swap3A_636, %swap3A_637] {strides = array<i32>} : memref<56x384xf32, #tpu.memory_space<vmem>>, vector<1x16xf32>,
        %swap3A_639 = vector.shape_cast %swap3A_638 : vector<1x16xf32> to vector<16xf32>
        %swap3A_640 = vector.shape_cast %add3A_635 : vector<16xf32> to vector<1x16xf32>
        tpu.vector_store %arg11[%swap3A_636, %swap3A_637], %swap3A_640 {strides = array<i32>} : memref<56x384xf32, #tpu.memory_space<vmem>>, vector<1x16xf32>,
        %get3A_641 = arith.constant 0 : i32
        %get3A_642 = arith.index_cast %get3A_641 : i32 to index
        %get3A_643 = arith.index_cast %add3A_168 : i32 to index
        %get3A_644 = arith.constant 336 : index
        %get3A_645 = tpu.vector_load %arg9[%get3A_642, %get3A_643, %get3A_644] {strides = array<i32>} : memref<2x56x384xf32, #tpu.memory_space<vmem>>, vector<1x1x16xf32>,
        %get3A_646 = vector.shape_cast %get3A_645 : vector<1x1x16xf32> to vector<16xf32>
        %mul3A_647 = vector.broadcast %squeeze3A : f32 to vector<16xf32>
        %mul3A_648 = arith.mulf %mul3A_647, %get3A_646 : vector<16xf32>
        %get3A_649 = arith.constant 1 : i32
        %get3A_650 = arith.index_cast %get3A_649 : i32 to index
        %get3A_651 = arith.index_cast %add3A_168 : i32 to index
        %get3A_652 = arith.constant 336 : index
        %get3A_653 = tpu.vector_load %arg9[%get3A_650, %get3A_651, %get3A_652] {strides = array<i32>} : memref<2x56x384xf32, #tpu.memory_space<vmem>>, vector<1x1x16xf32>,
        %get3A_654 = vector.shape_cast %get3A_653 : vector<1x1x16xf32> to vector<16xf32>
        %mul3A_655 = vector.broadcast %squeeze3A_179 : f32 to vector<16xf32>
        %mul3A_656 = arith.mulf %mul3A_655, %get3A_654 : vector<16xf32>
        %add3A_657 = arith.addf %mul3A_648, %mul3A_656 : vector<16xf32>
        %swap3A_658 = arith.index_cast %add3A_168 : i32 to index
        %swap3A_659 = arith.constant 336 : index
        %swap3A_660 = tpu.vector_load %arg11[%swap3A_658, %swap3A_659] {strides = array<i32>} : memref<56x384xf32, #tpu.memory_space<vmem>>, vector<1x16xf32>,
        %swap3A_661 = vector.shape_cast %swap3A_660 : vector<1x16xf32> to vector<16xf32>
        %swap3A_662 = vector.shape_cast %add3A_657 : vector<16xf32> to vector<1x16xf32>
        tpu.vector_store %arg11[%swap3A_658, %swap3A_659], %swap3A_662 {strides = array<i32>} : memref<56x384xf32, #tpu.memory_space<vmem>>, vector<1x16xf32>,
        %get3A_663 = arith.constant 0 : i32
        %get3A_664 = arith.index_cast %get3A_663 : i32 to index
        %get3A_665 = arith.index_cast %add3A_168 : i32 to index
        %get3A_666 = arith.constant 352 : index
        %get3A_667 = tpu.vector_load %arg9[%get3A_664, %get3A_665, %get3A_666] {strides = array<i32>} : memref<2x56x384xf32, #tpu.memory_space<vmem>>, vector<1x1x16xf32>,
        %get3A_668 = vector.shape_cast %get3A_667 : vector<1x1x16xf32> to vector<16xf32>
        %mul3A_669 = vector.broadcast %squeeze3A : f32 to vector<16xf32>
        %mul3A_670 = arith.mulf %mul3A_669, %get3A_668 : vector<16xf32>
        %get3A_671 = arith.constant 1 : i32
        %get3A_672 = arith.index_cast %get3A_671 : i32 to index
        %get3A_673 = arith.index_cast %add3A_168 : i32 to index
        %get3A_674 = arith.constant 352 : index
        %get3A_675 = tpu.vector_load %arg9[%get3A_672, %get3A_673, %get3A_674] {strides = array<i32>} : memref<2x56x384xf32, #tpu.memory_space<vmem>>, vector<1x1x16xf32>,
        %get3A_676 = vector.shape_cast %get3A_675 : vector<1x1x16xf32> to vector<16xf32>
        %mul3A_677 = vector.broadcast %squeeze3A_179 : f32 to vector<16xf32>
        %mul3A_678 = arith.mulf %mul3A_677, %get3A_676 : vector<16xf32>
        %add3A_679 = arith.addf %mul3A_670, %mul3A_678 : vector<16xf32>
        %swap3A_680 = arith.index_cast %add3A_168 : i32 to index
        %swap3A_681 = arith.constant 352 : index
        %swap3A_682 = tpu.vector_load %arg11[%swap3A_680, %swap3A_681] {strides = array<i32>} : memref<56x384xf32, #tpu.memory_space<vmem>>, vector<1x16xf32>,
        %swap3A_683 = vector.shape_cast %swap3A_682 : vector<1x16xf32> to vector<16xf32>
        %swap3A_684 = vector.shape_cast %add3A_679 : vector<16xf32> to vector<1x16xf32>
        tpu.vector_store %arg11[%swap3A_680, %swap3A_681], %swap3A_684 {strides = array<i32>} : memref<56x384xf32, #tpu.memory_space<vmem>>, vector<1x16xf32>,
        %get3A_685 = arith.constant 0 : i32
        %get3A_686 = arith.index_cast %get3A_685 : i32 to index
        %get3A_687 = arith.index_cast %add3A_168 : i32 to index
        %get3A_688 = arith.constant 368 : index
        %get3A_689 = tpu.vector_load %arg9[%get3A_686, %get3A_687, %get3A_688] {strides = array<i32>} : memref<2x56x384xf32, #tpu.memory_space<vmem>>, vector<1x1x16xf32>,
        %get3A_690 = vector.shape_cast %get3A_689 : vector<1x1x16xf32> to vector<16xf32>
        %mul3A_691 = vector.broadcast %squeeze3A : f32 to vector<16xf32>
        %mul3A_692 = arith.mulf %mul3A_691, %get3A_690 : vector<16xf32>
        %get3A_693 = arith.constant 1 : i32
        %get3A_694 = arith.index_cast %get3A_693 : i32 to index
        %get3A_695 = arith.index_cast %add3A_168 : i32 to index
        %get3A_696 = arith.constant 368 : index
        %get3A_697 = tpu.vector_load %arg9[%get3A_694, %get3A_695, %get3A_696] {strides = array<i32>} : memref<2x56x384xf32, #tpu.memory_space<vmem>>, vector<1x1x16xf32>,
        %get3A_698 = vector.shape_cast %get3A_697 : vector<1x1x16xf32> to vector<16xf32>
        %mul3A_699 = vector.broadcast %squeeze3A_179 : f32 to vector<16xf32>
        %mul3A_700 = arith.mulf %mul3A_699, %get3A_698 : vector<16xf32>
        %add3A_701 = arith.addf %mul3A_692, %mul3A_700 : vector<16xf32>
        %swap3A_702 = arith.index_cast %add3A_168 : i32 to index
        %swap3A_703 = arith.constant 368 : index
        %swap3A_704 = tpu.vector_load %arg11[%swap3A_702, %swap3A_703] {strides = array<i32>} : memref<56x384xf32, #tpu.memory_space<vmem>>, vector<1x16xf32>,
        %swap3A_705 = vector.shape_cast %swap3A_704 : vector<1x16xf32> to vector<16xf32>
        %swap3A_706 = vector.shape_cast %add3A_701 : vector<16xf32> to vector<1x16xf32>
        tpu.vector_store %arg11[%swap3A_702, %swap3A_703], %swap3A_706 {strides = array<i32>} : memref<56x384xf32, #tpu.memory_space<vmem>>, vector<1x16xf32>,
      }
      %scan3A_123 = arith.constant 56 : i32
      %add3A_124 = arith.constant 1 : i32
      %add3A_125 = arith.addi %add3A_51, %add3A_124 : i32
      %lt3A = arith.constant 7 : i32
      %lt3A_126 = arith.cmpi slt, %add3A_125, %lt3A : i32
      %convert_element_type3A = arith.extui %lt3A_126 : i1 to i32
      %cond3A = arith.constant 0 : i32
      %cond3A_127 = arith.cmpi ne, %convert_element_type3A, %cond3A : i32
      scf.if %cond3A_127 {
        %add3A_164 = arith.constant 1 : i32
        %add3A_165 = arith.addi %add3A_51, %add3A_164 : i32
        %add3A_166 = arith.constant 0 : i32
        %add3A_167 = arith.addi %add3A_166, %mul3A_2 : i32
        %mul3A_168 = arith.constant 56 : i32
        %mul3A_169 = arith.muli %add3A_165, %mul3A_168 : i32
        %add3A_170 = arith.addi %add3A_167, %mul3A_169 : i32
        %run_scoped3A_171 = arith.constant 0 : i32
        "tpu.region"() ({
          %run_scoped3A_202 = tpu.sem_alloc : memref<!tpu.dma_semaphore, #tpu.memory_space<semaphore_mem>>
          %dma_start3A_203 = arith.constant 0 : i32
          %dma_start3A_204 = tpu.memref_slice %arg6[%run_scoped3A_171, %dma_start3A_203] : memref<2x56xi32, #tpu.memory_space<vmem>> -> memref<1x56xi32, #tpu.memory_space<vmem>>
          %dma_start3A_205 = tpu.memref_squeeze %dma_start3A_204 : memref<1x56xi32, #tpu.memory_space<vmem>> -> memref<56xi32, #tpu.memory_space<vmem>>
          %dma_start3A_206 = tpu.memref_slice %arg3[%add3A_170] : memref<50176xi32, #tpu.memory_space<hbm>> -> memref<56xi32, #tpu.memory_space<hbm>>
          %dma_start3A_207 = arith.constant 0 : i32
          %dma_start3A_208 = tpu.memref_slice %arg6[%run_scoped3A_171, %dma_start3A_207] : memref<2x56xi32, #tpu.memory_space<vmem>> -> memref<1x56xi32, #tpu.memory_space<vmem>>
          %dma_start3A_209 = tpu.memref_squeeze %dma_start3A_208 : memref<1x56xi32, #tpu.memory_space<vmem>> -> memref<56xi32, #tpu.memory_space<vmem>>
          %dma_start3A_210 = tpu.memref_slice %arg3[%add3A_170] : memref<50176xi32, #tpu.memory_space<hbm>> -> memref<56xi32, #tpu.memory_space<hbm>>
          tpu.enqueue_dma source(%dma_start3A_210 : memref<56xi32, #tpu.memory_space<hbm>>) target(%dma_start3A_209 : memref<56xi32, #tpu.memory_space<vmem>>) target_semaphore(%run_scoped3A_202 : memref<!tpu.dma_semaphore, #tpu.memory_space<semaphore_mem>>)
          %dma_wait3A_211 = arith.constant 0 : i32
          %dma_wait3A_212 = tpu.memref_slice %arg6[%run_scoped3A_171, %dma_wait3A_211] : memref<2x56xi32, #tpu.memory_space<vmem>> -> memref<1x56xi32, #tpu.memory_space<vmem>>
          %dma_wait3A_213 = tpu.memref_squeeze %dma_wait3A_212 : memref<1x56xi32, #tpu.memory_space<vmem>> -> memref<56xi32, #tpu.memory_space<vmem>>
          %dma_wait3A_214 = tpu.memref_slice %arg3[%add3A_170] : memref<50176xi32, #tpu.memory_space<hbm>> -> memref<56xi32, #tpu.memory_space<hbm>>
          %dma_wait3A_215 = arith.constant 0 : i32
          %dma_wait3A_216 = tpu.memref_slice %arg6[%run_scoped3A_171, %dma_wait3A_215] : memref<2x56xi32, #tpu.memory_space<vmem>> -> memref<1x56xi32, #tpu.memory_space<vmem>>
          %dma_wait3A_217 = tpu.memref_squeeze %dma_wait3A_216 : memref<1x56xi32, #tpu.memory_space<vmem>> -> memref<56xi32, #tpu.memory_space<vmem>>
          %dma_wait3A_218 = tpu.memref_slice %arg3[%add3A_170] : memref<50176xi32, #tpu.memory_space<hbm>> -> memref<56xi32, #tpu.memory_space<hbm>>
          tpu.wait_dma2 semaphore(%run_scoped3A_202 : memref<!tpu.dma_semaphore, #tpu.memory_space<semaphore_mem>>) src(%dma_wait3A_218 : memref<56xi32, #tpu.memory_space<hbm>>) dst(%dma_wait3A_217 : memref<56xi32, #tpu.memory_space<vmem>>)
          tpu.yield
        }) : () -> ()
        %dma_start3A_172 = arith.constant 0 : i32
        %dma_start3A_173 = arith.constant 0 : i32
        %dma_start3A_174 = arith.constant 0 : i32
        %dma_start3A_175 = arith.constant 0 : i32
        %dma_start3A_176 = tpu.memref_slice %arg9[%dma_start3A_173, %dma_start3A_174, %dma_start3A_175] : memref<2x56x384xf32, #tpu.memory_space<vmem>> -> memref<1x56x384xf32, #tpu.memory_space<vmem>>
        %dma_start3A_177 = tpu.memref_squeeze %dma_start3A_176 : memref<1x56x384xf32, #tpu.memory_space<vmem>> -> memref<56x384xf32, #tpu.memory_space<vmem>>
        %dma_start3A_178 = arith.constant 0 : i32
        %dma_start3A_179 = tpu.memref_slice %arg6[%dma_start3A_172, %dma_start3A_178] : memref<2x56xi32, #tpu.memory_space<vmem>> -> memref<1x56xi32, #tpu.memory_space<vmem>>
        %dma_start3A_180 = tpu.memref_squeeze %dma_start3A_179 : memref<1x56xi32, #tpu.memory_space<vmem>> -> memref<56xi32, #tpu.memory_space<vmem>>
        %dma_start3A_181 = arith.constant 0 : i32
        %dma_start3A_182 = arith.constant 0 : i32
        %dma_start3A_183 = tpu.memref_slice %arg2[%dma_start3A_181, %dma_start3A_182] : memref<25088x384xf32, #tpu.memory_space<hbm>> -> memref<25088x384xf32, #tpu.memory_space<hbm>>
        tpu.enqueue_indirect_dma source(%dma_start3A_183 : memref<25088x384xf32, #tpu.memory_space<hbm>>) target(%dma_start3A_177 : memref<56x384xf32, #tpu.memory_space<vmem>>) offsets(%dma_start3A_180 : memref<56xi32, #tpu.memory_space<vmem>>) semaphore(%arg12 : memref<!tpu.dma_semaphore, #tpu.memory_space<semaphore_mem>>)
        %add3A_184 = arith.constant 12544 : i32
        %add3A_185 = arith.addi %add3A_184, %mul3A_2 : i32
        %mul3A_186 = arith.constant 56 : i32
        %mul3A_187 = arith.muli %add3A_165, %mul3A_186 : i32
        %add3A_188 = arith.addi %add3A_185, %mul3A_187 : i32
        %run_scoped3A_189 = arith.constant 1 : i32
        "tpu.region"() ({
          %run_scoped3A_202 = tpu.sem_alloc : memref<!tpu.dma_semaphore, #tpu.memory_space<semaphore_mem>>
          %dma_start3A_203 = arith.constant 0 : i32
          %dma_start3A_204 = tpu.memref_slice %arg6[%run_scoped3A_189, %dma_start3A_203] : memref<2x56xi32, #tpu.memory_space<vmem>> -> memref<1x56xi32, #tpu.memory_space<vmem>>
          %dma_start3A_205 = tpu.memref_squeeze %dma_start3A_204 : memref<1x56xi32, #tpu.memory_space<vmem>> -> memref<56xi32, #tpu.memory_space<vmem>>
          %dma_start3A_206 = tpu.memref_slice %arg3[%add3A_188] : memref<50176xi32, #tpu.memory_space<hbm>> -> memref<56xi32, #tpu.memory_space<hbm>>
          %dma_start3A_207 = arith.constant 0 : i32
          %dma_start3A_208 = tpu.memref_slice %arg6[%run_scoped3A_189, %dma_start3A_207] : memref<2x56xi32, #tpu.memory_space<vmem>> -> memref<1x56xi32, #tpu.memory_space<vmem>>
          %dma_start3A_209 = tpu.memref_squeeze %dma_start3A_208 : memref<1x56xi32, #tpu.memory_space<vmem>> -> memref<56xi32, #tpu.memory_space<vmem>>
          %dma_start3A_210 = tpu.memref_slice %arg3[%add3A_188] : memref<50176xi32, #tpu.memory_space<hbm>> -> memref<56xi32, #tpu.memory_space<hbm>>
          tpu.enqueue_dma source(%dma_start3A_210 : memref<56xi32, #tpu.memory_space<hbm>>) target(%dma_start3A_209 : memref<56xi32, #tpu.memory_space<vmem>>) target_semaphore(%run_scoped3A_202 : memref<!tpu.dma_semaphore, #tpu.memory_space<semaphore_mem>>)
          %dma_wait3A_211 = arith.constant 0 : i32
          %dma_wait3A_212 = tpu.memref_slice %arg6[%run_scoped3A_189, %dma_wait3A_211] : memref<2x56xi32, #tpu.memory_space<vmem>> -> memref<1x56xi32, #tpu.memory_space<vmem>>
          %dma_wait3A_213 = tpu.memref_squeeze %dma_wait3A_212 : memref<1x56xi32, #tpu.memory_space<vmem>> -> memref<56xi32, #tpu.memory_space<vmem>>
          %dma_wait3A_214 = tpu.memref_slice %arg3[%add3A_188] : memref<50176xi32, #tpu.memory_space<hbm>> -> memref<56xi32, #tpu.memory_space<hbm>>
          %dma_wait3A_215 = arith.constant 0 : i32
          %dma_wait3A_216 = tpu.memref_slice %arg6[%run_scoped3A_189, %dma_wait3A_215] : memref<2x56xi32, #tpu.memory_space<vmem>> -> memref<1x56xi32, #tpu.memory_space<vmem>>
          %dma_wait3A_217 = tpu.memref_squeeze %dma_wait3A_216 : memref<1x56xi32, #tpu.memory_space<vmem>> -> memref<56xi32, #tpu.memory_space<vmem>>
          %dma_wait3A_218 = tpu.memref_slice %arg3[%add3A_188] : memref<50176xi32, #tpu.memory_space<hbm>> -> memref<56xi32, #tpu.memory_space<hbm>>
          tpu.wait_dma2 semaphore(%run_scoped3A_202 : memref<!tpu.dma_semaphore, #tpu.memory_space<semaphore_mem>>) src(%dma_wait3A_218 : memref<56xi32, #tpu.memory_space<hbm>>) dst(%dma_wait3A_217 : memref<56xi32, #tpu.memory_space<vmem>>)
          tpu.yield
        }) : () -> ()
        %dma_start3A_190 = arith.constant 1 : i32
        %dma_start3A_191 = arith.constant 1 : i32
        %dma_start3A_192 = arith.constant 0 : i32
        %dma_start3A_193 = arith.constant 0 : i32
        %dma_start3A_194 = tpu.memref_slice %arg9[%dma_start3A_191, %dma_start3A_192, %dma_start3A_193] : memref<2x56x384xf32, #tpu.memory_space<vmem>> -> memref<1x56x384xf32, #tpu.memory_space<vmem>>
        %dma_start3A_195 = tpu.memref_squeeze %dma_start3A_194 : memref<1x56x384xf32, #tpu.memory_space<vmem>> -> memref<56x384xf32, #tpu.memory_space<vmem>>
        %dma_start3A_196 = arith.constant 0 : i32
        %dma_start3A_197 = tpu.memref_slice %arg6[%dma_start3A_190, %dma_start3A_196] : memref<2x56xi32, #tpu.memory_space<vmem>> -> memref<1x56xi32, #tpu.memory_space<vmem>>
        %dma_start3A_198 = tpu.memref_squeeze %dma_start3A_197 : memref<1x56xi32, #tpu.memory_space<vmem>> -> memref<56xi32, #tpu.memory_space<vmem>>
        %dma_start3A_199 = arith.constant 0 : i32
        %dma_start3A_200 = arith.constant 0 : i32
        %dma_start3A_201 = tpu.memref_slice %arg2[%dma_start3A_199, %dma_start3A_200] : memref<25088x384xf32, #tpu.memory_space<hbm>> -> memref<25088x384xf32, #tpu.memory_space<hbm>>
        tpu.enqueue_indirect_dma source(%dma_start3A_201 : memref<25088x384xf32, #tpu.memory_space<hbm>>) target(%dma_start3A_195 : memref<56x384xf32, #tpu.memory_space<vmem>>) offsets(%dma_start3A_198 : memref<56xi32, #tpu.memory_space<vmem>>) semaphore(%arg12 : memref<!tpu.dma_semaphore, #tpu.memory_space<semaphore_mem>>)
      } else {
      }
      %dma_wait3A_128 = arith.constant 0 : i32
      %dma_wait3A_129 = arith.constant 0 : i32
      %dma_wait3A_130 = arith.constant 0 : i32
      %dma_wait3A_131 = tpu.memref_slice %arg10[%dma_wait3A_128, %dma_wait3A_129, %dma_wait3A_130] : memref<2x56x384xf32, #tpu.memory_space<vmem>> -> memref<1x56x384xf32, #tpu.memory_space<vmem>>
      %dma_wait3A_132 = tpu.memref_squeeze %dma_wait3A_131 : memref<1x56x384xf32, #tpu.memory_space<vmem>> -> memref<56x384xf32, #tpu.memory_space<vmem>>
      %dma_wait3A_133 = arith.constant 0 : i32
      %dma_wait3A_134 = arith.constant 0 : i32
      %dma_wait3A_135 = tpu.memref_slice %arg2[%dma_wait3A_133, %dma_wait3A_134] : memref<25088x384xf32, #tpu.memory_space<hbm>> -> memref<56x384xf32, #tpu.memory_space<hbm>>
      %dma_wait3A_136 = arith.constant 0 : i32
      %dma_wait3A_137 = arith.constant 0 : i32
      %dma_wait3A_138 = tpu.memref_slice %arg10[%dma_wait3A_128, %dma_wait3A_136, %dma_wait3A_137] : memref<2x56x384xf32, #tpu.memory_space<vmem>> -> memref<1x56x384xf32, #tpu.memory_space<vmem>>
      %dma_wait3A_139 = tpu.memref_squeeze %dma_wait3A_138 : memref<1x56x384xf32, #tpu.memory_space<vmem>> -> memref<56x384xf32, #tpu.memory_space<vmem>>
      %dma_wait3A_140 = arith.constant 0 : i32
      %dma_wait3A_141 = arith.constant 0 : i32
      %dma_wait3A_142 = tpu.memref_slice %arg2[%dma_wait3A_140, %dma_wait3A_141] : memref<25088x384xf32, #tpu.memory_space<hbm>> -> memref<56x384xf32, #tpu.memory_space<hbm>>
      tpu.wait_dma2 semaphore(%arg13 : memref<!tpu.dma_semaphore, #tpu.memory_space<semaphore_mem>>) src(%dma_wait3A_142 : memref<56x384xf32, #tpu.memory_space<hbm>>) dst(%dma_wait3A_139 : memref<56x384xf32, #tpu.memory_space<vmem>>)
      %dma_wait3A_143 = arith.constant 1 : i32
      %dma_wait3A_144 = arith.constant 0 : i32
      %dma_wait3A_145 = arith.constant 0 : i32
      %dma_wait3A_146 = tpu.memref_slice %arg10[%dma_wait3A_143, %dma_wait3A_144, %dma_wait3A_145] : memref<2x56x384xf32, #tpu.memory_space<vmem>> -> memref<1x56x384xf32, #tpu.memory_space<vmem>>
      %dma_wait3A_147 = tpu.memref_squeeze %dma_wait3A_146 : memref<1x56x384xf32, #tpu.memory_space<vmem>> -> memref<56x384xf32, #tpu.memory_space<vmem>>
      %dma_wait3A_148 = arith.constant 0 : i32
      %dma_wait3A_149 = arith.constant 0 : i32
      %dma_wait3A_150 = tpu.memref_slice %arg2[%dma_wait3A_148, %dma_wait3A_149] : memref<25088x384xf32, #tpu.memory_space<hbm>> -> memref<56x384xf32, #tpu.memory_space<hbm>>
      %dma_wait3A_151 = arith.constant 0 : i32
      %dma_wait3A_152 = arith.constant 0 : i32
      %dma_wait3A_153 = tpu.memref_slice %arg10[%dma_wait3A_143, %dma_wait3A_151, %dma_wait3A_152] : memref<2x56x384xf32, #tpu.memory_space<vmem>> -> memref<1x56x384xf32, #tpu.memory_space<vmem>>
      %dma_wait3A_154 = tpu.memref_squeeze %dma_wait3A_153 : memref<1x56x384xf32, #tpu.memory_space<vmem>> -> memref<56x384xf32, #tpu.memory_space<vmem>>
      %dma_wait3A_155 = arith.constant 0 : i32
      %dma_wait3A_156 = arith.constant 0 : i32
      %dma_wait3A_157 = tpu.memref_slice %arg2[%dma_wait3A_155, %dma_wait3A_156] : memref<25088x384xf32, #tpu.memory_space<hbm>> -> memref<56x384xf32, #tpu.memory_space<hbm>>
      tpu.wait_dma2 semaphore(%arg13 : memref<!tpu.dma_semaphore, #tpu.memory_space<semaphore_mem>>) src(%dma_wait3A_157 : memref<56x384xf32, #tpu.memory_space<hbm>>) dst(%dma_wait3A_154 : memref<56x384xf32, #tpu.memory_space<vmem>>)
      %scan3A_158 = arith.constant 0 : i32
      %scan3A_159 = arith.constant 56 : i32
      %scan3A_160 = arith.addi %scan3A_158, %scan3A_159 : i32
      %scan3A_161 = arith.constant 1 : i32
      scf.for %scan3A_164 = %scan3A_158 to %scan3A_160 step %scan3A_161  : i32 {
        %mul3A_165 = arith.constant 1 : i32
        %mul3A_166 = arith.muli %scan3A_164, %mul3A_165 : i32
        %add3A_167 = arith.constant 0 : i32
        %add3A_168 = arith.addi %add3A_167, %mul3A_166 : i32
        %add3A_169 = arith.constant 784 : i32
        %add3A_170 = arith.addi %add3A_169, %mul3A_53 : i32
        %add3A_171 = arith.addi %add3A_170, %add3A_168 : i32
        %get3A = arith.index_cast %add3A_171 : i32 to index
        %get3A_172 = tpu.vector_load %arg8[%get3A] {strides = array<i32>} : memref<1584xf32, #tpu.memory_space<vmem>>, vector<16xf32>,
        %get3A_173 = vector.shape_cast %get3A_172 : vector<16xf32> to vector<16xf32>
        %slice3A = vector.extract_strided_slice %get3A_173 {offsets = [0], sizes = [1], strides = [1]} : vector<16xf32> to vector<1xf32>
        %squeeze3A = vector.extract %slice3A[0] : f32 from vector<1xf32>
        %add3A_174 = arith.constant 1176 : i32
        %add3A_175 = arith.addi %add3A_174, %mul3A_53 : i32
        %add3A_176 = arith.addi %add3A_175, %add3A_168 : i32
        %get3A_177 = arith.index_cast %add3A_176 : i32 to index
        %get3A_178 = tpu.vector_load %arg8[%get3A_177] {strides = array<i32>} : memref<1584xf32, #tpu.memory_space<vmem>>, vector<16xf32>,
        %get3A_179 = vector.shape_cast %get3A_178 : vector<16xf32> to vector<16xf32>
        %slice3A_180 = vector.extract_strided_slice %get3A_179 {offsets = [0], sizes = [1], strides = [1]} : vector<16xf32> to vector<1xf32>
        %squeeze3A_181 = vector.extract %slice3A_180[0] : f32 from vector<1xf32>
        %get3A_182 = arith.constant 0 : i32
        %get3A_183 = arith.index_cast %get3A_182 : i32 to index
        %get3A_184 = arith.index_cast %add3A_168 : i32 to index
        %get3A_185 = arith.constant 0 : index
        %get3A_186 = tpu.vector_load %arg10[%get3A_183, %get3A_184, %get3A_185] {strides = array<i32>} : memref<2x56x384xf32, #tpu.memory_space<vmem>>, vector<1x1x16xf32>,
        %get3A_187 = vector.shape_cast %get3A_186 : vector<1x1x16xf32> to vector<16xf32>
        %mul3A_188 = vector.broadcast %squeeze3A : f32 to vector<16xf32>
        %mul3A_189 = arith.mulf %mul3A_188, %get3A_187 : vector<16xf32>
        %get3A_190 = arith.constant 1 : i32
        %get3A_191 = arith.index_cast %get3A_190 : i32 to index
        %get3A_192 = arith.index_cast %add3A_168 : i32 to index
        %get3A_193 = arith.constant 0 : index
        %get3A_194 = tpu.vector_load %arg10[%get3A_191, %get3A_192, %get3A_193] {strides = array<i32>} : memref<2x56x384xf32, #tpu.memory_space<vmem>>, vector<1x1x16xf32>,
        %get3A_195 = vector.shape_cast %get3A_194 : vector<1x1x16xf32> to vector<16xf32>
        %mul3A_196 = vector.broadcast %squeeze3A_181 : f32 to vector<16xf32>
        %mul3A_197 = arith.mulf %mul3A_196, %get3A_195 : vector<16xf32>
        %add3A_198 = arith.addf %mul3A_189, %mul3A_197 : vector<16xf32>
        %get3A_199 = arith.index_cast %add3A_168 : i32 to index
        %get3A_200 = arith.constant 0 : index
        %get3A_201 = tpu.vector_load %arg11[%get3A_199, %get3A_200] {strides = array<i32>} : memref<56x384xf32, #tpu.memory_space<vmem>>, vector<1x16xf32>,
        %get3A_202 = vector.shape_cast %get3A_201 : vector<1x16xf32> to vector<16xf32>
        %add3A_203 = arith.addf %get3A_202, %add3A_198 : vector<16xf32>
        %swap3A = arith.index_cast %add3A_168 : i32 to index
        %swap3A_204 = arith.constant 0 : index
        %swap3A_205 = tpu.vector_load %arg11[%swap3A, %swap3A_204] {strides = array<i32>} : memref<56x384xf32, #tpu.memory_space<vmem>>, vector<1x16xf32>,
        %swap3A_206 = vector.shape_cast %swap3A_205 : vector<1x16xf32> to vector<16xf32>
        %swap3A_207 = vector.shape_cast %add3A_203 : vector<16xf32> to vector<1x16xf32>
        tpu.vector_store %arg11[%swap3A, %swap3A_204], %swap3A_207 {strides = array<i32>} : memref<56x384xf32, #tpu.memory_space<vmem>>, vector<1x16xf32>,
        %get3A_208 = arith.constant 0 : i32
        %get3A_209 = arith.index_cast %get3A_208 : i32 to index
        %get3A_210 = arith.index_cast %add3A_168 : i32 to index
        %get3A_211 = arith.constant 16 : index
        %get3A_212 = tpu.vector_load %arg10[%get3A_209, %get3A_210, %get3A_211] {strides = array<i32>} : memref<2x56x384xf32, #tpu.memory_space<vmem>>, vector<1x1x16xf32>,
        %get3A_213 = vector.shape_cast %get3A_212 : vector<1x1x16xf32> to vector<16xf32>
        %mul3A_214 = vector.broadcast %squeeze3A : f32 to vector<16xf32>
        %mul3A_215 = arith.mulf %mul3A_214, %get3A_213 : vector<16xf32>
        %get3A_216 = arith.constant 1 : i32
        %get3A_217 = arith.index_cast %get3A_216 : i32 to index
        %get3A_218 = arith.index_cast %add3A_168 : i32 to index
        %get3A_219 = arith.constant 16 : index
        %get3A_220 = tpu.vector_load %arg10[%get3A_217, %get3A_218, %get3A_219] {strides = array<i32>} : memref<2x56x384xf32, #tpu.memory_space<vmem>>, vector<1x1x16xf32>,
        %get3A_221 = vector.shape_cast %get3A_220 : vector<1x1x16xf32> to vector<16xf32>
        %mul3A_222 = vector.broadcast %squeeze3A_181 : f32 to vector<16xf32>
        %mul3A_223 = arith.mulf %mul3A_222, %get3A_221 : vector<16xf32>
        %add3A_224 = arith.addf %mul3A_215, %mul3A_223 : vector<16xf32>
        %get3A_225 = arith.index_cast %add3A_168 : i32 to index
        %get3A_226 = arith.constant 16 : index
        %get3A_227 = tpu.vector_load %arg11[%get3A_225, %get3A_226] {strides = array<i32>} : memref<56x384xf32, #tpu.memory_space<vmem>>, vector<1x16xf32>,
        %get3A_228 = vector.shape_cast %get3A_227 : vector<1x16xf32> to vector<16xf32>
        %add3A_229 = arith.addf %get3A_228, %add3A_224 : vector<16xf32>
        %swap3A_230 = arith.index_cast %add3A_168 : i32 to index
        %swap3A_231 = arith.constant 16 : index
        %swap3A_232 = tpu.vector_load %arg11[%swap3A_230, %swap3A_231] {strides = array<i32>} : memref<56x384xf32, #tpu.memory_space<vmem>>, vector<1x16xf32>,
        %swap3A_233 = vector.shape_cast %swap3A_232 : vector<1x16xf32> to vector<16xf32>
        %swap3A_234 = vector.shape_cast %add3A_229 : vector<16xf32> to vector<1x16xf32>
        tpu.vector_store %arg11[%swap3A_230, %swap3A_231], %swap3A_234 {strides = array<i32>} : memref<56x384xf32, #tpu.memory_space<vmem>>, vector<1x16xf32>,
        %get3A_235 = arith.constant 0 : i32
        %get3A_236 = arith.index_cast %get3A_235 : i32 to index
        %get3A_237 = arith.index_cast %add3A_168 : i32 to index
        %get3A_238 = arith.constant 32 : index
        %get3A_239 = tpu.vector_load %arg10[%get3A_236, %get3A_237, %get3A_238] {strides = array<i32>} : memref<2x56x384xf32, #tpu.memory_space<vmem>>, vector<1x1x16xf32>,
        %get3A_240 = vector.shape_cast %get3A_239 : vector<1x1x16xf32> to vector<16xf32>
        %mul3A_241 = vector.broadcast %squeeze3A : f32 to vector<16xf32>
        %mul3A_242 = arith.mulf %mul3A_241, %get3A_240 : vector<16xf32>
        %get3A_243 = arith.constant 1 : i32
        %get3A_244 = arith.index_cast %get3A_243 : i32 to index
        %get3A_245 = arith.index_cast %add3A_168 : i32 to index
        %get3A_246 = arith.constant 32 : index
        %get3A_247 = tpu.vector_load %arg10[%get3A_244, %get3A_245, %get3A_246] {strides = array<i32>} : memref<2x56x384xf32, #tpu.memory_space<vmem>>, vector<1x1x16xf32>,
        %get3A_248 = vector.shape_cast %get3A_247 : vector<1x1x16xf32> to vector<16xf32>
        %mul3A_249 = vector.broadcast %squeeze3A_181 : f32 to vector<16xf32>
        %mul3A_250 = arith.mulf %mul3A_249, %get3A_248 : vector<16xf32>
        %add3A_251 = arith.addf %mul3A_242, %mul3A_250 : vector<16xf32>
        %get3A_252 = arith.index_cast %add3A_168 : i32 to index
        %get3A_253 = arith.constant 32 : index
        %get3A_254 = tpu.vector_load %arg11[%get3A_252, %get3A_253] {strides = array<i32>} : memref<56x384xf32, #tpu.memory_space<vmem>>, vector<1x16xf32>,
        %get3A_255 = vector.shape_cast %get3A_254 : vector<1x16xf32> to vector<16xf32>
        %add3A_256 = arith.addf %get3A_255, %add3A_251 : vector<16xf32>
        %swap3A_257 = arith.index_cast %add3A_168 : i32 to index
        %swap3A_258 = arith.constant 32 : index
        %swap3A_259 = tpu.vector_load %arg11[%swap3A_257, %swap3A_258] {strides = array<i32>} : memref<56x384xf32, #tpu.memory_space<vmem>>, vector<1x16xf32>,
        %swap3A_260 = vector.shape_cast %swap3A_259 : vector<1x16xf32> to vector<16xf32>
        %swap3A_261 = vector.shape_cast %add3A_256 : vector<16xf32> to vector<1x16xf32>
        tpu.vector_store %arg11[%swap3A_257, %swap3A_258], %swap3A_261 {strides = array<i32>} : memref<56x384xf32, #tpu.memory_space<vmem>>, vector<1x16xf32>,
        %get3A_262 = arith.constant 0 : i32
        %get3A_263 = arith.index_cast %get3A_262 : i32 to index
        %get3A_264 = arith.index_cast %add3A_168 : i32 to index
        %get3A_265 = arith.constant 48 : index
        %get3A_266 = tpu.vector_load %arg10[%get3A_263, %get3A_264, %get3A_265] {strides = array<i32>} : memref<2x56x384xf32, #tpu.memory_space<vmem>>, vector<1x1x16xf32>,
        %get3A_267 = vector.shape_cast %get3A_266 : vector<1x1x16xf32> to vector<16xf32>
        %mul3A_268 = vector.broadcast %squeeze3A : f32 to vector<16xf32>
        %mul3A_269 = arith.mulf %mul3A_268, %get3A_267 : vector<16xf32>
        %get3A_270 = arith.constant 1 : i32
        %get3A_271 = arith.index_cast %get3A_270 : i32 to index
        %get3A_272 = arith.index_cast %add3A_168 : i32 to index
        %get3A_273 = arith.constant 48 : index
        %get3A_274 = tpu.vector_load %arg10[%get3A_271, %get3A_272, %get3A_273] {strides = array<i32>} : memref<2x56x384xf32, #tpu.memory_space<vmem>>, vector<1x1x16xf32>,
        %get3A_275 = vector.shape_cast %get3A_274 : vector<1x1x16xf32> to vector<16xf32>
        %mul3A_276 = vector.broadcast %squeeze3A_181 : f32 to vector<16xf32>
        %mul3A_277 = arith.mulf %mul3A_276, %get3A_275 : vector<16xf32>
        %add3A_278 = arith.addf %mul3A_269, %mul3A_277 : vector<16xf32>
        %get3A_279 = arith.index_cast %add3A_168 : i32 to index
        %get3A_280 = arith.constant 48 : index
        %get3A_281 = tpu.vector_load %arg11[%get3A_279, %get3A_280] {strides = array<i32>} : memref<56x384xf32, #tpu.memory_space<vmem>>, vector<1x16xf32>,
        %get3A_282 = vector.shape_cast %get3A_281 : vector<1x16xf32> to vector<16xf32>
        %add3A_283 = arith.addf %get3A_282, %add3A_278 : vector<16xf32>
        %swap3A_284 = arith.index_cast %add3A_168 : i32 to index
        %swap3A_285 = arith.constant 48 : index
        %swap3A_286 = tpu.vector_load %arg11[%swap3A_284, %swap3A_285] {strides = array<i32>} : memref<56x384xf32, #tpu.memory_space<vmem>>, vector<1x16xf32>,
        %swap3A_287 = vector.shape_cast %swap3A_286 : vector<1x16xf32> to vector<16xf32>
        %swap3A_288 = vector.shape_cast %add3A_283 : vector<16xf32> to vector<1x16xf32>
        tpu.vector_store %arg11[%swap3A_284, %swap3A_285], %swap3A_288 {strides = array<i32>} : memref<56x384xf32, #tpu.memory_space<vmem>>, vector<1x16xf32>,
        %get3A_289 = arith.constant 0 : i32
        %get3A_290 = arith.index_cast %get3A_289 : i32 to index
        %get3A_291 = arith.index_cast %add3A_168 : i32 to index
        %get3A_292 = arith.constant 64 : index
        %get3A_293 = tpu.vector_load %arg10[%get3A_290, %get3A_291, %get3A_292] {strides = array<i32>} : memref<2x56x384xf32, #tpu.memory_space<vmem>>, vector<1x1x16xf32>,
        %get3A_294 = vector.shape_cast %get3A_293 : vector<1x1x16xf32> to vector<16xf32>
        %mul3A_295 = vector.broadcast %squeeze3A : f32 to vector<16xf32>
        %mul3A_296 = arith.mulf %mul3A_295, %get3A_294 : vector<16xf32>
        %get3A_297 = arith.constant 1 : i32
        %get3A_298 = arith.index_cast %get3A_297 : i32 to index
        %get3A_299 = arith.index_cast %add3A_168 : i32 to index
        %get3A_300 = arith.constant 64 : index
        %get3A_301 = tpu.vector_load %arg10[%get3A_298, %get3A_299, %get3A_300] {strides = array<i32>} : memref<2x56x384xf32, #tpu.memory_space<vmem>>, vector<1x1x16xf32>,
        %get3A_302 = vector.shape_cast %get3A_301 : vector<1x1x16xf32> to vector<16xf32>
        %mul3A_303 = vector.broadcast %squeeze3A_181 : f32 to vector<16xf32>
        %mul3A_304 = arith.mulf %mul3A_303, %get3A_302 : vector<16xf32>
        %add3A_305 = arith.addf %mul3A_296, %mul3A_304 : vector<16xf32>
        %get3A_306 = arith.index_cast %add3A_168 : i32 to index
        %get3A_307 = arith.constant 64 : index
        %get3A_308 = tpu.vector_load %arg11[%get3A_306, %get3A_307] {strides = array<i32>} : memref<56x384xf32, #tpu.memory_space<vmem>>, vector<1x16xf32>,
        %get3A_309 = vector.shape_cast %get3A_308 : vector<1x16xf32> to vector<16xf32>
        %add3A_310 = arith.addf %get3A_309, %add3A_305 : vector<16xf32>
        %swap3A_311 = arith.index_cast %add3A_168 : i32 to index
        %swap3A_312 = arith.constant 64 : index
        %swap3A_313 = tpu.vector_load %arg11[%swap3A_311, %swap3A_312] {strides = array<i32>} : memref<56x384xf32, #tpu.memory_space<vmem>>, vector<1x16xf32>,
        %swap3A_314 = vector.shape_cast %swap3A_313 : vector<1x16xf32> to vector<16xf32>
        %swap3A_315 = vector.shape_cast %add3A_310 : vector<16xf32> to vector<1x16xf32>
        tpu.vector_store %arg11[%swap3A_311, %swap3A_312], %swap3A_315 {strides = array<i32>} : memref<56x384xf32, #tpu.memory_space<vmem>>, vector<1x16xf32>,
        %get3A_316 = arith.constant 0 : i32
        %get3A_317 = arith.index_cast %get3A_316 : i32 to index
        %get3A_318 = arith.index_cast %add3A_168 : i32 to index
        %get3A_319 = arith.constant 80 : index
        %get3A_320 = tpu.vector_load %arg10[%get3A_317, %get3A_318, %get3A_319] {strides = array<i32>} : memref<2x56x384xf32, #tpu.memory_space<vmem>>, vector<1x1x16xf32>,
        %get3A_321 = vector.shape_cast %get3A_320 : vector<1x1x16xf32> to vector<16xf32>
        %mul3A_322 = vector.broadcast %squeeze3A : f32 to vector<16xf32>
        %mul3A_323 = arith.mulf %mul3A_322, %get3A_321 : vector<16xf32>
        %get3A_324 = arith.constant 1 : i32
        %get3A_325 = arith.index_cast %get3A_324 : i32 to index
        %get3A_326 = arith.index_cast %add3A_168 : i32 to index
        %get3A_327 = arith.constant 80 : index
        %get3A_328 = tpu.vector_load %arg10[%get3A_325, %get3A_326, %get3A_327] {strides = array<i32>} : memref<2x56x384xf32, #tpu.memory_space<vmem>>, vector<1x1x16xf32>,
        %get3A_329 = vector.shape_cast %get3A_328 : vector<1x1x16xf32> to vector<16xf32>
        %mul3A_330 = vector.broadcast %squeeze3A_181 : f32 to vector<16xf32>
        %mul3A_331 = arith.mulf %mul3A_330, %get3A_329 : vector<16xf32>
        %add3A_332 = arith.addf %mul3A_323, %mul3A_331 : vector<16xf32>
        %get3A_333 = arith.index_cast %add3A_168 : i32 to index
        %get3A_334 = arith.constant 80 : index
        %get3A_335 = tpu.vector_load %arg11[%get3A_333, %get3A_334] {strides = array<i32>} : memref<56x384xf32, #tpu.memory_space<vmem>>, vector<1x16xf32>,
        %get3A_336 = vector.shape_cast %get3A_335 : vector<1x16xf32> to vector<16xf32>
        %add3A_337 = arith.addf %get3A_336, %add3A_332 : vector<16xf32>
        %swap3A_338 = arith.index_cast %add3A_168 : i32 to index
        %swap3A_339 = arith.constant 80 : index
        %swap3A_340 = tpu.vector_load %arg11[%swap3A_338, %swap3A_339] {strides = array<i32>} : memref<56x384xf32, #tpu.memory_space<vmem>>, vector<1x16xf32>,
        %swap3A_341 = vector.shape_cast %swap3A_340 : vector<1x16xf32> to vector<16xf32>
        %swap3A_342 = vector.shape_cast %add3A_337 : vector<16xf32> to vector<1x16xf32>
        tpu.vector_store %arg11[%swap3A_338, %swap3A_339], %swap3A_342 {strides = array<i32>} : memref<56x384xf32, #tpu.memory_space<vmem>>, vector<1x16xf32>,
        %get3A_343 = arith.constant 0 : i32
        %get3A_344 = arith.index_cast %get3A_343 : i32 to index
        %get3A_345 = arith.index_cast %add3A_168 : i32 to index
        %get3A_346 = arith.constant 96 : index
        %get3A_347 = tpu.vector_load %arg10[%get3A_344, %get3A_345, %get3A_346] {strides = array<i32>} : memref<2x56x384xf32, #tpu.memory_space<vmem>>, vector<1x1x16xf32>,
        %get3A_348 = vector.shape_cast %get3A_347 : vector<1x1x16xf32> to vector<16xf32>
        %mul3A_349 = vector.broadcast %squeeze3A : f32 to vector<16xf32>
        %mul3A_350 = arith.mulf %mul3A_349, %get3A_348 : vector<16xf32>
        %get3A_351 = arith.constant 1 : i32
        %get3A_352 = arith.index_cast %get3A_351 : i32 to index
        %get3A_353 = arith.index_cast %add3A_168 : i32 to index
        %get3A_354 = arith.constant 96 : index
        %get3A_355 = tpu.vector_load %arg10[%get3A_352, %get3A_353, %get3A_354] {strides = array<i32>} : memref<2x56x384xf32, #tpu.memory_space<vmem>>, vector<1x1x16xf32>,
        %get3A_356 = vector.shape_cast %get3A_355 : vector<1x1x16xf32> to vector<16xf32>
        %mul3A_357 = vector.broadcast %squeeze3A_181 : f32 to vector<16xf32>
        %mul3A_358 = arith.mulf %mul3A_357, %get3A_356 : vector<16xf32>
        %add3A_359 = arith.addf %mul3A_350, %mul3A_358 : vector<16xf32>
        %get3A_360 = arith.index_cast %add3A_168 : i32 to index
        %get3A_361 = arith.constant 96 : index
        %get3A_362 = tpu.vector_load %arg11[%get3A_360, %get3A_361] {strides = array<i32>} : memref<56x384xf32, #tpu.memory_space<vmem>>, vector<1x16xf32>,
        %get3A_363 = vector.shape_cast %get3A_362 : vector<1x16xf32> to vector<16xf32>
        %add3A_364 = arith.addf %get3A_363, %add3A_359 : vector<16xf32>
        %swap3A_365 = arith.index_cast %add3A_168 : i32 to index
        %swap3A_366 = arith.constant 96 : index
        %swap3A_367 = tpu.vector_load %arg11[%swap3A_365, %swap3A_366] {strides = array<i32>} : memref<56x384xf32, #tpu.memory_space<vmem>>, vector<1x16xf32>,
        %swap3A_368 = vector.shape_cast %swap3A_367 : vector<1x16xf32> to vector<16xf32>
        %swap3A_369 = vector.shape_cast %add3A_364 : vector<16xf32> to vector<1x16xf32>
        tpu.vector_store %arg11[%swap3A_365, %swap3A_366], %swap3A_369 {strides = array<i32>} : memref<56x384xf32, #tpu.memory_space<vmem>>, vector<1x16xf32>,
        %get3A_370 = arith.constant 0 : i32
        %get3A_371 = arith.index_cast %get3A_370 : i32 to index
        %get3A_372 = arith.index_cast %add3A_168 : i32 to index
        %get3A_373 = arith.constant 112 : index
        %get3A_374 = tpu.vector_load %arg10[%get3A_371, %get3A_372, %get3A_373] {strides = array<i32>} : memref<2x56x384xf32, #tpu.memory_space<vmem>>, vector<1x1x16xf32>,
        %get3A_375 = vector.shape_cast %get3A_374 : vector<1x1x16xf32> to vector<16xf32>
        %mul3A_376 = vector.broadcast %squeeze3A : f32 to vector<16xf32>
        %mul3A_377 = arith.mulf %mul3A_376, %get3A_375 : vector<16xf32>
        %get3A_378 = arith.constant 1 : i32
        %get3A_379 = arith.index_cast %get3A_378 : i32 to index
        %get3A_380 = arith.index_cast %add3A_168 : i32 to index
        %get3A_381 = arith.constant 112 : index
        %get3A_382 = tpu.vector_load %arg10[%get3A_379, %get3A_380, %get3A_381] {strides = array<i32>} : memref<2x56x384xf32, #tpu.memory_space<vmem>>, vector<1x1x16xf32>,
        %get3A_383 = vector.shape_cast %get3A_382 : vector<1x1x16xf32> to vector<16xf32>
        %mul3A_384 = vector.broadcast %squeeze3A_181 : f32 to vector<16xf32>
        %mul3A_385 = arith.mulf %mul3A_384, %get3A_383 : vector<16xf32>
        %add3A_386 = arith.addf %mul3A_377, %mul3A_385 : vector<16xf32>
        %get3A_387 = arith.index_cast %add3A_168 : i32 to index
        %get3A_388 = arith.constant 112 : index
        %get3A_389 = tpu.vector_load %arg11[%get3A_387, %get3A_388] {strides = array<i32>} : memref<56x384xf32, #tpu.memory_space<vmem>>, vector<1x16xf32>,
        %get3A_390 = vector.shape_cast %get3A_389 : vector<1x16xf32> to vector<16xf32>
        %add3A_391 = arith.addf %get3A_390, %add3A_386 : vector<16xf32>
        %swap3A_392 = arith.index_cast %add3A_168 : i32 to index
        %swap3A_393 = arith.constant 112 : index
        %swap3A_394 = tpu.vector_load %arg11[%swap3A_392, %swap3A_393] {strides = array<i32>} : memref<56x384xf32, #tpu.memory_space<vmem>>, vector<1x16xf32>,
        %swap3A_395 = vector.shape_cast %swap3A_394 : vector<1x16xf32> to vector<16xf32>
        %swap3A_396 = vector.shape_cast %add3A_391 : vector<16xf32> to vector<1x16xf32>
        tpu.vector_store %arg11[%swap3A_392, %swap3A_393], %swap3A_396 {strides = array<i32>} : memref<56x384xf32, #tpu.memory_space<vmem>>, vector<1x16xf32>,
        %get3A_397 = arith.constant 0 : i32
        %get3A_398 = arith.index_cast %get3A_397 : i32 to index
        %get3A_399 = arith.index_cast %add3A_168 : i32 to index
        %get3A_400 = arith.constant 128 : index
        %get3A_401 = tpu.vector_load %arg10[%get3A_398, %get3A_399, %get3A_400] {strides = array<i32>} : memref<2x56x384xf32, #tpu.memory_space<vmem>>, vector<1x1x16xf32>,
        %get3A_402 = vector.shape_cast %get3A_401 : vector<1x1x16xf32> to vector<16xf32>
        %mul3A_403 = vector.broadcast %squeeze3A : f32 to vector<16xf32>
        %mul3A_404 = arith.mulf %mul3A_403, %get3A_402 : vector<16xf32>
        %get3A_405 = arith.constant 1 : i32
        %get3A_406 = arith.index_cast %get3A_405 : i32 to index
        %get3A_407 = arith.index_cast %add3A_168 : i32 to index
        %get3A_408 = arith.constant 128 : index
        %get3A_409 = tpu.vector_load %arg10[%get3A_406, %get3A_407, %get3A_408] {strides = array<i32>} : memref<2x56x384xf32, #tpu.memory_space<vmem>>, vector<1x1x16xf32>,
        %get3A_410 = vector.shape_cast %get3A_409 : vector<1x1x16xf32> to vector<16xf32>
        %mul3A_411 = vector.broadcast %squeeze3A_181 : f32 to vector<16xf32>
        %mul3A_412 = arith.mulf %mul3A_411, %get3A_410 : vector<16xf32>
        %add3A_413 = arith.addf %mul3A_404, %mul3A_412 : vector<16xf32>
        %get3A_414 = arith.index_cast %add3A_168 : i32 to index
        %get3A_415 = arith.constant 128 : index
        %get3A_416 = tpu.vector_load %arg11[%get3A_414, %get3A_415] {strides = array<i32>} : memref<56x384xf32, #tpu.memory_space<vmem>>, vector<1x16xf32>,
        %get3A_417 = vector.shape_cast %get3A_416 : vector<1x16xf32> to vector<16xf32>
        %add3A_418 = arith.addf %get3A_417, %add3A_413 : vector<16xf32>
        %swap3A_419 = arith.index_cast %add3A_168 : i32 to index
        %swap3A_420 = arith.constant 128 : index
        %swap3A_421 = tpu.vector_load %arg11[%swap3A_419, %swap3A_420] {strides = array<i32>} : memref<56x384xf32, #tpu.memory_space<vmem>>, vector<1x16xf32>,
        %swap3A_422 = vector.shape_cast %swap3A_421 : vector<1x16xf32> to vector<16xf32>
        %swap3A_423 = vector.shape_cast %add3A_418 : vector<16xf32> to vector<1x16xf32>
        tpu.vector_store %arg11[%swap3A_419, %swap3A_420], %swap3A_423 {strides = array<i32>} : memref<56x384xf32, #tpu.memory_space<vmem>>, vector<1x16xf32>,
        %get3A_424 = arith.constant 0 : i32
        %get3A_425 = arith.index_cast %get3A_424 : i32 to index
        %get3A_426 = arith.index_cast %add3A_168 : i32 to index
        %get3A_427 = arith.constant 144 : index
        %get3A_428 = tpu.vector_load %arg10[%get3A_425, %get3A_426, %get3A_427] {strides = array<i32>} : memref<2x56x384xf32, #tpu.memory_space<vmem>>, vector<1x1x16xf32>,
        %get3A_429 = vector.shape_cast %get3A_428 : vector<1x1x16xf32> to vector<16xf32>
        %mul3A_430 = vector.broadcast %squeeze3A : f32 to vector<16xf32>
        %mul3A_431 = arith.mulf %mul3A_430, %get3A_429 : vector<16xf32>
        %get3A_432 = arith.constant 1 : i32
        %get3A_433 = arith.index_cast %get3A_432 : i32 to index
        %get3A_434 = arith.index_cast %add3A_168 : i32 to index
        %get3A_435 = arith.constant 144 : index
        %get3A_436 = tpu.vector_load %arg10[%get3A_433, %get3A_434, %get3A_435] {strides = array<i32>} : memref<2x56x384xf32, #tpu.memory_space<vmem>>, vector<1x1x16xf32>,
        %get3A_437 = vector.shape_cast %get3A_436 : vector<1x1x16xf32> to vector<16xf32>
        %mul3A_438 = vector.broadcast %squeeze3A_181 : f32 to vector<16xf32>
        %mul3A_439 = arith.mulf %mul3A_438, %get3A_437 : vector<16xf32>
        %add3A_440 = arith.addf %mul3A_431, %mul3A_439 : vector<16xf32>
        %get3A_441 = arith.index_cast %add3A_168 : i32 to index
        %get3A_442 = arith.constant 144 : index
        %get3A_443 = tpu.vector_load %arg11[%get3A_441, %get3A_442] {strides = array<i32>} : memref<56x384xf32, #tpu.memory_space<vmem>>, vector<1x16xf32>,
        %get3A_444 = vector.shape_cast %get3A_443 : vector<1x16xf32> to vector<16xf32>
        %add3A_445 = arith.addf %get3A_444, %add3A_440 : vector<16xf32>
        %swap3A_446 = arith.index_cast %add3A_168 : i32 to index
        %swap3A_447 = arith.constant 144 : index
        %swap3A_448 = tpu.vector_load %arg11[%swap3A_446, %swap3A_447] {strides = array<i32>} : memref<56x384xf32, #tpu.memory_space<vmem>>, vector<1x16xf32>,
        %swap3A_449 = vector.shape_cast %swap3A_448 : vector<1x16xf32> to vector<16xf32>
        %swap3A_450 = vector.shape_cast %add3A_445 : vector<16xf32> to vector<1x16xf32>
        tpu.vector_store %arg11[%swap3A_446, %swap3A_447], %swap3A_450 {strides = array<i32>} : memref<56x384xf32, #tpu.memory_space<vmem>>, vector<1x16xf32>,
        %get3A_451 = arith.constant 0 : i32
        %get3A_452 = arith.index_cast %get3A_451 : i32 to index
        %get3A_453 = arith.index_cast %add3A_168 : i32 to index
        %get3A_454 = arith.constant 160 : index
        %get3A_455 = tpu.vector_load %arg10[%get3A_452, %get3A_453, %get3A_454] {strides = array<i32>} : memref<2x56x384xf32, #tpu.memory_space<vmem>>, vector<1x1x16xf32>,
        %get3A_456 = vector.shape_cast %get3A_455 : vector<1x1x16xf32> to vector<16xf32>
        %mul3A_457 = vector.broadcast %squeeze3A : f32 to vector<16xf32>
        %mul3A_458 = arith.mulf %mul3A_457, %get3A_456 : vector<16xf32>
        %get3A_459 = arith.constant 1 : i32
        %get3A_460 = arith.index_cast %get3A_459 : i32 to index
        %get3A_461 = arith.index_cast %add3A_168 : i32 to index
        %get3A_462 = arith.constant 160 : index
        %get3A_463 = tpu.vector_load %arg10[%get3A_460, %get3A_461, %get3A_462] {strides = array<i32>} : memref<2x56x384xf32, #tpu.memory_space<vmem>>, vector<1x1x16xf32>,
        %get3A_464 = vector.shape_cast %get3A_463 : vector<1x1x16xf32> to vector<16xf32>
        %mul3A_465 = vector.broadcast %squeeze3A_181 : f32 to vector<16xf32>
        %mul3A_466 = arith.mulf %mul3A_465, %get3A_464 : vector<16xf32>
        %add3A_467 = arith.addf %mul3A_458, %mul3A_466 : vector<16xf32>
        %get3A_468 = arith.index_cast %add3A_168 : i32 to index
        %get3A_469 = arith.constant 160 : index
        %get3A_470 = tpu.vector_load %arg11[%get3A_468, %get3A_469] {strides = array<i32>} : memref<56x384xf32, #tpu.memory_space<vmem>>, vector<1x16xf32>,
        %get3A_471 = vector.shape_cast %get3A_470 : vector<1x16xf32> to vector<16xf32>
        %add3A_472 = arith.addf %get3A_471, %add3A_467 : vector<16xf32>
        %swap3A_473 = arith.index_cast %add3A_168 : i32 to index
        %swap3A_474 = arith.constant 160 : index
        %swap3A_475 = tpu.vector_load %arg11[%swap3A_473, %swap3A_474] {strides = array<i32>} : memref<56x384xf32, #tpu.memory_space<vmem>>, vector<1x16xf32>,
        %swap3A_476 = vector.shape_cast %swap3A_475 : vector<1x16xf32> to vector<16xf32>
        %swap3A_477 = vector.shape_cast %add3A_472 : vector<16xf32> to vector<1x16xf32>
        tpu.vector_store %arg11[%swap3A_473, %swap3A_474], %swap3A_477 {strides = array<i32>} : memref<56x384xf32, #tpu.memory_space<vmem>>, vector<1x16xf32>,
        %get3A_478 = arith.constant 0 : i32
        %get3A_479 = arith.index_cast %get3A_478 : i32 to index
        %get3A_480 = arith.index_cast %add3A_168 : i32 to index
        %get3A_481 = arith.constant 176 : index
        %get3A_482 = tpu.vector_load %arg10[%get3A_479, %get3A_480, %get3A_481] {strides = array<i32>} : memref<2x56x384xf32, #tpu.memory_space<vmem>>, vector<1x1x16xf32>,
        %get3A_483 = vector.shape_cast %get3A_482 : vector<1x1x16xf32> to vector<16xf32>
        %mul3A_484 = vector.broadcast %squeeze3A : f32 to vector<16xf32>
        %mul3A_485 = arith.mulf %mul3A_484, %get3A_483 : vector<16xf32>
        %get3A_486 = arith.constant 1 : i32
        %get3A_487 = arith.index_cast %get3A_486 : i32 to index
        %get3A_488 = arith.index_cast %add3A_168 : i32 to index
        %get3A_489 = arith.constant 176 : index
        %get3A_490 = tpu.vector_load %arg10[%get3A_487, %get3A_488, %get3A_489] {strides = array<i32>} : memref<2x56x384xf32, #tpu.memory_space<vmem>>, vector<1x1x16xf32>,
        %get3A_491 = vector.shape_cast %get3A_490 : vector<1x1x16xf32> to vector<16xf32>
        %mul3A_492 = vector.broadcast %squeeze3A_181 : f32 to vector<16xf32>
        %mul3A_493 = arith.mulf %mul3A_492, %get3A_491 : vector<16xf32>
        %add3A_494 = arith.addf %mul3A_485, %mul3A_493 : vector<16xf32>
        %get3A_495 = arith.index_cast %add3A_168 : i32 to index
        %get3A_496 = arith.constant 176 : index
        %get3A_497 = tpu.vector_load %arg11[%get3A_495, %get3A_496] {strides = array<i32>} : memref<56x384xf32, #tpu.memory_space<vmem>>, vector<1x16xf32>,
        %get3A_498 = vector.shape_cast %get3A_497 : vector<1x16xf32> to vector<16xf32>
        %add3A_499 = arith.addf %get3A_498, %add3A_494 : vector<16xf32>
        %swap3A_500 = arith.index_cast %add3A_168 : i32 to index
        %swap3A_501 = arith.constant 176 : index
        %swap3A_502 = tpu.vector_load %arg11[%swap3A_500, %swap3A_501] {strides = array<i32>} : memref<56x384xf32, #tpu.memory_space<vmem>>, vector<1x16xf32>,
        %swap3A_503 = vector.shape_cast %swap3A_502 : vector<1x16xf32> to vector<16xf32>
        %swap3A_504 = vector.shape_cast %add3A_499 : vector<16xf32> to vector<1x16xf32>
        tpu.vector_store %arg11[%swap3A_500, %swap3A_501], %swap3A_504 {strides = array<i32>} : memref<56x384xf32, #tpu.memory_space<vmem>>, vector<1x16xf32>,
        %get3A_505 = arith.constant 0 : i32
        %get3A_506 = arith.index_cast %get3A_505 : i32 to index
        %get3A_507 = arith.index_cast %add3A_168 : i32 to index
        %get3A_508 = arith.constant 192 : index
        %get3A_509 = tpu.vector_load %arg10[%get3A_506, %get3A_507, %get3A_508] {strides = array<i32>} : memref<2x56x384xf32, #tpu.memory_space<vmem>>, vector<1x1x16xf32>,
        %get3A_510 = vector.shape_cast %get3A_509 : vector<1x1x16xf32> to vector<16xf32>
        %mul3A_511 = vector.broadcast %squeeze3A : f32 to vector<16xf32>
        %mul3A_512 = arith.mulf %mul3A_511, %get3A_510 : vector<16xf32>
        %get3A_513 = arith.constant 1 : i32
        %get3A_514 = arith.index_cast %get3A_513 : i32 to index
        %get3A_515 = arith.index_cast %add3A_168 : i32 to index
        %get3A_516 = arith.constant 192 : index
        %get3A_517 = tpu.vector_load %arg10[%get3A_514, %get3A_515, %get3A_516] {strides = array<i32>} : memref<2x56x384xf32, #tpu.memory_space<vmem>>, vector<1x1x16xf32>,
        %get3A_518 = vector.shape_cast %get3A_517 : vector<1x1x16xf32> to vector<16xf32>
        %mul3A_519 = vector.broadcast %squeeze3A_181 : f32 to vector<16xf32>
        %mul3A_520 = arith.mulf %mul3A_519, %get3A_518 : vector<16xf32>
        %add3A_521 = arith.addf %mul3A_512, %mul3A_520 : vector<16xf32>
        %get3A_522 = arith.index_cast %add3A_168 : i32 to index
        %get3A_523 = arith.constant 192 : index
        %get3A_524 = tpu.vector_load %arg11[%get3A_522, %get3A_523] {strides = array<i32>} : memref<56x384xf32, #tpu.memory_space<vmem>>, vector<1x16xf32>,
        %get3A_525 = vector.shape_cast %get3A_524 : vector<1x16xf32> to vector<16xf32>
        %add3A_526 = arith.addf %get3A_525, %add3A_521 : vector<16xf32>
        %swap3A_527 = arith.index_cast %add3A_168 : i32 to index
        %swap3A_528 = arith.constant 192 : index
        %swap3A_529 = tpu.vector_load %arg11[%swap3A_527, %swap3A_528] {strides = array<i32>} : memref<56x384xf32, #tpu.memory_space<vmem>>, vector<1x16xf32>,
        %swap3A_530 = vector.shape_cast %swap3A_529 : vector<1x16xf32> to vector<16xf32>
        %swap3A_531 = vector.shape_cast %add3A_526 : vector<16xf32> to vector<1x16xf32>
        tpu.vector_store %arg11[%swap3A_527, %swap3A_528], %swap3A_531 {strides = array<i32>} : memref<56x384xf32, #tpu.memory_space<vmem>>, vector<1x16xf32>,
        %get3A_532 = arith.constant 0 : i32
        %get3A_533 = arith.index_cast %get3A_532 : i32 to index
        %get3A_534 = arith.index_cast %add3A_168 : i32 to index
        %get3A_535 = arith.constant 208 : index
        %get3A_536 = tpu.vector_load %arg10[%get3A_533, %get3A_534, %get3A_535] {strides = array<i32>} : memref<2x56x384xf32, #tpu.memory_space<vmem>>, vector<1x1x16xf32>,
        %get3A_537 = vector.shape_cast %get3A_536 : vector<1x1x16xf32> to vector<16xf32>
        %mul3A_538 = vector.broadcast %squeeze3A : f32 to vector<16xf32>
        %mul3A_539 = arith.mulf %mul3A_538, %get3A_537 : vector<16xf32>
        %get3A_540 = arith.constant 1 : i32
        %get3A_541 = arith.index_cast %get3A_540 : i32 to index
        %get3A_542 = arith.index_cast %add3A_168 : i32 to index
        %get3A_543 = arith.constant 208 : index
        %get3A_544 = tpu.vector_load %arg10[%get3A_541, %get3A_542, %get3A_543] {strides = array<i32>} : memref<2x56x384xf32, #tpu.memory_space<vmem>>, vector<1x1x16xf32>,
        %get3A_545 = vector.shape_cast %get3A_544 : vector<1x1x16xf32> to vector<16xf32>
        %mul3A_546 = vector.broadcast %squeeze3A_181 : f32 to vector<16xf32>
        %mul3A_547 = arith.mulf %mul3A_546, %get3A_545 : vector<16xf32>
        %add3A_548 = arith.addf %mul3A_539, %mul3A_547 : vector<16xf32>
        %get3A_549 = arith.index_cast %add3A_168 : i32 to index
        %get3A_550 = arith.constant 208 : index
        %get3A_551 = tpu.vector_load %arg11[%get3A_549, %get3A_550] {strides = array<i32>} : memref<56x384xf32, #tpu.memory_space<vmem>>, vector<1x16xf32>,
        %get3A_552 = vector.shape_cast %get3A_551 : vector<1x16xf32> to vector<16xf32>
        %add3A_553 = arith.addf %get3A_552, %add3A_548 : vector<16xf32>
        %swap3A_554 = arith.index_cast %add3A_168 : i32 to index
        %swap3A_555 = arith.constant 208 : index
        %swap3A_556 = tpu.vector_load %arg11[%swap3A_554, %swap3A_555] {strides = array<i32>} : memref<56x384xf32, #tpu.memory_space<vmem>>, vector<1x16xf32>,
        %swap3A_557 = vector.shape_cast %swap3A_556 : vector<1x16xf32> to vector<16xf32>
        %swap3A_558 = vector.shape_cast %add3A_553 : vector<16xf32> to vector<1x16xf32>
        tpu.vector_store %arg11[%swap3A_554, %swap3A_555], %swap3A_558 {strides = array<i32>} : memref<56x384xf32, #tpu.memory_space<vmem>>, vector<1x16xf32>,
        %get3A_559 = arith.constant 0 : i32
        %get3A_560 = arith.index_cast %get3A_559 : i32 to index
        %get3A_561 = arith.index_cast %add3A_168 : i32 to index
        %get3A_562 = arith.constant 224 : index
        %get3A_563 = tpu.vector_load %arg10[%get3A_560, %get3A_561, %get3A_562] {strides = array<i32>} : memref<2x56x384xf32, #tpu.memory_space<vmem>>, vector<1x1x16xf32>,
        %get3A_564 = vector.shape_cast %get3A_563 : vector<1x1x16xf32> to vector<16xf32>
        %mul3A_565 = vector.broadcast %squeeze3A : f32 to vector<16xf32>
        %mul3A_566 = arith.mulf %mul3A_565, %get3A_564 : vector<16xf32>
        %get3A_567 = arith.constant 1 : i32
        %get3A_568 = arith.index_cast %get3A_567 : i32 to index
        %get3A_569 = arith.index_cast %add3A_168 : i32 to index
        %get3A_570 = arith.constant 224 : index
        %get3A_571 = tpu.vector_load %arg10[%get3A_568, %get3A_569, %get3A_570] {strides = array<i32>} : memref<2x56x384xf32, #tpu.memory_space<vmem>>, vector<1x1x16xf32>,
        %get3A_572 = vector.shape_cast %get3A_571 : vector<1x1x16xf32> to vector<16xf32>
        %mul3A_573 = vector.broadcast %squeeze3A_181 : f32 to vector<16xf32>
        %mul3A_574 = arith.mulf %mul3A_573, %get3A_572 : vector<16xf32>
        %add3A_575 = arith.addf %mul3A_566, %mul3A_574 : vector<16xf32>
        %get3A_576 = arith.index_cast %add3A_168 : i32 to index
        %get3A_577 = arith.constant 224 : index
        %get3A_578 = tpu.vector_load %arg11[%get3A_576, %get3A_577] {strides = array<i32>} : memref<56x384xf32, #tpu.memory_space<vmem>>, vector<1x16xf32>,
        %get3A_579 = vector.shape_cast %get3A_578 : vector<1x16xf32> to vector<16xf32>
        %add3A_580 = arith.addf %get3A_579, %add3A_575 : vector<16xf32>
        %swap3A_581 = arith.index_cast %add3A_168 : i32 to index
        %swap3A_582 = arith.constant 224 : index
        %swap3A_583 = tpu.vector_load %arg11[%swap3A_581, %swap3A_582] {strides = array<i32>} : memref<56x384xf32, #tpu.memory_space<vmem>>, vector<1x16xf32>,
        %swap3A_584 = vector.shape_cast %swap3A_583 : vector<1x16xf32> to vector<16xf32>
        %swap3A_585 = vector.shape_cast %add3A_580 : vector<16xf32> to vector<1x16xf32>
        tpu.vector_store %arg11[%swap3A_581, %swap3A_582], %swap3A_585 {strides = array<i32>} : memref<56x384xf32, #tpu.memory_space<vmem>>, vector<1x16xf32>,
        %get3A_586 = arith.constant 0 : i32
        %get3A_587 = arith.index_cast %get3A_586 : i32 to index
        %get3A_588 = arith.index_cast %add3A_168 : i32 to index
        %get3A_589 = arith.constant 240 : index
        %get3A_590 = tpu.vector_load %arg10[%get3A_587, %get3A_588, %get3A_589] {strides = array<i32>} : memref<2x56x384xf32, #tpu.memory_space<vmem>>, vector<1x1x16xf32>,
        %get3A_591 = vector.shape_cast %get3A_590 : vector<1x1x16xf32> to vector<16xf32>
        %mul3A_592 = vector.broadcast %squeeze3A : f32 to vector<16xf32>
        %mul3A_593 = arith.mulf %mul3A_592, %get3A_591 : vector<16xf32>
        %get3A_594 = arith.constant 1 : i32
        %get3A_595 = arith.index_cast %get3A_594 : i32 to index
        %get3A_596 = arith.index_cast %add3A_168 : i32 to index
        %get3A_597 = arith.constant 240 : index
        %get3A_598 = tpu.vector_load %arg10[%get3A_595, %get3A_596, %get3A_597] {strides = array<i32>} : memref<2x56x384xf32, #tpu.memory_space<vmem>>, vector<1x1x16xf32>,
        %get3A_599 = vector.shape_cast %get3A_598 : vector<1x1x16xf32> to vector<16xf32>
        %mul3A_600 = vector.broadcast %squeeze3A_181 : f32 to vector<16xf32>
        %mul3A_601 = arith.mulf %mul3A_600, %get3A_599 : vector<16xf32>
        %add3A_602 = arith.addf %mul3A_593, %mul3A_601 : vector<16xf32>
        %get3A_603 = arith.index_cast %add3A_168 : i32 to index
        %get3A_604 = arith.constant 240 : index
        %get3A_605 = tpu.vector_load %arg11[%get3A_603, %get3A_604] {strides = array<i32>} : memref<56x384xf32, #tpu.memory_space<vmem>>, vector<1x16xf32>,
        %get3A_606 = vector.shape_cast %get3A_605 : vector<1x16xf32> to vector<16xf32>
        %add3A_607 = arith.addf %get3A_606, %add3A_602 : vector<16xf32>
        %swap3A_608 = arith.index_cast %add3A_168 : i32 to index
        %swap3A_609 = arith.constant 240 : index
        %swap3A_610 = tpu.vector_load %arg11[%swap3A_608, %swap3A_609] {strides = array<i32>} : memref<56x384xf32, #tpu.memory_space<vmem>>, vector<1x16xf32>,
        %swap3A_611 = vector.shape_cast %swap3A_610 : vector<1x16xf32> to vector<16xf32>
        %swap3A_612 = vector.shape_cast %add3A_607 : vector<16xf32> to vector<1x16xf32>
        tpu.vector_store %arg11[%swap3A_608, %swap3A_609], %swap3A_612 {strides = array<i32>} : memref<56x384xf32, #tpu.memory_space<vmem>>, vector<1x16xf32>,
        %get3A_613 = arith.constant 0 : i32
        %get3A_614 = arith.index_cast %get3A_613 : i32 to index
        %get3A_615 = arith.index_cast %add3A_168 : i32 to index
        %get3A_616 = arith.constant 256 : index
        %get3A_617 = tpu.vector_load %arg10[%get3A_614, %get3A_615, %get3A_616] {strides = array<i32>} : memref<2x56x384xf32, #tpu.memory_space<vmem>>, vector<1x1x16xf32>,
        %get3A_618 = vector.shape_cast %get3A_617 : vector<1x1x16xf32> to vector<16xf32>
        %mul3A_619 = vector.broadcast %squeeze3A : f32 to vector<16xf32>
        %mul3A_620 = arith.mulf %mul3A_619, %get3A_618 : vector<16xf32>
        %get3A_621 = arith.constant 1 : i32
        %get3A_622 = arith.index_cast %get3A_621 : i32 to index
        %get3A_623 = arith.index_cast %add3A_168 : i32 to index
        %get3A_624 = arith.constant 256 : index
        %get3A_625 = tpu.vector_load %arg10[%get3A_622, %get3A_623, %get3A_624] {strides = array<i32>} : memref<2x56x384xf32, #tpu.memory_space<vmem>>, vector<1x1x16xf32>,
        %get3A_626 = vector.shape_cast %get3A_625 : vector<1x1x16xf32> to vector<16xf32>
        %mul3A_627 = vector.broadcast %squeeze3A_181 : f32 to vector<16xf32>
        %mul3A_628 = arith.mulf %mul3A_627, %get3A_626 : vector<16xf32>
        %add3A_629 = arith.addf %mul3A_620, %mul3A_628 : vector<16xf32>
        %get3A_630 = arith.index_cast %add3A_168 : i32 to index
        %get3A_631 = arith.constant 256 : index
        %get3A_632 = tpu.vector_load %arg11[%get3A_630, %get3A_631] {strides = array<i32>} : memref<56x384xf32, #tpu.memory_space<vmem>>, vector<1x16xf32>,
        %get3A_633 = vector.shape_cast %get3A_632 : vector<1x16xf32> to vector<16xf32>
        %add3A_634 = arith.addf %get3A_633, %add3A_629 : vector<16xf32>
        %swap3A_635 = arith.index_cast %add3A_168 : i32 to index
        %swap3A_636 = arith.constant 256 : index
        %swap3A_637 = tpu.vector_load %arg11[%swap3A_635, %swap3A_636] {strides = array<i32>} : memref<56x384xf32, #tpu.memory_space<vmem>>, vector<1x16xf32>,
        %swap3A_638 = vector.shape_cast %swap3A_637 : vector<1x16xf32> to vector<16xf32>
        %swap3A_639 = vector.shape_cast %add3A_634 : vector<16xf32> to vector<1x16xf32>
        tpu.vector_store %arg11[%swap3A_635, %swap3A_636], %swap3A_639 {strides = array<i32>} : memref<56x384xf32, #tpu.memory_space<vmem>>, vector<1x16xf32>,
        %get3A_640 = arith.constant 0 : i32
        %get3A_641 = arith.index_cast %get3A_640 : i32 to index
        %get3A_642 = arith.index_cast %add3A_168 : i32 to index
        %get3A_643 = arith.constant 272 : index
        %get3A_644 = tpu.vector_load %arg10[%get3A_641, %get3A_642, %get3A_643] {strides = array<i32>} : memref<2x56x384xf32, #tpu.memory_space<vmem>>, vector<1x1x16xf32>,
        %get3A_645 = vector.shape_cast %get3A_644 : vector<1x1x16xf32> to vector<16xf32>
        %mul3A_646 = vector.broadcast %squeeze3A : f32 to vector<16xf32>
        %mul3A_647 = arith.mulf %mul3A_646, %get3A_645 : vector<16xf32>
        %get3A_648 = arith.constant 1 : i32
        %get3A_649 = arith.index_cast %get3A_648 : i32 to index
        %get3A_650 = arith.index_cast %add3A_168 : i32 to index
        %get3A_651 = arith.constant 272 : index
        %get3A_652 = tpu.vector_load %arg10[%get3A_649, %get3A_650, %get3A_651] {strides = array<i32>} : memref<2x56x384xf32, #tpu.memory_space<vmem>>, vector<1x1x16xf32>,
        %get3A_653 = vector.shape_cast %get3A_652 : vector<1x1x16xf32> to vector<16xf32>
        %mul3A_654 = vector.broadcast %squeeze3A_181 : f32 to vector<16xf32>
        %mul3A_655 = arith.mulf %mul3A_654, %get3A_653 : vector<16xf32>
        %add3A_656 = arith.addf %mul3A_647, %mul3A_655 : vector<16xf32>
        %get3A_657 = arith.index_cast %add3A_168 : i32 to index
        %get3A_658 = arith.constant 272 : index
        %get3A_659 = tpu.vector_load %arg11[%get3A_657, %get3A_658] {strides = array<i32>} : memref<56x384xf32, #tpu.memory_space<vmem>>, vector<1x16xf32>,
        %get3A_660 = vector.shape_cast %get3A_659 : vector<1x16xf32> to vector<16xf32>
        %add3A_661 = arith.addf %get3A_660, %add3A_656 : vector<16xf32>
        %swap3A_662 = arith.index_cast %add3A_168 : i32 to index
        %swap3A_663 = arith.constant 272 : index
        %swap3A_664 = tpu.vector_load %arg11[%swap3A_662, %swap3A_663] {strides = array<i32>} : memref<56x384xf32, #tpu.memory_space<vmem>>, vector<1x16xf32>,
        %swap3A_665 = vector.shape_cast %swap3A_664 : vector<1x16xf32> to vector<16xf32>
        %swap3A_666 = vector.shape_cast %add3A_661 : vector<16xf32> to vector<1x16xf32>
        tpu.vector_store %arg11[%swap3A_662, %swap3A_663], %swap3A_666 {strides = array<i32>} : memref<56x384xf32, #tpu.memory_space<vmem>>, vector<1x16xf32>,
        %get3A_667 = arith.constant 0 : i32
        %get3A_668 = arith.index_cast %get3A_667 : i32 to index
        %get3A_669 = arith.index_cast %add3A_168 : i32 to index
        %get3A_670 = arith.constant 288 : index
        %get3A_671 = tpu.vector_load %arg10[%get3A_668, %get3A_669, %get3A_670] {strides = array<i32>} : memref<2x56x384xf32, #tpu.memory_space<vmem>>, vector<1x1x16xf32>,
        %get3A_672 = vector.shape_cast %get3A_671 : vector<1x1x16xf32> to vector<16xf32>
        %mul3A_673 = vector.broadcast %squeeze3A : f32 to vector<16xf32>
        %mul3A_674 = arith.mulf %mul3A_673, %get3A_672 : vector<16xf32>
        %get3A_675 = arith.constant 1 : i32
        %get3A_676 = arith.index_cast %get3A_675 : i32 to index
        %get3A_677 = arith.index_cast %add3A_168 : i32 to index
        %get3A_678 = arith.constant 288 : index
        %get3A_679 = tpu.vector_load %arg10[%get3A_676, %get3A_677, %get3A_678] {strides = array<i32>} : memref<2x56x384xf32, #tpu.memory_space<vmem>>, vector<1x1x16xf32>,
        %get3A_680 = vector.shape_cast %get3A_679 : vector<1x1x16xf32> to vector<16xf32>
        %mul3A_681 = vector.broadcast %squeeze3A_181 : f32 to vector<16xf32>
        %mul3A_682 = arith.mulf %mul3A_681, %get3A_680 : vector<16xf32>
        %add3A_683 = arith.addf %mul3A_674, %mul3A_682 : vector<16xf32>
        %get3A_684 = arith.index_cast %add3A_168 : i32 to index
        %get3A_685 = arith.constant 288 : index
        %get3A_686 = tpu.vector_load %arg11[%get3A_684, %get3A_685] {strides = array<i32>} : memref<56x384xf32, #tpu.memory_space<vmem>>, vector<1x16xf32>,
        %get3A_687 = vector.shape_cast %get3A_686 : vector<1x16xf32> to vector<16xf32>
        %add3A_688 = arith.addf %get3A_687, %add3A_683 : vector<16xf32>
        %swap3A_689 = arith.index_cast %add3A_168 : i32 to index
        %swap3A_690 = arith.constant 288 : index
        %swap3A_691 = tpu.vector_load %arg11[%swap3A_689, %swap3A_690] {strides = array<i32>} : memref<56x384xf32, #tpu.memory_space<vmem>>, vector<1x16xf32>,
        %swap3A_692 = vector.shape_cast %swap3A_691 : vector<1x16xf32> to vector<16xf32>
        %swap3A_693 = vector.shape_cast %add3A_688 : vector<16xf32> to vector<1x16xf32>
        tpu.vector_store %arg11[%swap3A_689, %swap3A_690], %swap3A_693 {strides = array<i32>} : memref<56x384xf32, #tpu.memory_space<vmem>>, vector<1x16xf32>,
        %get3A_694 = arith.constant 0 : i32
        %get3A_695 = arith.index_cast %get3A_694 : i32 to index
        %get3A_696 = arith.index_cast %add3A_168 : i32 to index
        %get3A_697 = arith.constant 304 : index
        %get3A_698 = tpu.vector_load %arg10[%get3A_695, %get3A_696, %get3A_697] {strides = array<i32>} : memref<2x56x384xf32, #tpu.memory_space<vmem>>, vector<1x1x16xf32>,
        %get3A_699 = vector.shape_cast %get3A_698 : vector<1x1x16xf32> to vector<16xf32>
        %mul3A_700 = vector.broadcast %squeeze3A : f32 to vector<16xf32>
        %mul3A_701 = arith.mulf %mul3A_700, %get3A_699 : vector<16xf32>
        %get3A_702 = arith.constant 1 : i32
        %get3A_703 = arith.index_cast %get3A_702 : i32 to index
        %get3A_704 = arith.index_cast %add3A_168 : i32 to index
        %get3A_705 = arith.constant 304 : index
        %get3A_706 = tpu.vector_load %arg10[%get3A_703, %get3A_704, %get3A_705] {strides = array<i32>} : memref<2x56x384xf32, #tpu.memory_space<vmem>>, vector<1x1x16xf32>,
        %get3A_707 = vector.shape_cast %get3A_706 : vector<1x1x16xf32> to vector<16xf32>
        %mul3A_708 = vector.broadcast %squeeze3A_181 : f32 to vector<16xf32>
        %mul3A_709 = arith.mulf %mul3A_708, %get3A_707 : vector<16xf32>
        %add3A_710 = arith.addf %mul3A_701, %mul3A_709 : vector<16xf32>
        %get3A_711 = arith.index_cast %add3A_168 : i32 to index
        %get3A_712 = arith.constant 304 : index
        %get3A_713 = tpu.vector_load %arg11[%get3A_711, %get3A_712] {strides = array<i32>} : memref<56x384xf32, #tpu.memory_space<vmem>>, vector<1x16xf32>,
        %get3A_714 = vector.shape_cast %get3A_713 : vector<1x16xf32> to vector<16xf32>
        %add3A_715 = arith.addf %get3A_714, %add3A_710 : vector<16xf32>
        %swap3A_716 = arith.index_cast %add3A_168 : i32 to index
        %swap3A_717 = arith.constant 304 : index
        %swap3A_718 = tpu.vector_load %arg11[%swap3A_716, %swap3A_717] {strides = array<i32>} : memref<56x384xf32, #tpu.memory_space<vmem>>, vector<1x16xf32>,
        %swap3A_719 = vector.shape_cast %swap3A_718 : vector<1x16xf32> to vector<16xf32>
        %swap3A_720 = vector.shape_cast %add3A_715 : vector<16xf32> to vector<1x16xf32>
        tpu.vector_store %arg11[%swap3A_716, %swap3A_717], %swap3A_720 {strides = array<i32>} : memref<56x384xf32, #tpu.memory_space<vmem>>, vector<1x16xf32>,
        %get3A_721 = arith.constant 0 : i32
        %get3A_722 = arith.index_cast %get3A_721 : i32 to index
        %get3A_723 = arith.index_cast %add3A_168 : i32 to index
        %get3A_724 = arith.constant 320 : index
        %get3A_725 = tpu.vector_load %arg10[%get3A_722, %get3A_723, %get3A_724] {strides = array<i32>} : memref<2x56x384xf32, #tpu.memory_space<vmem>>, vector<1x1x16xf32>,
        %get3A_726 = vector.shape_cast %get3A_725 : vector<1x1x16xf32> to vector<16xf32>
        %mul3A_727 = vector.broadcast %squeeze3A : f32 to vector<16xf32>
        %mul3A_728 = arith.mulf %mul3A_727, %get3A_726 : vector<16xf32>
        %get3A_729 = arith.constant 1 : i32
        %get3A_730 = arith.index_cast %get3A_729 : i32 to index
        %get3A_731 = arith.index_cast %add3A_168 : i32 to index
        %get3A_732 = arith.constant 320 : index
        %get3A_733 = tpu.vector_load %arg10[%get3A_730, %get3A_731, %get3A_732] {strides = array<i32>} : memref<2x56x384xf32, #tpu.memory_space<vmem>>, vector<1x1x16xf32>,
        %get3A_734 = vector.shape_cast %get3A_733 : vector<1x1x16xf32> to vector<16xf32>
        %mul3A_735 = vector.broadcast %squeeze3A_181 : f32 to vector<16xf32>
        %mul3A_736 = arith.mulf %mul3A_735, %get3A_734 : vector<16xf32>
        %add3A_737 = arith.addf %mul3A_728, %mul3A_736 : vector<16xf32>
        %get3A_738 = arith.index_cast %add3A_168 : i32 to index
        %get3A_739 = arith.constant 320 : index
        %get3A_740 = tpu.vector_load %arg11[%get3A_738, %get3A_739] {strides = array<i32>} : memref<56x384xf32, #tpu.memory_space<vmem>>, vector<1x16xf32>,
        %get3A_741 = vector.shape_cast %get3A_740 : vector<1x16xf32> to vector<16xf32>
        %add3A_742 = arith.addf %get3A_741, %add3A_737 : vector<16xf32>
        %swap3A_743 = arith.index_cast %add3A_168 : i32 to index
        %swap3A_744 = arith.constant 320 : index
        %swap3A_745 = tpu.vector_load %arg11[%swap3A_743, %swap3A_744] {strides = array<i32>} : memref<56x384xf32, #tpu.memory_space<vmem>>, vector<1x16xf32>,
        %swap3A_746 = vector.shape_cast %swap3A_745 : vector<1x16xf32> to vector<16xf32>
        %swap3A_747 = vector.shape_cast %add3A_742 : vector<16xf32> to vector<1x16xf32>
        tpu.vector_store %arg11[%swap3A_743, %swap3A_744], %swap3A_747 {strides = array<i32>} : memref<56x384xf32, #tpu.memory_space<vmem>>, vector<1x16xf32>,
        %get3A_748 = arith.constant 0 : i32
        %get3A_749 = arith.index_cast %get3A_748 : i32 to index
        %get3A_750 = arith.index_cast %add3A_168 : i32 to index
        %get3A_751 = arith.constant 336 : index
        %get3A_752 = tpu.vector_load %arg10[%get3A_749, %get3A_750, %get3A_751] {strides = array<i32>} : memref<2x56x384xf32, #tpu.memory_space<vmem>>, vector<1x1x16xf32>,
        %get3A_753 = vector.shape_cast %get3A_752 : vector<1x1x16xf32> to vector<16xf32>
        %mul3A_754 = vector.broadcast %squeeze3A : f32 to vector<16xf32>
        %mul3A_755 = arith.mulf %mul3A_754, %get3A_753 : vector<16xf32>
        %get3A_756 = arith.constant 1 : i32
        %get3A_757 = arith.index_cast %get3A_756 : i32 to index
        %get3A_758 = arith.index_cast %add3A_168 : i32 to index
        %get3A_759 = arith.constant 336 : index
        %get3A_760 = tpu.vector_load %arg10[%get3A_757, %get3A_758, %get3A_759] {strides = array<i32>} : memref<2x56x384xf32, #tpu.memory_space<vmem>>, vector<1x1x16xf32>,
        %get3A_761 = vector.shape_cast %get3A_760 : vector<1x1x16xf32> to vector<16xf32>
        %mul3A_762 = vector.broadcast %squeeze3A_181 : f32 to vector<16xf32>
        %mul3A_763 = arith.mulf %mul3A_762, %get3A_761 : vector<16xf32>
        %add3A_764 = arith.addf %mul3A_755, %mul3A_763 : vector<16xf32>
        %get3A_765 = arith.index_cast %add3A_168 : i32 to index
        %get3A_766 = arith.constant 336 : index
        %get3A_767 = tpu.vector_load %arg11[%get3A_765, %get3A_766] {strides = array<i32>} : memref<56x384xf32, #tpu.memory_space<vmem>>, vector<1x16xf32>,
        %get3A_768 = vector.shape_cast %get3A_767 : vector<1x16xf32> to vector<16xf32>
        %add3A_769 = arith.addf %get3A_768, %add3A_764 : vector<16xf32>
        %swap3A_770 = arith.index_cast %add3A_168 : i32 to index
        %swap3A_771 = arith.constant 336 : index
        %swap3A_772 = tpu.vector_load %arg11[%swap3A_770, %swap3A_771] {strides = array<i32>} : memref<56x384xf32, #tpu.memory_space<vmem>>, vector<1x16xf32>,
        %swap3A_773 = vector.shape_cast %swap3A_772 : vector<1x16xf32> to vector<16xf32>
        %swap3A_774 = vector.shape_cast %add3A_769 : vector<16xf32> to vector<1x16xf32>
        tpu.vector_store %arg11[%swap3A_770, %swap3A_771], %swap3A_774 {strides = array<i32>} : memref<56x384xf32, #tpu.memory_space<vmem>>, vector<1x16xf32>,
        %get3A_775 = arith.constant 0 : i32
        %get3A_776 = arith.index_cast %get3A_775 : i32 to index
        %get3A_777 = arith.index_cast %add3A_168 : i32 to index
        %get3A_778 = arith.constant 352 : index
        %get3A_779 = tpu.vector_load %arg10[%get3A_776, %get3A_777, %get3A_778] {strides = array<i32>} : memref<2x56x384xf32, #tpu.memory_space<vmem>>, vector<1x1x16xf32>,
        %get3A_780 = vector.shape_cast %get3A_779 : vector<1x1x16xf32> to vector<16xf32>
        %mul3A_781 = vector.broadcast %squeeze3A : f32 to vector<16xf32>
        %mul3A_782 = arith.mulf %mul3A_781, %get3A_780 : vector<16xf32>
        %get3A_783 = arith.constant 1 : i32
        %get3A_784 = arith.index_cast %get3A_783 : i32 to index
        %get3A_785 = arith.index_cast %add3A_168 : i32 to index
        %get3A_786 = arith.constant 352 : index
        %get3A_787 = tpu.vector_load %arg10[%get3A_784, %get3A_785, %get3A_786] {strides = array<i32>} : memref<2x56x384xf32, #tpu.memory_space<vmem>>, vector<1x1x16xf32>,
        %get3A_788 = vector.shape_cast %get3A_787 : vector<1x1x16xf32> to vector<16xf32>
        %mul3A_789 = vector.broadcast %squeeze3A_181 : f32 to vector<16xf32>
        %mul3A_790 = arith.mulf %mul3A_789, %get3A_788 : vector<16xf32>
        %add3A_791 = arith.addf %mul3A_782, %mul3A_790 : vector<16xf32>
        %get3A_792 = arith.index_cast %add3A_168 : i32 to index
        %get3A_793 = arith.constant 352 : index
        %get3A_794 = tpu.vector_load %arg11[%get3A_792, %get3A_793] {strides = array<i32>} : memref<56x384xf32, #tpu.memory_space<vmem>>, vector<1x16xf32>,
        %get3A_795 = vector.shape_cast %get3A_794 : vector<1x16xf32> to vector<16xf32>
        %add3A_796 = arith.addf %get3A_795, %add3A_791 : vector<16xf32>
        %swap3A_797 = arith.index_cast %add3A_168 : i32 to index
        %swap3A_798 = arith.constant 352 : index
        %swap3A_799 = tpu.vector_load %arg11[%swap3A_797, %swap3A_798] {strides = array<i32>} : memref<56x384xf32, #tpu.memory_space<vmem>>, vector<1x16xf32>,
        %swap3A_800 = vector.shape_cast %swap3A_799 : vector<1x16xf32> to vector<16xf32>
        %swap3A_801 = vector.shape_cast %add3A_796 : vector<16xf32> to vector<1x16xf32>
        tpu.vector_store %arg11[%swap3A_797, %swap3A_798], %swap3A_801 {strides = array<i32>} : memref<56x384xf32, #tpu.memory_space<vmem>>, vector<1x16xf32>,
        %get3A_802 = arith.constant 0 : i32
        %get3A_803 = arith.index_cast %get3A_802 : i32 to index
        %get3A_804 = arith.index_cast %add3A_168 : i32 to index
        %get3A_805 = arith.constant 368 : index
        %get3A_806 = tpu.vector_load %arg10[%get3A_803, %get3A_804, %get3A_805] {strides = array<i32>} : memref<2x56x384xf32, #tpu.memory_space<vmem>>, vector<1x1x16xf32>,
        %get3A_807 = vector.shape_cast %get3A_806 : vector<1x1x16xf32> to vector<16xf32>
        %mul3A_808 = vector.broadcast %squeeze3A : f32 to vector<16xf32>
        %mul3A_809 = arith.mulf %mul3A_808, %get3A_807 : vector<16xf32>
        %get3A_810 = arith.constant 1 : i32
        %get3A_811 = arith.index_cast %get3A_810 : i32 to index
        %get3A_812 = arith.index_cast %add3A_168 : i32 to index
        %get3A_813 = arith.constant 368 : index
        %get3A_814 = tpu.vector_load %arg10[%get3A_811, %get3A_812, %get3A_813] {strides = array<i32>} : memref<2x56x384xf32, #tpu.memory_space<vmem>>, vector<1x1x16xf32>,
        %get3A_815 = vector.shape_cast %get3A_814 : vector<1x1x16xf32> to vector<16xf32>
        %mul3A_816 = vector.broadcast %squeeze3A_181 : f32 to vector<16xf32>
        %mul3A_817 = arith.mulf %mul3A_816, %get3A_815 : vector<16xf32>
        %add3A_818 = arith.addf %mul3A_809, %mul3A_817 : vector<16xf32>
        %get3A_819 = arith.index_cast %add3A_168 : i32 to index
        %get3A_820 = arith.constant 368 : index
        %get3A_821 = tpu.vector_load %arg11[%get3A_819, %get3A_820] {strides = array<i32>} : memref<56x384xf32, #tpu.memory_space<vmem>>, vector<1x16xf32>,
        %get3A_822 = vector.shape_cast %get3A_821 : vector<1x16xf32> to vector<16xf32>
        %add3A_823 = arith.addf %get3A_822, %add3A_818 : vector<16xf32>
        %swap3A_824 = arith.index_cast %add3A_168 : i32 to index
        %swap3A_825 = arith.constant 368 : index
        %swap3A_826 = tpu.vector_load %arg11[%swap3A_824, %swap3A_825] {strides = array<i32>} : memref<56x384xf32, #tpu.memory_space<vmem>>, vector<1x16xf32>,
        %swap3A_827 = vector.shape_cast %swap3A_826 : vector<1x16xf32> to vector<16xf32>
        %swap3A_828 = vector.shape_cast %add3A_823 : vector<16xf32> to vector<1x16xf32>
        tpu.vector_store %arg11[%swap3A_824, %swap3A_825], %swap3A_828 {strides = array<i32>} : memref<56x384xf32, #tpu.memory_space<vmem>>, vector<1x16xf32>,
      }
      %scan3A_162 = arith.constant 56 : i32
      %add3A_163 = arith.addi %mul3A_2, %mul3A_53 : i32
      "tpu.region"() ({
        %run_scoped3A_164 = tpu.sem_alloc : memref<!tpu.dma_semaphore, #tpu.memory_space<semaphore_mem>>
        %dma_start3A_165 = arith.constant 0 : i32
        %dma_start3A_166 = tpu.memref_slice %arg5[%add3A_163, %dma_start3A_165] : memref<12544x384xf32, #tpu.memory_space<hbm>> -> memref<56x384xf32, #tpu.memory_space<hbm>>
        %dma_start3A_167 = arith.constant 0 : i32
        %dma_start3A_168 = tpu.memref_slice %arg5[%add3A_163, %dma_start3A_167] : memref<12544x384xf32, #tpu.memory_space<hbm>> -> memref<56x384xf32, #tpu.memory_space<hbm>>
        tpu.enqueue_dma source(%arg11 : memref<56x384xf32, #tpu.memory_space<vmem>>) target(%dma_start3A_168 : memref<56x384xf32, #tpu.memory_space<hbm>>) target_semaphore(%run_scoped3A_164 : memref<!tpu.dma_semaphore, #tpu.memory_space<semaphore_mem>>)
        %dma_wait3A_169 = arith.constant 0 : i32
        %dma_wait3A_170 = tpu.memref_slice %arg5[%add3A_163, %dma_wait3A_169] : memref<12544x384xf32, #tpu.memory_space<hbm>> -> memref<56x384xf32, #tpu.memory_space<hbm>>
        %dma_wait3A_171 = arith.constant 0 : i32
        %dma_wait3A_172 = tpu.memref_slice %arg5[%add3A_163, %dma_wait3A_171] : memref<12544x384xf32, #tpu.memory_space<hbm>> -> memref<56x384xf32, #tpu.memory_space<hbm>>
        tpu.wait_dma2 semaphore(%run_scoped3A_164 : memref<!tpu.dma_semaphore, #tpu.memory_space<semaphore_mem>>) src(%arg11 : memref<56x384xf32, #tpu.memory_space<vmem>>) dst(%dma_wait3A_172 : memref<56x384xf32, #tpu.memory_space<hbm>>)
        tpu.yield
      }) : () -> ()
    }
    %scan3A_46 = arith.constant 7 : i32
    return
  }
}

module attributes {stable_mosaic.version = 14 : i64} {
  func.func @_prep_body(%arg0: i32, %arg1: memref<1x3136x384xf32, #tpu.memory_space<vmem>>, %arg2: memref<196x3136xf32, #tpu.memory_space<vmem>>, %arg3: memref<384x384xf32, #tpu.memory_space<vmem>>, %arg4: memref<384x3072xf32, #tpu.memory_space<vmem>>, %arg5: memref<384x8xf32, #tpu.memory_space<vmem>>, %arg6: memref<384x8xf32, #tpu.memory_space<vmem>>, %arg7: memref<1x196x3072xbf16, #tpu.memory_space<vmem>>, %arg8: memref<1x196x32xi32, #tpu.memory_space<vmem>>, %arg9: memref<1x196x32xf32, #tpu.memory_space<vmem>>) attributes {dimension_semantics = [#tpu.dimension_semantics<arbitrary>], iteration_bounds = array<i64: 8>, scalar_prefetch = 0 : i64, scratch_operands = 0 : i64, tpu.core_type = #tpu.core_type<tc>, window_params = [{transform_indices = @transform_0, window_bounds = array<i64: 1, 3136, 384>}, {pipeline_mode = #tpu.pipeline_mode<synchronous>, transform_indices = @transform_1, window_bounds = array<i64: 196, 3136>}, {pipeline_mode = #tpu.pipeline_mode<synchronous>, transform_indices = @transform_2, window_bounds = array<i64: 384, 384>}, {pipeline_mode = #tpu.pipeline_mode<synchronous>, transform_indices = @transform_3, window_bounds = array<i64: 384, 3072>}, {pipeline_mode = #tpu.pipeline_mode<synchronous>, transform_indices = @transform_4, window_bounds = array<i64: 384, 8>}, {pipeline_mode = #tpu.pipeline_mode<synchronous>, transform_indices = @transform_5, window_bounds = array<i64: 384, 8>}, {transform_indices = @transform_6, window_bounds = array<i64: 1, 196, 3072>}, {transform_indices = @transform_7, window_bounds = array<i64: 1, 196, 32>}, {transform_indices = @transform_8, window_bounds = array<i64: 1, 196, 32>}]} {
    %get3A = arith.constant 0 : index
    %get3A_0 = arith.constant 0 : index
    %get3A_1 = arith.constant 0 : index
    %get3A_2 = vector.load %arg1[%get3A, %get3A_0, %get3A_1] : memref<1x3136x384xf32, #tpu.memory_space<vmem>>, vector<1x3136x384xf32>
    %get3A_3 = vector.shape_cast %get3A_2 : vector<1x3136x384xf32> to vector<3136x384xf32>
    %get3A_4 = arith.constant 0 : index
    %get3A_5 = arith.constant 0 : index
    %get3A_6 = vector.load %arg2[%get3A_4, %get3A_5] : memref<196x3136xf32, #tpu.memory_space<vmem>>, vector<196x3136xf32>
    %dot_general3A = arith.constant dense<0.000000e+00> : vector<196x384xf32>
    %dot_general3A_7 = tpu.matmul %get3A_6, %get3A_3, %dot_general3A {dimension_numbers = #tpu.dot_dimension_numbers<[1], [0], [0], [1], [0, 0, 1, 1], [], []>, precision = #tpu.contract_precision<fp32>, transpose_lhs_hint = false} : vector<196x3136xf32>, vector<3136x384xf32>, vector<196x384xf32> -> vector<196x384xf32>
    %get3A_8 = arith.constant 0 : index
    %get3A_9 = arith.constant 0 : index
    %get3A_10 = vector.load %arg3[%get3A_8, %get3A_9] : memref<384x384xf32, #tpu.memory_space<vmem>>, vector<384x384xf32>
    %dot_general3A_11 = arith.constant dense<0.000000e+00> : vector<196x384xf32>
    %dot_general3A_12 = tpu.matmul %dot_general3A_7, %get3A_10, %dot_general3A_11 {dimension_numbers = #tpu.dot_dimension_numbers<[1], [0], [0], [1], [0, 0, 1, 1], [], []>, transpose_lhs_hint = false} : vector<196x384xf32>, vector<384x384xf32>, vector<196x384xf32> -> vector<196x384xf32>
    %get3A_13 = arith.constant 0 : index
    %get3A_14 = arith.constant 0 : index
    %get3A_15 = vector.load %arg5[%get3A_13, %get3A_14] : memref<384x8xf32, #tpu.memory_space<vmem>>, vector<384x8xf32>
    %dot_general3A_16 = arith.constant dense<0.000000e+00> : vector<196x8xf32>
    %dot_general3A_17 = tpu.matmul %dot_general3A_7, %get3A_15, %dot_general3A_16 {dimension_numbers = #tpu.dot_dimension_numbers<[1], [0], [0], [1], [0, 0, 1, 1], [], []>, transpose_lhs_hint = false} : vector<196x384xf32>, vector<384x8xf32>, vector<196x8xf32> -> vector<196x8xf32>
    %mul3A = arith.constant 4.000000e+00 : f32
    %mul3A_18 = vector.broadcast %mul3A : f32 to vector<196x8xf32>
    %mul3A_19 = arith.mulf %dot_general3A_17, %mul3A_18 : vector<196x8xf32>
    %get3A_20 = arith.constant 0 : index
    %get3A_21 = arith.constant 0 : index
    %get3A_22 = vector.load %arg6[%get3A_20, %get3A_21] : memref<384x8xf32, #tpu.memory_space<vmem>>, vector<384x8xf32>
    %dot_general3A_23 = arith.constant dense<0.000000e+00> : vector<196x8xf32>
    %dot_general3A_24 = tpu.matmul %dot_general3A_7, %get3A_22, %dot_general3A_23 {dimension_numbers = #tpu.dot_dimension_numbers<[1], [0], [0], [1], [0, 0, 1, 1], [], []>, transpose_lhs_hint = false} : vector<196x384xf32>, vector<384x8xf32>, vector<196x8xf32> -> vector<196x8xf32>
    %mul3A_25 = arith.constant 4.000000e+00 : f32
    %mul3A_26 = vector.broadcast %mul3A_25 : f32 to vector<196x8xf32>
    %mul3A_27 = arith.mulf %dot_general3A_24, %mul3A_26 : vector<196x8xf32>
    %iota3A = tpu.iota {dimensions = array<i32: 0>} : vector<196x8xi32>
    %jit3A = arith.constant 14 : i32
    %eq3A = arith.constant 0 : i32
    %eq3A_28 = arith.cmpi eq, %jit3A, %eq3A : i32
    %jit3A_29 = arith.constant 1 : i32
    %select_n3A = arith.select %eq3A_28, %jit3A_29, %jit3A : i32
    %rem3A = vector.broadcast %select_n3A : i32 to vector<196x8xi32>
    %rem3A_30 = arith.remsi %iota3A, %rem3A : vector<196x8xi32>
    %ne3A = arith.constant 0 : i32
    %ne3A_31 = vector.broadcast %ne3A : i32 to vector<196x8xi32>
    %ne3A_32 = arith.cmpi ne, %rem3A_30, %ne3A_31 : vector<196x8xi32>
    %lt3A = arith.constant 0 : i32
    %lt3A_33 = vector.broadcast %lt3A : i32 to vector<196x8xi32>
    %lt3A_34 = arith.cmpi slt, %rem3A_30, %lt3A_33 : vector<196x8xi32>
    %lt3A_35 = arith.constant 0 : i32
    %lt3A_36 = arith.cmpi slt, %select_n3A, %lt3A_35 : i32
    %ne3A_37 = vector.broadcast %lt3A_36 : i1 to vector<196x8xi1>
    %ne3A_38 = vector.broadcast %ne3A_37 : vector<196x8xi1> to vector<196x8xi1>
    %ne3A_39 = arith.xori %lt3A_34, %ne3A_38 : vector<196x8xi1>
    %and3A = arith.andi %ne3A_39, %ne3A_32 : vector<196x8xi1>
    %add3A = vector.broadcast %select_n3A : i32 to vector<196x8xi32>
    %add3A_40 = arith.addi %rem3A_30, %add3A : vector<196x8xi32>
    %select_n3A_41 = arith.select %and3A, %add3A_40, %rem3A_30 : vector<196x8xi1>, vector<196x8xi32>
    %convert_element_type3A = arith.sitofp %select_n3A_41 : vector<196x8xi32> to vector<196x8xf32>
    %mul3A_42 = arith.constant 0.15384616 : f32
    %mul3A_43 = vector.broadcast %mul3A_42 : f32 to vector<196x8xf32>
    %mul3A_44 = arith.mulf %convert_element_type3A, %mul3A_43 : vector<196x8xf32>
    %sub3A = arith.constant 1.000000e+00 : f32
    %sub3A_45 = vector.broadcast %sub3A : f32 to vector<196x8xf32>
    %sub3A_46 = arith.subf %mul3A_44, %sub3A_45 : vector<196x8xf32>
    %jit3A_47 = arith.constant 14 : i32
    %div3A = vector.broadcast %jit3A_47 : i32 to vector<196x8xi32>
    %div3A_48 = arith.divsi %iota3A, %div3A : vector<196x8xi32>
    %sign3A = arith.constant 0 : i32
    %sign3A_49 = vector.broadcast %sign3A : i32 to vector<196x8xi32>
    %sign3A_50 = arith.cmpi sgt, %iota3A, %sign3A_49 : vector<196x8xi32>
    %sign3A_51 = arith.extui %sign3A_50 : vector<196x8xi1> to vector<196x8xi32>
    %sign3A_52 = arith.constant 0 : i32
    %sign3A_53 = vector.broadcast %sign3A_52 : i32 to vector<196x8xi32>
    %sign3A_54 = arith.cmpi slt, %iota3A, %sign3A_53 : vector<196x8xi32>
    %sign3A_55 = arith.extui %sign3A_54 : vector<196x8xi1> to vector<196x8xi32>
    %sign3A_56 = arith.subi %sign3A_51, %sign3A_55 : vector<196x8xi32>
    %sign3A_57 = arith.constant 0 : i32
    %sign3A_58 = arith.cmpi sgt, %jit3A_47, %sign3A_57 : i32
    %sign3A_59 = arith.extui %sign3A_58 : i1 to i32
    %sign3A_60 = arith.constant 0 : i32
    %sign3A_61 = arith.cmpi slt, %jit3A_47, %sign3A_60 : i32
    %sign3A_62 = arith.extui %sign3A_61 : i1 to i32
    %sign3A_63 = arith.subi %sign3A_59, %sign3A_62 : i32
    %ne3A_64 = vector.broadcast %sign3A_63 : i32 to vector<196x8xi32>
    %ne3A_65 = arith.cmpi ne, %sign3A_56, %ne3A_64 : vector<196x8xi32>
    %rem3A_66 = vector.broadcast %jit3A_47 : i32 to vector<196x8xi32>
    %rem3A_67 = arith.remsi %iota3A, %rem3A_66 : vector<196x8xi32>
    %ne3A_68 = arith.constant 0 : i32
    %ne3A_69 = vector.broadcast %ne3A_68 : i32 to vector<196x8xi32>
    %ne3A_70 = arith.cmpi ne, %rem3A_67, %ne3A_69 : vector<196x8xi32>
    %and3A_71 = arith.andi %ne3A_65, %ne3A_70 : vector<196x8xi1>
    %sub3A_72 = arith.constant 1 : i32
    %sub3A_73 = vector.broadcast %sub3A_72 : i32 to vector<196x8xi32>
    %sub3A_74 = arith.subi %div3A_48, %sub3A_73 : vector<196x8xi32>
    %select_n3A_75 = arith.select %and3A_71, %sub3A_74, %div3A_48 : vector<196x8xi1>, vector<196x8xi32>
    %convert_element_type3A_76 = arith.sitofp %select_n3A_75 : vector<196x8xi32> to vector<196x8xf32>
    %mul3A_77 = arith.constant 0.15384616 : f32
    %mul3A_78 = vector.broadcast %mul3A_77 : f32 to vector<196x8xf32>
    %mul3A_79 = arith.mulf %convert_element_type3A_76, %mul3A_78 : vector<196x8xf32>
    %sub3A_80 = arith.constant 1.000000e+00 : f32
    %sub3A_81 = vector.broadcast %sub3A_80 : f32 to vector<196x8xf32>
    %sub3A_82 = arith.subf %mul3A_79, %sub3A_81 : vector<196x8xf32>
    %add3A_83 = arith.addf %sub3A_46, %mul3A_19 : vector<196x8xf32>
    %add3A_84 = arith.constant 1.000000e+00 : f32
    %add3A_85 = vector.broadcast %add3A_84 : f32 to vector<196x8xf32>
    %add3A_86 = arith.addf %add3A_83, %add3A_85 : vector<196x8xf32>
    %mul3A_87 = arith.constant 2.750000e+01 : f32
    %mul3A_88 = vector.broadcast %mul3A_87 : f32 to vector<196x8xf32>
    %mul3A_89 = arith.mulf %add3A_86, %mul3A_88 : vector<196x8xf32>
    %add3A_90 = arith.addf %sub3A_82, %mul3A_27 : vector<196x8xf32>
    %add3A_91 = arith.constant 1.000000e+00 : f32
    %add3A_92 = vector.broadcast %add3A_91 : f32 to vector<196x8xf32>
    %add3A_93 = arith.addf %add3A_90, %add3A_92 : vector<196x8xf32>
    %mul3A_94 = arith.constant 2.750000e+01 : f32
    %mul3A_95 = vector.broadcast %mul3A_94 : f32 to vector<196x8xf32>
    %mul3A_96 = arith.mulf %add3A_93, %mul3A_95 : vector<196x8xf32>
    %floor3A = math.floor %mul3A_89 : vector<196x8xf32>
    %floor3A_97 = math.floor %mul3A_96 : vector<196x8xf32>
    %sub3A_98 = arith.subf %mul3A_89, %floor3A : vector<196x8xf32>
    %sub3A_99 = arith.constant 1.000000e+00 : f32
    %sub3A_100 = vector.broadcast %sub3A_99 : f32 to vector<196x8xf32>
    %sub3A_101 = arith.subf %sub3A_100, %sub3A_98 : vector<196x8xf32>
    %sub3A_102 = arith.subf %mul3A_96, %floor3A_97 : vector<196x8xf32>
    %sub3A_103 = arith.constant 1.000000e+00 : f32
    %sub3A_104 = vector.broadcast %sub3A_103 : f32 to vector<196x8xf32>
    %sub3A_105 = arith.subf %sub3A_104, %sub3A_102 : vector<196x8xf32>
    %jit3A_106 = arith.constant 0 : i32
    %jit3A_107 = arith.constant 55 : i32
    %convert_element_type3A_108 = arith.sitofp %jit3A_106 : i32 to f32
    %max3A = vector.broadcast %convert_element_type3A_108 : f32 to vector<196x8xf32>
    %max3A_109 = arith.maximumf %max3A, %floor3A : vector<196x8xf32>
    %convert_element_type3A_110 = arith.sitofp %jit3A_107 : i32 to f32
    %min3A = vector.broadcast %convert_element_type3A_110 : f32 to vector<196x8xf32>
    %min3A_111 = arith.minimumf %min3A, %max3A_109 : vector<196x8xf32>
    %convert_element_type3A_112 = arith.fptosi %min3A_111 : vector<196x8xf32> to vector<196x8xi32>
    %add3A_113 = arith.constant 1.000000e+00 : f32
    %add3A_114 = vector.broadcast %add3A_113 : f32 to vector<196x8xf32>
    %add3A_115 = arith.addf %floor3A, %add3A_114 : vector<196x8xf32>
    %jit3A_116 = arith.constant 0 : i32
    %jit3A_117 = arith.constant 55 : i32
    %convert_element_type3A_118 = arith.sitofp %jit3A_116 : i32 to f32
    %max3A_119 = vector.broadcast %convert_element_type3A_118 : f32 to vector<196x8xf32>
    %max3A_120 = arith.maximumf %max3A_119, %add3A_115 : vector<196x8xf32>
    %convert_element_type3A_121 = arith.sitofp %jit3A_117 : i32 to f32
    %min3A_122 = vector.broadcast %convert_element_type3A_121 : f32 to vector<196x8xf32>
    %min3A_123 = arith.minimumf %min3A_122, %max3A_120 : vector<196x8xf32>
    %convert_element_type3A_124 = arith.fptosi %min3A_123 : vector<196x8xf32> to vector<196x8xi32>
    %jit3A_125 = arith.constant 0 : i32
    %jit3A_126 = arith.constant 55 : i32
    %convert_element_type3A_127 = arith.sitofp %jit3A_125 : i32 to f32
    %max3A_128 = vector.broadcast %convert_element_type3A_127 : f32 to vector<196x8xf32>
    %max3A_129 = arith.maximumf %max3A_128, %floor3A_97 : vector<196x8xf32>
    %convert_element_type3A_130 = arith.sitofp %jit3A_126 : i32 to f32
    %min3A_131 = vector.broadcast %convert_element_type3A_130 : f32 to vector<196x8xf32>
    %min3A_132 = arith.minimumf %min3A_131, %max3A_129 : vector<196x8xf32>
    %convert_element_type3A_133 = arith.fptosi %min3A_132 : vector<196x8xf32> to vector<196x8xi32>
    %add3A_134 = arith.constant 1.000000e+00 : f32
    %add3A_135 = vector.broadcast %add3A_134 : f32 to vector<196x8xf32>
    %add3A_136 = arith.addf %floor3A_97, %add3A_135 : vector<196x8xf32>
    %jit3A_137 = arith.constant 0 : i32
    %jit3A_138 = arith.constant 55 : i32
    %convert_element_type3A_139 = arith.sitofp %jit3A_137 : i32 to f32
    %max3A_140 = vector.broadcast %convert_element_type3A_139 : f32 to vector<196x8xf32>
    %max3A_141 = arith.maximumf %max3A_140, %add3A_136 : vector<196x8xf32>
    %convert_element_type3A_142 = arith.sitofp %jit3A_138 : i32 to f32
    %min3A_143 = vector.broadcast %convert_element_type3A_142 : f32 to vector<196x8xf32>
    %min3A_144 = arith.minimumf %min3A_143, %max3A_141 : vector<196x8xf32>
    %convert_element_type3A_145 = arith.fptosi %min3A_144 : vector<196x8xf32> to vector<196x8xi32>
    %mul3A_146 = arith.constant 3136 : i32
    %mul3A_147 = arith.muli %arg0, %mul3A_146 : i32
    %mul3A_148 = arith.constant 56 : i32
    %mul3A_149 = vector.broadcast %mul3A_148 : i32 to vector<196x8xi32>
    %mul3A_150 = arith.muli %convert_element_type3A_133, %mul3A_149 : vector<196x8xi32>
    %add3A_151 = vector.broadcast %mul3A_147 : i32 to vector<196x8xi32>
    %add3A_152 = arith.addi %add3A_151, %mul3A_150 : vector<196x8xi32>
    %add3A_153 = arith.addi %add3A_152, %convert_element_type3A_112 : vector<196x8xi32>
    %mul3A_154 = arith.constant 56 : i32
    %mul3A_155 = vector.broadcast %mul3A_154 : i32 to vector<196x8xi32>
    %mul3A_156 = arith.muli %convert_element_type3A_133, %mul3A_155 : vector<196x8xi32>
    %add3A_157 = vector.broadcast %mul3A_147 : i32 to vector<196x8xi32>
    %add3A_158 = arith.addi %add3A_157, %mul3A_156 : vector<196x8xi32>
    %add3A_159 = arith.addi %add3A_158, %convert_element_type3A_124 : vector<196x8xi32>
    %mul3A_160 = arith.constant 56 : i32
    %mul3A_161 = vector.broadcast %mul3A_160 : i32 to vector<196x8xi32>
    %mul3A_162 = arith.muli %convert_element_type3A_145, %mul3A_161 : vector<196x8xi32>
    %add3A_163 = vector.broadcast %mul3A_147 : i32 to vector<196x8xi32>
    %add3A_164 = arith.addi %add3A_163, %mul3A_162 : vector<196x8xi32>
    %add3A_165 = arith.addi %add3A_164, %convert_element_type3A_112 : vector<196x8xi32>
    %mul3A_166 = arith.constant 56 : i32
    %mul3A_167 = vector.broadcast %mul3A_166 : i32 to vector<196x8xi32>
    %mul3A_168 = arith.muli %convert_element_type3A_145, %mul3A_167 : vector<196x8xi32>
    %add3A_169 = vector.broadcast %mul3A_147 : i32 to vector<196x8xi32>
    %add3A_170 = arith.addi %add3A_169, %mul3A_168 : vector<196x8xi32>
    %add3A_171 = arith.addi %add3A_170, %convert_element_type3A_124 : vector<196x8xi32>
    %concatenate3A = tpu.concatenate %add3A_153, %add3A_159, %add3A_165, %add3A_171 in 1 : vector<196x8xi32>, vector<196x8xi32>, vector<196x8xi32>, vector<196x8xi32> -> vector<196x32xi32>
    %swap3A = arith.constant 0 : index
    %swap3A_172 = arith.constant 0 : index
    %swap3A_173 = arith.constant 0 : index
    %swap3A_174 = vector.load %arg8[%swap3A, %swap3A_172, %swap3A_173] : memref<1x196x32xi32, #tpu.memory_space<vmem>>, vector<1x196x32xi32>
    %swap3A_175 = vector.shape_cast %swap3A_174 : vector<1x196x32xi32> to vector<196x32xi32>
    %swap3A_176 = vector.shape_cast %concatenate3A : vector<196x32xi32> to vector<1x196x32xi32>
    tpu.vector_store %arg8[%swap3A, %swap3A_172, %swap3A_173], %swap3A_176 {strides = array<i32>} : memref<1x196x32xi32, #tpu.memory_space<vmem>>, vector<1x196x32xi32>,
    %mul3A_177 = arith.mulf %sub3A_105, %sub3A_101 : vector<196x8xf32>
    %mul3A_178 = arith.mulf %sub3A_105, %sub3A_98 : vector<196x8xf32>
    %mul3A_179 = arith.mulf %sub3A_102, %sub3A_101 : vector<196x8xf32>
    %mul3A_180 = arith.mulf %sub3A_102, %sub3A_98 : vector<196x8xf32>
    %concatenate3A_181 = tpu.concatenate %mul3A_177, %mul3A_178, %mul3A_179, %mul3A_180 in 1 : vector<196x8xf32>, vector<196x8xf32>, vector<196x8xf32>, vector<196x8xf32> -> vector<196x32xf32>
    %swap3A_182 = arith.constant 0 : index
    %swap3A_183 = arith.constant 0 : index
    %swap3A_184 = arith.constant 0 : index
    %swap3A_185 = vector.load %arg9[%swap3A_182, %swap3A_183, %swap3A_184] : memref<1x196x32xf32, #tpu.memory_space<vmem>>, vector<1x196x32xf32>
    %swap3A_186 = vector.shape_cast %swap3A_185 : vector<1x196x32xf32> to vector<196x32xf32>
    %swap3A_187 = vector.shape_cast %concatenate3A_181 : vector<196x32xf32> to vector<1x196x32xf32>
    tpu.vector_store %arg9[%swap3A_182, %swap3A_183, %swap3A_184], %swap3A_187 {strides = array<i32>} : memref<1x196x32xf32, #tpu.memory_space<vmem>>, vector<1x196x32xf32>,
    %get3A_188 = arith.constant 0 : index
    %get3A_189 = arith.constant 0 : index
    %get3A_190 = vector.load %arg4[%get3A_188, %get3A_189] : memref<384x3072xf32, #tpu.memory_space<vmem>>, vector<384x3072xf32>
    %dot_general3A_191 = arith.constant dense<0.000000e+00> : vector<196x3072xf32>
    %dot_general3A_192 = tpu.matmul %dot_general3A_12, %get3A_190, %dot_general3A_191 {dimension_numbers = #tpu.dot_dimension_numbers<[1], [0], [0], [1], [0, 0, 1, 1], [], []>, transpose_lhs_hint = false} : vector<196x384xf32>, vector<384x3072xf32>, vector<196x3072xf32> -> vector<196x3072xf32>
    %mul3A_193 = arith.constant 0.144337565 : f32
    %mul3A_194 = vector.broadcast %mul3A_193 : f32 to vector<196x3072xf32>
    %mul3A_195 = arith.mulf %dot_general3A_192, %mul3A_194 : vector<196x3072xf32>
    %convert_element_type3A_196 = arith.truncf %mul3A_195 : vector<196x3072xf32> to vector<196x3072xbf16>
    %swap3A_197 = arith.constant 0 : index
    %swap3A_198 = arith.constant 0 : index
    %swap3A_199 = arith.constant 0 : index
    %swap3A_200 = vector.load %arg7[%swap3A_197, %swap3A_198, %swap3A_199] : memref<1x196x3072xbf16, #tpu.memory_space<vmem>>, vector<1x196x3072xbf16>
    %swap3A_201 = vector.shape_cast %swap3A_200 : vector<1x196x3072xbf16> to vector<196x3072xbf16>
    %swap3A_202 = vector.shape_cast %convert_element_type3A_196 : vector<196x3072xbf16> to vector<1x196x3072xbf16>
    tpu.vector_store %arg7[%swap3A_197, %swap3A_198, %swap3A_199], %swap3A_202 {strides = array<i32>} : memref<1x196x3072xbf16, #tpu.memory_space<vmem>>, vector<1x196x3072xbf16>,
    return
  }
  func.func @transform_0(%arg0: i32) -> (i32, i32, i32) {
    %c0_i32 = arith.constant 0 : i32
    %c0_i32_0 = arith.constant 0 : i32
    %c0_i32_1 = arith.constant 0 : i32
    return %arg0, %c0_i32, %c0_i32_0 : i32, i32, i32
  }
  func.func @transform_1(%arg0: i32) -> (i32, i32) {
    %c0_i32 = arith.constant 0 : i32
    %c0_i32_0 = arith.constant 0 : i32
    %c0_i32_1 = arith.constant 0 : i32
    return %c0_i32, %c0_i32_0 : i32, i32
  }
  func.func @transform_2(%arg0: i32) -> (i32, i32) {
    %c0_i32 = arith.constant 0 : i32
    %c0_i32_0 = arith.constant 0 : i32
    %c0_i32_1 = arith.constant 0 : i32
    return %c0_i32, %c0_i32_0 : i32, i32
  }
  func.func @transform_3(%arg0: i32) -> (i32, i32) {
    %c0_i32 = arith.constant 0 : i32
    %c0_i32_0 = arith.constant 0 : i32
    %c0_i32_1 = arith.constant 0 : i32
    return %c0_i32, %c0_i32_0 : i32, i32
  }
  func.func @transform_4(%arg0: i32) -> (i32, i32) {
    %c0_i32 = arith.constant 0 : i32
    %c0_i32_0 = arith.constant 0 : i32
    %c0_i32_1 = arith.constant 0 : i32
    return %c0_i32, %c0_i32_0 : i32, i32
  }
  func.func @transform_5(%arg0: i32) -> (i32, i32) {
    %c0_i32 = arith.constant 0 : i32
    %c0_i32_0 = arith.constant 0 : i32
    %c0_i32_1 = arith.constant 0 : i32
    return %c0_i32, %c0_i32_0 : i32, i32
  }
  func.func @transform_6(%arg0: i32) -> (i32, i32, i32) {
    %c0_i32 = arith.constant 0 : i32
    %c0_i32_0 = arith.constant 0 : i32
    %c0_i32_1 = arith.constant 0 : i32
    return %arg0, %c0_i32, %c0_i32_0 : i32, i32, i32
  }
  func.func @transform_7(%arg0: i32) -> (i32, i32, i32) {
    %c0_i32 = arith.constant 0 : i32
    %c0_i32_0 = arith.constant 0 : i32
    %c0_i32_1 = arith.constant 0 : i32
    return %arg0, %c0_i32, %c0_i32_0 : i32, i32, i32
  }
  func.func @transform_8(%arg0: i32) -> (i32, i32, i32) {
    %c0_i32 = arith.constant 0 : i32
    %c0_i32_0 = arith.constant 0 : i32
    %c0_i32_1 = arith.constant 0 : i32
    return %arg0, %c0_i32, %c0_i32_0 : i32, i32, i32
  }
}

module attributes {stable_mosaic.version = 14 : i64} {
  func.func @_attn_body(%arg0: i32, %arg1: memref<1x8x196x384xf32, #tpu.memory_space<vmem>>, %arg2: memref<1x196x3072xbf16, #tpu.memory_space<vmem>>, %arg3: memref<3072x384xf32, #tpu.memory_space<vmem>>, %arg4: memref<1x196x384xf32, #tpu.memory_space<vmem>>) attributes {dimension_semantics = [#tpu.dimension_semantics<arbitrary>], iteration_bounds = array<i64: 8>, scalar_prefetch = 0 : i64, scratch_operands = 0 : i64, tpu.core_type = #tpu.core_type<tc>, window_params = [{transform_indices = @transform_0, window_bounds = array<i64: 1, 8, 196, 384>}, {transform_indices = @transform_1, window_bounds = array<i64: 1, 196, 3072>}, {pipeline_mode = #tpu.pipeline_mode<synchronous>, transform_indices = @transform_2, window_bounds = array<i64: 3072, 384>}, {transform_indices = @transform_3, window_bounds = array<i64: 1, 196, 384>}]} {
    %get3A = arith.constant 0 : index
    %get3A_0 = arith.constant 0 : index
    %get3A_1 = arith.constant 0 : index
    %get3A_2 = arith.constant 0 : index
    %get3A_3 = vector.load %arg1[%get3A, %get3A_0, %get3A_1, %get3A_2] : memref<1x8x196x384xf32, #tpu.memory_space<vmem>>, vector<1x1x196x384xf32>
    %get3A_4 = vector.shape_cast %get3A_3 : vector<1x1x196x384xf32> to vector<196x384xf32>
    %get3A_5 = arith.constant 0 : index
    %get3A_6 = arith.constant 1 : index
    %get3A_7 = arith.constant 0 : index
    %get3A_8 = arith.constant 0 : index
    %get3A_9 = vector.load %arg1[%get3A_5, %get3A_6, %get3A_7, %get3A_8] : memref<1x8x196x384xf32, #tpu.memory_space<vmem>>, vector<1x1x196x384xf32>
    %get3A_10 = vector.shape_cast %get3A_9 : vector<1x1x196x384xf32> to vector<196x384xf32>
    %get3A_11 = arith.constant 0 : index
    %get3A_12 = arith.constant 2 : index
    %get3A_13 = arith.constant 0 : index
    %get3A_14 = arith.constant 0 : index
    %get3A_15 = vector.load %arg1[%get3A_11, %get3A_12, %get3A_13, %get3A_14] : memref<1x8x196x384xf32, #tpu.memory_space<vmem>>, vector<1x1x196x384xf32>
    %get3A_16 = vector.shape_cast %get3A_15 : vector<1x1x196x384xf32> to vector<196x384xf32>
    %get3A_17 = arith.constant 0 : index
    %get3A_18 = arith.constant 3 : index
    %get3A_19 = arith.constant 0 : index
    %get3A_20 = arith.constant 0 : index
    %get3A_21 = vector.load %arg1[%get3A_17, %get3A_18, %get3A_19, %get3A_20] : memref<1x8x196x384xf32, #tpu.memory_space<vmem>>, vector<1x1x196x384xf32>
    %get3A_22 = vector.shape_cast %get3A_21 : vector<1x1x196x384xf32> to vector<196x384xf32>
    %get3A_23 = arith.constant 0 : index
    %get3A_24 = arith.constant 4 : index
    %get3A_25 = arith.constant 0 : index
    %get3A_26 = arith.constant 0 : index
    %get3A_27 = vector.load %arg1[%get3A_23, %get3A_24, %get3A_25, %get3A_26] : memref<1x8x196x384xf32, #tpu.memory_space<vmem>>, vector<1x1x196x384xf32>
    %get3A_28 = vector.shape_cast %get3A_27 : vector<1x1x196x384xf32> to vector<196x384xf32>
    %get3A_29 = arith.constant 0 : index
    %get3A_30 = arith.constant 5 : index
    %get3A_31 = arith.constant 0 : index
    %get3A_32 = arith.constant 0 : index
    %get3A_33 = vector.load %arg1[%get3A_29, %get3A_30, %get3A_31, %get3A_32] : memref<1x8x196x384xf32, #tpu.memory_space<vmem>>, vector<1x1x196x384xf32>
    %get3A_34 = vector.shape_cast %get3A_33 : vector<1x1x196x384xf32> to vector<196x384xf32>
    %get3A_35 = arith.constant 0 : index
    %get3A_36 = arith.constant 6 : index
    %get3A_37 = arith.constant 0 : index
    %get3A_38 = arith.constant 0 : index
    %get3A_39 = vector.load %arg1[%get3A_35, %get3A_36, %get3A_37, %get3A_38] : memref<1x8x196x384xf32, #tpu.memory_space<vmem>>, vector<1x1x196x384xf32>
    %get3A_40 = vector.shape_cast %get3A_39 : vector<1x1x196x384xf32> to vector<196x384xf32>
    %get3A_41 = arith.constant 0 : index
    %get3A_42 = arith.constant 7 : index
    %get3A_43 = arith.constant 0 : index
    %get3A_44 = arith.constant 0 : index
    %get3A_45 = vector.load %arg1[%get3A_41, %get3A_42, %get3A_43, %get3A_44] : memref<1x8x196x384xf32, #tpu.memory_space<vmem>>, vector<1x1x196x384xf32>
    %get3A_46 = vector.shape_cast %get3A_45 : vector<1x1x196x384xf32> to vector<196x384xf32>
    %get3A_47 = arith.constant 0 : index
    %get3A_48 = arith.constant 0 : index
    %get3A_49 = arith.constant 0 : index
    %get3A_50 = vector.load %arg2[%get3A_47, %get3A_48, %get3A_49] : memref<1x196x3072xbf16, #tpu.memory_space<vmem>>, vector<1x196x384xbf16>
    %get3A_51 = vector.shape_cast %get3A_50 : vector<1x196x384xbf16> to vector<196x384xbf16>
    %convert_element_type3A = arith.extf %get3A_51 : vector<196x384xbf16> to vector<196x384xf32>
    %mul3A = arith.mulf %get3A_4, %convert_element_type3A : vector<196x384xf32>
    %reduce_sum3A = arith.constant dense<0.000000e+00> : vector<196xf32>
    %reduce_sum3A_52 = vector.multi_reduction <add>, %mul3A, %reduce_sum3A [1] : vector<196x384xf32> to vector<196xf32>
    %broadcast_in_dim3A = vector.shape_cast %reduce_sum3A_52 : vector<196xf32> to vector<196x1xf32>
    %mul3A_53 = arith.mulf %get3A_10, %convert_element_type3A : vector<196x384xf32>
    %reduce_sum3A_54 = arith.constant dense<0.000000e+00> : vector<196xf32>
    %reduce_sum3A_55 = vector.multi_reduction <add>, %mul3A_53, %reduce_sum3A_54 [1] : vector<196x384xf32> to vector<196xf32>
    %broadcast_in_dim3A_56 = vector.shape_cast %reduce_sum3A_55 : vector<196xf32> to vector<196x1xf32>
    %mul3A_57 = arith.mulf %get3A_16, %convert_element_type3A : vector<196x384xf32>
    %reduce_sum3A_58 = arith.constant dense<0.000000e+00> : vector<196xf32>
    %reduce_sum3A_59 = vector.multi_reduction <add>, %mul3A_57, %reduce_sum3A_58 [1] : vector<196x384xf32> to vector<196xf32>
    %broadcast_in_dim3A_60 = vector.shape_cast %reduce_sum3A_59 : vector<196xf32> to vector<196x1xf32>
    %mul3A_61 = arith.mulf %get3A_22, %convert_element_type3A : vector<196x384xf32>
    %reduce_sum3A_62 = arith.constant dense<0.000000e+00> : vector<196xf32>
    %reduce_sum3A_63 = vector.multi_reduction <add>, %mul3A_61, %reduce_sum3A_62 [1] : vector<196x384xf32> to vector<196xf32>
    %broadcast_in_dim3A_64 = vector.shape_cast %reduce_sum3A_63 : vector<196xf32> to vector<196x1xf32>
    %mul3A_65 = arith.mulf %get3A_28, %convert_element_type3A : vector<196x384xf32>
    %reduce_sum3A_66 = arith.constant dense<0.000000e+00> : vector<196xf32>
    %reduce_sum3A_67 = vector.multi_reduction <add>, %mul3A_65, %reduce_sum3A_66 [1] : vector<196x384xf32> to vector<196xf32>
    %broadcast_in_dim3A_68 = vector.shape_cast %reduce_sum3A_67 : vector<196xf32> to vector<196x1xf32>
    %mul3A_69 = arith.mulf %get3A_34, %convert_element_type3A : vector<196x384xf32>
    %reduce_sum3A_70 = arith.constant dense<0.000000e+00> : vector<196xf32>
    %reduce_sum3A_71 = vector.multi_reduction <add>, %mul3A_69, %reduce_sum3A_70 [1] : vector<196x384xf32> to vector<196xf32>
    %broadcast_in_dim3A_72 = vector.shape_cast %reduce_sum3A_71 : vector<196xf32> to vector<196x1xf32>
    %mul3A_73 = arith.mulf %get3A_40, %convert_element_type3A : vector<196x384xf32>
    %reduce_sum3A_74 = arith.constant dense<0.000000e+00> : vector<196xf32>
    %reduce_sum3A_75 = vector.multi_reduction <add>, %mul3A_73, %reduce_sum3A_74 [1] : vector<196x384xf32> to vector<196xf32>
    %broadcast_in_dim3A_76 = vector.shape_cast %reduce_sum3A_75 : vector<196xf32> to vector<196x1xf32>
    %mul3A_77 = arith.mulf %get3A_46, %convert_element_type3A : vector<196x384xf32>
    %reduce_sum3A_78 = arith.constant dense<0.000000e+00> : vector<196xf32>
    %reduce_sum3A_79 = vector.multi_reduction <add>, %mul3A_77, %reduce_sum3A_78 [1] : vector<196x384xf32> to vector<196xf32>
    %broadcast_in_dim3A_80 = vector.shape_cast %reduce_sum3A_79 : vector<196xf32> to vector<196x1xf32>
    %concatenate3A = tpu.concatenate %broadcast_in_dim3A, %broadcast_in_dim3A_56, %broadcast_in_dim3A_60, %broadcast_in_dim3A_64, %broadcast_in_dim3A_68, %broadcast_in_dim3A_72, %broadcast_in_dim3A_76, %broadcast_in_dim3A_80 in 1 : vector<196x1xf32>, vector<196x1xf32>, vector<196x1xf32>, vector<196x1xf32>, vector<196x1xf32>, vector<196x1xf32>, vector<196x1xf32>, vector<196x1xf32> -> vector<196x8xf32>
    %reduce_max3A = arith.constant dense<0xFF800000> : vector<196xf32>
    %reduce_max3A_81 = vector.multi_reduction <maximumf>, %concatenate3A, %reduce_max3A [1] : vector<196x8xf32> to vector<196xf32>
    %broadcast_in_dim3A_82 = vector.shape_cast %reduce_max3A_81 : vector<196xf32> to vector<196x1xf32>
    %sub3A = vector.broadcast %broadcast_in_dim3A_82 : vector<196x1xf32> to vector<196x8xf32>
    %sub3A_83 = arith.subf %concatenate3A, %sub3A : vector<196x8xf32>
    %exp3A = math.exp %sub3A_83 : vector<196x8xf32>
    %reduce_sum3A_84 = arith.constant dense<0.000000e+00> : vector<196xf32>
    %reduce_sum3A_85 = vector.multi_reduction <add>, %exp3A, %reduce_sum3A_84 [1] : vector<196x8xf32> to vector<196xf32>
    %broadcast_in_dim3A_86 = vector.shape_cast %reduce_sum3A_85 : vector<196xf32> to vector<196x1xf32>
    %div3A = vector.broadcast %broadcast_in_dim3A_86 : vector<196x1xf32> to vector<196x8xf32>
    %div3A_87 = arith.divf %exp3A, %div3A : vector<196x8xf32>
    %slice3A = vector.extract_strided_slice %div3A_87 {offsets = [0, 0], sizes = [196, 1], strides = [1, 1]} : vector<196x8xf32> to vector<196x1xf32>
    %mul3A_88 = vector.broadcast %slice3A : vector<196x1xf32> to vector<196x384xf32>
    %mul3A_89 = arith.mulf %mul3A_88, %get3A_4 : vector<196x384xf32>
    %slice3A_90 = vector.extract_strided_slice %div3A_87 {offsets = [0, 1], sizes = [196, 1], strides = [1, 1]} : vector<196x8xf32> to vector<196x1xf32>
    %mul3A_91 = vector.broadcast %slice3A_90 : vector<196x1xf32> to vector<196x384xf32>
    %mul3A_92 = arith.mulf %mul3A_91, %get3A_10 : vector<196x384xf32>
    %add3A = arith.addf %mul3A_89, %mul3A_92 : vector<196x384xf32>
    %slice3A_93 = vector.extract_strided_slice %div3A_87 {offsets = [0, 2], sizes = [196, 1], strides = [1, 1]} : vector<196x8xf32> to vector<196x1xf32>
    %mul3A_94 = vector.broadcast %slice3A_93 : vector<196x1xf32> to vector<196x384xf32>
    %mul3A_95 = arith.mulf %mul3A_94, %get3A_16 : vector<196x384xf32>
    %add3A_96 = arith.addf %add3A, %mul3A_95 : vector<196x384xf32>
    %slice3A_97 = vector.extract_strided_slice %div3A_87 {offsets = [0, 3], sizes = [196, 1], strides = [1, 1]} : vector<196x8xf32> to vector<196x1xf32>
    %mul3A_98 = vector.broadcast %slice3A_97 : vector<196x1xf32> to vector<196x384xf32>
    %mul3A_99 = arith.mulf %mul3A_98, %get3A_22 : vector<196x384xf32>
    %add3A_100 = arith.addf %add3A_96, %mul3A_99 : vector<196x384xf32>
    %slice3A_101 = vector.extract_strided_slice %div3A_87 {offsets = [0, 4], sizes = [196, 1], strides = [1, 1]} : vector<196x8xf32> to vector<196x1xf32>
    %mul3A_102 = vector.broadcast %slice3A_101 : vector<196x1xf32> to vector<196x384xf32>
    %mul3A_103 = arith.mulf %mul3A_102, %get3A_28 : vector<196x384xf32>
    %add3A_104 = arith.addf %add3A_100, %mul3A_103 : vector<196x384xf32>
    %slice3A_105 = vector.extract_strided_slice %div3A_87 {offsets = [0, 5], sizes = [196, 1], strides = [1, 1]} : vector<196x8xf32> to vector<196x1xf32>
    %mul3A_106 = vector.broadcast %slice3A_105 : vector<196x1xf32> to vector<196x384xf32>
    %mul3A_107 = arith.mulf %mul3A_106, %get3A_34 : vector<196x384xf32>
    %add3A_108 = arith.addf %add3A_104, %mul3A_107 : vector<196x384xf32>
    %slice3A_109 = vector.extract_strided_slice %div3A_87 {offsets = [0, 6], sizes = [196, 1], strides = [1, 1]} : vector<196x8xf32> to vector<196x1xf32>
    %mul3A_110 = vector.broadcast %slice3A_109 : vector<196x1xf32> to vector<196x384xf32>
    %mul3A_111 = arith.mulf %mul3A_110, %get3A_40 : vector<196x384xf32>
    %add3A_112 = arith.addf %add3A_108, %mul3A_111 : vector<196x384xf32>
    %slice3A_113 = vector.extract_strided_slice %div3A_87 {offsets = [0, 7], sizes = [196, 1], strides = [1, 1]} : vector<196x8xf32> to vector<196x1xf32>
    %mul3A_114 = vector.broadcast %slice3A_113 : vector<196x1xf32> to vector<196x384xf32>
    %mul3A_115 = arith.mulf %mul3A_114, %get3A_46 : vector<196x384xf32>
    %add3A_116 = arith.addf %add3A_112, %mul3A_115 : vector<196x384xf32>
    %get3A_117 = arith.constant 0 : index
    %get3A_118 = arith.constant 0 : index
    %get3A_119 = arith.constant 384 : index
    %get3A_120 = vector.load %arg2[%get3A_117, %get3A_118, %get3A_119] : memref<1x196x3072xbf16, #tpu.memory_space<vmem>>, vector<1x196x384xbf16>
    %get3A_121 = vector.shape_cast %get3A_120 : vector<1x196x384xbf16> to vector<196x384xbf16>
    %convert_element_type3A_122 = arith.extf %get3A_121 : vector<196x384xbf16> to vector<196x384xf32>
    %mul3A_123 = arith.mulf %get3A_4, %convert_element_type3A_122 : vector<196x384xf32>
    %reduce_sum3A_124 = arith.constant dense<0.000000e+00> : vector<196xf32>
    %reduce_sum3A_125 = vector.multi_reduction <add>, %mul3A_123, %reduce_sum3A_124 [1] : vector<196x384xf32> to vector<196xf32>
    %broadcast_in_dim3A_126 = vector.shape_cast %reduce_sum3A_125 : vector<196xf32> to vector<196x1xf32>
    %mul3A_127 = arith.mulf %get3A_10, %convert_element_type3A_122 : vector<196x384xf32>
    %reduce_sum3A_128 = arith.constant dense<0.000000e+00> : vector<196xf32>
    %reduce_sum3A_129 = vector.multi_reduction <add>, %mul3A_127, %reduce_sum3A_128 [1] : vector<196x384xf32> to vector<196xf32>
    %broadcast_in_dim3A_130 = vector.shape_cast %reduce_sum3A_129 : vector<196xf32> to vector<196x1xf32>
    %mul3A_131 = arith.mulf %get3A_16, %convert_element_type3A_122 : vector<196x384xf32>
    %reduce_sum3A_132 = arith.constant dense<0.000000e+00> : vector<196xf32>
    %reduce_sum3A_133 = vector.multi_reduction <add>, %mul3A_131, %reduce_sum3A_132 [1] : vector<196x384xf32> to vector<196xf32>
    %broadcast_in_dim3A_134 = vector.shape_cast %reduce_sum3A_133 : vector<196xf32> to vector<196x1xf32>
    %mul3A_135 = arith.mulf %get3A_22, %convert_element_type3A_122 : vector<196x384xf32>
    %reduce_sum3A_136 = arith.constant dense<0.000000e+00> : vector<196xf32>
    %reduce_sum3A_137 = vector.multi_reduction <add>, %mul3A_135, %reduce_sum3A_136 [1] : vector<196x384xf32> to vector<196xf32>
    %broadcast_in_dim3A_138 = vector.shape_cast %reduce_sum3A_137 : vector<196xf32> to vector<196x1xf32>
    %mul3A_139 = arith.mulf %get3A_28, %convert_element_type3A_122 : vector<196x384xf32>
    %reduce_sum3A_140 = arith.constant dense<0.000000e+00> : vector<196xf32>
    %reduce_sum3A_141 = vector.multi_reduction <add>, %mul3A_139, %reduce_sum3A_140 [1] : vector<196x384xf32> to vector<196xf32>
    %broadcast_in_dim3A_142 = vector.shape_cast %reduce_sum3A_141 : vector<196xf32> to vector<196x1xf32>
    %mul3A_143 = arith.mulf %get3A_34, %convert_element_type3A_122 : vector<196x384xf32>
    %reduce_sum3A_144 = arith.constant dense<0.000000e+00> : vector<196xf32>
    %reduce_sum3A_145 = vector.multi_reduction <add>, %mul3A_143, %reduce_sum3A_144 [1] : vector<196x384xf32> to vector<196xf32>
    %broadcast_in_dim3A_146 = vector.shape_cast %reduce_sum3A_145 : vector<196xf32> to vector<196x1xf32>
    %mul3A_147 = arith.mulf %get3A_40, %convert_element_type3A_122 : vector<196x384xf32>
    %reduce_sum3A_148 = arith.constant dense<0.000000e+00> : vector<196xf32>
    %reduce_sum3A_149 = vector.multi_reduction <add>, %mul3A_147, %reduce_sum3A_148 [1] : vector<196x384xf32> to vector<196xf32>
    %broadcast_in_dim3A_150 = vector.shape_cast %reduce_sum3A_149 : vector<196xf32> to vector<196x1xf32>
    %mul3A_151 = arith.mulf %get3A_46, %convert_element_type3A_122 : vector<196x384xf32>
    %reduce_sum3A_152 = arith.constant dense<0.000000e+00> : vector<196xf32>
    %reduce_sum3A_153 = vector.multi_reduction <add>, %mul3A_151, %reduce_sum3A_152 [1] : vector<196x384xf32> to vector<196xf32>
    %broadcast_in_dim3A_154 = vector.shape_cast %reduce_sum3A_153 : vector<196xf32> to vector<196x1xf32>
    %concatenate3A_155 = tpu.concatenate %broadcast_in_dim3A_126, %broadcast_in_dim3A_130, %broadcast_in_dim3A_134, %broadcast_in_dim3A_138, %broadcast_in_dim3A_142, %broadcast_in_dim3A_146, %broadcast_in_dim3A_150, %broadcast_in_dim3A_154 in 1 : vector<196x1xf32>, vector<196x1xf32>, vector<196x1xf32>, vector<196x1xf32>, vector<196x1xf32>, vector<196x1xf32>, vector<196x1xf32>, vector<196x1xf32> -> vector<196x8xf32>
    %reduce_max3A_156 = arith.constant dense<0xFF800000> : vector<196xf32>
    %reduce_max3A_157 = vector.multi_reduction <maximumf>, %concatenate3A_155, %reduce_max3A_156 [1] : vector<196x8xf32> to vector<196xf32>
    %broadcast_in_dim3A_158 = vector.shape_cast %reduce_max3A_157 : vector<196xf32> to vector<196x1xf32>
    %sub3A_159 = vector.broadcast %broadcast_in_dim3A_158 : vector<196x1xf32> to vector<196x8xf32>
    %sub3A_160 = arith.subf %concatenate3A_155, %sub3A_159 : vector<196x8xf32>
    %exp3A_161 = math.exp %sub3A_160 : vector<196x8xf32>
    %reduce_sum3A_162 = arith.constant dense<0.000000e+00> : vector<196xf32>
    %reduce_sum3A_163 = vector.multi_reduction <add>, %exp3A_161, %reduce_sum3A_162 [1] : vector<196x8xf32> to vector<196xf32>
    %broadcast_in_dim3A_164 = vector.shape_cast %reduce_sum3A_163 : vector<196xf32> to vector<196x1xf32>
    %div3A_165 = vector.broadcast %broadcast_in_dim3A_164 : vector<196x1xf32> to vector<196x8xf32>
    %div3A_166 = arith.divf %exp3A_161, %div3A_165 : vector<196x8xf32>
    %slice3A_167 = vector.extract_strided_slice %div3A_166 {offsets = [0, 0], sizes = [196, 1], strides = [1, 1]} : vector<196x8xf32> to vector<196x1xf32>
    %mul3A_168 = vector.broadcast %slice3A_167 : vector<196x1xf32> to vector<196x384xf32>
    %mul3A_169 = arith.mulf %mul3A_168, %get3A_4 : vector<196x384xf32>
    %slice3A_170 = vector.extract_strided_slice %div3A_166 {offsets = [0, 1], sizes = [196, 1], strides = [1, 1]} : vector<196x8xf32> to vector<196x1xf32>
    %mul3A_171 = vector.broadcast %slice3A_170 : vector<196x1xf32> to vector<196x384xf32>
    %mul3A_172 = arith.mulf %mul3A_171, %get3A_10 : vector<196x384xf32>
    %add3A_173 = arith.addf %mul3A_169, %mul3A_172 : vector<196x384xf32>
    %slice3A_174 = vector.extract_strided_slice %div3A_166 {offsets = [0, 2], sizes = [196, 1], strides = [1, 1]} : vector<196x8xf32> to vector<196x1xf32>
    %mul3A_175 = vector.broadcast %slice3A_174 : vector<196x1xf32> to vector<196x384xf32>
    %mul3A_176 = arith.mulf %mul3A_175, %get3A_16 : vector<196x384xf32>
    %add3A_177 = arith.addf %add3A_173, %mul3A_176 : vector<196x384xf32>
    %slice3A_178 = vector.extract_strided_slice %div3A_166 {offsets = [0, 3], sizes = [196, 1], strides = [1, 1]} : vector<196x8xf32> to vector<196x1xf32>
    %mul3A_179 = vector.broadcast %slice3A_178 : vector<196x1xf32> to vector<196x384xf32>
    %mul3A_180 = arith.mulf %mul3A_179, %get3A_22 : vector<196x384xf32>
    %add3A_181 = arith.addf %add3A_177, %mul3A_180 : vector<196x384xf32>
    %slice3A_182 = vector.extract_strided_slice %div3A_166 {offsets = [0, 4], sizes = [196, 1], strides = [1, 1]} : vector<196x8xf32> to vector<196x1xf32>
    %mul3A_183 = vector.broadcast %slice3A_182 : vector<196x1xf32> to vector<196x384xf32>
    %mul3A_184 = arith.mulf %mul3A_183, %get3A_28 : vector<196x384xf32>
    %add3A_185 = arith.addf %add3A_181, %mul3A_184 : vector<196x384xf32>
    %slice3A_186 = vector.extract_strided_slice %div3A_166 {offsets = [0, 5], sizes = [196, 1], strides = [1, 1]} : vector<196x8xf32> to vector<196x1xf32>
    %mul3A_187 = vector.broadcast %slice3A_186 : vector<196x1xf32> to vector<196x384xf32>
    %mul3A_188 = arith.mulf %mul3A_187, %get3A_34 : vector<196x384xf32>
    %add3A_189 = arith.addf %add3A_185, %mul3A_188 : vector<196x384xf32>
    %slice3A_190 = vector.extract_strided_slice %div3A_166 {offsets = [0, 6], sizes = [196, 1], strides = [1, 1]} : vector<196x8xf32> to vector<196x1xf32>
    %mul3A_191 = vector.broadcast %slice3A_190 : vector<196x1xf32> to vector<196x384xf32>
    %mul3A_192 = arith.mulf %mul3A_191, %get3A_40 : vector<196x384xf32>
    %add3A_193 = arith.addf %add3A_189, %mul3A_192 : vector<196x384xf32>
    %slice3A_194 = vector.extract_strided_slice %div3A_166 {offsets = [0, 7], sizes = [196, 1], strides = [1, 1]} : vector<196x8xf32> to vector<196x1xf32>
    %mul3A_195 = vector.broadcast %slice3A_194 : vector<196x1xf32> to vector<196x384xf32>
    %mul3A_196 = arith.mulf %mul3A_195, %get3A_46 : vector<196x384xf32>
    %add3A_197 = arith.addf %add3A_193, %mul3A_196 : vector<196x384xf32>
    %get3A_198 = arith.constant 0 : index
    %get3A_199 = arith.constant 0 : index
    %get3A_200 = arith.constant 768 : index
    %get3A_201 = vector.load %arg2[%get3A_198, %get3A_199, %get3A_200] : memref<1x196x3072xbf16, #tpu.memory_space<vmem>>, vector<1x196x384xbf16>
    %get3A_202 = vector.shape_cast %get3A_201 : vector<1x196x384xbf16> to vector<196x384xbf16>
    %convert_element_type3A_203 = arith.extf %get3A_202 : vector<196x384xbf16> to vector<196x384xf32>
    %mul3A_204 = arith.mulf %get3A_4, %convert_element_type3A_203 : vector<196x384xf32>
    %reduce_sum3A_205 = arith.constant dense<0.000000e+00> : vector<196xf32>
    %reduce_sum3A_206 = vector.multi_reduction <add>, %mul3A_204, %reduce_sum3A_205 [1] : vector<196x384xf32> to vector<196xf32>
    %broadcast_in_dim3A_207 = vector.shape_cast %reduce_sum3A_206 : vector<196xf32> to vector<196x1xf32>
    %mul3A_208 = arith.mulf %get3A_10, %convert_element_type3A_203 : vector<196x384xf32>
    %reduce_sum3A_209 = arith.constant dense<0.000000e+00> : vector<196xf32>
    %reduce_sum3A_210 = vector.multi_reduction <add>, %mul3A_208, %reduce_sum3A_209 [1] : vector<196x384xf32> to vector<196xf32>
    %broadcast_in_dim3A_211 = vector.shape_cast %reduce_sum3A_210 : vector<196xf32> to vector<196x1xf32>
    %mul3A_212 = arith.mulf %get3A_16, %convert_element_type3A_203 : vector<196x384xf32>
    %reduce_sum3A_213 = arith.constant dense<0.000000e+00> : vector<196xf32>
    %reduce_sum3A_214 = vector.multi_reduction <add>, %mul3A_212, %reduce_sum3A_213 [1] : vector<196x384xf32> to vector<196xf32>
    %broadcast_in_dim3A_215 = vector.shape_cast %reduce_sum3A_214 : vector<196xf32> to vector<196x1xf32>
    %mul3A_216 = arith.mulf %get3A_22, %convert_element_type3A_203 : vector<196x384xf32>
    %reduce_sum3A_217 = arith.constant dense<0.000000e+00> : vector<196xf32>
    %reduce_sum3A_218 = vector.multi_reduction <add>, %mul3A_216, %reduce_sum3A_217 [1] : vector<196x384xf32> to vector<196xf32>
    %broadcast_in_dim3A_219 = vector.shape_cast %reduce_sum3A_218 : vector<196xf32> to vector<196x1xf32>
    %mul3A_220 = arith.mulf %get3A_28, %convert_element_type3A_203 : vector<196x384xf32>
    %reduce_sum3A_221 = arith.constant dense<0.000000e+00> : vector<196xf32>
    %reduce_sum3A_222 = vector.multi_reduction <add>, %mul3A_220, %reduce_sum3A_221 [1] : vector<196x384xf32> to vector<196xf32>
    %broadcast_in_dim3A_223 = vector.shape_cast %reduce_sum3A_222 : vector<196xf32> to vector<196x1xf32>
    %mul3A_224 = arith.mulf %get3A_34, %convert_element_type3A_203 : vector<196x384xf32>
    %reduce_sum3A_225 = arith.constant dense<0.000000e+00> : vector<196xf32>
    %reduce_sum3A_226 = vector.multi_reduction <add>, %mul3A_224, %reduce_sum3A_225 [1] : vector<196x384xf32> to vector<196xf32>
    %broadcast_in_dim3A_227 = vector.shape_cast %reduce_sum3A_226 : vector<196xf32> to vector<196x1xf32>
    %mul3A_228 = arith.mulf %get3A_40, %convert_element_type3A_203 : vector<196x384xf32>
    %reduce_sum3A_229 = arith.constant dense<0.000000e+00> : vector<196xf32>
    %reduce_sum3A_230 = vector.multi_reduction <add>, %mul3A_228, %reduce_sum3A_229 [1] : vector<196x384xf32> to vector<196xf32>
    %broadcast_in_dim3A_231 = vector.shape_cast %reduce_sum3A_230 : vector<196xf32> to vector<196x1xf32>
    %mul3A_232 = arith.mulf %get3A_46, %convert_element_type3A_203 : vector<196x384xf32>
    %reduce_sum3A_233 = arith.constant dense<0.000000e+00> : vector<196xf32>
    %reduce_sum3A_234 = vector.multi_reduction <add>, %mul3A_232, %reduce_sum3A_233 [1] : vector<196x384xf32> to vector<196xf32>
    %broadcast_in_dim3A_235 = vector.shape_cast %reduce_sum3A_234 : vector<196xf32> to vector<196x1xf32>
    %concatenate3A_236 = tpu.concatenate %broadcast_in_dim3A_207, %broadcast_in_dim3A_211, %broadcast_in_dim3A_215, %broadcast_in_dim3A_219, %broadcast_in_dim3A_223, %broadcast_in_dim3A_227, %broadcast_in_dim3A_231, %broadcast_in_dim3A_235 in 1 : vector<196x1xf32>, vector<196x1xf32>, vector<196x1xf32>, vector<196x1xf32>, vector<196x1xf32>, vector<196x1xf32>, vector<196x1xf32>, vector<196x1xf32> -> vector<196x8xf32>
    %reduce_max3A_237 = arith.constant dense<0xFF800000> : vector<196xf32>
    %reduce_max3A_238 = vector.multi_reduction <maximumf>, %concatenate3A_236, %reduce_max3A_237 [1] : vector<196x8xf32> to vector<196xf32>
    %broadcast_in_dim3A_239 = vector.shape_cast %reduce_max3A_238 : vector<196xf32> to vector<196x1xf32>
    %sub3A_240 = vector.broadcast %broadcast_in_dim3A_239 : vector<196x1xf32> to vector<196x8xf32>
    %sub3A_241 = arith.subf %concatenate3A_236, %sub3A_240 : vector<196x8xf32>
    %exp3A_242 = math.exp %sub3A_241 : vector<196x8xf32>
    %reduce_sum3A_243 = arith.constant dense<0.000000e+00> : vector<196xf32>
    %reduce_sum3A_244 = vector.multi_reduction <add>, %exp3A_242, %reduce_sum3A_243 [1] : vector<196x8xf32> to vector<196xf32>
    %broadcast_in_dim3A_245 = vector.shape_cast %reduce_sum3A_244 : vector<196xf32> to vector<196x1xf32>
    %div3A_246 = vector.broadcast %broadcast_in_dim3A_245 : vector<196x1xf32> to vector<196x8xf32>
    %div3A_247 = arith.divf %exp3A_242, %div3A_246 : vector<196x8xf32>
    %slice3A_248 = vector.extract_strided_slice %div3A_247 {offsets = [0, 0], sizes = [196, 1], strides = [1, 1]} : vector<196x8xf32> to vector<196x1xf32>
    %mul3A_249 = vector.broadcast %slice3A_248 : vector<196x1xf32> to vector<196x384xf32>
    %mul3A_250 = arith.mulf %mul3A_249, %get3A_4 : vector<196x384xf32>
    %slice3A_251 = vector.extract_strided_slice %div3A_247 {offsets = [0, 1], sizes = [196, 1], strides = [1, 1]} : vector<196x8xf32> to vector<196x1xf32>
    %mul3A_252 = vector.broadcast %slice3A_251 : vector<196x1xf32> to vector<196x384xf32>
    %mul3A_253 = arith.mulf %mul3A_252, %get3A_10 : vector<196x384xf32>
    %add3A_254 = arith.addf %mul3A_250, %mul3A_253 : vector<196x384xf32>
    %slice3A_255 = vector.extract_strided_slice %div3A_247 {offsets = [0, 2], sizes = [196, 1], strides = [1, 1]} : vector<196x8xf32> to vector<196x1xf32>
    %mul3A_256 = vector.broadcast %slice3A_255 : vector<196x1xf32> to vector<196x384xf32>
    %mul3A_257 = arith.mulf %mul3A_256, %get3A_16 : vector<196x384xf32>
    %add3A_258 = arith.addf %add3A_254, %mul3A_257 : vector<196x384xf32>
    %slice3A_259 = vector.extract_strided_slice %div3A_247 {offsets = [0, 3], sizes = [196, 1], strides = [1, 1]} : vector<196x8xf32> to vector<196x1xf32>
    %mul3A_260 = vector.broadcast %slice3A_259 : vector<196x1xf32> to vector<196x384xf32>
    %mul3A_261 = arith.mulf %mul3A_260, %get3A_22 : vector<196x384xf32>
    %add3A_262 = arith.addf %add3A_258, %mul3A_261 : vector<196x384xf32>
    %slice3A_263 = vector.extract_strided_slice %div3A_247 {offsets = [0, 4], sizes = [196, 1], strides = [1, 1]} : vector<196x8xf32> to vector<196x1xf32>
    %mul3A_264 = vector.broadcast %slice3A_263 : vector<196x1xf32> to vector<196x384xf32>
    %mul3A_265 = arith.mulf %mul3A_264, %get3A_28 : vector<196x384xf32>
    %add3A_266 = arith.addf %add3A_262, %mul3A_265 : vector<196x384xf32>
    %slice3A_267 = vector.extract_strided_slice %div3A_247 {offsets = [0, 5], sizes = [196, 1], strides = [1, 1]} : vector<196x8xf32> to vector<196x1xf32>
    %mul3A_268 = vector.broadcast %slice3A_267 : vector<196x1xf32> to vector<196x384xf32>
    %mul3A_269 = arith.mulf %mul3A_268, %get3A_34 : vector<196x384xf32>
    %add3A_270 = arith.addf %add3A_266, %mul3A_269 : vector<196x384xf32>
    %slice3A_271 = vector.extract_strided_slice %div3A_247 {offsets = [0, 6], sizes = [196, 1], strides = [1, 1]} : vector<196x8xf32> to vector<196x1xf32>
    %mul3A_272 = vector.broadcast %slice3A_271 : vector<196x1xf32> to vector<196x384xf32>
    %mul3A_273 = arith.mulf %mul3A_272, %get3A_40 : vector<196x384xf32>
    %add3A_274 = arith.addf %add3A_270, %mul3A_273 : vector<196x384xf32>
    %slice3A_275 = vector.extract_strided_slice %div3A_247 {offsets = [0, 7], sizes = [196, 1], strides = [1, 1]} : vector<196x8xf32> to vector<196x1xf32>
    %mul3A_276 = vector.broadcast %slice3A_275 : vector<196x1xf32> to vector<196x384xf32>
    %mul3A_277 = arith.mulf %mul3A_276, %get3A_46 : vector<196x384xf32>
    %add3A_278 = arith.addf %add3A_274, %mul3A_277 : vector<196x384xf32>
    %get3A_279 = arith.constant 0 : index
    %get3A_280 = arith.constant 0 : index
    %get3A_281 = arith.constant 1152 : index
    %get3A_282 = vector.load %arg2[%get3A_279, %get3A_280, %get3A_281] : memref<1x196x3072xbf16, #tpu.memory_space<vmem>>, vector<1x196x384xbf16>
    %get3A_283 = vector.shape_cast %get3A_282 : vector<1x196x384xbf16> to vector<196x384xbf16>
    %convert_element_type3A_284 = arith.extf %get3A_283 : vector<196x384xbf16> to vector<196x384xf32>
    %mul3A_285 = arith.mulf %get3A_4, %convert_element_type3A_284 : vector<196x384xf32>
    %reduce_sum3A_286 = arith.constant dense<0.000000e+00> : vector<196xf32>
    %reduce_sum3A_287 = vector.multi_reduction <add>, %mul3A_285, %reduce_sum3A_286 [1] : vector<196x384xf32> to vector<196xf32>
    %broadcast_in_dim3A_288 = vector.shape_cast %reduce_sum3A_287 : vector<196xf32> to vector<196x1xf32>
    %mul3A_289 = arith.mulf %get3A_10, %convert_element_type3A_284 : vector<196x384xf32>
    %reduce_sum3A_290 = arith.constant dense<0.000000e+00> : vector<196xf32>
    %reduce_sum3A_291 = vector.multi_reduction <add>, %mul3A_289, %reduce_sum3A_290 [1] : vector<196x384xf32> to vector<196xf32>
    %broadcast_in_dim3A_292 = vector.shape_cast %reduce_sum3A_291 : vector<196xf32> to vector<196x1xf32>
    %mul3A_293 = arith.mulf %get3A_16, %convert_element_type3A_284 : vector<196x384xf32>
    %reduce_sum3A_294 = arith.constant dense<0.000000e+00> : vector<196xf32>
    %reduce_sum3A_295 = vector.multi_reduction <add>, %mul3A_293, %reduce_sum3A_294 [1] : vector<196x384xf32> to vector<196xf32>
    %broadcast_in_dim3A_296 = vector.shape_cast %reduce_sum3A_295 : vector<196xf32> to vector<196x1xf32>
    %mul3A_297 = arith.mulf %get3A_22, %convert_element_type3A_284 : vector<196x384xf32>
    %reduce_sum3A_298 = arith.constant dense<0.000000e+00> : vector<196xf32>
    %reduce_sum3A_299 = vector.multi_reduction <add>, %mul3A_297, %reduce_sum3A_298 [1] : vector<196x384xf32> to vector<196xf32>
    %broadcast_in_dim3A_300 = vector.shape_cast %reduce_sum3A_299 : vector<196xf32> to vector<196x1xf32>
    %mul3A_301 = arith.mulf %get3A_28, %convert_element_type3A_284 : vector<196x384xf32>
    %reduce_sum3A_302 = arith.constant dense<0.000000e+00> : vector<196xf32>
    %reduce_sum3A_303 = vector.multi_reduction <add>, %mul3A_301, %reduce_sum3A_302 [1] : vector<196x384xf32> to vector<196xf32>
    %broadcast_in_dim3A_304 = vector.shape_cast %reduce_sum3A_303 : vector<196xf32> to vector<196x1xf32>
    %mul3A_305 = arith.mulf %get3A_34, %convert_element_type3A_284 : vector<196x384xf32>
    %reduce_sum3A_306 = arith.constant dense<0.000000e+00> : vector<196xf32>
    %reduce_sum3A_307 = vector.multi_reduction <add>, %mul3A_305, %reduce_sum3A_306 [1] : vector<196x384xf32> to vector<196xf32>
    %broadcast_in_dim3A_308 = vector.shape_cast %reduce_sum3A_307 : vector<196xf32> to vector<196x1xf32>
    %mul3A_309 = arith.mulf %get3A_40, %convert_element_type3A_284 : vector<196x384xf32>
    %reduce_sum3A_310 = arith.constant dense<0.000000e+00> : vector<196xf32>
    %reduce_sum3A_311 = vector.multi_reduction <add>, %mul3A_309, %reduce_sum3A_310 [1] : vector<196x384xf32> to vector<196xf32>
    %broadcast_in_dim3A_312 = vector.shape_cast %reduce_sum3A_311 : vector<196xf32> to vector<196x1xf32>
    %mul3A_313 = arith.mulf %get3A_46, %convert_element_type3A_284 : vector<196x384xf32>
    %reduce_sum3A_314 = arith.constant dense<0.000000e+00> : vector<196xf32>
    %reduce_sum3A_315 = vector.multi_reduction <add>, %mul3A_313, %reduce_sum3A_314 [1] : vector<196x384xf32> to vector<196xf32>
    %broadcast_in_dim3A_316 = vector.shape_cast %reduce_sum3A_315 : vector<196xf32> to vector<196x1xf32>
    %concatenate3A_317 = tpu.concatenate %broadcast_in_dim3A_288, %broadcast_in_dim3A_292, %broadcast_in_dim3A_296, %broadcast_in_dim3A_300, %broadcast_in_dim3A_304, %broadcast_in_dim3A_308, %broadcast_in_dim3A_312, %broadcast_in_dim3A_316 in 1 : vector<196x1xf32>, vector<196x1xf32>, vector<196x1xf32>, vector<196x1xf32>, vector<196x1xf32>, vector<196x1xf32>, vector<196x1xf32>, vector<196x1xf32> -> vector<196x8xf32>
    %reduce_max3A_318 = arith.constant dense<0xFF800000> : vector<196xf32>
    %reduce_max3A_319 = vector.multi_reduction <maximumf>, %concatenate3A_317, %reduce_max3A_318 [1] : vector<196x8xf32> to vector<196xf32>
    %broadcast_in_dim3A_320 = vector.shape_cast %reduce_max3A_319 : vector<196xf32> to vector<196x1xf32>
    %sub3A_321 = vector.broadcast %broadcast_in_dim3A_320 : vector<196x1xf32> to vector<196x8xf32>
    %sub3A_322 = arith.subf %concatenate3A_317, %sub3A_321 : vector<196x8xf32>
    %exp3A_323 = math.exp %sub3A_322 : vector<196x8xf32>
    %reduce_sum3A_324 = arith.constant dense<0.000000e+00> : vector<196xf32>
    %reduce_sum3A_325 = vector.multi_reduction <add>, %exp3A_323, %reduce_sum3A_324 [1] : vector<196x8xf32> to vector<196xf32>
    %broadcast_in_dim3A_326 = vector.shape_cast %reduce_sum3A_325 : vector<196xf32> to vector<196x1xf32>
    %div3A_327 = vector.broadcast %broadcast_in_dim3A_326 : vector<196x1xf32> to vector<196x8xf32>
    %div3A_328 = arith.divf %exp3A_323, %div3A_327 : vector<196x8xf32>
    %slice3A_329 = vector.extract_strided_slice %div3A_328 {offsets = [0, 0], sizes = [196, 1], strides = [1, 1]} : vector<196x8xf32> to vector<196x1xf32>
    %mul3A_330 = vector.broadcast %slice3A_329 : vector<196x1xf32> to vector<196x384xf32>
    %mul3A_331 = arith.mulf %mul3A_330, %get3A_4 : vector<196x384xf32>
    %slice3A_332 = vector.extract_strided_slice %div3A_328 {offsets = [0, 1], sizes = [196, 1], strides = [1, 1]} : vector<196x8xf32> to vector<196x1xf32>
    %mul3A_333 = vector.broadcast %slice3A_332 : vector<196x1xf32> to vector<196x384xf32>
    %mul3A_334 = arith.mulf %mul3A_333, %get3A_10 : vector<196x384xf32>
    %add3A_335 = arith.addf %mul3A_331, %mul3A_334 : vector<196x384xf32>
    %slice3A_336 = vector.extract_strided_slice %div3A_328 {offsets = [0, 2], sizes = [196, 1], strides = [1, 1]} : vector<196x8xf32> to vector<196x1xf32>
    %mul3A_337 = vector.broadcast %slice3A_336 : vector<196x1xf32> to vector<196x384xf32>
    %mul3A_338 = arith.mulf %mul3A_337, %get3A_16 : vector<196x384xf32>
    %add3A_339 = arith.addf %add3A_335, %mul3A_338 : vector<196x384xf32>
    %slice3A_340 = vector.extract_strided_slice %div3A_328 {offsets = [0, 3], sizes = [196, 1], strides = [1, 1]} : vector<196x8xf32> to vector<196x1xf32>
    %mul3A_341 = vector.broadcast %slice3A_340 : vector<196x1xf32> to vector<196x384xf32>
    %mul3A_342 = arith.mulf %mul3A_341, %get3A_22 : vector<196x384xf32>
    %add3A_343 = arith.addf %add3A_339, %mul3A_342 : vector<196x384xf32>
    %slice3A_344 = vector.extract_strided_slice %div3A_328 {offsets = [0, 4], sizes = [196, 1], strides = [1, 1]} : vector<196x8xf32> to vector<196x1xf32>
    %mul3A_345 = vector.broadcast %slice3A_344 : vector<196x1xf32> to vector<196x384xf32>
    %mul3A_346 = arith.mulf %mul3A_345, %get3A_28 : vector<196x384xf32>
    %add3A_347 = arith.addf %add3A_343, %mul3A_346 : vector<196x384xf32>
    %slice3A_348 = vector.extract_strided_slice %div3A_328 {offsets = [0, 5], sizes = [196, 1], strides = [1, 1]} : vector<196x8xf32> to vector<196x1xf32>
    %mul3A_349 = vector.broadcast %slice3A_348 : vector<196x1xf32> to vector<196x384xf32>
    %mul3A_350 = arith.mulf %mul3A_349, %get3A_34 : vector<196x384xf32>
    %add3A_351 = arith.addf %add3A_347, %mul3A_350 : vector<196x384xf32>
    %slice3A_352 = vector.extract_strided_slice %div3A_328 {offsets = [0, 6], sizes = [196, 1], strides = [1, 1]} : vector<196x8xf32> to vector<196x1xf32>
    %mul3A_353 = vector.broadcast %slice3A_352 : vector<196x1xf32> to vector<196x384xf32>
    %mul3A_354 = arith.mulf %mul3A_353, %get3A_40 : vector<196x384xf32>
    %add3A_355 = arith.addf %add3A_351, %mul3A_354 : vector<196x384xf32>
    %slice3A_356 = vector.extract_strided_slice %div3A_328 {offsets = [0, 7], sizes = [196, 1], strides = [1, 1]} : vector<196x8xf32> to vector<196x1xf32>
    %mul3A_357 = vector.broadcast %slice3A_356 : vector<196x1xf32> to vector<196x384xf32>
    %mul3A_358 = arith.mulf %mul3A_357, %get3A_46 : vector<196x384xf32>
    %add3A_359 = arith.addf %add3A_355, %mul3A_358 : vector<196x384xf32>
    %get3A_360 = arith.constant 0 : index
    %get3A_361 = arith.constant 0 : index
    %get3A_362 = arith.constant 1536 : index
    %get3A_363 = vector.load %arg2[%get3A_360, %get3A_361, %get3A_362] : memref<1x196x3072xbf16, #tpu.memory_space<vmem>>, vector<1x196x384xbf16>
    %get3A_364 = vector.shape_cast %get3A_363 : vector<1x196x384xbf16> to vector<196x384xbf16>
    %convert_element_type3A_365 = arith.extf %get3A_364 : vector<196x384xbf16> to vector<196x384xf32>
    %mul3A_366 = arith.mulf %get3A_4, %convert_element_type3A_365 : vector<196x384xf32>
    %reduce_sum3A_367 = arith.constant dense<0.000000e+00> : vector<196xf32>
    %reduce_sum3A_368 = vector.multi_reduction <add>, %mul3A_366, %reduce_sum3A_367 [1] : vector<196x384xf32> to vector<196xf32>
    %broadcast_in_dim3A_369 = vector.shape_cast %reduce_sum3A_368 : vector<196xf32> to vector<196x1xf32>
    %mul3A_370 = arith.mulf %get3A_10, %convert_element_type3A_365 : vector<196x384xf32>
    %reduce_sum3A_371 = arith.constant dense<0.000000e+00> : vector<196xf32>
    %reduce_sum3A_372 = vector.multi_reduction <add>, %mul3A_370, %reduce_sum3A_371 [1] : vector<196x384xf32> to vector<196xf32>
    %broadcast_in_dim3A_373 = vector.shape_cast %reduce_sum3A_372 : vector<196xf32> to vector<196x1xf32>
    %mul3A_374 = arith.mulf %get3A_16, %convert_element_type3A_365 : vector<196x384xf32>
    %reduce_sum3A_375 = arith.constant dense<0.000000e+00> : vector<196xf32>
    %reduce_sum3A_376 = vector.multi_reduction <add>, %mul3A_374, %reduce_sum3A_375 [1] : vector<196x384xf32> to vector<196xf32>
    %broadcast_in_dim3A_377 = vector.shape_cast %reduce_sum3A_376 : vector<196xf32> to vector<196x1xf32>
    %mul3A_378 = arith.mulf %get3A_22, %convert_element_type3A_365 : vector<196x384xf32>
    %reduce_sum3A_379 = arith.constant dense<0.000000e+00> : vector<196xf32>
    %reduce_sum3A_380 = vector.multi_reduction <add>, %mul3A_378, %reduce_sum3A_379 [1] : vector<196x384xf32> to vector<196xf32>
    %broadcast_in_dim3A_381 = vector.shape_cast %reduce_sum3A_380 : vector<196xf32> to vector<196x1xf32>
    %mul3A_382 = arith.mulf %get3A_28, %convert_element_type3A_365 : vector<196x384xf32>
    %reduce_sum3A_383 = arith.constant dense<0.000000e+00> : vector<196xf32>
    %reduce_sum3A_384 = vector.multi_reduction <add>, %mul3A_382, %reduce_sum3A_383 [1] : vector<196x384xf32> to vector<196xf32>
    %broadcast_in_dim3A_385 = vector.shape_cast %reduce_sum3A_384 : vector<196xf32> to vector<196x1xf32>
    %mul3A_386 = arith.mulf %get3A_34, %convert_element_type3A_365 : vector<196x384xf32>
    %reduce_sum3A_387 = arith.constant dense<0.000000e+00> : vector<196xf32>
    %reduce_sum3A_388 = vector.multi_reduction <add>, %mul3A_386, %reduce_sum3A_387 [1] : vector<196x384xf32> to vector<196xf32>
    %broadcast_in_dim3A_389 = vector.shape_cast %reduce_sum3A_388 : vector<196xf32> to vector<196x1xf32>
    %mul3A_390 = arith.mulf %get3A_40, %convert_element_type3A_365 : vector<196x384xf32>
    %reduce_sum3A_391 = arith.constant dense<0.000000e+00> : vector<196xf32>
    %reduce_sum3A_392 = vector.multi_reduction <add>, %mul3A_390, %reduce_sum3A_391 [1] : vector<196x384xf32> to vector<196xf32>
    %broadcast_in_dim3A_393 = vector.shape_cast %reduce_sum3A_392 : vector<196xf32> to vector<196x1xf32>
    %mul3A_394 = arith.mulf %get3A_46, %convert_element_type3A_365 : vector<196x384xf32>
    %reduce_sum3A_395 = arith.constant dense<0.000000e+00> : vector<196xf32>
    %reduce_sum3A_396 = vector.multi_reduction <add>, %mul3A_394, %reduce_sum3A_395 [1] : vector<196x384xf32> to vector<196xf32>
    %broadcast_in_dim3A_397 = vector.shape_cast %reduce_sum3A_396 : vector<196xf32> to vector<196x1xf32>
    %concatenate3A_398 = tpu.concatenate %broadcast_in_dim3A_369, %broadcast_in_dim3A_373, %broadcast_in_dim3A_377, %broadcast_in_dim3A_381, %broadcast_in_dim3A_385, %broadcast_in_dim3A_389, %broadcast_in_dim3A_393, %broadcast_in_dim3A_397 in 1 : vector<196x1xf32>, vector<196x1xf32>, vector<196x1xf32>, vector<196x1xf32>, vector<196x1xf32>, vector<196x1xf32>, vector<196x1xf32>, vector<196x1xf32> -> vector<196x8xf32>
    %reduce_max3A_399 = arith.constant dense<0xFF800000> : vector<196xf32>
    %reduce_max3A_400 = vector.multi_reduction <maximumf>, %concatenate3A_398, %reduce_max3A_399 [1] : vector<196x8xf32> to vector<196xf32>
    %broadcast_in_dim3A_401 = vector.shape_cast %reduce_max3A_400 : vector<196xf32> to vector<196x1xf32>
    %sub3A_402 = vector.broadcast %broadcast_in_dim3A_401 : vector<196x1xf32> to vector<196x8xf32>
    %sub3A_403 = arith.subf %concatenate3A_398, %sub3A_402 : vector<196x8xf32>
    %exp3A_404 = math.exp %sub3A_403 : vector<196x8xf32>
    %reduce_sum3A_405 = arith.constant dense<0.000000e+00> : vector<196xf32>
    %reduce_sum3A_406 = vector.multi_reduction <add>, %exp3A_404, %reduce_sum3A_405 [1] : vector<196x8xf32> to vector<196xf32>
    %broadcast_in_dim3A_407 = vector.shape_cast %reduce_sum3A_406 : vector<196xf32> to vector<196x1xf32>
    %div3A_408 = vector.broadcast %broadcast_in_dim3A_407 : vector<196x1xf32> to vector<196x8xf32>
    %div3A_409 = arith.divf %exp3A_404, %div3A_408 : vector<196x8xf32>
    %slice3A_410 = vector.extract_strided_slice %div3A_409 {offsets = [0, 0], sizes = [196, 1], strides = [1, 1]} : vector<196x8xf32> to vector<196x1xf32>
    %mul3A_411 = vector.broadcast %slice3A_410 : vector<196x1xf32> to vector<196x384xf32>
    %mul3A_412 = arith.mulf %mul3A_411, %get3A_4 : vector<196x384xf32>
    %slice3A_413 = vector.extract_strided_slice %div3A_409 {offsets = [0, 1], sizes = [196, 1], strides = [1, 1]} : vector<196x8xf32> to vector<196x1xf32>
    %mul3A_414 = vector.broadcast %slice3A_413 : vector<196x1xf32> to vector<196x384xf32>
    %mul3A_415 = arith.mulf %mul3A_414, %get3A_10 : vector<196x384xf32>
    %add3A_416 = arith.addf %mul3A_412, %mul3A_415 : vector<196x384xf32>
    %slice3A_417 = vector.extract_strided_slice %div3A_409 {offsets = [0, 2], sizes = [196, 1], strides = [1, 1]} : vector<196x8xf32> to vector<196x1xf32>
    %mul3A_418 = vector.broadcast %slice3A_417 : vector<196x1xf32> to vector<196x384xf32>
    %mul3A_419 = arith.mulf %mul3A_418, %get3A_16 : vector<196x384xf32>
    %add3A_420 = arith.addf %add3A_416, %mul3A_419 : vector<196x384xf32>
    %slice3A_421 = vector.extract_strided_slice %div3A_409 {offsets = [0, 3], sizes = [196, 1], strides = [1, 1]} : vector<196x8xf32> to vector<196x1xf32>
    %mul3A_422 = vector.broadcast %slice3A_421 : vector<196x1xf32> to vector<196x384xf32>
    %mul3A_423 = arith.mulf %mul3A_422, %get3A_22 : vector<196x384xf32>
    %add3A_424 = arith.addf %add3A_420, %mul3A_423 : vector<196x384xf32>
    %slice3A_425 = vector.extract_strided_slice %div3A_409 {offsets = [0, 4], sizes = [196, 1], strides = [1, 1]} : vector<196x8xf32> to vector<196x1xf32>
    %mul3A_426 = vector.broadcast %slice3A_425 : vector<196x1xf32> to vector<196x384xf32>
    %mul3A_427 = arith.mulf %mul3A_426, %get3A_28 : vector<196x384xf32>
    %add3A_428 = arith.addf %add3A_424, %mul3A_427 : vector<196x384xf32>
    %slice3A_429 = vector.extract_strided_slice %div3A_409 {offsets = [0, 5], sizes = [196, 1], strides = [1, 1]} : vector<196x8xf32> to vector<196x1xf32>
    %mul3A_430 = vector.broadcast %slice3A_429 : vector<196x1xf32> to vector<196x384xf32>
    %mul3A_431 = arith.mulf %mul3A_430, %get3A_34 : vector<196x384xf32>
    %add3A_432 = arith.addf %add3A_428, %mul3A_431 : vector<196x384xf32>
    %slice3A_433 = vector.extract_strided_slice %div3A_409 {offsets = [0, 6], sizes = [196, 1], strides = [1, 1]} : vector<196x8xf32> to vector<196x1xf32>
    %mul3A_434 = vector.broadcast %slice3A_433 : vector<196x1xf32> to vector<196x384xf32>
    %mul3A_435 = arith.mulf %mul3A_434, %get3A_40 : vector<196x384xf32>
    %add3A_436 = arith.addf %add3A_432, %mul3A_435 : vector<196x384xf32>
    %slice3A_437 = vector.extract_strided_slice %div3A_409 {offsets = [0, 7], sizes = [196, 1], strides = [1, 1]} : vector<196x8xf32> to vector<196x1xf32>
    %mul3A_438 = vector.broadcast %slice3A_437 : vector<196x1xf32> to vector<196x384xf32>
    %mul3A_439 = arith.mulf %mul3A_438, %get3A_46 : vector<196x384xf32>
    %add3A_440 = arith.addf %add3A_436, %mul3A_439 : vector<196x384xf32>
    %get3A_441 = arith.constant 0 : index
    %get3A_442 = arith.constant 0 : index
    %get3A_443 = arith.constant 1920 : index
    %get3A_444 = vector.load %arg2[%get3A_441, %get3A_442, %get3A_443] : memref<1x196x3072xbf16, #tpu.memory_space<vmem>>, vector<1x196x384xbf16>
    %get3A_445 = vector.shape_cast %get3A_444 : vector<1x196x384xbf16> to vector<196x384xbf16>
    %convert_element_type3A_446 = arith.extf %get3A_445 : vector<196x384xbf16> to vector<196x384xf32>
    %mul3A_447 = arith.mulf %get3A_4, %convert_element_type3A_446 : vector<196x384xf32>
    %reduce_sum3A_448 = arith.constant dense<0.000000e+00> : vector<196xf32>
    %reduce_sum3A_449 = vector.multi_reduction <add>, %mul3A_447, %reduce_sum3A_448 [1] : vector<196x384xf32> to vector<196xf32>
    %broadcast_in_dim3A_450 = vector.shape_cast %reduce_sum3A_449 : vector<196xf32> to vector<196x1xf32>
    %mul3A_451 = arith.mulf %get3A_10, %convert_element_type3A_446 : vector<196x384xf32>
    %reduce_sum3A_452 = arith.constant dense<0.000000e+00> : vector<196xf32>
    %reduce_sum3A_453 = vector.multi_reduction <add>, %mul3A_451, %reduce_sum3A_452 [1] : vector<196x384xf32> to vector<196xf32>
    %broadcast_in_dim3A_454 = vector.shape_cast %reduce_sum3A_453 : vector<196xf32> to vector<196x1xf32>
    %mul3A_455 = arith.mulf %get3A_16, %convert_element_type3A_446 : vector<196x384xf32>
    %reduce_sum3A_456 = arith.constant dense<0.000000e+00> : vector<196xf32>
    %reduce_sum3A_457 = vector.multi_reduction <add>, %mul3A_455, %reduce_sum3A_456 [1] : vector<196x384xf32> to vector<196xf32>
    %broadcast_in_dim3A_458 = vector.shape_cast %reduce_sum3A_457 : vector<196xf32> to vector<196x1xf32>
    %mul3A_459 = arith.mulf %get3A_22, %convert_element_type3A_446 : vector<196x384xf32>
    %reduce_sum3A_460 = arith.constant dense<0.000000e+00> : vector<196xf32>
    %reduce_sum3A_461 = vector.multi_reduction <add>, %mul3A_459, %reduce_sum3A_460 [1] : vector<196x384xf32> to vector<196xf32>
    %broadcast_in_dim3A_462 = vector.shape_cast %reduce_sum3A_461 : vector<196xf32> to vector<196x1xf32>
    %mul3A_463 = arith.mulf %get3A_28, %convert_element_type3A_446 : vector<196x384xf32>
    %reduce_sum3A_464 = arith.constant dense<0.000000e+00> : vector<196xf32>
    %reduce_sum3A_465 = vector.multi_reduction <add>, %mul3A_463, %reduce_sum3A_464 [1] : vector<196x384xf32> to vector<196xf32>
    %broadcast_in_dim3A_466 = vector.shape_cast %reduce_sum3A_465 : vector<196xf32> to vector<196x1xf32>
    %mul3A_467 = arith.mulf %get3A_34, %convert_element_type3A_446 : vector<196x384xf32>
    %reduce_sum3A_468 = arith.constant dense<0.000000e+00> : vector<196xf32>
    %reduce_sum3A_469 = vector.multi_reduction <add>, %mul3A_467, %reduce_sum3A_468 [1] : vector<196x384xf32> to vector<196xf32>
    %broadcast_in_dim3A_470 = vector.shape_cast %reduce_sum3A_469 : vector<196xf32> to vector<196x1xf32>
    %mul3A_471 = arith.mulf %get3A_40, %convert_element_type3A_446 : vector<196x384xf32>
    %reduce_sum3A_472 = arith.constant dense<0.000000e+00> : vector<196xf32>
    %reduce_sum3A_473 = vector.multi_reduction <add>, %mul3A_471, %reduce_sum3A_472 [1] : vector<196x384xf32> to vector<196xf32>
    %broadcast_in_dim3A_474 = vector.shape_cast %reduce_sum3A_473 : vector<196xf32> to vector<196x1xf32>
    %mul3A_475 = arith.mulf %get3A_46, %convert_element_type3A_446 : vector<196x384xf32>
    %reduce_sum3A_476 = arith.constant dense<0.000000e+00> : vector<196xf32>
    %reduce_sum3A_477 = vector.multi_reduction <add>, %mul3A_475, %reduce_sum3A_476 [1] : vector<196x384xf32> to vector<196xf32>
    %broadcast_in_dim3A_478 = vector.shape_cast %reduce_sum3A_477 : vector<196xf32> to vector<196x1xf32>
    %concatenate3A_479 = tpu.concatenate %broadcast_in_dim3A_450, %broadcast_in_dim3A_454, %broadcast_in_dim3A_458, %broadcast_in_dim3A_462, %broadcast_in_dim3A_466, %broadcast_in_dim3A_470, %broadcast_in_dim3A_474, %broadcast_in_dim3A_478 in 1 : vector<196x1xf32>, vector<196x1xf32>, vector<196x1xf32>, vector<196x1xf32>, vector<196x1xf32>, vector<196x1xf32>, vector<196x1xf32>, vector<196x1xf32> -> vector<196x8xf32>
    %reduce_max3A_480 = arith.constant dense<0xFF800000> : vector<196xf32>
    %reduce_max3A_481 = vector.multi_reduction <maximumf>, %concatenate3A_479, %reduce_max3A_480 [1] : vector<196x8xf32> to vector<196xf32>
    %broadcast_in_dim3A_482 = vector.shape_cast %reduce_max3A_481 : vector<196xf32> to vector<196x1xf32>
    %sub3A_483 = vector.broadcast %broadcast_in_dim3A_482 : vector<196x1xf32> to vector<196x8xf32>
    %sub3A_484 = arith.subf %concatenate3A_479, %sub3A_483 : vector<196x8xf32>
    %exp3A_485 = math.exp %sub3A_484 : vector<196x8xf32>
    %reduce_sum3A_486 = arith.constant dense<0.000000e+00> : vector<196xf32>
    %reduce_sum3A_487 = vector.multi_reduction <add>, %exp3A_485, %reduce_sum3A_486 [1] : vector<196x8xf32> to vector<196xf32>
    %broadcast_in_dim3A_488 = vector.shape_cast %reduce_sum3A_487 : vector<196xf32> to vector<196x1xf32>
    %div3A_489 = vector.broadcast %broadcast_in_dim3A_488 : vector<196x1xf32> to vector<196x8xf32>
    %div3A_490 = arith.divf %exp3A_485, %div3A_489 : vector<196x8xf32>
    %slice3A_491 = vector.extract_strided_slice %div3A_490 {offsets = [0, 0], sizes = [196, 1], strides = [1, 1]} : vector<196x8xf32> to vector<196x1xf32>
    %mul3A_492 = vector.broadcast %slice3A_491 : vector<196x1xf32> to vector<196x384xf32>
    %mul3A_493 = arith.mulf %mul3A_492, %get3A_4 : vector<196x384xf32>
    %slice3A_494 = vector.extract_strided_slice %div3A_490 {offsets = [0, 1], sizes = [196, 1], strides = [1, 1]} : vector<196x8xf32> to vector<196x1xf32>
    %mul3A_495 = vector.broadcast %slice3A_494 : vector<196x1xf32> to vector<196x384xf32>
    %mul3A_496 = arith.mulf %mul3A_495, %get3A_10 : vector<196x384xf32>
    %add3A_497 = arith.addf %mul3A_493, %mul3A_496 : vector<196x384xf32>
    %slice3A_498 = vector.extract_strided_slice %div3A_490 {offsets = [0, 2], sizes = [196, 1], strides = [1, 1]} : vector<196x8xf32> to vector<196x1xf32>
    %mul3A_499 = vector.broadcast %slice3A_498 : vector<196x1xf32> to vector<196x384xf32>
    %mul3A_500 = arith.mulf %mul3A_499, %get3A_16 : vector<196x384xf32>
    %add3A_501 = arith.addf %add3A_497, %mul3A_500 : vector<196x384xf32>
    %slice3A_502 = vector.extract_strided_slice %div3A_490 {offsets = [0, 3], sizes = [196, 1], strides = [1, 1]} : vector<196x8xf32> to vector<196x1xf32>
    %mul3A_503 = vector.broadcast %slice3A_502 : vector<196x1xf32> to vector<196x384xf32>
    %mul3A_504 = arith.mulf %mul3A_503, %get3A_22 : vector<196x384xf32>
    %add3A_505 = arith.addf %add3A_501, %mul3A_504 : vector<196x384xf32>
    %slice3A_506 = vector.extract_strided_slice %div3A_490 {offsets = [0, 4], sizes = [196, 1], strides = [1, 1]} : vector<196x8xf32> to vector<196x1xf32>
    %mul3A_507 = vector.broadcast %slice3A_506 : vector<196x1xf32> to vector<196x384xf32>
    %mul3A_508 = arith.mulf %mul3A_507, %get3A_28 : vector<196x384xf32>
    %add3A_509 = arith.addf %add3A_505, %mul3A_508 : vector<196x384xf32>
    %slice3A_510 = vector.extract_strided_slice %div3A_490 {offsets = [0, 5], sizes = [196, 1], strides = [1, 1]} : vector<196x8xf32> to vector<196x1xf32>
    %mul3A_511 = vector.broadcast %slice3A_510 : vector<196x1xf32> to vector<196x384xf32>
    %mul3A_512 = arith.mulf %mul3A_511, %get3A_34 : vector<196x384xf32>
    %add3A_513 = arith.addf %add3A_509, %mul3A_512 : vector<196x384xf32>
    %slice3A_514 = vector.extract_strided_slice %div3A_490 {offsets = [0, 6], sizes = [196, 1], strides = [1, 1]} : vector<196x8xf32> to vector<196x1xf32>
    %mul3A_515 = vector.broadcast %slice3A_514 : vector<196x1xf32> to vector<196x384xf32>
    %mul3A_516 = arith.mulf %mul3A_515, %get3A_40 : vector<196x384xf32>
    %add3A_517 = arith.addf %add3A_513, %mul3A_516 : vector<196x384xf32>
    %slice3A_518 = vector.extract_strided_slice %div3A_490 {offsets = [0, 7], sizes = [196, 1], strides = [1, 1]} : vector<196x8xf32> to vector<196x1xf32>
    %mul3A_519 = vector.broadcast %slice3A_518 : vector<196x1xf32> to vector<196x384xf32>
    %mul3A_520 = arith.mulf %mul3A_519, %get3A_46 : vector<196x384xf32>
    %add3A_521 = arith.addf %add3A_517, %mul3A_520 : vector<196x384xf32>
    %get3A_522 = arith.constant 0 : index
    %get3A_523 = arith.constant 0 : index
    %get3A_524 = arith.constant 2304 : index
    %get3A_525 = vector.load %arg2[%get3A_522, %get3A_523, %get3A_524] : memref<1x196x3072xbf16, #tpu.memory_space<vmem>>, vector<1x196x384xbf16>
    %get3A_526 = vector.shape_cast %get3A_525 : vector<1x196x384xbf16> to vector<196x384xbf16>
    %convert_element_type3A_527 = arith.extf %get3A_526 : vector<196x384xbf16> to vector<196x384xf32>
    %mul3A_528 = arith.mulf %get3A_4, %convert_element_type3A_527 : vector<196x384xf32>
    %reduce_sum3A_529 = arith.constant dense<0.000000e+00> : vector<196xf32>
    %reduce_sum3A_530 = vector.multi_reduction <add>, %mul3A_528, %reduce_sum3A_529 [1] : vector<196x384xf32> to vector<196xf32>
    %broadcast_in_dim3A_531 = vector.shape_cast %reduce_sum3A_530 : vector<196xf32> to vector<196x1xf32>
    %mul3A_532 = arith.mulf %get3A_10, %convert_element_type3A_527 : vector<196x384xf32>
    %reduce_sum3A_533 = arith.constant dense<0.000000e+00> : vector<196xf32>
    %reduce_sum3A_534 = vector.multi_reduction <add>, %mul3A_532, %reduce_sum3A_533 [1] : vector<196x384xf32> to vector<196xf32>
    %broadcast_in_dim3A_535 = vector.shape_cast %reduce_sum3A_534 : vector<196xf32> to vector<196x1xf32>
    %mul3A_536 = arith.mulf %get3A_16, %convert_element_type3A_527 : vector<196x384xf32>
    %reduce_sum3A_537 = arith.constant dense<0.000000e+00> : vector<196xf32>
    %reduce_sum3A_538 = vector.multi_reduction <add>, %mul3A_536, %reduce_sum3A_537 [1] : vector<196x384xf32> to vector<196xf32>
    %broadcast_in_dim3A_539 = vector.shape_cast %reduce_sum3A_538 : vector<196xf32> to vector<196x1xf32>
    %mul3A_540 = arith.mulf %get3A_22, %convert_element_type3A_527 : vector<196x384xf32>
    %reduce_sum3A_541 = arith.constant dense<0.000000e+00> : vector<196xf32>
    %reduce_sum3A_542 = vector.multi_reduction <add>, %mul3A_540, %reduce_sum3A_541 [1] : vector<196x384xf32> to vector<196xf32>
    %broadcast_in_dim3A_543 = vector.shape_cast %reduce_sum3A_542 : vector<196xf32> to vector<196x1xf32>
    %mul3A_544 = arith.mulf %get3A_28, %convert_element_type3A_527 : vector<196x384xf32>
    %reduce_sum3A_545 = arith.constant dense<0.000000e+00> : vector<196xf32>
    %reduce_sum3A_546 = vector.multi_reduction <add>, %mul3A_544, %reduce_sum3A_545 [1] : vector<196x384xf32> to vector<196xf32>
    %broadcast_in_dim3A_547 = vector.shape_cast %reduce_sum3A_546 : vector<196xf32> to vector<196x1xf32>
    %mul3A_548 = arith.mulf %get3A_34, %convert_element_type3A_527 : vector<196x384xf32>
    %reduce_sum3A_549 = arith.constant dense<0.000000e+00> : vector<196xf32>
    %reduce_sum3A_550 = vector.multi_reduction <add>, %mul3A_548, %reduce_sum3A_549 [1] : vector<196x384xf32> to vector<196xf32>
    %broadcast_in_dim3A_551 = vector.shape_cast %reduce_sum3A_550 : vector<196xf32> to vector<196x1xf32>
    %mul3A_552 = arith.mulf %get3A_40, %convert_element_type3A_527 : vector<196x384xf32>
    %reduce_sum3A_553 = arith.constant dense<0.000000e+00> : vector<196xf32>
    %reduce_sum3A_554 = vector.multi_reduction <add>, %mul3A_552, %reduce_sum3A_553 [1] : vector<196x384xf32> to vector<196xf32>
    %broadcast_in_dim3A_555 = vector.shape_cast %reduce_sum3A_554 : vector<196xf32> to vector<196x1xf32>
    %mul3A_556 = arith.mulf %get3A_46, %convert_element_type3A_527 : vector<196x384xf32>
    %reduce_sum3A_557 = arith.constant dense<0.000000e+00> : vector<196xf32>
    %reduce_sum3A_558 = vector.multi_reduction <add>, %mul3A_556, %reduce_sum3A_557 [1] : vector<196x384xf32> to vector<196xf32>
    %broadcast_in_dim3A_559 = vector.shape_cast %reduce_sum3A_558 : vector<196xf32> to vector<196x1xf32>
    %concatenate3A_560 = tpu.concatenate %broadcast_in_dim3A_531, %broadcast_in_dim3A_535, %broadcast_in_dim3A_539, %broadcast_in_dim3A_543, %broadcast_in_dim3A_547, %broadcast_in_dim3A_551, %broadcast_in_dim3A_555, %broadcast_in_dim3A_559 in 1 : vector<196x1xf32>, vector<196x1xf32>, vector<196x1xf32>, vector<196x1xf32>, vector<196x1xf32>, vector<196x1xf32>, vector<196x1xf32>, vector<196x1xf32> -> vector<196x8xf32>
    %reduce_max3A_561 = arith.constant dense<0xFF800000> : vector<196xf32>
    %reduce_max3A_562 = vector.multi_reduction <maximumf>, %concatenate3A_560, %reduce_max3A_561 [1] : vector<196x8xf32> to vector<196xf32>
    %broadcast_in_dim3A_563 = vector.shape_cast %reduce_max3A_562 : vector<196xf32> to vector<196x1xf32>
    %sub3A_564 = vector.broadcast %broadcast_in_dim3A_563 : vector<196x1xf32> to vector<196x8xf32>
    %sub3A_565 = arith.subf %concatenate3A_560, %sub3A_564 : vector<196x8xf32>
    %exp3A_566 = math.exp %sub3A_565 : vector<196x8xf32>
    %reduce_sum3A_567 = arith.constant dense<0.000000e+00> : vector<196xf32>
    %reduce_sum3A_568 = vector.multi_reduction <add>, %exp3A_566, %reduce_sum3A_567 [1] : vector<196x8xf32> to vector<196xf32>
    %broadcast_in_dim3A_569 = vector.shape_cast %reduce_sum3A_568 : vector<196xf32> to vector<196x1xf32>
    %div3A_570 = vector.broadcast %broadcast_in_dim3A_569 : vector<196x1xf32> to vector<196x8xf32>
    %div3A_571 = arith.divf %exp3A_566, %div3A_570 : vector<196x8xf32>
    %slice3A_572 = vector.extract_strided_slice %div3A_571 {offsets = [0, 0], sizes = [196, 1], strides = [1, 1]} : vector<196x8xf32> to vector<196x1xf32>
    %mul3A_573 = vector.broadcast %slice3A_572 : vector<196x1xf32> to vector<196x384xf32>
    %mul3A_574 = arith.mulf %mul3A_573, %get3A_4 : vector<196x384xf32>
    %slice3A_575 = vector.extract_strided_slice %div3A_571 {offsets = [0, 1], sizes = [196, 1], strides = [1, 1]} : vector<196x8xf32> to vector<196x1xf32>
    %mul3A_576 = vector.broadcast %slice3A_575 : vector<196x1xf32> to vector<196x384xf32>
    %mul3A_577 = arith.mulf %mul3A_576, %get3A_10 : vector<196x384xf32>
    %add3A_578 = arith.addf %mul3A_574, %mul3A_577 : vector<196x384xf32>
    %slice3A_579 = vector.extract_strided_slice %div3A_571 {offsets = [0, 2], sizes = [196, 1], strides = [1, 1]} : vector<196x8xf32> to vector<196x1xf32>
    %mul3A_580 = vector.broadcast %slice3A_579 : vector<196x1xf32> to vector<196x384xf32>
    %mul3A_581 = arith.mulf %mul3A_580, %get3A_16 : vector<196x384xf32>
    %add3A_582 = arith.addf %add3A_578, %mul3A_581 : vector<196x384xf32>
    %slice3A_583 = vector.extract_strided_slice %div3A_571 {offsets = [0, 3], sizes = [196, 1], strides = [1, 1]} : vector<196x8xf32> to vector<196x1xf32>
    %mul3A_584 = vector.broadcast %slice3A_583 : vector<196x1xf32> to vector<196x384xf32>
    %mul3A_585 = arith.mulf %mul3A_584, %get3A_22 : vector<196x384xf32>
    %add3A_586 = arith.addf %add3A_582, %mul3A_585 : vector<196x384xf32>
    %slice3A_587 = vector.extract_strided_slice %div3A_571 {offsets = [0, 4], sizes = [196, 1], strides = [1, 1]} : vector<196x8xf32> to vector<196x1xf32>
    %mul3A_588 = vector.broadcast %slice3A_587 : vector<196x1xf32> to vector<196x384xf32>
    %mul3A_589 = arith.mulf %mul3A_588, %get3A_28 : vector<196x384xf32>
    %add3A_590 = arith.addf %add3A_586, %mul3A_589 : vector<196x384xf32>
    %slice3A_591 = vector.extract_strided_slice %div3A_571 {offsets = [0, 5], sizes = [196, 1], strides = [1, 1]} : vector<196x8xf32> to vector<196x1xf32>
    %mul3A_592 = vector.broadcast %slice3A_591 : vector<196x1xf32> to vector<196x384xf32>
    %mul3A_593 = arith.mulf %mul3A_592, %get3A_34 : vector<196x384xf32>
    %add3A_594 = arith.addf %add3A_590, %mul3A_593 : vector<196x384xf32>
    %slice3A_595 = vector.extract_strided_slice %div3A_571 {offsets = [0, 6], sizes = [196, 1], strides = [1, 1]} : vector<196x8xf32> to vector<196x1xf32>
    %mul3A_596 = vector.broadcast %slice3A_595 : vector<196x1xf32> to vector<196x384xf32>
    %mul3A_597 = arith.mulf %mul3A_596, %get3A_40 : vector<196x384xf32>
    %add3A_598 = arith.addf %add3A_594, %mul3A_597 : vector<196x384xf32>
    %slice3A_599 = vector.extract_strided_slice %div3A_571 {offsets = [0, 7], sizes = [196, 1], strides = [1, 1]} : vector<196x8xf32> to vector<196x1xf32>
    %mul3A_600 = vector.broadcast %slice3A_599 : vector<196x1xf32> to vector<196x384xf32>
    %mul3A_601 = arith.mulf %mul3A_600, %get3A_46 : vector<196x384xf32>
    %add3A_602 = arith.addf %add3A_598, %mul3A_601 : vector<196x384xf32>
    %get3A_603 = arith.constant 0 : index
    %get3A_604 = arith.constant 0 : index
    %get3A_605 = arith.constant 2688 : index
    %get3A_606 = vector.load %arg2[%get3A_603, %get3A_604, %get3A_605] : memref<1x196x3072xbf16, #tpu.memory_space<vmem>>, vector<1x196x384xbf16>
    %get3A_607 = vector.shape_cast %get3A_606 : vector<1x196x384xbf16> to vector<196x384xbf16>
    %convert_element_type3A_608 = arith.extf %get3A_607 : vector<196x384xbf16> to vector<196x384xf32>
    %mul3A_609 = arith.mulf %get3A_4, %convert_element_type3A_608 : vector<196x384xf32>
    %reduce_sum3A_610 = arith.constant dense<0.000000e+00> : vector<196xf32>
    %reduce_sum3A_611 = vector.multi_reduction <add>, %mul3A_609, %reduce_sum3A_610 [1] : vector<196x384xf32> to vector<196xf32>
    %broadcast_in_dim3A_612 = vector.shape_cast %reduce_sum3A_611 : vector<196xf32> to vector<196x1xf32>
    %mul3A_613 = arith.mulf %get3A_10, %convert_element_type3A_608 : vector<196x384xf32>
    %reduce_sum3A_614 = arith.constant dense<0.000000e+00> : vector<196xf32>
    %reduce_sum3A_615 = vector.multi_reduction <add>, %mul3A_613, %reduce_sum3A_614 [1] : vector<196x384xf32> to vector<196xf32>
    %broadcast_in_dim3A_616 = vector.shape_cast %reduce_sum3A_615 : vector<196xf32> to vector<196x1xf32>
    %mul3A_617 = arith.mulf %get3A_16, %convert_element_type3A_608 : vector<196x384xf32>
    %reduce_sum3A_618 = arith.constant dense<0.000000e+00> : vector<196xf32>
    %reduce_sum3A_619 = vector.multi_reduction <add>, %mul3A_617, %reduce_sum3A_618 [1] : vector<196x384xf32> to vector<196xf32>
    %broadcast_in_dim3A_620 = vector.shape_cast %reduce_sum3A_619 : vector<196xf32> to vector<196x1xf32>
    %mul3A_621 = arith.mulf %get3A_22, %convert_element_type3A_608 : vector<196x384xf32>
    %reduce_sum3A_622 = arith.constant dense<0.000000e+00> : vector<196xf32>
    %reduce_sum3A_623 = vector.multi_reduction <add>, %mul3A_621, %reduce_sum3A_622 [1] : vector<196x384xf32> to vector<196xf32>
    %broadcast_in_dim3A_624 = vector.shape_cast %reduce_sum3A_623 : vector<196xf32> to vector<196x1xf32>
    %mul3A_625 = arith.mulf %get3A_28, %convert_element_type3A_608 : vector<196x384xf32>
    %reduce_sum3A_626 = arith.constant dense<0.000000e+00> : vector<196xf32>
    %reduce_sum3A_627 = vector.multi_reduction <add>, %mul3A_625, %reduce_sum3A_626 [1] : vector<196x384xf32> to vector<196xf32>
    %broadcast_in_dim3A_628 = vector.shape_cast %reduce_sum3A_627 : vector<196xf32> to vector<196x1xf32>
    %mul3A_629 = arith.mulf %get3A_34, %convert_element_type3A_608 : vector<196x384xf32>
    %reduce_sum3A_630 = arith.constant dense<0.000000e+00> : vector<196xf32>
    %reduce_sum3A_631 = vector.multi_reduction <add>, %mul3A_629, %reduce_sum3A_630 [1] : vector<196x384xf32> to vector<196xf32>
    %broadcast_in_dim3A_632 = vector.shape_cast %reduce_sum3A_631 : vector<196xf32> to vector<196x1xf32>
    %mul3A_633 = arith.mulf %get3A_40, %convert_element_type3A_608 : vector<196x384xf32>
    %reduce_sum3A_634 = arith.constant dense<0.000000e+00> : vector<196xf32>
    %reduce_sum3A_635 = vector.multi_reduction <add>, %mul3A_633, %reduce_sum3A_634 [1] : vector<196x384xf32> to vector<196xf32>
    %broadcast_in_dim3A_636 = vector.shape_cast %reduce_sum3A_635 : vector<196xf32> to vector<196x1xf32>
    %mul3A_637 = arith.mulf %get3A_46, %convert_element_type3A_608 : vector<196x384xf32>
    %reduce_sum3A_638 = arith.constant dense<0.000000e+00> : vector<196xf32>
    %reduce_sum3A_639 = vector.multi_reduction <add>, %mul3A_637, %reduce_sum3A_638 [1] : vector<196x384xf32> to vector<196xf32>
    %broadcast_in_dim3A_640 = vector.shape_cast %reduce_sum3A_639 : vector<196xf32> to vector<196x1xf32>
    %concatenate3A_641 = tpu.concatenate %broadcast_in_dim3A_612, %broadcast_in_dim3A_616, %broadcast_in_dim3A_620, %broadcast_in_dim3A_624, %broadcast_in_dim3A_628, %broadcast_in_dim3A_632, %broadcast_in_dim3A_636, %broadcast_in_dim3A_640 in 1 : vector<196x1xf32>, vector<196x1xf32>, vector<196x1xf32>, vector<196x1xf32>, vector<196x1xf32>, vector<196x1xf32>, vector<196x1xf32>, vector<196x1xf32> -> vector<196x8xf32>
    %reduce_max3A_642 = arith.constant dense<0xFF800000> : vector<196xf32>
    %reduce_max3A_643 = vector.multi_reduction <maximumf>, %concatenate3A_641, %reduce_max3A_642 [1] : vector<196x8xf32> to vector<196xf32>
    %broadcast_in_dim3A_644 = vector.shape_cast %reduce_max3A_643 : vector<196xf32> to vector<196x1xf32>
    %sub3A_645 = vector.broadcast %broadcast_in_dim3A_644 : vector<196x1xf32> to vector<196x8xf32>
    %sub3A_646 = arith.subf %concatenate3A_641, %sub3A_645 : vector<196x8xf32>
    %exp3A_647 = math.exp %sub3A_646 : vector<196x8xf32>
    %reduce_sum3A_648 = arith.constant dense<0.000000e+00> : vector<196xf32>
    %reduce_sum3A_649 = vector.multi_reduction <add>, %exp3A_647, %reduce_sum3A_648 [1] : vector<196x8xf32> to vector<196xf32>
    %broadcast_in_dim3A_650 = vector.shape_cast %reduce_sum3A_649 : vector<196xf32> to vector<196x1xf32>
    %div3A_651 = vector.broadcast %broadcast_in_dim3A_650 : vector<196x1xf32> to vector<196x8xf32>
    %div3A_652 = arith.divf %exp3A_647, %div3A_651 : vector<196x8xf32>
    %slice3A_653 = vector.extract_strided_slice %div3A_652 {offsets = [0, 0], sizes = [196, 1], strides = [1, 1]} : vector<196x8xf32> to vector<196x1xf32>
    %mul3A_654 = vector.broadcast %slice3A_653 : vector<196x1xf32> to vector<196x384xf32>
    %mul3A_655 = arith.mulf %mul3A_654, %get3A_4 : vector<196x384xf32>
    %slice3A_656 = vector.extract_strided_slice %div3A_652 {offsets = [0, 1], sizes = [196, 1], strides = [1, 1]} : vector<196x8xf32> to vector<196x1xf32>
    %mul3A_657 = vector.broadcast %slice3A_656 : vector<196x1xf32> to vector<196x384xf32>
    %mul3A_658 = arith.mulf %mul3A_657, %get3A_10 : vector<196x384xf32>
    %add3A_659 = arith.addf %mul3A_655, %mul3A_658 : vector<196x384xf32>
    %slice3A_660 = vector.extract_strided_slice %div3A_652 {offsets = [0, 2], sizes = [196, 1], strides = [1, 1]} : vector<196x8xf32> to vector<196x1xf32>
    %mul3A_661 = vector.broadcast %slice3A_660 : vector<196x1xf32> to vector<196x384xf32>
    %mul3A_662 = arith.mulf %mul3A_661, %get3A_16 : vector<196x384xf32>
    %add3A_663 = arith.addf %add3A_659, %mul3A_662 : vector<196x384xf32>
    %slice3A_664 = vector.extract_strided_slice %div3A_652 {offsets = [0, 3], sizes = [196, 1], strides = [1, 1]} : vector<196x8xf32> to vector<196x1xf32>
    %mul3A_665 = vector.broadcast %slice3A_664 : vector<196x1xf32> to vector<196x384xf32>
    %mul3A_666 = arith.mulf %mul3A_665, %get3A_22 : vector<196x384xf32>
    %add3A_667 = arith.addf %add3A_663, %mul3A_666 : vector<196x384xf32>
    %slice3A_668 = vector.extract_strided_slice %div3A_652 {offsets = [0, 4], sizes = [196, 1], strides = [1, 1]} : vector<196x8xf32> to vector<196x1xf32>
    %mul3A_669 = vector.broadcast %slice3A_668 : vector<196x1xf32> to vector<196x384xf32>
    %mul3A_670 = arith.mulf %mul3A_669, %get3A_28 : vector<196x384xf32>
    %add3A_671 = arith.addf %add3A_667, %mul3A_670 : vector<196x384xf32>
    %slice3A_672 = vector.extract_strided_slice %div3A_652 {offsets = [0, 5], sizes = [196, 1], strides = [1, 1]} : vector<196x8xf32> to vector<196x1xf32>
    %mul3A_673 = vector.broadcast %slice3A_672 : vector<196x1xf32> to vector<196x384xf32>
    %mul3A_674 = arith.mulf %mul3A_673, %get3A_34 : vector<196x384xf32>
    %add3A_675 = arith.addf %add3A_671, %mul3A_674 : vector<196x384xf32>
    %slice3A_676 = vector.extract_strided_slice %div3A_652 {offsets = [0, 6], sizes = [196, 1], strides = [1, 1]} : vector<196x8xf32> to vector<196x1xf32>
    %mul3A_677 = vector.broadcast %slice3A_676 : vector<196x1xf32> to vector<196x384xf32>
    %mul3A_678 = arith.mulf %mul3A_677, %get3A_40 : vector<196x384xf32>
    %add3A_679 = arith.addf %add3A_675, %mul3A_678 : vector<196x384xf32>
    %slice3A_680 = vector.extract_strided_slice %div3A_652 {offsets = [0, 7], sizes = [196, 1], strides = [1, 1]} : vector<196x8xf32> to vector<196x1xf32>
    %mul3A_681 = vector.broadcast %slice3A_680 : vector<196x1xf32> to vector<196x384xf32>
    %mul3A_682 = arith.mulf %mul3A_681, %get3A_46 : vector<196x384xf32>
    %add3A_683 = arith.addf %add3A_679, %mul3A_682 : vector<196x384xf32>
    %concatenate3A_684 = tpu.concatenate %add3A_116, %add3A_197, %add3A_278, %add3A_359, %add3A_440, %add3A_521, %add3A_602, %add3A_683 in 1 : vector<196x384xf32>, vector<196x384xf32>, vector<196x384xf32>, vector<196x384xf32>, vector<196x384xf32>, vector<196x384xf32>, vector<196x384xf32>, vector<196x384xf32> -> vector<196x3072xf32>
    %get3A_685 = arith.constant 0 : index
    %get3A_686 = arith.constant 0 : index
    %get3A_687 = vector.load %arg3[%get3A_685, %get3A_686] : memref<3072x384xf32, #tpu.memory_space<vmem>>, vector<3072x384xf32>
    %dot_general3A = arith.constant dense<0.000000e+00> : vector<196x384xf32>
    %dot_general3A_688 = tpu.matmul %concatenate3A_684, %get3A_687, %dot_general3A {dimension_numbers = #tpu.dot_dimension_numbers<[1], [0], [0], [1], [0, 0, 1, 1], [], []>, transpose_lhs_hint = false} : vector<196x3072xf32>, vector<3072x384xf32>, vector<196x384xf32> -> vector<196x384xf32>
    %swap3A = arith.constant 0 : index
    %swap3A_689 = arith.constant 0 : index
    %swap3A_690 = arith.constant 0 : index
    %swap3A_691 = vector.load %arg4[%swap3A, %swap3A_689, %swap3A_690] : memref<1x196x384xf32, #tpu.memory_space<vmem>>, vector<1x196x384xf32>
    %swap3A_692 = vector.shape_cast %swap3A_691 : vector<1x196x384xf32> to vector<196x384xf32>
    %swap3A_693 = vector.shape_cast %dot_general3A_688 : vector<196x384xf32> to vector<1x196x384xf32>
    tpu.vector_store %arg4[%swap3A, %swap3A_689, %swap3A_690], %swap3A_693 {strides = array<i32>} : memref<1x196x384xf32, #tpu.memory_space<vmem>>, vector<1x196x384xf32>,
    return
  }
  func.func @transform_0(%arg0: i32) -> (i32, i32, i32, i32) {
    %c0_i32 = arith.constant 0 : i32
    %c0_i32_0 = arith.constant 0 : i32
    %c0_i32_1 = arith.constant 0 : i32
    %c0_i32_2 = arith.constant 0 : i32
    return %arg0, %c0_i32, %c0_i32_0, %c0_i32_1 : i32, i32, i32, i32
  }
  func.func @transform_1(%arg0: i32) -> (i32, i32, i32) {
    %c0_i32 = arith.constant 0 : i32
    %c0_i32_0 = arith.constant 0 : i32
    %c0_i32_1 = arith.constant 0 : i32
    return %arg0, %c0_i32, %c0_i32_0 : i32, i32, i32
  }
  func.func @transform_2(%arg0: i32) -> (i32, i32) {
    %c0_i32 = arith.constant 0 : i32
    %c0_i32_0 = arith.constant 0 : i32
    %c0_i32_1 = arith.constant 0 : i32
    return %c0_i32, %c0_i32_0 : i32, i32
  }
  func.func @transform_3(%arg0: i32) -> (i32, i32, i32) {
    %c0_i32 = arith.constant 0 : i32
    %c0_i32_0 = arith.constant 0 : i32
    %c0_i32_1 = arith.constant 0 : i32
    return %arg0, %c0_i32, %c0_i32_0 : i32, i32, i32
  }
}

</mosaic_0001>

<sc_bundles>
// kernel: kernel.5.cloned.1.call-start
scs
__scs_entry_jumppad:
0x0: {  	(pc) =	sbr.rel $0x88, $3  }
0x1: {  	(tag) =	ssettag $0x0;
	lr =	simm.s32 $0x1  }
0x2: {  	[smem:$0x3F9C] =	sst lr;
	_ =	strace $0xD0000000  }
0x3: {  	_ = 	snop  }
0x4: {  	_ = 	snop  }
0x5: {  	_ = 	snop  }
0x6: {  	_ = 	snop  }
0x7: {  	_ = 	snop  }
__scs_overlays_trampoline_lowered:
0x8: {  	[smem:$0x3FAB] =	sst s0  }
0x9: {  	[smem:$0x3FAC] =	sst s1  }
0xa: {  	[smem:$0x3FAD] =	sst s2  }
0xb: {  	[smem:$0x3FAE] =	sst s3  }
0xc: {  	[smem:$0x3FAF] =	sst s4  }
0xd: {  	[smem:$0x3FB0] =	sst s5  }
0xe: {  	[smem:$0x3FB1] =	sst s6  }
0xf: {  	[smem:$0x3FB2] =	sst s7  }
0x10: {  	[smem:$0x3FB3] =	sst s8  }
0x11: {  	[smem:$0x3FB4] =	sst s9;
	s0 =	simm.s32 @!p0 $0x0  }
0x12: {  	s1 =	sld [smem:$0x3F9A];
	s0 =	simm.s32 @p0 $0x1  }
0x13: {  	[smem:$0x3FB5] =	sst s0;
	s0 =	simm.s32 @!p1 $0x0  }
0x14: {  	s2 =	sld [smem:$0x3F99];
	s0 =	simm.s32 @p1 $0x1  }
0x15: {  	[smem:$0x3FB6] =	sst s0;
	s0 =	simm.s32 @!p2 $0x0  }
0x16: {  	s3 =	sld [smem:$0x3FDB];
	s0 =	simm.s32 @p2 $0x1  }
0x17: {  	s4 =	simm.s32 $0x1BF5;
	[smem:$0x3FB8] =	sst s0  }
0x18: {  	s0 =	sld [smem:$0x3F9B];
	_ =	swait.ge [sflag:s4], $0x0  }
0x19: {  	s7 =	sld [smem:$0x3F9C]  }
0x1a: {  	s8 =	sadd.s32 $0xFFFFE003, lr  }
0x1b: {  	s9 =	sadd.s32 $0xFFFFFEF7, lr;
	s5 =	simm.s32 $0xFFFFFFFF;
	p2 =	slt.u32 s8, $0xFFFFF086  }
0x1c: {  	p1 =	slt.u32 s9, $0xF7A;
	s5 =	simm.s32 @!p2 $0x0  }
0x1d: {  	s5 =	simm.s32 @p1 $0x1;
	p0 =	seq.s32 s7, s2  }
0x1e: {  	s7 =	smul.u32 @!p0 $0xF7A, s2;
	p2 =	seq.s32 @!p0 s5, $0x0  }
0x1f: {  	s9 =	smul.u32 $0xF7A, s1;
	s8 =	simm.s32 @!p0 $0x1BF5;
	p2 =	por !p2, p0  }
0x20: {  	[sflag:s8] =	ssyncset.s32 @!p0 $0xFFFFF086;
	s6 =	sadd.s32 @!p0 s3, s7;
	s7 =	simm.s32 @!p0 $0x108  }
0x21: {  	s3 =	sadd.s32 s3, s9;
	s6 =	sadd.s32 @!p0 $0x88, s6;
	s7 =	simm.s32 @p2 $0x1082  }
0x22: {  	[simem:s7], [sflag:s8] =	dma.local @!p0 [hbm:s6], $0xF7A  }
0x23: {  	s9 =	sor.u32 $0xD0000000, s2;
	s6 =	simm.s32 $0x108;
	_ =	swait.ge @!p0 [sflag:s8], $0x0  }
0x24: {  	s3 =	sadd.s32 $0x88, s3;
	s6 =	simm.s32 @!p1 $0x1082;
	[sflag:s4] =	ssyncset.s32 $0xFFFFF086  }
0x25: {  	[simem:s6], [sflag:s4] =	dma.local [hbm:s3], $0xF7A  }
0x26: {  	[smem:$0x3F9C] =	sst s1;
	(tag) =	ssettag s2;
	_ =	strace s9  }
0x27: {  	s1 =	sld [smem:$0x3FAC]  }
0x28: {  	s2 =	sld [smem:$0x3FAD]  }
0x29: {  	s4 =	sld [smem:$0x3FAF]  }
0x2a: {  	p0 =	seq.s32 s5, $0x0;
	s5 =	sld [smem:$0x3FB0]  }
0x2b: {  	s6 =	sld [smem:$0x3FB1]  }
0x2c: {  	s7 =	sld [smem:$0x3FB2]  }
0x2d: {  	s3 =	simm.s32 $0x108;
	s8 =	sld [smem:$0x3FB3]  }
0x2e: {  	s3 =	simm.s32 @!p0 $0x1082;
	s9 =	sld [smem:$0x3FB4]  }
0x2f: {  	lr =	sadd.s32 s0, s3;
	s0 =	sld [smem:$0x3FAB]  }
0x30: {  	s3 =	sld [smem:$0x3FAE]  }
0x31: {  	[smem:$0x3FB7] =	sst s10  }
0x32: {  	s10 =	sld [smem:$0x3FB5];
	_ =	sdelay $0x3  }
0x33: {  	p0 =	seq.s32 s10, $0x1;
	s10 =	sld [smem:$0x3FB7];
	_ =	sdelay $0x3  }
0x34: {  	[smem:$0x3FB7] =	sst s10  }
0x35: {  	s10 =	sld [smem:$0x3FB6];
	_ =	sdelay $0x3  }
0x36: {  	p1 =	seq.s32 s10, $0x1;
	s10 =	sld [smem:$0x3FB7];
	_ =	sdelay $0x3  }
0x37: {  	[smem:$0x3FB7] =	sst s10  }
0x38: {  	s10 =	sld [smem:$0x3FB8]  }
0x39: {  	_ = 	snop;
	(pc) =	sbr.ind lr, $3  }
0x3a: {  	_ = 	snop  }
0x3b: {  	_ = 	snop  }
0x3c: {  	p2 =	seq.s32 s10, $0x1;
	s10 =	sld [smem:$0x3FB7]  }
0x3d: {  	_ =	shalt  }
0x3e: {  	_ =	shalt  }
0x3f: {  	_ =	shalt  }
0x40: {  	_ =	shalt  }
0x41: {  	_ =	shalt  }
0x42: {  	_ =	shalt  }
0x43: {  	_ =	shalt  }
0x44: {  	_ =	shalt  }
0x45: {  	_ =	shalt  }
0x46: {  	_ =	shalt  }
0x47: {  	_ =	shalt  }
0x48: {  	_ =	shalt  }
0x49: {  	_ =	shalt  }
0x4a: {  	_ =	shalt  }
0x4b: {  	_ =	shalt  }
0x4c: {  	_ =	shalt  }
0x4d: {  	_ =	shalt  }
0x4e: {  	_ =	shalt  }
0x4f: {  	_ =	shalt  }
0x50: {  	_ =	shalt  }
0x51: {  	_ =	shalt  }
0x52: {  	_ =	shalt  }
0x53: {  	_ =	shalt  }
0x54: {  	_ =	shalt  }
0x55: {  	_ =	shalt  }
0x56: {  	_ =	shalt  }
0x57: {  	_ =	shalt  }
0x58: {  	_ =	shalt  }
0x59: {  	_ =	shalt  }
0x5a: {  	_ =	shalt  }
0x5b: {  	_ =	shalt  }
0x5c: {  	_ =	shalt  }
0x5d: {  	_ =	shalt  }
0x5e: {  	_ =	shalt  }
0x5f: {  	_ =	shalt  }
0x60: {  	_ =	shalt  }
0x61: {  	_ =	shalt  }
0x62: {  	_ =	shalt  }
0x63: {  	_ =	shalt  }
0x64: {  	_ =	shalt  }
0x65: {  	_ =	shalt  }
0x66: {  	_ =	shalt  }
0x67: {  	_ =	shalt  }
0x68: {  	_ =	shalt  }
0x69: {  	_ =	shalt  }
0x6a: {  	_ =	shalt  }
0x6b: {  	_ =	shalt  }
0x6c: {  	_ =	shalt  }
0x6d: {  	_ =	shalt  }
0x6e: {  	_ =	shalt  }
0x6f: {  	_ =	shalt  }
0x70: {  	_ =	shalt  }
0x71: {  	_ =	shalt  }
0x72: {  	_ =	shalt  }
0x73: {  	_ =	shalt  }
0x74: {  	_ =	shalt  }
0x75: {  	_ =	shalt  }
0x76: {  	_ =	shalt  }
0x77: {  	_ =	shalt  }
0x78: {  	_ =	shalt  }
0x79: {  	_ =	shalt  }
0x7a: {  	_ =	shalt  }
0x7b: {  	_ =	shalt  }
0x7c: {  	_ =	shalt  }
0x7d: {  	_ =	shalt  }
0x7e: {  	_ =	shalt  }
0x7f: {  	_ =	shalt  }
0x80: {  	_ =	shalt  }
0x81: {  	_ =	shalt  }
0x82: {  	_ =	shalt  }
0x83: {  	_ =	shalt  }
0x84: {  	_ =	shalt  }
0x85: {  	_ =	shalt  }
0x86: {  	_ =	shalt  }
0x87: {  	_ =	shalt  }
.Lfunc_end0:
.L_simem_size_0:
called_computation_lowered:
.L_overlay_start_0:
0x88: {  	s2 =	sld [smem:$0x3FD9]  }
0x89: {  	s3 =	sld [smem:$0x3FFE];
	_ =	sdelay $0x1  }
0x8a: {  	s1 =	srdreg.scid  }
0x8b: {  	s0 =	sand.u32 $0x1, s1  }
0x8c: {  	s17 =	sshll.u32 s0, $0xA;
	s2 =	sadd.s32 s3, s2  }
0x8d: {  	s2 =	sadd.s32 s2, s17  }
0x8e: {  	[smem:$0x3FC3] =	sst s2  }
0x8f: {  	_ = 	snop  }
0x90: {  	s2 =	sld [smem:$0x3FC9]  }
0x91: {  	s18 =	sld [smem:$0x3FD0];
	(tm) =	ssettm $0x1  }
0x92: {  	s4 =	sld [smem:$0x3FFB];
	_ =	sdelay $0x3  }
0x93: {  	_ =	strace s4  }
0x94: {  	s4 =	sld [smem:$0x3FFC];
	_ =	sdelay $0x3  }
0x95: {  	_ =	strace s4  }
0x96: {  	s4 =	sld [smem:$0x3FFD];
	_ =	sdelay $0x3  }
0x97: {  	_ =	strace s4  }
0x98: {  	_ =	strace $0x8FFFFFFF  }
0x99: {  	s19 =	sld [smem:$0x3FDB];
	_ =	sdelay $0x1  }
0x9a: {  	s5 =	simm.s32 $_scs_section_size  }
0x9b: {  	s6 =	simm.s32 $_size__tile_overlayer_lowered;
	s7 =	simm.s32 $_tile_overlayer_lowered  }
0x9c: {  	s22 =	simm.s32 $0x1BFF;
	s21 =	sshll.u32 s7, $0x1;
	s4 =	sadd.s32 s5, s19  }
0x9d: {  	s8 =	simm.s32 $0x0;
	s20 =	sshll.u32 s6, $0x1;
	s6 =	sadd.s32 s21, s4  }
0x9e: {  	[timem:s8], [sflag:s22] =	dma.local [hbm:s6], s20  }
0x9f: {  	_ =	swait.ge [sflag:s22], s20  }
0xa0: {  	s5 =	ssub.s32 $0x0, s20;
	[sflag:s22] =	ssyncset.done $0x0  }
0xa1: {  	[sflag:s22] =	ssyncadd.s32 s5;
	_ =	sdelay $0x1  }
0xa2: {  	s23 =	simm.s32 $0x1B8B  }
0xa3: {  	_ =	swait.ge [sflag:s23], $0x1  }
0xa4: {  	[sflag:s23] =	ssyncset.done $0x0  }
0xa5: {  	s25 =	simm.s32 $0x1B8E;
	s24 =	sld [smem:$0x3FFE];
	[sflag:s23] =	ssyncadd.s32 $0xFFFFFFFF  }
0xa6: {  	s26 =	simm.s32 $execute0_lowered;
	[smem:$0x3FD2] =	sst s25  }
0xa7: {  	s6 =	sshll.u32 s26, $0x1;
	_ =	strace $0x80000046;
	[dreg:$0x1] =	wrdreg $0xFFFFFFFF  }
0xa8: {  	s28 =	simm.s32 $_size_execute0_lowered;
	s4 =	sadd.s32 s4, s6;
	[dreg:$0x0] =	wrdreg $0x0  }
0xa9: {  	s6 =	sshll.u32 s28, $0x1;
	[dreg:$0x2] =	wrdreg s4  }
0xaa: {  	[dreg:$0x3] =	wrdreg s6  }
0xab: {  	[dreg:$0x4] =	wrdreg $0xC0  }
0xac: {  	_ =	task [dreg:s8], $0x5FFFF  }
0xad: {  	[dreg:$0x1] =	wrdreg $0xFFFFFFFF  }
0xae: {  	[dreg:$0x0] =	wrdreg $0x60  }
0xaf: {  	[dreg:$0x2] =	wrdreg s2  }
0xb0: {  	[dreg:$0x3] =	wrdreg s18  }
0xb1: {  	[dreg:$0x4] =	wrdreg s24  }
0xb2: {  	[dreg:$0x5] =	wrdreg $0x9  }
0xb3: {  	_ =	task.clear_ibuf [dreg:s8], $0x6FFFF;
	_ =	strace $0x90000046  }
0xb4: {  	s29 =	simm.s32 $0x9;
	_ =	strace $0x80000048  }
0xb5: {  	_ =	swait.ge [sflag:s29], $0x1  }
0xb6: {  	[sflag:s29] =	ssyncadd.s32 $0xFFFFFFFF  }
0xb7: {  	_ =	strace $0x90000048  }
0xb8: {  	_ =	sfence  }
0xb9: {  	s30 =	sld [smem:$0x0];
	_ =	sdelay $0x2  }
0xba: {  	s31 =	sshll.u32 s1, $0xD;
	s1 =	sshrl.u32 s1, $0x2  }
0xbb: {  	s3 =	sand.u32 $0x4000, s31;
	s1 =	sadd.s32 s1, s30  }
0xbc: {  	s0 =	sor.u32 s3, s0;
	s1 =	sshll.u32 s1, $0x11  }
0xbd: {  	s0 =	sor.u32 s1, s0  }
0xbe: {  	s0 =	sadd.s32 $0x8F2B, s0  }
0xbf: {  	[sflag:s0] =	ssyncadd.remote.s32 $0x1  }
0xc0: {  	_ =	sfence.sel $0xFFFF  }
0xc1: {  	[dreg:$0x0] =	wrdreg $0xFFFFFFFF;
	(pc) =	sbr.abs _section_cstart, $3  }
0xc2: {  	[dreg:$0x1] =	wrdreg $0xFFFFFFFF  }
0xc3: {  	_ =	task.clear_ibuf [dreg:s8], $0x2FFFF;
	_ =	strace $0x9FFFFFFF  }
0xc4: {  	(tm) =	ssettm $0x7FFFFFFF  }
0xc5: {  	_ =	shalt  }
tec
execute0_lowered:
.L_overlay_start_1:
0x0: {  	(tag) =	ssettag $0x1  }
0x1: {  	s1 =	rddreg [dreg:$0x0]  }
0x2: {  	s3 =	rddreg [dreg:$0x1];
	s0 =	srdreg.scid  }
0x3: {  	s4 =	stileid.u32;
	s2 =	rddreg [dreg:$0x2]  }
0x4: {  	s19 =	simm.s32 $0x3;
	s30 =	simm.s32 $0x12880;
	s31 =	simm.s32 $0x13080  }
0x5: {  	s18 =	simm.s32 $0x14080;
	s20 =	simm.s32 $0x14880;
	s13 =	simm.s32 $0x2  }
0x6: {  	s14 =	simm.s32 $0x15880;
	s16 =	simm.s32 $0x0;
	s0 =	sand.u32 $0x1, s0  }
0x7: {  	s5 =	sshll.u32 s4, $0x1;
	s4 =	simm.s32 $0x0;
	s7 =	sadd.s32 $0xA00, s2  }
0x8: {  	s6 =	sadd.s32 $0x2400, s2;
	s5 =	sor.u32 s0, s5;
	s0 =	ssub.s32 $0x2, s0  }
0x9: {  	[smem:$0x7FF] =	sst s4;
	s5 =	smul.u32 $0x188, s5;
	s24 =	sshrl.u32 s0, $0x1  }
0xa: {  	s15 =	sadd.s32 $0x100, s1;
	_ =	strace $0x80000047;
	s0 =	ssub.s32 s0, s24  }
0xb: {  	s8 =	sshrl.u32 s5, $0x3;
	s26 =	sadd.s32 $0x3100, s5;
	s9 =	sadd.s32 $0x6200, s5  }
0xc: {  	s10 =	sadd.s32 $0x9300, s5;
	s0 =	smax.u32 s0, $0x1;
	[dreg:$0x5] =	wrdreg s26  }
0xd: {  	s25 =	sadd.s32 s7, s8;
	s2 =	sshrl.u32 s26, $0x3;
	[dreg:$0xb] =	wrdreg s0  }
0xe: {  	s28 =	sshrl.u32 s9, $0x3;
	s29 =	sadd.s32 s3, s8;
	[dreg:$0x4] =	wrdreg s25  }
0xf: {  	s12 =	sshrl.u32 s10, $0x3;
	s11 =	sadd.s32 s7, s2;
	[dreg:$0x9] =	wrdreg s29  }
0x10: {  	s0 =	simm.s32 $0x13C80;
	s2 =	sadd.s32 s3, s2;
	[dreg:$0x6] =	wrdreg s11  }
0x11: {  	v2 =	vlaneseq.u32;
	s11 =	sadd.s32 s7, s28;
	s7 =	sadd.s32 s7, s12;
	[dreg:$0xa] =	wrdreg s2  }
0x12: {  	vm0 =	vmmov $0xffff;
	vm1 =	vmmov $0xff;
	v1 =	vshrl.u32 v2, $0x3;
	s2 =	simm.s32 $0x13480;
	s12 =	simm.s32 $0x1;
	[dreg:$0x7] =	wrdreg s11  }
0x13: {  	v0 =	vand.u32 $0x7, v2;
	v2 =	vor.u32 $0x8, v2;
	v1 =	vmul.u32 $0x8, v1;
	[dreg:$0x8] =	wrdreg s7;
	s7 =	simm.s32 $0x14C80;
	s11 =	simm.s32 $0x15480  }
.LBB2_1:
0x14: {  	[dreg:$0xc] =	wrdreg s16  }
0x15: {  	s8 =	rddreg [dreg:$0x4];
	s29 =	simm.s32 $0x200  }
0x16: {  	[tilespmem:s29], [sflag:$0x3] =	stream.linear.gather [hbm4b:s8+s4], $0x188, $0x38;
	[tilespmem:$0x1AC80] =	vst v63  }
0x17: {  	_ =	swait.ge [sflag:s19], $0x188  }
0x18: {  	[sflag:s19] =	ssyncset.done $0x0  }
0x19: {  	s16 =	simm.s32 $0x388;
	s17 =	rddreg [dreg:$0x6];
	[sflag:s19] =	ssyncadd.s32 $0xFFFFFE78  }
0x1a: {  	[tilespmem:s16], [sflag:$0x3] =	stream.linear.gather [hbm4b:s17+s4], $0x188, $0x38;
	[tilespmem:$0x1AC80] =	vst v63  }
0x1b: {  	_ =	swait.ge [sflag:s19], $0x188  }
0x1c: {  	[sflag:s19] =	ssyncset.done $0x0  }
0x1d: {  	s17 =	simm.s32 $0x510;
	s21 =	rddreg [dreg:$0x7];
	[sflag:s19] =	ssyncadd.s32 $0xFFFFFE78  }
0x1e: {  	[tilespmem:s17], [sflag:$0x3] =	stream.linear.gather [hbm4b:s21+s4], $0x188, $0x38;
	[tilespmem:$0x1AC80] =	vst v63  }
0x1f: {  	_ =	swait.ge [sflag:s19], $0x188  }
0x20: {  	[sflag:s19] =	ssyncset.done $0x0  }
0x21: {  	s17 =	simm.s32 $0x698;
	s22 =	rddreg [dreg:$0x8];
	[sflag:s19] =	ssyncadd.s32 $0xFFFFFE78  }
0x22: {  	[tilespmem:s17], [sflag:$0x3] =	stream.linear.gather [hbm4b:s22+s4], $0x188, $0x38;
	[tilespmem:$0x1AC80] =	vst v63  }
0x23: {  	_ =	swait.ge [sflag:s19], $0x188  }
0x24: {  	[sflag:s19] =	ssyncset.done $0x0  }
0x25: {  	s23 =	rddreg [dreg:$0x9];
	[sflag:s19] =	ssyncadd.s32 $0xFFFFFE78  }
0x26: {  	[tilespmem:s4], [sflag:$0x3] =	stream.linear.gather [hbm4b:s23+s4], $0x38, $0x38;
	[tilespmem:$0x1AC80] =	vst v63  }
0x27: {  	_ =	swait.ge [sflag:s19], $0x38  }
0x28: {  	[sflag:s19] =	ssyncset.done $0x0  }
0x29: {  	[sflag:s19] =	ssyncadd.s32 $0xFFFFFFC8  }
0x2a: {  	v3 =	vld [tilespmem:$0x0];
	_ =	sdelay $0x4  }
0x2b: {  	v4 =	vshrl.u32 v3, $0x3  }
0x2c: {  	v4 =	vmul.u32 $0x18, v4  }
0x2d: {  	v3 =	vand.u32 $0x7, v3  }
0x2e: {  	v3 =	vor.u32 v3, v4  }
0x2f: {  	v4 =	vperm.xlane v3, v0;
	_ =	sdelay $0x1  }
0x30: {  	v4 =	vadd.s32 v1, v4;
	_ =	sdelay $0x1  }
0x31: {  	v3 =	vperm.xlane v3, v2;
	_ =	sdelay $0x1  }
0x32: {  	s24 =	simm.s32 $0x880;
	v3 =	vadd.s32 v1, v3  }
0x33: {  	[tilespmem:s24], [sflag:$0x1] =	stream.indirect_vreg.gather [hbm4b:s1+s4], $0x80, v4, vm0, $0xb8;
	[tilespmem:$0x1AC80] =	vst v63  }
0x34: {  	s25 =	simm.s32 $0x1080  }
0x35: {  	[tilespmem:s25], [sflag:$0x1] =	stream.indirect_vreg.gather [hbm4b:s15+s4], $0x80, v4, vm1, $0xb8;
	[tilespmem:$0x1AC80] =	vst v63  }
0x36: {  	s26 =	simm.s32 $0x1480  }
0x37: {  	[tilespmem:s26], [sflag:$0x1] =	stream.indirect_vreg.gather [hbm4b:s1+s4], $0x80, v3, vm0, $0xb8;
	[tilespmem:$0x1AC80] =	vst v63  }
0x38: {  	s28 =	simm.s32 $0x1C80  }
0x39: {  	[tilespmem:s28], [sflag:$0x1] =	stream.indirect_vreg.gather [hbm4b:s15+s4], $0x80, v3, vm1, $0xb8;
	[tilespmem:$0x1AC80] =	vst v63  }
0x3a: {  	v3 =	vld [tilespmem:$0x10];
	_ =	sdelay $0x4  }
0x3b: {  	v57 =	vshrl.u32 v3, $0x3  }
0x3c: {  	v4 =	vmul.u32 $0x18, v57  }
0x3d: {  	v3 =	vand.u32 $0x7, v3  }
0x3e: {  	v3 =	vor.u32 v3, v4  }
0x3f: {  	v4 =	vperm.xlane v3, v0;
	_ =	sdelay $0x1  }
0x40: {  	v4 =	vadd.s32 v1, v4;
	_ =	sdelay $0x1  }
0x41: {  	v3 =	vperm.xlane v3, v2;
	_ =	sdelay $0x1  }
0x42: {  	s29 =	simm.s32 $0x2080;
	v3 =	vadd.s32 v1, v3  }
0x43: {  	[tilespmem:s29], [sflag:$0x1] =	stream.indirect_vreg.gather [hbm4b:s1+s4], $0x80, v4, vm0, $0xb8;
	[tilespmem:$0x1AC80] =	vst v63  }
0x44: {  	s21 =	simm.s32 $0x2880  }
0x45: {  	[tilespmem:s21], [sflag:$0x1] =	stream.indirect_vreg.gather [hbm4b:s15+s4], $0x80, v4, vm1, $0xb8;
	[tilespmem:$0x1AC80] =	vst v63  }
0x46: {  	s22 =	simm.s32 $0x2C80  }
0x47: {  	[tilespmem:s22], [sflag:$0x1] =	stream.indirect_vreg.gather [hbm4b:s1+s4], $0x80, v3, vm0, $0xb8;
	[tilespmem:$0x1AC80] =	vst v63  }
0x48: {  	s23 =	simm.s32 $0x3480  }
0x49: {  	[tilespmem:s23], [sflag:$0x1] =	stream.indirect_vreg.gather [hbm4b:s15+s4], $0x80, v3, vm1, $0xb8;
	[tilespmem:$0x1AC80] =	vst v63  }
0x4a: {  	v3 =	vld [tilespmem:$0x20];
	_ =	sdelay $0x4  }
0x4b: {  	v58 =	vshrl.u32 v3, $0x3  }
0x4c: {  	v4 =	vmul.u32 $0x18, v58  }
0x4d: {  	v3 =	vand.u32 $0x7, v3  }
0x4e: {  	v3 =	vor.u32 v3, v4  }
0x4f: {  	v4 =	vperm.xlane v3, v0;
	_ =	sdelay $0x1  }
0x50: {  	v4 =	vadd.s32 v1, v4;
	_ =	sdelay $0x1  }
0x51: {  	v3 =	vperm.xlane v3, v2;
	_ =	sdelay $0x1  }
0x52: {  	s24 =	simm.s32 $0x3880;
	v3 =	vadd.s32 v1, v3  }
0x53: {  	[tilespmem:s24], [sflag:$0x1] =	stream.indirect_vreg.gather [hbm4b:s1+s4], $0x80, v4, vm0, $0xb8;
	[tilespmem:$0x1AC80] =	vst v63  }
0x54: {  	s25 =	simm.s32 $0x4080  }
0x55: {  	[tilespmem:s25], [sflag:$0x1] =	stream.indirect_vreg.gather [hbm4b:s15+s4], $0x80, v4, vm1, $0xb8;
	[tilespmem:$0x1AC80] =	vst v63  }
0x56: {  	s26 =	simm.s32 $0x4480  }
0x57: {  	[tilespmem:s26], [sflag:$0x1] =	stream.indirect_vreg.gather [hbm4b:s1+s4], $0x80, v3, vm0, $0xb8;
	[tilespmem:$0x1AC80] =	vst v63  }
0x58: {  	s28 =	simm.s32 $0x4C80  }
0x59: {  	[tilespmem:s28], [sflag:$0x1] =	stream.indirect_vreg.gather [hbm4b:s15+s4], $0x80, v3, vm1, $0xb8;
	[tilespmem:$0x1AC80] =	vst v63  }
0x5a: {  	v3 =	vld.msk [tilespmem:$0x30], $0xff;
	_ =	sdelay $0x4  }
0x5b: {  	v59 =	vshrl.u32 v3, $0x3  }
0x5c: {  	v4 =	vmul.u32 $0x18, v59  }
0x5d: {  	v3 =	vand.u32 $0x7, v3  }
0x5e: {  	v3 =	vor.u32 v3, v4  }
0x5f: {  	v3 =	vperm.xlane v3, v0;
	_ =	sdelay $0x1  }
0x60: {  	v3 =	vadd.s32 v1, v3;
	_ =	sdelay $0x3  }
0x61: {  	s29 =	simm.s32 $0x5080  }
0x62: {  	[tilespmem:s29], [sflag:$0x1] =	stream.indirect_vreg.gather [hbm4b:s1+s4], $0x80, v3, vm0, $0xb8;
	[tilespmem:$0x1AC80] =	vst v63  }
0x63: {  	s21 =	simm.s32 $0x5880  }
0x64: {  	[tilespmem:s21], [sflag:$0x1] =	stream.indirect_vreg.gather [hbm4b:s15+s4], $0x80, v3, vm1, $0xb8;
	[tilespmem:$0x1AC80] =	vst v63  }
0x65: {  	s22 =	rddreg [dreg:$0xa];
	s21 =	simm.s32 $0x80  }
0x66: {  	[tilespmem:s21], [sflag:$0x3] =	stream.linear.gather [hbm4b:s22+s4], $0x38, $0x38;
	[tilespmem:$0x1AC80] =	vst v63  }
0x67: {  	_ =	swait.ge [sflag:s19], $0x38  }
0x68: {  	[sflag:s19] =	ssyncset.done $0x0  }
0x69: {  	[sflag:s19] =	ssyncadd.s32 $0xFFFFFFC8  }
0x6a: {  	v3 =	vld [tilespmem:$0x80];
	_ =	sdelay $0x4  }
0x6b: {  	v60 =	vshrl.u32 v3, $0x3  }
0x6c: {  	v4 =	vmul.u32 $0x18, v60  }
0x6d: {  	v3 =	vand.u32 $0x7, v3  }
0x6e: {  	v3 =	vor.u32 v3, v4  }
0x6f: {  	v4 =	vperm.xlane v3, v0;
	_ =	sdelay $0x1  }
0x70: {  	v4 =	vadd.s32 v1, v4;
	_ =	sdelay $0x1  }
0x71: {  	v3 =	vperm.xlane v3, v2;
	_ =	sdelay $0x1  }
0x72: {  	s23 =	simm.s32 $0x5C80;
	v3 =	vadd.s32 v1, v3  }
0x73: {  	[tilespmem:s23], [sflag:$0x1] =	stream.indirect_vreg.gather [hbm4b:s1+s4], $0x80, v4, vm0, $0xb8;
	[tilespmem:$0x1AC80] =	vst v63  }
0x74: {  	s24 =	simm.s32 $0x6480  }
0x75: {  	[tilespmem:s24], [sflag:$0x1] =	stream.indirect_vreg.gather [hbm4b:s15+s4], $0x80, v4, vm1, $0xb8;
	[tilespmem:$0x1AC80] =	vst v63  }
0x76: {  	s25 =	simm.s32 $0x6880  }
0x77: {  	[tilespmem:s25], [sflag:$0x1] =	stream.indirect_vreg.gather [hbm4b:s1+s4], $0x80, v3, vm0, $0xb8;
	[tilespmem:$0x1AC80] =	vst v63  }
0x78: {  	s26 =	simm.s32 $0x7080  }
0x79: {  	[tilespmem:s26], [sflag:$0x1] =	stream.indirect_vreg.gather [hbm4b:s15+s4], $0x80, v3, vm1, $0xb8;
	[tilespmem:$0x1AC80] =	vst v63  }
0x7a: {  	v3 =	vld [tilespmem:$0x90];
	_ =	sdelay $0x4  }
0x7b: {  	v61 =	vshrl.u32 v3, $0x3  }
0x7c: {  	v4 =	vmul.u32 $0x18, v61  }
0x7d: {  	v3 =	vand.u32 $0x7, v3  }
0x7e: {  	v3 =	vor.u32 v3, v4  }
0x7f: {  	v4 =	vperm.xlane v3, v0;
	_ =	sdelay $0x1  }
0x80: {  	v4 =	vadd.s32 v1, v4;
	_ =	sdelay $0x1  }
0x81: {  	v3 =	vperm.xlane v3, v2;
	_ =	sdelay $0x1  }
0x82: {  	s28 =	simm.s32 $0x7480;
	v3 =	vadd.s32 v1, v3  }
0x83: {  	[tilespmem:s28], [sflag:$0x1] =	stream.indirect_vreg.gather [hbm4b:s1+s4], $0x80, v4, vm0, $0xb8;
	[tilespmem:$0x1AC80] =	vst v63  }
0x84: {  	s29 =	simm.s32 $0x7C80  }
0x85: {  	[tilespmem:s29], [sflag:$0x1] =	stream.indirect_vreg.gather [hbm4b:s15+s4], $0x80, v4, vm1, $0xb8;
	[tilespmem:$0x1AC80] =	vst v63  }
0x86: {  	s21 =	simm.s32 $0x8080  }
0x87: {  	[tilespmem:s21], [sflag:$0x1] =	stream.indirect_vreg.gather [hbm4b:s1+s4], $0x80, v3, vm0, $0xb8;
	[tilespmem:$0x1AC80] =	vst v63  }
0x88: {  	s22 =	simm.s32 $0x8880  }
0x89: {  	[tilespmem:s22], [sflag:$0x1] =	stream.indirect_vreg.gather [hbm4b:s15+s4], $0x80, v3, vm1, $0xb8;
	[tilespmem:$0x1AC80] =	vst v63  }
0x8a: {  	v3 =	vld [tilespmem:$0xA0];
	_ =	sdelay $0x4  }
0x8b: {  	v62 =	vshrl.u32 v3, $0x3  }
0x8c: {  	v4 =	vmul.u32 $0x18, v62  }
0x8d: {  	v3 =	vand.u32 $0x7, v3  }
0x8e: {  	v3 =	vor.u32 v3, v4  }
0x8f: {  	v4 =	vperm.xlane v3, v0;
	_ =	sdelay $0x1  }
0x90: {  	v4 =	vadd.s32 v1, v4;
	_ =	sdelay $0x1  }
0x91: {  	v3 =	vperm.xlane v3, v2;
	_ =	sdelay $0x1  }
0x92: {  	s23 =	simm.s32 $0x8C80;
	v3 =	vadd.s32 v1, v3  }
0x93: {  	[tilespmem:s23], [sflag:$0x1] =	stream.indirect_vreg.gather [hbm4b:s1+s4], $0x80, v4, vm0, $0xb8;
	[tilespmem:$0x1AC80] =	vst v63  }
0x94: {  	s24 =	simm.s32 $0x9480  }
0x95: {  	[tilespmem:s24], [sflag:$0x1] =	stream.indirect_vreg.gather [hbm4b:s15+s4], $0x80, v4, vm1, $0xb8;
	[tilespmem:$0x1AC80] =	vst v63  }
0x96: {  	s25 =	simm.s32 $0x9880  }
0x97: {  	[tilespmem:s25], [sflag:$0x1] =	stream.indirect_vreg.gather [hbm4b:s1+s4], $0x80, v3, vm0, $0xb8;
	[tilespmem:$0x1AC80] =	vst v63  }
0x98: {  	s26 =	simm.s32 $0xA080  }
0x99: {  	[tilespmem:s26], [sflag:$0x1] =	stream.indirect_vreg.gather [hbm4b:s15+s4], $0x80, v3, vm1, $0xb8;
	[tilespmem:$0x1AC80] =	vst v63  }
0x9a: {  	v3 =	vld.msk [tilespmem:$0xB0], $0xff;
	_ =	sdelay $0x4  }
0x9b: {  	v63 =	vshrl.u32 v3, $0x3  }
0x9c: {  	v4 =	vmul.u32 $0x18, v63  }
0x9d: {  	v3 =	vand.u32 $0x7, v3  }
0x9e: {  	v3 =	vor.u32 v3, v4  }
0x9f: {  	v3 =	vperm.xlane v3, v0;
	_ =	sdelay $0x1  }
0xa0: {  	v3 =	vadd.s32 v1, v3;
	_ =	sdelay $0x3  }
0xa1: {  	s28 =	simm.s32 $0xA480  }
0xa2: {  	[tilespmem:s28], [sflag:$0x1] =	stream.indirect_vreg.gather [hbm4b:s1+s4], $0x80, v3, vm0, $0xb8;
	[tilespmem:$0x1AC80] =	vst v63  }
0xa3: {  	s29 =	simm.s32 $0xAC80;
	s22 =	simm.s32 $0x0  }
0xa4: {  	[tilespmem:s29], [sflag:$0x1] =	stream.indirect_vreg.gather [hbm4b:s15+s4], $0x80, v3, vm1, $0xb8;
	[tilespmem:$0x1AC80] =	vst v63  }
.LBB2_2:
0xa5: {  	s21 =	smul.u32 $0x38, s22;
	_ =	sdelay $0x1  }
0xa6: {  	s23 =	sadd.s32 s9, s21  }
0xa7: {  	s23 =	sshrl.u32 s23, $0x3  }
0xa8: {  	s8 =	simm.s32 $0x100;
	s24 =	sadd.s32 s3, s23;
	s23 =	simm.s32 $0x0  }
0xa9: {  	[tilespmem:s8], [sflag:$0x3] =	stream.linear.gather [hbm4b:s24+s23], $0x38, $0x38;
	[tilespmem:$0x1AC80] =	vst v63  }
0xaa: {  	_ =	swait.ge [sflag:s19], $0x38  }
0xab: {  	[sflag:s19] =	ssyncset.done $0x0  }
0xac: {  	[sflag:s19] =	ssyncadd.s32 $0xFFFFFFC8  }
0xad: {  	v3 =	vld [tilespmem:$0x100];
	_ =	sdelay $0x4  }
0xae: {  	v4 =	vshrl.u32 v3, $0x3  }
0xaf: {  	v4 =	vmul.u32 $0x18, v4  }
0xb0: {  	v3 =	vand.u32 $0x7, v3  }
0xb1: {  	v3 =	vor.u32 v3, v4  }
0xb2: {  	v4 =	vperm.xlane v3, v0;
	_ =	sdelay $0x1  }
0xb3: {  	v4 =	vadd.s32 v1, v4;
	_ =	sdelay $0x1  }
0xb4: {  	v3 =	vperm.xlane v3, v2;
	_ =	sdelay $0x1  }
0xb5: {  	s25 =	simm.s32 $0xB080;
	v3 =	vadd.s32 v1, v3  }
0xb6: {  	[tilespmem:s25], [sflag:$0x2] =	stream.indirect_vreg.gather [hbm4b:s1+s23], $0x80, v4, vm0, $0xb8;
	[tilespmem:$0x1AC80] =	vst v63  }
0xb7: {  	s26 =	simm.s32 $0xB880  }
0xb8: {  	[tilespmem:s26], [sflag:$0x2] =	stream.indirect_vreg.gather [hbm4b:s15+s23], $0x80, v4, vm1, $0xb8;
	[tilespmem:$0x1AC80] =	vst v63  }
0xb9: {  	s28 =	simm.s32 $0xBC80  }
0xba: {  	[tilespmem:s28], [sflag:$0x2] =	stream.indirect_vreg.gather [hbm4b:s1+s23], $0x80, v3, vm0, $0xb8;
	[tilespmem:$0x1AC80] =	vst v63  }
0xbb: {  	s29 =	simm.s32 $0xC480  }
0xbc: {  	[tilespmem:s29], [sflag:$0x2] =	stream.indirect_vreg.gather [hbm4b:s15+s23], $0x80, v3, vm1, $0xb8;
	[tilespmem:$0x1AC80] =	vst v63  }
0xbd: {  	v3 =	vld [tilespmem:$0x110];
	_ =	sdelay $0x4  }
0xbe: {  	v4 =	vshrl.u32 v3, $0x3  }
0xbf: {  	v4 =	vmul.u32 $0x18, v4  }
0xc0: {  	v3 =	vand.u32 $0x7, v3  }
0xc1: {  	v3 =	vor.u32 v3, v4  }
0xc2: {  	v4 =	vperm.xlane v3, v0;
	_ =	sdelay $0x1  }
0xc3: {  	v4 =	vadd.s32 v1, v4;
	_ =	sdelay $0x1  }
0xc4: {  	v3 =	vperm.xlane v3, v2;
	_ =	sdelay $0x1  }
0xc5: {  	s24 =	simm.s32 $0xC880;
	v3 =	vadd.s32 v1, v3  }
0xc6: {  	[tilespmem:s24], [sflag:$0x2] =	stream.indirect_vreg.gather [hbm4b:s1+s23], $0x80, v4, vm0, $0xb8;
	[tilespmem:$0x1AC80] =	vst v63  }
0xc7: {  	s25 =	simm.s32 $0xD080  }
0xc8: {  	[tilespmem:s25], [sflag:$0x2] =	stream.indirect_vreg.gather [hbm4b:s15+s23], $0x80, v4, vm1, $0xb8;
	[tilespmem:$0x1AC80] =	vst v63  }
0xc9: {  	s26 =	simm.s32 $0xD480  }
0xca: {  	[tilespmem:s26], [sflag:$0x2] =	stream.indirect_vreg.gather [hbm4b:s1+s23], $0x80, v3, vm0, $0xb8;
	[tilespmem:$0x1AC80] =	vst v63  }
0xcb: {  	s28 =	simm.s32 $0xDC80  }
0xcc: {  	[tilespmem:s28], [sflag:$0x2] =	stream.indirect_vreg.gather [hbm4b:s15+s23], $0x80, v3, vm1, $0xb8;
	[tilespmem:$0x1AC80] =	vst v63  }
0xcd: {  	v3 =	vld [tilespmem:$0x120];
	_ =	sdelay $0x4  }
0xce: {  	v4 =	vshrl.u32 v3, $0x3  }
0xcf: {  	v4 =	vmul.u32 $0x18, v4  }
0xd0: {  	v3 =	vand.u32 $0x7, v3  }
0xd1: {  	v3 =	vor.u32 v3, v4  }
0xd2: {  	v4 =	vperm.xlane v3, v0;
	_ =	sdelay $0x1  }
0xd3: {  	v4 =	vadd.s32 v1, v4;
	_ =	sdelay $0x1  }
0xd4: {  	v3 =	vperm.xlane v3, v2;
	_ =	sdelay $0x1  }
0xd5: {  	s29 =	simm.s32 $0xE080;
	v3 =	vadd.s32 v1, v3  }
0xd6: {  	[tilespmem:s29], [sflag:$0x2] =	stream.indirect_vreg.gather [hbm4b:s1+s23], $0x80, v4, vm0, $0xb8;
	[tilespmem:$0x1AC80] =	vst v63  }
0xd7: {  	s24 =	simm.s32 $0xE880  }
0xd8: {  	[tilespmem:s24], [sflag:$0x2] =	stream.indirect_vreg.gather [hbm4b:s15+s23], $0x80, v4, vm1, $0xb8;
	[tilespmem:$0x1AC80] =	vst v63  }
0xd9: {  	s25 =	simm.s32 $0xEC80  }
0xda: {  	[tilespmem:s25], [sflag:$0x2] =	stream.indirect_vreg.gather [hbm4b:s1+s23], $0x80, v3, vm0, $0xb8;
	[tilespmem:$0x1AC80] =	vst v63  }
0xdb: {  	s26 =	simm.s32 $0xF480  }
0xdc: {  	[tilespmem:s26], [sflag:$0x2] =	stream.indirect_vreg.gather [hbm4b:s15+s23], $0x80, v3, vm1, $0xb8;
	[tilespmem:$0x1AC80] =	vst v63  }
0xdd: {  	v3 =	vld.msk [tilespmem:$0x130], $0xff;
	_ =	sdelay $0x4  }
0xde: {  	v4 =	vshrl.u32 v3, $0x3  }
0xdf: {  	v4 =	vmul.u32 $0x18, v4  }
0xe0: {  	v3 =	vand.u32 $0x7, v3  }
0xe1: {  	v3 =	vor.u32 v3, v4  }
0xe2: {  	v3 =	vperm.xlane v3, v0;
	_ =	sdelay $0x1  }
0xe3: {  	v3 =	vadd.s32 v1, v3;
	_ =	sdelay $0x3  }
0xe4: {  	s8 =	sadd.s32 s10, s21;
	s28 =	simm.s32 $0xF880  }
0xe5: {  	[tilespmem:s28], [sflag:$0x2] =	stream.indirect_vreg.gather [hbm4b:s1+s23], $0x80, v3, vm0, $0xb8;
	[tilespmem:$0x1AC80] =	vst v63  }
0xe6: {  	s29 =	simm.s32 $0x10080;
	s24 =	sshrl.u32 s8, $0x3  }
0xe7: {  	[tilespmem:s29], [sflag:$0x2] =	stream.indirect_vreg.gather [hbm4b:s15+s23], $0x80, v3, vm1, $0xb8;
	[tilespmem:$0x1AC80] =	vst v63  }
0xe8: {  	s24 =	sadd.s32 s3, s24;
	s25 =	simm.s32 $0x180  }
0xe9: {  	[tilespmem:s25], [sflag:$0x3] =	stream.linear.gather [hbm4b:s24+s23], $0x38, $0x38;
	[tilespmem:$0x1AC80] =	vst v63  }
0xea: {  	_ =	swait.ge [sflag:s19], $0x38  }
0xeb: {  	[sflag:s19] =	ssyncset.done $0x0  }
0xec: {  	[sflag:s19] =	ssyncadd.s32 $0xFFFFFFC8  }
0xed: {  	v3 =	vld [tilespmem:$0x180];
	_ =	sdelay $0x4  }
0xee: {  	v4 =	vshrl.u32 v3, $0x3  }
0xef: {  	v4 =	vmul.u32 $0x18, v4  }
0xf0: {  	v3 =	vand.u32 $0x7, v3  }
0xf1: {  	v3 =	vor.u32 v3, v4  }
0xf2: {  	v4 =	vperm.xlane v3, v0;
	_ =	sdelay $0x1  }
0xf3: {  	v4 =	vadd.s32 v1, v4;
	_ =	sdelay $0x1  }
0xf4: {  	v3 =	vperm.xlane v3, v2;
	_ =	sdelay $0x1  }
0xf5: {  	s26 =	simm.s32 $0x10480;
	v3 =	vadd.s32 v1, v3  }
0xf6: {  	[tilespmem:s26], [sflag:$0x2] =	stream.indirect_vreg.gather [hbm4b:s1+s23], $0x80, v4, vm0, $0xb8;
	[tilespmem:$0x1AC80] =	vst v63  }
0xf7: {  	s28 =	simm.s32 $0x10C80  }
0xf8: {  	[tilespmem:s28], [sflag:$0x2] =	stream.indirect_vreg.gather [hbm4b:s15+s23], $0x80, v4, vm1, $0xb8;
	[tilespmem:$0x1AC80] =	vst v63  }
0xf9: {  	s29 =	simm.s32 $0x11080  }
0xfa: {  	[tilespmem:s29], [sflag:$0x2] =	stream.indirect_vreg.gather [hbm4b:s1+s23], $0x80, v3, vm0, $0xb8;
	[tilespmem:$0x1AC80] =	vst v63  }
0xfb: {  	s24 =	simm.s32 $0x11880  }
0xfc: {  	[tilespmem:s24], [sflag:$0x2] =	stream.indirect_vreg.gather [hbm4b:s15+s23], $0x80, v3, vm1, $0xb8;
	[tilespmem:$0x1AC80] =	vst v63  }
0xfd: {  	v3 =	vld [tilespmem:$0x190];
	_ =	sdelay $0x4  }
0xfe: {  	v4 =	vshrl.u32 v3, $0x3  }
0xff: {  	v4 =	vmul.u32 $0x18, v4  }
0x100: {  	v3 =	vand.u32 $0x7, v3  }
0x101: {  	v3 =	vor.u32 v3, v4  }
0x102: {  	v4 =	vperm.xlane v3, v0;
	_ =	sdelay $0x1  }
0x103: {  	v4 =	vadd.s32 v1, v4;
	_ =	sdelay $0x1  }
0x104: {  	v3 =	vperm.xlane v3, v2;
	_ =	sdelay $0x1  }
0x105: {  	s25 =	simm.s32 $0x11C80;
	v3 =	vadd.s32 v1, v3  }
0x106: {  	[tilespmem:s25], [sflag:$0x2] =	stream.indirect_vreg.gather [hbm4b:s1+s23], $0x80, v4, vm0, $0xb8;
	[tilespmem:$0x1AC80] =	vst v63  }
0x107: {  	s26 =	simm.s32 $0x12480  }
0x108: {  	[tilespmem:s26], [sflag:$0x2] =	stream.indirect_vreg.gather [hbm4b:s15+s23], $0x80, v4, vm1, $0xb8;
	[tilespmem:$0x1AC80] =	vst v63  }
0x109: {  	_ = 	snop  }
0x10a: {  	[tilespmem:s30], [sflag:$0x2] =	stream.indirect_vreg.gather [hbm4b:s1+s23], $0x80, v3, vm0, $0xb8;
	[tilespmem:$0x1AC80] =	vst v63  }
0x10b: {  	_ = 	snop  }
0x10c: {  	[tilespmem:s31], [sflag:$0x2] =	stream.indirect_vreg.gather [hbm4b:s15+s23], $0x80, v3, vm1, $0xb8;
	[tilespmem:$0x1AC80] =	vst v63  }
0x10d: {  	v3 =	vld [tilespmem:$0x1A0];
	_ =	sdelay $0x4  }
0x10e: {  	v4 =	vshrl.u32 v3, $0x3  }
0x10f: {  	v4 =	vmul.u32 $0x18, v4  }
0x110: {  	v3 =	vand.u32 $0x7, v3  }
0x111: {  	v3 =	vor.u32 v3, v4  }
0x112: {  	v4 =	vperm.xlane v3, v0;
	_ =	sdelay $0x1  }
0x113: {  	v4 =	vadd.s32 v1, v4;
	_ =	sdelay $0x1  }
0x114: {  	v3 =	vperm.xlane v3, v2;
	_ =	sdelay $0x1  }
0x115: {  	v3 =	vadd.s32 v1, v3  }
0x116: {  	[tilespmem:s2], [sflag:$0x2] =	stream.indirect_vreg.gather [hbm4b:s1+s23], $0x80, v4, vm0, $0xb8;
	[tilespmem:$0x1AC80] =	vst v63  }
0x117: {  	_ = 	snop  }
0x118: {  	[tilespmem:s0], [sflag:$0x2] =	stream.indirect_vreg.gather [hbm4b:s15+s23], $0x80, v4, vm1, $0xb8;
	[tilespmem:$0x1AC80] =	vst v63  }
0x119: {  	_ = 	snop  }
0x11a: {  	[tilespmem:s18], [sflag:$0x2] =	stream.indirect_vreg.gather [hbm4b:s1+s23], $0x80, v3, vm0, $0xb8;
	[tilespmem:$0x1AC80] =	vst v63  }
0x11b: {  	_ = 	snop  }
0x11c: {  	[tilespmem:s20], [sflag:$0x2] =	stream.indirect_vreg.gather [hbm4b:s15+s23], $0x80, v3, vm1, $0xb8;
	[tilespmem:$0x1AC80] =	vst v63  }
0x11d: {  	v3 =	vld.msk [tilespmem:$0x1B0], $0xff;
	_ =	sdelay $0x4  }
0x11e: {  	v4 =	vshrl.u32 v3, $0x3  }
0x11f: {  	v4 =	vmul.u32 $0x18, v4  }
0x120: {  	v3 =	vand.u32 $0x7, v3  }
0x121: {  	v3 =	vor.u32 v3, v4  }
0x122: {  	v3 =	vperm.xlane v3, v0;
	_ =	sdelay $0x1  }
0x123: {  	v3 =	vadd.s32 v1, v3;
	_ =	sdelay $0x4  }
0x124: {  	[tilespmem:s7], [sflag:$0x2] =	stream.indirect_vreg.gather [hbm4b:s1+s23], $0x80, v3, vm0, $0xb8;
	[tilespmem:$0x1AC80] =	vst v63  }
0x125: {  	_ = 	snop  }
0x126: {  	[tilespmem:s11], [sflag:$0x2] =	stream.indirect_vreg.gather [hbm4b:s15+s23], $0x80, v3, vm1, $0xb8;
	[tilespmem:$0x1AC80] =	vst v63  }
0x127: {  	_ =	swait.ge [sflag:s12], $0x5400  }
0x128: {  	[sflag:s12] =	ssyncset.done $0x0  }
0x129: {  	s28 =	simm.s32 $0x0;
	[sflag:s12] =	ssyncadd.s32 $0xFFFFAC00  }
0x12a: {  	s24 =	smul.u32 $0xC00, s28;
	_ =	swait.ge [sflag:s12], $0x5400  }
0x12b: {  	s23 =	sand.u32 $0x380, s23;
	[sflag:s12] =	ssyncset.done $0x0  }
0x12c: {  	s25 =	sor.u32 s23, s24;
	[sflag:s12] =	ssyncadd.s32 $0xFFFFAC00  }
0x12d: {  	v5 =	vld [tilespmem:s25+$0x880]  }
0x12e: {  	v3 =	vld [tilespmem:s25+$0x890]  }
0x12f: {  	v4 =	vld [tilespmem:s25+$0x5C90]  }
0x130: {  	v7 =	vld [tilespmem:s25+$0x8A0]  }
0x131: {  	v9 =	vld [tilespmem:s25+$0x5CA0]  }
0x132: {  	v10 =	vld [tilespmem:s25+$0x8B0]  }
0x133: {  	v11 =	vld [tilespmem:s25+$0x5CB0]  }
0x134: {  	v12 =	vld [tilespmem:s25+$0x8C0]  }
0x135: {  	v13 =	vld [tilespmem:s25+$0x5CC0]  }
0x136: {  	v14 =	vld [tilespmem:s25+$0x8D0]  }
0x137: {  	v15 =	vld [tilespmem:s25+$0x5CD0]  }
0x138: {  	v16 =	vld [tilespmem:s25+$0x8E0]  }
0x139: {  	v17 =	vld [tilespmem:s25+$0x5CE0]  }
0x13a: {  	v18 =	vld [tilespmem:s25+$0x8F0]  }
0x13b: {  	v19 =	vld [tilespmem:s25+$0x5CF0]  }
0x13c: {  	v20 =	vld [tilespmem:s25+$0xC80]  }
0x13d: {  	v21 =	vld [tilespmem:s25+$0x6080]  }
0x13e: {  	v22 =	vld [tilespmem:s25+$0xC90]  }
0x13f: {  	v23 =	vld [tilespmem:s25+$0x6090]  }
0x140: {  	v24 =	vld [tilespmem:s25+$0xCA0]  }
0x141: {  	v6 =	vld.msk [tilespmem:s16+$0xFFFFFE78 ss:$0x0], $0xffff  }
0x142: {  	v8 =	vld.msk [tilespmem:s16+$0x0 ss:$0x0], $0xffff  }
0x143: {  	v25 =	vld [tilespmem:s25+$0x60A0]  }
0x144: {  	v26 =	vld [tilespmem:s25+$0xCB0]  }
0x145: {  	v27 =	vld [tilespmem:s25+$0x60B0]  }
0x146: {  	v28 =	vld [tilespmem:s25+$0xCC0];
	v22 =	vmul.f32 v22, v6  }
0x147: {  	v29 =	vld [tilespmem:s25+$0x60C0];
	v23 =	vmul.f32 v23, v8;
	v10 =	vmul.f32 v10, v6  }
0x148: {  	v30 =	vld [tilespmem:s25+$0xCD0];
	v11 =	vmul.f32 v11, v8;
	v7 =	vmul.f32 v7, v6  }
0x149: {  	v31 =	vld [tilespmem:s25+$0x60D0];
	v9 =	vmul.f32 v9, v8;
	v3 =	vmul.f32 v3, v6  }
0x14a: {  	v32 =	vld [tilespmem:s25+$0xCE0];
	v4 =	vmul.f32 v4, v8;
	v18 =	vmul.f32 v18, v6  }
0x14b: {  	v14 =	vmul.f32 v14, v6;
	v15 =	vmul.f32 v15, v8;
	v22 =	vadd.f32 v23, v22;
	v23 =	vld [tilespmem:s25+$0x60E0]  }
0x14c: {  	v12 =	vmul.f32 v12, v6;
	v13 =	vmul.f32 v13, v8;
	v10 =	vadd.f32 v11, v10;
	v11 =	vld [tilespmem:s25+$0xCF0]  }
0x14d: {  	v7 =	vadd.f32 v9, v7;
	v9 =	vmul.f32 v24, v6;
	v24 =	vld [tilespmem:s25+$0x60F0];
	[tilespmem:s25+$0x15C90] =	vst v22;
	v22 =	vmul.f32 v25, v8  }
0x14e: {  	v3 =	vadd.f32 v4, v3;
	v4 =	vmul.f32 v20, v6;
	v20 =	vld [tilespmem:s25+$0x1080];
	[tilespmem:s25+$0x158B0] =	vst v10;
	v10 =	vmul.f32 v21, v8  }
0x14f: {  	v14 =	vadd.f32 v15, v14;
	v15 =	vld [tilespmem:s25+$0x64A0];
	[tilespmem:s25+$0x158A0] =	vst v7;
	v7 =	vmul.f32 v19, v8;
	v9 =	vadd.f32 v22, v9  }
0x150: {  	v16 =	vmul.f32 v16, v6;
	v19 =	vld [tilespmem:s25+$0x6480];
	[tilespmem:s25+$0x15890] =	vst v3;
	v3 =	vmul.f32 v17, v8;
	v4 =	vadd.f32 v10, v4  }
0x151: {  	v12 =	vadd.f32 v13, v12;
	v13 =	vld [tilespmem:s25+$0x10B0];
	v7 =	vadd.f32 v7, v18;
	[tilespmem:s25+$0x15CA0] =	vst v9  }
0x152: {  	v10 =	vld [tilespmem:s25+$0x1090];
	v3 =	vadd.f32 v3, v16;
	[tilespmem:s25+$0x15C80] =	vst v4  }
0x153: {  	v16 =	vmul.f32 v26, v6;
	v9 =	vld [tilespmem:s25+$0x6490];
	[tilespmem:s25+$0x158F0] =	vst v7;
	v7 =	vmul.f32 v27, v8  }
0x154: {  	v17 =	vmul.f32 v28, v6;
	v4 =	vld [tilespmem:s25+$0x10A0];
	[tilespmem:s25+$0x158E0] =	vst v3;
	v3 =	vmul.f32 v29, v8  }
0x155: {  	v20 =	vmul.f32 v20, v6;
	v19 =	vmul.f32 v19, v8;
	v7 =	vadd.f32 v7, v16;
	v16 =	vld [tilespmem:s25+$0x64B0]  }
0x156: {  	[tilespmem:s25+$0x158D0] =	vst v14;
	v14 =	vmul.f32 v31, v8;
	v18 =	vmul.f32 v30, v6;
	v3 =	vadd.f32 v3, v17;
	v17 =	vld [tilespmem:s25+$0x10C0]  }
0x157: {  	v21 =	vmul.f32 v32, v6;
	[tilespmem:s25+$0x158C0] =	vst v12;
	v12 =	vmul.f32 v23, v8;
	v19 =	vadd.f32 v19, v20;
	v20 =	vld [tilespmem:s25+$0x64E0]  }
0x158: {  	v11 =	vmul.f32 v11, v6;
	[tilespmem:s25+$0x15CB0] =	vst v7;
	v7 =	vadd.f32 v14, v18;
	v14 =	vmul.f32 v24, v8;
	v18 =	vld [tilespmem:s25+$0x64C0]  }
0x159: {  	s29 =	simm.s32 $0x0;
	[tilespmem:s25+$0x15CC0] =	vst v3;
	v3 =	vadd.f32 v12, v21;
	v12 =	vld [tilespmem:s25+$0x10D0]  }
0x15a: {  	s23 =	smul.u32 $0xC00, s29;
	s24 =	simm.s32 $0x80;
	v10 =	vmul.f32 v10, v6;
	v9 =	vmul.f32 v9, v8;
	[tilespmem:s25+$0x15CD0] =	vst v7;
	v7 =	vadd.f32 v14, v11;
	v11 =	vld [tilespmem:s25+$0x64D0]  }
0x15b: {  	s26 =	sand.u32 $0x380, s24;
	[tilespmem:s25+$0x15CE0] =	vst v3;
	v14 =	vld [tilespmem:s25+$0x10E0]  }
0x15c: {  	s23 =	sor.u32 s26, s23;
	v9 =	vadd.f32 v9, v10;
	v10 =	vld [tilespmem:s25+$0x10F0];
	[tilespmem:s25+$0x15CF0] =	vst v7  }
0x15d: {  	v15 =	vmul.f32 v15, v8;
	v13 =	vmul.f32 v13, v6;
	v3 =	vld [tilespmem:s23+$0x880];
	[tilespmem:s25+$0x16080] =	vst v19  }
0x15e: {  	v16 =	vmul.f32 v16, v8;
	v7 =	vmul.f32 v4, v6;
	v4 =	vld [tilespmem:s23+$0x890]  }
0x15f: {  	[tilespmem:s25+$0x16090] =	vst v9;
	v9 =	vld [tilespmem:s25+$0x64F0]  }
0x160: {  	v13 =	vadd.f32 v16, v13;
	v16 =	vld [tilespmem:s25+$0x5C80];
	v15 =	vadd.f32 v15, v7  }
0x161: {  	v17 =	vmul.f32 v17, v6;
	v18 =	vmul.f32 v18, v8  }
0x162: {  	v12 =	vmul.f32 v12, v6;
	v7 =	vld [tilespmem:s23+$0x5C90];
	v11 =	vmul.f32 v11, v8;
	[tilespmem:s25+$0x160A0] =	vst v15  }
0x163: {  	v18 =	vadd.f32 v18, v17;
	v15 =	vld [tilespmem:s23+$0x8A0];
	[tilespmem:s25+$0x160B0] =	vst v13;
	v13 =	vmul.f32 v14, v6;
	v14 =	vmul.f32 v20, v8  }
0x164: {  	v10 =	vmul.f32 v10, v6;
	v11 =	vadd.f32 v11, v12;
	v9 =	vmul.f32 v9, v8  }
0x165: {  	v5 =	vmul.f32 v5, v6;
	v17 =	vld [tilespmem:s23+$0x5CA0];
	[tilespmem:s25+$0x160C0] =	vst v18;
	v12 =	vadd.f32 v14, v13;
	v8 =	vmul.f32 v16, v8  }
0x166: {  	v20 =	vld [tilespmem:s23+$0x8B0];
	[tilespmem:s25+$0x160D0] =	vst v11;
	v9 =	vadd.f32 v9, v10  }
0x167: {  	v21 =	vld [tilespmem:s23+$0x5CB0];
	[tilespmem:s25+$0x160E0] =	vst v12;
	v8 =	vadd.f32 v8, v5  }
0x168: {  	v6 =	vld [tilespmem:s23+$0x8C0];
	[tilespmem:s25+$0x160F0] =	vst v9  }
0x169: {  	v5 =	vld [tilespmem:s23+$0x5CC0];
	[tilespmem:s25+$0x15880] =	vst v8  }
0x16a: {  	v9 =	vld [tilespmem:s23+$0x8D0]  }
0x16b: {  	v8 =	vld [tilespmem:s23+$0x5CD0]  }
0x16c: {  	v16 =	vld [tilespmem:s23+$0x8E0]  }
0x16d: {  	v13 =	vld [tilespmem:s23+$0x5CE0]  }
0x16e: {  	v19 =	vld [tilespmem:s23+$0x8F0]  }
0x16f: {  	v18 =	vld [tilespmem:s23+$0x5CF0]  }
0x170: {  	v23 =	vld [tilespmem:s23+$0xC80]  }
0x171: {  	v22 =	vld [tilespmem:s23+$0x6080]  }
0x172: {  	v26 =	vld [tilespmem:s23+$0xC90]  }
0x173: {  	v27 =	vld [tilespmem:s23+$0x6090]  }
0x174: {  	v25 =	vld [tilespmem:s23+$0xCA0]  }
0x175: {  	v24 =	vld [tilespmem:s23+$0x60A0]  }
0x176: {  	v14 =	vld [tilespmem:s23+$0xCB0]  }
0x177: {  	s26 =	simm.s32 $0x2;
	s25 =	smov.u32 s16;
	v12 =	vld [tilespmem:s23+$0x60B0]  }
.LBB2_3:
0x178: {  	p0 =	sne.s32 s26, $0x37;
	v28 =	vld [tilespmem:s23+$0xCC0];
	s25 =	sadd.s32 $0x1, s25  }
0x179: {  	v11 =	vld.msk [tilespmem:s25+$0xFFFFFE78 ss:$0x0], $0xffff  }
0x17a: {  	v10 =	vld.msk [tilespmem:s25+$0x0 ss:$0x0], $0xffff  }
0x17b: {  	v29 =	vld [tilespmem:s23+$0x60C0]  }
0x17c: {  	v30 =	vld [tilespmem:s23+$0xCD0]  }
0x17d: {  	v31 =	vld [tilespmem:s23+$0x60D0]  }
0x17e: {  	v32 =	vld [tilespmem:s23+$0xCE0]  }
0x17f: {  	v15 =	vmul.f32 v15, v11;
	v20 =	vmul.f32 v20, v11;
	v33 =	vld [tilespmem:s23+$0x60E0]  }
0x180: {  	v26 =	vmul.f32 v26, v11;
	v27 =	vmul.f32 v27, v10;
	v34 =	vld [tilespmem:s23+$0xCF0]  }
0x181: {  	v17 =	vmul.f32 v17, v10;
	v21 =	vmul.f32 v21, v10;
	v35 =	vld [tilespmem:s23+$0x60F0]  }
0x182: {  	v4 =	vmul.f32 v4, v11;
	v7 =	vmul.f32 v7, v10;
	v26 =	vadd.f32 v27, v26;
	v27 =	vld [tilespmem:s23+$0x1080]  }
0x183: {  	v15 =	vadd.f32 v17, v15;
	v17 =	vadd.f32 v21, v20;
	v20 =	vmul.f32 v25, v11;
	v21 =	vld [tilespmem:s23+$0x6480]  }
0x184: {  	v4 =	vadd.f32 v7, v4;
	v7 =	vmul.f32 v23, v11;
	v23 =	vmul.f32 v24, v10;
	[tilespmem:s23+$0x15C90] =	vst v26;
	v24 =	vld [tilespmem:s23+$0x1090]  }
0x185: {  	[tilespmem:s23+$0x158B0] =	vst v17;
	v17 =	vmul.f32 v19, v11;
	v19 =	vmul.f32 v22, v10;
	v22 =	vld [tilespmem:s23+$0x6490]  }
0x186: {  	[tilespmem:s23+$0x158A0] =	vst v15;
	v15 =	vmul.f32 v16, v11;
	v16 =	vmul.f32 v18, v10;
	v18 =	vadd.f32 v23, v20;
	v20 =	vld [tilespmem:s23+$0x10A0]  }
0x187: {  	[tilespmem:s23+$0x15890] =	vst v4;
	v4 =	vmul.f32 v9, v11;
	v9 =	vmul.f32 v13, v10;
	v7 =	vadd.f32 v19, v7;
	v13 =	vld [tilespmem:s23+$0x64A0]  }
0x188: {  	v6 =	vmul.f32 v6, v11;
	v8 =	vmul.f32 v8, v10;
	v16 =	vadd.f32 v16, v17;
	[tilespmem:s23+$0x15CA0] =	vst v18;
	v17 =	vld [tilespmem:s23+$0x10B0]  }
0x189: {  	v5 =	vmul.f32 v5, v10;
	v9 =	vadd.f32 v9, v15;
	[tilespmem:s23+$0x15C80] =	vst v7;
	v7 =	vmul.f32 v14, v11;
	v14 =	vld [tilespmem:s23+$0x64B0]  }
0x18a: {  	v4 =	vadd.f32 v8, v4;
	v8 =	vmul.f32 v12, v10;
	v12 =	vmul.f32 v28, v11;
	[tilespmem:s23+$0x158F0] =	vst v16;
	v15 =	vld [tilespmem:s23+$0x10C0]  }
0x18b: {  	v5 =	vadd.f32 v5, v6;
	v6 =	vmul.f32 v29, v10;
	[tilespmem:s23+$0x158E0] =	vst v9;
	v9 =	vmul.f32 v30, v11;
	v16 =	vld [tilespmem:s23+$0x64C0]  }
0x18c: {  	[tilespmem:s23+$0x158D0] =	vst v4;
	v4 =	vadd.f32 v8, v7;
	v7 =	vmul.f32 v31, v10;
	v8 =	vmul.f32 v32, v11;
	v18 =	vld [tilespmem:s23+$0x10D0]  }
0x18d: {  	[tilespmem:s23+$0x158C0] =	vst v5;
	v5 =	vadd.f32 v6, v12;
	v6 =	vmul.f32 v33, v10;
	v12 =	vmul.f32 v34, v11;
	v19 =	vld [tilespmem:s23+$0x64D0]  }
0x18e: {  	[tilespmem:s23+$0x15CB0] =	vst v4;
	v4 =	vadd.f32 v7, v9;
	v7 =	vmul.f32 v35, v10;
	v9 =	vmul.f32 v27, v11;
	v23 =	vld [tilespmem:s23+$0x10E0]  }
0x18f: {  	s28 =	sshrl.u32 s26, $0x3;
	[tilespmem:s23+$0x15CC0] =	vst v5;
	v5 =	vadd.f32 v6, v8;
	v6 =	vmul.f32 v21, v10;
	v8 =	vmul.f32 v24, v11;
	v21 =	vld [tilespmem:s23+$0x64E0]  }
0x190: {  	s24 =	sadd.s32 $0x80, s24;
	s28 =	smul.u32 $0xC00, s28;
	[tilespmem:s23+$0x15CD0] =	vst v4;
	v4 =	vadd.f32 v7, v12;
	v7 =	vmul.f32 v22, v10;
	v12 =	vmul.f32 v20, v11;
	v20 =	vld [tilespmem:s23+$0x10F0]  }
0x191: {  	s29 =	sand.u32 $0x380, s24;
	[tilespmem:s23+$0x15CE0] =	vst v5;
	v5 =	vadd.f32 v6, v9;
	v6 =	vmul.f32 v13, v10;
	v9 =	vmul.f32 v17, v11;
	v13 =	vld [tilespmem:s23+$0x64F0]  }
0x192: {  	s28 =	sor.u32 s29, s28;
	v22 =	vld [tilespmem:s23+$0x5C80];
	[tilespmem:s23+$0x15CF0] =	vst v4;
	v7 =	vadd.f32 v7, v8;
	v8 =	vmul.f32 v14, v10;
	v14 =	vmul.f32 v15, v11  }
0x193: {  	v24 =	vld [tilespmem:s28+$0x880];
	[tilespmem:s23+$0x16080] =	vst v5;
	v5 =	vadd.f32 v6, v12;
	v6 =	vmul.f32 v16, v10;
	v12 =	vmul.f32 v18, v11  }
0x194: {  	v16 =	vmul.f32 v23, v11;
	v4 =	vld [tilespmem:s28+$0x890];
	[tilespmem:s23+$0x16090] =	vst v7;
	v8 =	vadd.f32 v8, v9;
	v9 =	vmul.f32 v19, v10  }
0x195: {  	v7 =	vld [tilespmem:s28+$0x5C90];
	[tilespmem:s23+$0x160A0] =	vst v5;
	v5 =	vadd.f32 v6, v14;
	v6 =	vmul.f32 v21, v10;
	v14 =	vmul.f32 v20, v11  }
0x196: {  	v11 =	vmul.f32 v3, v11;
	v15 =	vld [tilespmem:s28+$0x8A0];
	[tilespmem:s23+$0x160B0] =	vst v8;
	v12 =	vadd.f32 v9, v12;
	v8 =	vmul.f32 v13, v10  }
0x197: {  	v17 =	vld [tilespmem:s28+$0x5CA0];
	v9 =	vmul.f32 v22, v10;
	[tilespmem:s23+$0x160C0] =	vst v5;
	v5 =	vadd.f32 v6, v16  }
0x198: {  	v20 =	vld [tilespmem:s28+$0x8B0];
	[tilespmem:s23+$0x160D0] =	vst v12;
	v8 =	vadd.f32 v8, v14;
	v3 =	vmov v24  }
0x199: {  	v21 =	vld [tilespmem:s28+$0x5CB0];
	v9 =	vadd.f32 v9, v11;
	[tilespmem:s23+$0x160E0] =	vst v5  }
0x19a: {  	v6 =	vld [tilespmem:s28+$0x8C0];
	[tilespmem:s23+$0x160F0] =	vst v8  }
0x19b: {  	v5 =	vld [tilespmem:s28+$0x5CC0];
	[tilespmem:s23+$0x15880] =	vst v9;
	s23 =	smov.u32 s28  }
0x19c: {  	v9 =	vld [tilespmem:s23+$0x8D0]  }
0x19d: {  	v8 =	vld [tilespmem:s23+$0x5CD0]  }
0x19e: {  	v16 =	vld [tilespmem:s23+$0x8E0]  }
0x19f: {  	v13 =	vld [tilespmem:s23+$0x5CE0]  }
0x1a0: {  	v19 =	vld [tilespmem:s23+$0x8F0]  }
0x1a1: {  	v18 =	vld [tilespmem:s23+$0x5CF0]  }
0x1a2: {  	v23 =	vld [tilespmem:s23+$0xC80]  }
0x1a3: {  	v22 =	vld [tilespmem:s23+$0x6080]  }
0x1a4: {  	v26 =	vld [tilespmem:s23+$0xC90]  }
.Ltmp0:
0x1a5: {  	v27 =	vld [tilespmem:s23+$0x6090];
	(pc) =	sbr.rel @p0 .LBB2_3-.Ltmp0, $4  }
0x1a6: {  	v25 =	vld [tilespmem:s23+$0xCA0]  }
0x1a7: {  	v24 =	vld [tilespmem:s23+$0x60A0]  }
0x1a8: {  	v14 =	vld [tilespmem:s23+$0xCB0]  }
0x1a9: {  	s26 =	sadd.s32 $0x1, s26;
	v12 =	vld [tilespmem:s23+$0x60B0]  }
0x1aa: {  	v10 =	vld [tilespmem:s23+$0xCC0]  }
0x1ab: {  	s24 =	sadd.s32 $0x1, s25;
	v29 =	vld [tilespmem:s23+$0x60C0]  }
0x1ac: {  	v11 =	vld.msk [tilespmem:s24+$0xFFFFFE78 ss:$0x0], $0xffff  }
0x1ad: {  	v28 =	vld.msk [tilespmem:s24+$0x0 ss:$0x0], $0xffff  }
0x1ae: {  	v30 =	vld [tilespmem:s23+$0xCD0]  }
0x1af: {  	v31 =	vld [tilespmem:s23+$0x60D0]  }
0x1b0: {  	v32 =	vld [tilespmem:s23+$0xCE0]  }
0x1b1: {  	v33 =	vld [tilespmem:s23+$0x60E0]  }
0x1b2: {  	v34 =	vld [tilespmem:s23+$0xCF0];
	v26 =	vmul.f32 v26, v11;
	v27 =	vmul.f32 v27, v28  }
0x1b3: {  	v35 =	vld [tilespmem:s23+$0x60F0];
	v20 =	vmul.f32 v20, v11;
	v21 =	vmul.f32 v21, v28  }
0x1b4: {  	v54 =	vld [tilespmem:s23+$0x1080];
	v15 =	vmul.f32 v15, v11;
	v17 =	vmul.f32 v17, v28  }
0x1b5: {  	v36 =	vld [tilespmem:s23+$0x6480];
	v4 =	vmul.f32 v4, v11;
	v7 =	vmul.f32 v7, v28;
	v26 =	vadd.f32 v27, v26  }
0x1b6: {  	v55 =	vld [tilespmem:s23+$0x1090];
	v57 =	vmul.f32 v25, v11;
	v58 =	vmul.f32 v24, v28;
	v20 =	vadd.f32 v21, v20  }
0x1b7: {  	v56 =	vld [tilespmem:s23+$0x6490];
	v23 =	vmul.f32 v23, v11;
	v22 =	vmul.f32 v22, v28;
	v15 =	vadd.f32 v17, v15;
	[tilespmem:s23+$0x15C90] =	vst v26  }
0x1b8: {  	v59 =	vld [tilespmem:s23+$0x10A0];
	v19 =	vmul.f32 v19, v11;
	v18 =	vmul.f32 v18, v28;
	v4 =	vadd.f32 v7, v4;
	[tilespmem:s23+$0x158B0] =	vst v20  }
0x1b9: {  	v60 =	vld [tilespmem:s23+$0x64A0];
	v16 =	vmul.f32 v16, v11;
	v13 =	vmul.f32 v13, v28;
	v7 =	vadd.f32 v58, v57;
	[tilespmem:s23+$0x158A0] =	vst v15  }
0x1ba: {  	v62 =	vld [tilespmem:s23+$0x10B0];
	v9 =	vmul.f32 v9, v11;
	v8 =	vmul.f32 v8, v28;
	v61 =	vadd.f32 v22, v23;
	[tilespmem:s23+$0x15890] =	vst v4  }
0x1bb: {  	v63 =	vld [tilespmem:s23+$0x64B0];
	v6 =	vmul.f32 v6, v11;
	v5 =	vmul.f32 v5, v28;
	v18 =	vadd.f32 v18, v19;
	[tilespmem:s23+$0x15CA0] =	vst v7  }
0x1bc: {  	v37 =	vld [tilespmem:s23+$0x10D0];
	v12 =	vmul.f32 v12, v28;
	v38 =	vmul.f32 v10, v11;
	v13 =	vadd.f32 v13, v16;
	[tilespmem:s23+$0x15C80] =	vst v61  }
0x1bd: {  	v40 =	vld [tilespmem:s23+$0x64D0];
	v39 =	vmul.f32 v29, v28;
	v41 =	vmul.f32 v30, v11;
	v8 =	vadd.f32 v8, v9;
	[tilespmem:s23+$0x158F0] =	vst v18  }
0x1be: {  	v49 =	vld [tilespmem:s23+$0x10F0];
	v42 =	vmul.f32 v31, v28;
	v47 =	vmul.f32 v34, v11;
	v5 =	vadd.f32 v5, v6;
	[tilespmem:s23+$0x158E0] =	vst v13  }
0x1bf: {  	v24 =	vld [tilespmem:s23+$0x10C0];
	v50 =	vmul.f32 v54, v11;
	v51 =	vmul.f32 v36, v28;
	[tilespmem:s23+$0x158D0] =	vst v8;
	v8 =	vadd.f32 v39, v38  }
0x1c0: {  	v25 =	vld [tilespmem:s23+$0x64C0];
	v48 =	vmul.f32 v35, v28;
	v26 =	vmul.f32 v14, v11;
	[tilespmem:s23+$0x158C0] =	vst v5;
	v13 =	vadd.f32 v42, v41  }
0x1c1: {  	v52 =	vmul.f32 v55, v11;
	v53 =	vmul.f32 v56, v28;
	v54 =	vld [tilespmem:s23+$0x64F0];
	v20 =	vadd.f32 v51, v50;
	[tilespmem:s23+$0x15CC0] =	vst v8  }
0x1c2: {  	v55 =	vld [tilespmem:s23+$0x5C80];
	v15 =	vmul.f32 v59, v11;
	v4 =	vmul.f32 v60, v28;
	v12 =	vadd.f32 v12, v26;
	[tilespmem:s23+$0x15CD0] =	vst v13  }
0x1c3: {  	v43 =	vld [tilespmem:s23+$0x10E0];
	v56 =	vmul.f32 v63, v28;
	v7 =	vmul.f32 v62, v11;
	v13 =	vadd.f32 v48, v47;
	[tilespmem:s23+$0x16080] =	vst v20  }
0x1c4: {  	v46 =	vld [tilespmem:s23+$0x64E0];
	v6 =	vmul.f32 v37, v11;
	v5 =	vmul.f32 v40, v28;
	v4 =	vadd.f32 v4, v15;
	[tilespmem:s23+$0x15CB0] =	vst v12  }
0x1c5: {  	v57 =	vmul.f32 v24, v11;
	v9 =	vmul.f32 v25, v28;
	v7 =	vadd.f32 v56, v7;
	[tilespmem:s23+$0x15CF0] =	vst v13  }
0x1c6: {  	v59 =	vmul.f32 v49, v11;
	v60 =	vmul.f32 v54, v28;
	v5 =	vadd.f32 v5, v6;
	[tilespmem:s23+$0x160A0] =	vst v4  }
0x1c7: {  	v3 =	vmul.f32 v3, v11;
	v61 =	vmul.f32 v55, v28;
	v58 =	vadd.f32 v9, v57;
	[tilespmem:s23+$0x160B0] =	vst v7  }
0x1c8: {  	v44 =	vmul.f32 v32, v11;
	v45 =	vmul.f32 v33, v28;
	v63 =	vadd.f32 v60, v59;
	[tilespmem:s23+$0x160D0] =	vst v5  }
0x1c9: {  	p0 =	seq.s32 s22, $0x6;
	v10 =	vmul.f32 v43, v11;
	v8 =	vmul.f32 v46, v28;
	v3 =	vadd.f32 v61, v3;
	[tilespmem:s23+$0x160C0] =	vst v58  }
.Ltmp1:
0x1ca: {  	v12 =	vadd.f32 v45, v44;
	[tilespmem:s23+$0x160F0] =	vst v63;
	(pc) =	sbr.rel @p0 .LBB2_6-.Ltmp1, $4  }
0x1cb: {  	v62 =	vadd.f32 v8, v10;
	[tilespmem:s23+$0x15880] =	vst v3  }
0x1cc: {  	[tilespmem:s23+$0x15CE0] =	vst v12;
	v12 =	vadd.f32 v53, v52  }
0x1cd: {  	[tilespmem:s23+$0x160E0] =	vst v62  }
0x1ce: {  	s22 =	sadd.s32 $0x1, s22;
	[tilespmem:s23+$0x16090] =	vst v12  }
0x1cf: {  	s23 =	smul.u32 $0x38, s22;
	_ =	sdelay $0x1  }
0x1d0: {  	s24 =	sadd.s32 s5, s23  }
0x1d1: {  	s24 =	sshrl.u32 s24, $0x3  }
0x1d2: {  	s24 =	sadd.s32 s3, s24  }
0x1d3: {  	[tilespmem:s4], [sflag:$0x3] =	stream.linear.gather [hbm4b:s24+s4], $0x38, $0x38;
	[tilespmem:$0x1AC80] =	vst v63  }
0x1d4: {  	_ =	swait.ge [sflag:s19], $0x38  }
0x1d5: {  	[sflag:s19] =	ssyncset.done $0x0  }
0x1d6: {  	[sflag:s19] =	ssyncadd.s32 $0xFFFFFFC8  }
0x1d7: {  	v3 =	vld [tilespmem:$0x0];
	_ =	sdelay $0x4  }
0x1d8: {  	v4 =	vshrl.u32 v3, $0x3  }
0x1d9: {  	v4 =	vmul.u32 $0x18, v4  }
0x1da: {  	v3 =	vand.u32 $0x7, v3  }
0x1db: {  	v3 =	vor.u32 v3, v4  }
0x1dc: {  	v4 =	vperm.xlane v3, v0;
	_ =	sdelay $0x1  }
0x1dd: {  	v4 =	vadd.s32 v1, v4;
	_ =	sdelay $0x1  }
0x1de: {  	v3 =	vperm.xlane v3, v2;
	_ =	sdelay $0x1  }
0x1df: {  	s8 =	simm.s32 $0x880;
	v3 =	vadd.s32 v1, v3  }
0x1e0: {  	[tilespmem:s8], [sflag:$0x1] =	stream.indirect_vreg.gather [hbm4b:s1+s4], $0x80, v4, vm0, $0xb8;
	[tilespmem:$0x1AC80] =	vst v63  }
0x1e1: {  	s28 =	simm.s32 $0x1080  }
0x1e2: {  	[tilespmem:s28], [sflag:$0x1] =	stream.indirect_vreg.gather [hbm4b:s15+s4], $0x80, v4, vm1, $0xb8;
	[tilespmem:$0x1AC80] =	vst v63  }
0x1e3: {  	s29 =	simm.s32 $0x1480  }
0x1e4: {  	[tilespmem:s29], [sflag:$0x1] =	stream.indirect_vreg.gather [hbm4b:s1+s4], $0x80, v3, vm0, $0xb8;
	[tilespmem:$0x1AC80] =	vst v63  }
0x1e5: {  	s24 =	simm.s32 $0x1C80  }
0x1e6: {  	[tilespmem:s24], [sflag:$0x1] =	stream.indirect_vreg.gather [hbm4b:s15+s4], $0x80, v3, vm1, $0xb8;
	[tilespmem:$0x1AC80] =	vst v63  }
0x1e7: {  	v3 =	vld [tilespmem:$0x10];
	_ =	sdelay $0x4  }
0x1e8: {  	v57 =	vshrl.u32 v3, $0x3  }
0x1e9: {  	v4 =	vmul.u32 $0x18, v57  }
0x1ea: {  	v3 =	vand.u32 $0x7, v3  }
0x1eb: {  	v3 =	vor.u32 v3, v4  }
0x1ec: {  	v4 =	vperm.xlane v3, v0;
	_ =	sdelay $0x1  }
0x1ed: {  	v4 =	vadd.s32 v1, v4;
	_ =	sdelay $0x1  }
0x1ee: {  	v3 =	vperm.xlane v3, v2;
	_ =	sdelay $0x1  }
0x1ef: {  	s25 =	simm.s32 $0x2080;
	v3 =	vadd.s32 v1, v3  }
0x1f0: {  	[tilespmem:s25], [sflag:$0x1] =	stream.indirect_vreg.gather [hbm4b:s1+s4], $0x80, v4, vm0, $0xb8;
	[tilespmem:$0x1AC80] =	vst v63  }
0x1f1: {  	s26 =	simm.s32 $0x2880  }
0x1f2: {  	[tilespmem:s26], [sflag:$0x1] =	stream.indirect_vreg.gather [hbm4b:s15+s4], $0x80, v4, vm1, $0xb8;
	[tilespmem:$0x1AC80] =	vst v63  }
0x1f3: {  	s28 =	simm.s32 $0x2C80  }
0x1f4: {  	[tilespmem:s28], [sflag:$0x1] =	stream.indirect_vreg.gather [hbm4b:s1+s4], $0x80, v3, vm0, $0xb8;
	[tilespmem:$0x1AC80] =	vst v63  }
0x1f5: {  	s29 =	simm.s32 $0x3480  }
0x1f6: {  	[tilespmem:s29], [sflag:$0x1] =	stream.indirect_vreg.gather [hbm4b:s15+s4], $0x80, v3, vm1, $0xb8;
	[tilespmem:$0x1AC80] =	vst v63  }
0x1f7: {  	v3 =	vld [tilespmem:$0x20];
	_ =	sdelay $0x4  }
0x1f8: {  	v58 =	vshrl.u32 v3, $0x3  }
0x1f9: {  	v4 =	vmul.u32 $0x18, v58  }
0x1fa: {  	v3 =	vand.u32 $0x7, v3  }
0x1fb: {  	v3 =	vor.u32 v3, v4  }
0x1fc: {  	v4 =	vperm.xlane v3, v0;
	_ =	sdelay $0x1  }
0x1fd: {  	v4 =	vadd.s32 v1, v4;
	_ =	sdelay $0x1  }
0x1fe: {  	v3 =	vperm.xlane v3, v2;
	_ =	sdelay $0x1  }
0x1ff: {  	s24 =	simm.s32 $0x3880;
	v3 =	vadd.s32 v1, v3  }
0x200: {  	[tilespmem:s24], [sflag:$0x1] =	stream.indirect_vreg.gather [hbm4b:s1+s4], $0x80, v4, vm0, $0xb8;
	[tilespmem:$0x1AC80] =	vst v63  }
0x201: {  	s25 =	simm.s32 $0x4080  }
0x202: {  	[tilespmem:s25], [sflag:$0x1] =	stream.indirect_vreg.gather [hbm4b:s15+s4], $0x80, v4, vm1, $0xb8;
	[tilespmem:$0x1AC80] =	vst v63  }
0x203: {  	s26 =	simm.s32 $0x4480  }
0x204: {  	[tilespmem:s26], [sflag:$0x1] =	stream.indirect_vreg.gather [hbm4b:s1+s4], $0x80, v3, vm0, $0xb8;
	[tilespmem:$0x1AC80] =	vst v63  }
0x205: {  	s28 =	simm.s32 $0x4C80  }
0x206: {  	[tilespmem:s28], [sflag:$0x1] =	stream.indirect_vreg.gather [hbm4b:s15+s4], $0x80, v3, vm1, $0xb8;
	[tilespmem:$0x1AC80] =	vst v63  }
0x207: {  	v3 =	vld.msk [tilespmem:$0x30], $0xff;
	_ =	sdelay $0x4  }
0x208: {  	v59 =	vshrl.u32 v3, $0x3  }
0x209: {  	v4 =	vmul.u32 $0x18, v59  }
0x20a: {  	v3 =	vand.u32 $0x7, v3  }
0x20b: {  	v3 =	vor.u32 v3, v4  }
0x20c: {  	v3 =	vperm.xlane v3, v0;
	_ =	sdelay $0x1  }
0x20d: {  	v3 =	vadd.s32 v1, v3;
	_ =	sdelay $0x2  }
0x20e: {  	s25 =	rddreg [dreg:$0x5]  }
0x20f: {  	s29 =	simm.s32 $0x5080;
	s23 =	sadd.s32 s25, s23  }
0x210: {  	[tilespmem:s29], [sflag:$0x1] =	stream.indirect_vreg.gather [hbm4b:s1+s4], $0x80, v3, vm0, $0xb8;
	[tilespmem:$0x1AC80] =	vst v63  }
0x211: {  	s24 =	simm.s32 $0x5880;
	s23 =	sshrl.u32 s23, $0x3  }
0x212: {  	[tilespmem:s24], [sflag:$0x1] =	stream.indirect_vreg.gather [hbm4b:s15+s4], $0x80, v3, vm1, $0xb8;
	[tilespmem:$0x1AC80] =	vst v63  }
0x213: {  	s26 =	simm.s32 $0x80;
	s23 =	sadd.s32 s3, s23  }
0x214: {  	[tilespmem:s26], [sflag:$0x3] =	stream.linear.gather [hbm4b:s23+s4], $0x38, $0x38;
	[tilespmem:$0x1AC80] =	vst v63  }
0x215: {  	_ =	swait.ge [sflag:s19], $0x38  }
0x216: {  	[sflag:s19] =	ssyncset.done $0x0  }
0x217: {  	[sflag:s19] =	ssyncadd.s32 $0xFFFFFFC8  }
0x218: {  	v3 =	vld [tilespmem:$0x80];
	_ =	sdelay $0x4  }
0x219: {  	v60 =	vshrl.u32 v3, $0x3  }
0x21a: {  	v4 =	vmul.u32 $0x18, v60  }
0x21b: {  	v3 =	vand.u32 $0x7, v3  }
0x21c: {  	v3 =	vor.u32 v3, v4  }
0x21d: {  	v4 =	vperm.xlane v3, v0;
	_ =	sdelay $0x1  }
0x21e: {  	v4 =	vadd.s32 v1, v4;
	_ =	sdelay $0x1  }
0x21f: {  	v3 =	vperm.xlane v3, v2;
	_ =	sdelay $0x1  }
0x220: {  	s28 =	simm.s32 $0x5C80;
	v3 =	vadd.s32 v1, v3  }
0x221: {  	[tilespmem:s28], [sflag:$0x1] =	stream.indirect_vreg.gather [hbm4b:s1+s4], $0x80, v4, vm0, $0xb8;
	[tilespmem:$0x1AC80] =	vst v63  }
0x222: {  	s29 =	simm.s32 $0x6480  }
0x223: {  	[tilespmem:s29], [sflag:$0x1] =	stream.indirect_vreg.gather [hbm4b:s15+s4], $0x80, v4, vm1, $0xb8;
	[tilespmem:$0x1AC80] =	vst v63  }
0x224: {  	s23 =	simm.s32 $0x6880  }
0x225: {  	[tilespmem:s23], [sflag:$0x1] =	stream.indirect_vreg.gather [hbm4b:s1+s4], $0x80, v3, vm0, $0xb8;
	[tilespmem:$0x1AC80] =	vst v63  }
0x226: {  	s24 =	simm.s32 $0x7080  }
0x227: {  	[tilespmem:s24], [sflag:$0x1] =	stream.indirect_vreg.gather [hbm4b:s15+s4], $0x80, v3, vm1, $0xb8;
	[tilespmem:$0x1AC80] =	vst v63  }
0x228: {  	v3 =	vld [tilespmem:$0x90];
	_ =	sdelay $0x4  }
0x229: {  	v61 =	vshrl.u32 v3, $0x3  }
0x22a: {  	v4 =	vmul.u32 $0x18, v61  }
0x22b: {  	v3 =	vand.u32 $0x7, v3  }
0x22c: {  	v3 =	vor.u32 v3, v4  }
0x22d: {  	v4 =	vperm.xlane v3, v0;
	_ =	sdelay $0x1  }
0x22e: {  	v4 =	vadd.s32 v1, v4;
	_ =	sdelay $0x1  }
0x22f: {  	v3 =	vperm.xlane v3, v2;
	_ =	sdelay $0x1  }
0x230: {  	s25 =	simm.s32 $0x7480;
	v3 =	vadd.s32 v1, v3  }
0x231: {  	[tilespmem:s25], [sflag:$0x1] =	stream.indirect_vreg.gather [hbm4b:s1+s4], $0x80, v4, vm0, $0xb8;
	[tilespmem:$0x1AC80] =	vst v63  }
0x232: {  	s26 =	simm.s32 $0x7C80  }
0x233: {  	[tilespmem:s26], [sflag:$0x1] =	stream.indirect_vreg.gather [hbm4b:s15+s4], $0x80, v4, vm1, $0xb8;
	[tilespmem:$0x1AC80] =	vst v63  }
0x234: {  	s28 =	simm.s32 $0x8080  }
0x235: {  	[tilespmem:s28], [sflag:$0x1] =	stream.indirect_vreg.gather [hbm4b:s1+s4], $0x80, v3, vm0, $0xb8;
	[tilespmem:$0x1AC80] =	vst v63  }
0x236: {  	s29 =	simm.s32 $0x8880  }
0x237: {  	[tilespmem:s29], [sflag:$0x1] =	stream.indirect_vreg.gather [hbm4b:s15+s4], $0x80, v3, vm1, $0xb8;
	[tilespmem:$0x1AC80] =	vst v63  }
0x238: {  	v3 =	vld [tilespmem:$0xA0];
	_ =	sdelay $0x4  }
0x239: {  	v62 =	vshrl.u32 v3, $0x3  }
0x23a: {  	v4 =	vmul.u32 $0x18, v62  }
0x23b: {  	v3 =	vand.u32 $0x7, v3  }
0x23c: {  	v3 =	vor.u32 v3, v4  }
0x23d: {  	v4 =	vperm.xlane v3, v0;
	_ =	sdelay $0x1  }
0x23e: {  	v4 =	vadd.s32 v1, v4;
	_ =	sdelay $0x1  }
0x23f: {  	v3 =	vperm.xlane v3, v2;
	_ =	sdelay $0x1  }
0x240: {  	s23 =	simm.s32 $0x8C80;
	v3 =	vadd.s32 v1, v3  }
0x241: {  	[tilespmem:s23], [sflag:$0x1] =	stream.indirect_vreg.gather [hbm4b:s1+s4], $0x80, v4, vm0, $0xb8;
	[tilespmem:$0x1AC80] =	vst v63  }
0x242: {  	s24 =	simm.s32 $0x9480  }
0x243: {  	[tilespmem:s24], [sflag:$0x1] =	stream.indirect_vreg.gather [hbm4b:s15+s4], $0x80, v4, vm1, $0xb8;
	[tilespmem:$0x1AC80] =	vst v63  }
0x244: {  	s25 =	simm.s32 $0x9880  }
0x245: {  	[tilespmem:s25], [sflag:$0x1] =	stream.indirect_vreg.gather [hbm4b:s1+s4], $0x80, v3, vm0, $0xb8;
	[tilespmem:$0x1AC80] =	vst v63  }
0x246: {  	s26 =	simm.s32 $0xA080  }
0x247: {  	[tilespmem:s26], [sflag:$0x1] =	stream.indirect_vreg.gather [hbm4b:s15+s4], $0x80, v3, vm1, $0xb8;
	[tilespmem:$0x1AC80] =	vst v63  }
0x248: {  	v3 =	vld.msk [tilespmem:$0xB0], $0xff;
	_ =	sdelay $0x4  }
0x249: {  	v63 =	vshrl.u32 v3, $0x3  }
0x24a: {  	v4 =	vmul.u32 $0x18, v63  }
0x24b: {  	v3 =	vand.u32 $0x7, v3  }
0x24c: {  	v3 =	vor.u32 v3, v4  }
0x24d: {  	v3 =	vperm.xlane v3, v0;
	_ =	sdelay $0x1  }
0x24e: {  	v3 =	vadd.s32 v1, v3;
	_ =	sdelay $0x3  }
0x24f: {  	s28 =	simm.s32 $0xA480  }
0x250: {  	[tilespmem:s28], [sflag:$0x1] =	stream.indirect_vreg.gather [hbm4b:s1+s4], $0x80, v3, vm0, $0xb8;
	[tilespmem:$0x1AC80] =	vst v63  }
0x251: {  	s29 =	simm.s32 $0xAC80  }
0x252: {  	[tilespmem:s29], [sflag:$0x1] =	stream.indirect_vreg.gather [hbm4b:s15+s4], $0x80, v3, vm1, $0xb8;
	[tilespmem:$0x1AC80] =	vst v63  }
.LBB2_6:
0x253: {  	_ =	swait.ge [sflag:s13], $0x5400  }
0x254: {  	[sflag:s13] =	ssyncset.done $0x0  }
0x255: {  	s23 =	simm.s32 $0x0;
	[sflag:s13] =	ssyncadd.s32 $0xFFFFAC00  }
0x256: {  	s24 =	simm.s32 $0x0;
	s23 =	smul.u32 $0xC00, s23;
	_ =	swait.ge [sflag:s13], $0x5400  }
0x257: {  	s25 =	sand.u32 $0x380, s24;
	[sflag:s13] =	ssyncset.done $0x0  }
0x258: {  	s23 =	sor.u32 s25, s23;
	[sflag:s13] =	ssyncadd.s32 $0xFFFFAC00  }
0x259: {  	v5 =	vld [tilespmem:s23+$0xB080]  }
0x25a: {  	v4 =	vld.msk [tilespmem:s17+$0xFFFFFE78 ss:$0x0], $0xffff  }
0x25b: {  	v3 =	vld.msk [tilespmem:s17+$0x0 ss:$0x0], $0xffff  }
0x25c: {  	v6 =	vld [tilespmem:s23+$0x10480];
	_ =	sdelay $0x3  }
0x25d: {  	v7 =	vld [tilespmem:s23+$0x15880]  }
0x25e: {  	v5 =	vmul.f32 v5, v4;
	v6 =	vmul.f32 v6, v3;
	_ =	sdelay $0x1  }
0x25f: {  	v5 =	vadd.f32 v6, v5;
	_ =	sdelay $0x1  }
0x260: {  	v5 =	vadd.f32 v5, v7;
	_ =	sdelay $0x1  }
0x261: {  	s25 =	sadd.s32 $0x10480, s23;
	v7 =	vld [tilespmem:s23+$0xB090];
	[tilespmem:s23+$0x15880] =	vst v5  }
0x262: {  	v5 =	vld [tilespmem:s25+$0x10];
	_ =	sdelay $0x3  }
0x263: {  	v11 =	vld [tilespmem:s23+$0x15890]  }
0x264: {  	v7 =	vmul.f32 v7, v4;
	v5 =	vmul.f32 v5, v3;
	_ =	sdelay $0x1  }
0x265: {  	v5 =	vadd.f32 v5, v7;
	_ =	sdelay $0x1  }
0x266: {  	v5 =	vadd.f32 v5, v11;
	_ =	sdelay $0x1  }
0x267: {  	v7 =	vld [tilespmem:s23+$0xB0A0];
	[tilespmem:s23+$0x15890] =	vst v5  }
0x268: {  	v5 =	vld [tilespmem:s25+$0x20];
	_ =	sdelay $0x3  }
0x269: {  	v58 =	vld [tilespmem:s23+$0x158A0]  }
0x26a: {  	v7 =	vmul.f32 v7, v4;
	v5 =	vmul.f32 v5, v3;
	_ =	sdelay $0x1  }
0x26b: {  	v5 =	vadd.f32 v5, v7;
	_ =	sdelay $0x1  }
0x26c: {  	v5 =	vadd.f32 v5, v58;
	_ =	sdelay $0x1  }
0x26d: {  	v7 =	vld [tilespmem:s23+$0xB0B0];
	[tilespmem:s23+$0x158A0] =	vst v5  }
0x26e: {  	v5 =	vld [tilespmem:s25+$0x30];
	_ =	sdelay $0x3  }
0x26f: {  	v59 =	vld [tilespmem:s23+$0x158B0]  }
0x270: {  	v7 =	vmul.f32 v7, v4;
	v5 =	vmul.f32 v5, v3;
	_ =	sdelay $0x1  }
0x271: {  	v5 =	vadd.f32 v5, v7;
	_ =	sdelay $0x1  }
0x272: {  	v5 =	vadd.f32 v5, v59;
	_ =	sdelay $0x1  }
0x273: {  	v7 =	vld [tilespmem:s23+$0xB0C0];
	[tilespmem:s23+$0x158B0] =	vst v5  }
0x274: {  	v5 =	vld [tilespmem:s25+$0x40];
	_ =	sdelay $0x3  }
0x275: {  	v60 =	vld [tilespmem:s23+$0x158C0]  }
0x276: {  	v7 =	vmul.f32 v7, v4;
	v5 =	vmul.f32 v5, v3;
	_ =	sdelay $0x1  }
0x277: {  	v5 =	vadd.f32 v5, v7;
	_ =	sdelay $0x1  }
0x278: {  	v5 =	vadd.f32 v5, v60;
	_ =	sdelay $0x1  }
0x279: {  	v7 =	vld [tilespmem:s23+$0xB0D0];
	[tilespmem:s23+$0x158C0] =	vst v5  }
0x27a: {  	v5 =	vld [tilespmem:s25+$0x50];
	_ =	sdelay $0x3  }
0x27b: {  	v61 =	vld [tilespmem:s23+$0x158D0]  }
0x27c: {  	v7 =	vmul.f32 v7, v4;
	v5 =	vmul.f32 v5, v3;
	_ =	sdelay $0x1  }
0x27d: {  	v5 =	vadd.f32 v5, v7;
	_ =	sdelay $0x1  }
0x27e: {  	v5 =	vadd.f32 v5, v61;
	_ =	sdelay $0x1  }
0x27f: {  	v7 =	vld [tilespmem:s23+$0xB0E0];
	[tilespmem:s23+$0x158D0] =	vst v5  }
0x280: {  	v5 =	vld [tilespmem:s25+$0x60];
	_ =	sdelay $0x3  }
0x281: {  	v62 =	vld [tilespmem:s23+$0x158E0]  }
0x282: {  	v7 =	vmul.f32 v7, v4;
	v5 =	vmul.f32 v5, v3;
	_ =	sdelay $0x1  }
0x283: {  	v5 =	vadd.f32 v5, v7;
	_ =	sdelay $0x1  }
0x284: {  	v9 =	vld [tilespmem:s23+$0xB480];
	v5 =	vadd.f32 v5, v62  }
0x285: {  	v6 =	vld [tilespmem:s23+$0x10880]  }
0x286: {  	v7 =	vld [tilespmem:s23+$0xB0F0];
	[tilespmem:s23+$0x158E0] =	vst v5  }
0x287: {  	v5 =	vld [tilespmem:s25+$0x70];
	_ =	sdelay $0x2  }
0x288: {  	v63 =	vld [tilespmem:s23+$0x15C80]  }
0x289: {  	v12 =	vld [tilespmem:s23+$0x158F0];
	v9 =	vmul.f32 v9, v4;
	v6 =	vmul.f32 v6, v3  }
0x28a: {  	v7 =	vmul.f32 v7, v4;
	v5 =	vmul.f32 v5, v3  }
0x28b: {  	v6 =	vadd.f32 v6, v9  }
0x28c: {  	v5 =	vadd.f32 v5, v7  }
0x28d: {  	v6 =	vadd.f32 v6, v63  }
0x28e: {  	v5 =	vadd.f32 v5, v12  }
0x28f: {  	[tilespmem:s23+$0x15C80] =	vst v6  }
0x290: {  	s8 =	sadd.s32 $0x10880, s23;
	v6 =	vld [tilespmem:s23+$0xB490];
	[tilespmem:s23+$0x158F0] =	vst v5  }
0x291: {  	v5 =	vld [tilespmem:s8+$0x10];
	_ =	sdelay $0x3  }
0x292: {  	v7 =	vld [tilespmem:s23+$0x15C90]  }
0x293: {  	v6 =	vmul.f32 v6, v4;
	v5 =	vmul.f32 v5, v3;
	_ =	sdelay $0x1  }
0x294: {  	v5 =	vadd.f32 v5, v6;
	_ =	sdelay $0x1  }
0x295: {  	v5 =	vadd.f32 v5, v7;
	_ =	sdelay $0x1  }
0x296: {  	v6 =	vld [tilespmem:s23+$0xB4A0];
	[tilespmem:s23+$0x15C90] =	vst v5  }
0x297: {  	v5 =	vld [tilespmem:s8+$0x20];
	_ =	sdelay $0x3  }
0x298: {  	v7 =	vld [tilespmem:s23+$0x15CA0]  }
0x299: {  	v6 =	vmul.f32 v6, v4;
	v5 =	vmul.f32 v5, v3;
	_ =	sdelay $0x1  }
0x29a: {  	v5 =	vadd.f32 v5, v6;
	_ =	sdelay $0x1  }
0x29b: {  	v5 =	vadd.f32 v5, v7;
	_ =	sdelay $0x1  }
0x29c: {  	v6 =	vld [tilespmem:s23+$0xB4B0];
	[tilespmem:s23+$0x15CA0] =	vst v5  }
0x29d: {  	v5 =	vld [tilespmem:s8+$0x30];
	_ =	sdelay $0x3  }
0x29e: {  	v7 =	vld [tilespmem:s23+$0x15CB0]  }
0x29f: {  	v6 =	vmul.f32 v6, v4;
	v5 =	vmul.f32 v5, v3;
	_ =	sdelay $0x1  }
0x2a0: {  	v5 =	vadd.f32 v5, v6;
	_ =	sdelay $0x1  }
0x2a1: {  	v5 =	vadd.f32 v5, v7;
	_ =	sdelay $0x1  }
0x2a2: {  	v6 =	vld [tilespmem:s23+$0xB4C0];
	[tilespmem:s23+$0x15CB0] =	vst v5  }
0x2a3: {  	v5 =	vld [tilespmem:s8+$0x40];
	_ =	sdelay $0x3  }
0x2a4: {  	v7 =	vld [tilespmem:s23+$0x15CC0]  }
0x2a5: {  	v6 =	vmul.f32 v6, v4;
	v5 =	vmul.f32 v5, v3;
	_ =	sdelay $0x1  }
0x2a6: {  	v5 =	vadd.f32 v5, v6;
	_ =	sdelay $0x1  }
0x2a7: {  	v5 =	vadd.f32 v5, v7;
	_ =	sdelay $0x1  }
0x2a8: {  	v6 =	vld [tilespmem:s23+$0xB4D0];
	[tilespmem:s23+$0x15CC0] =	vst v5  }
0x2a9: {  	v5 =	vld [tilespmem:s8+$0x50];
	_ =	sdelay $0x3  }
0x2aa: {  	v7 =	vld [tilespmem:s23+$0x15CD0]  }
0x2ab: {  	v6 =	vmul.f32 v6, v4;
	v5 =	vmul.f32 v5, v3;
	_ =	sdelay $0x1  }
0x2ac: {  	v5 =	vadd.f32 v5, v6;
	_ =	sdelay $0x1  }
0x2ad: {  	v5 =	vadd.f32 v5, v7;
	_ =	sdelay $0x1  }
0x2ae: {  	[tilespmem:s23+$0x15CD0] =	vst v5;
	v5 =	vld [tilespmem:s23+$0xB4E0]  }
0x2af: {  	v6 =	vld [tilespmem:s8+$0x60];
	_ =	sdelay $0x1  }
0x2b0: {  	v8 =	vld [tilespmem:s23+$0x10C80]  }
0x2b1: {  	v10 =	vld [tilespmem:s23+$0xB880]  }
0x2b2: {  	v7 =	vld [tilespmem:s23+$0x15CE0]  }
0x2b3: {  	v5 =	vmul.f32 v5, v4;
	v6 =	vmul.f32 v6, v3;
	_ =	sdelay $0x1  }
0x2b4: {  	v5 =	vadd.f32 v6, v5;
	_ =	sdelay $0x1  }
0x2b5: {  	v8 =	vmul.f32 v8, v3;
	v6 =	vld [tilespmem:s23+$0x16080];
	v5 =	vadd.f32 v5, v7;
	v7 =	vmul.f32 v10, v4;
	_ =	sdelay $0x1  }
0x2b6: {  	[tilespmem:s23+$0x15CE0] =	vst v5;
	v5 =	vadd.f32 v8, v7;
	v7 =	vld [tilespmem:s23+$0xB4F0]  }
0x2b7: {  	v8 =	vld [tilespmem:s8+$0x70];
	_ =	sdelay $0x1  }
0x2b8: {  	v5 =	vadd.f32 v5, v6;
	_ =	sdelay $0x1  }
0x2b9: {  	[tilespmem:s23+$0x16080] =	vst v5;
	v5 =	vld [tilespmem:s23+$0x15CF0]  }
0x2ba: {  	v6 =	vmul.f32 v7, v4;
	v7 =	vmul.f32 v8, v3;
	_ =	sdelay $0x1  }
0x2bb: {  	v6 =	vadd.f32 v7, v6;
	_ =	sdelay $0x1  }
0x2bc: {  	v5 =	vadd.f32 v6, v5;
	_ =	sdelay $0x1  }
0x2bd: {  	s26 =	sadd.s32 $0x10C80, s23;
	[tilespmem:s23+$0x15CF0] =	vst v5;
	v5 =	vld [tilespmem:s23+$0xB890]  }
0x2be: {  	v6 =	vld [tilespmem:s26+$0x10];
	_ =	sdelay $0x3  }
0x2bf: {  	v7 =	vld [tilespmem:s23+$0x16090]  }
0x2c0: {  	v5 =	vmul.f32 v5, v4;
	v6 =	vmul.f32 v6, v3;
	_ =	sdelay $0x1  }
0x2c1: {  	v5 =	vadd.f32 v6, v5;
	_ =	sdelay $0x1  }
0x2c2: {  	v5 =	vadd.f32 v5, v7;
	_ =	sdelay $0x1  }
0x2c3: {  	[tilespmem:s23+$0x16090] =	vst v5;
	v5 =	vld [tilespmem:s23+$0xB8A0]  }
0x2c4: {  	v6 =	vld [tilespmem:s26+$0x20];
	_ =	sdelay $0x3  }
0x2c5: {  	v7 =	vld [tilespmem:s23+$0x160A0]  }
0x2c6: {  	v5 =	vmul.f32 v5, v4;
	v6 =	vmul.f32 v6, v3;
	_ =	sdelay $0x1  }
0x2c7: {  	v5 =	vadd.f32 v6, v5;
	_ =	sdelay $0x1  }
0x2c8: {  	v5 =	vadd.f32 v5, v7;
	_ =	sdelay $0x1  }
0x2c9: {  	[tilespmem:s23+$0x160A0] =	vst v5;
	v5 =	vld [tilespmem:s23+$0xB8B0]  }
0x2ca: {  	v6 =	vld [tilespmem:s26+$0x30];
	_ =	sdelay $0x3  }
0x2cb: {  	v7 =	vld [tilespmem:s23+$0x160B0]  }
0x2cc: {  	v5 =	vmul.f32 v5, v4;
	v6 =	vmul.f32 v6, v3;
	_ =	sdelay $0x1  }
0x2cd: {  	v5 =	vadd.f32 v6, v5;
	_ =	sdelay $0x1  }
0x2ce: {  	v5 =	vadd.f32 v5, v7;
	_ =	sdelay $0x1  }
0x2cf: {  	[tilespmem:s23+$0x160B0] =	vst v5;
	v5 =	vld [tilespmem:s23+$0xB8C0]  }
0x2d0: {  	v6 =	vld [tilespmem:s26+$0x40];
	_ =	sdelay $0x3  }
0x2d1: {  	v7 =	vld [tilespmem:s23+$0x160C0]  }
0x2d2: {  	v5 =	vmul.f32 v5, v4;
	v6 =	vmul.f32 v6, v3;
	_ =	sdelay $0x1  }
0x2d3: {  	v5 =	vadd.f32 v6, v5;
	_ =	sdelay $0x1  }
0x2d4: {  	v5 =	vadd.f32 v5, v7;
	_ =	sdelay $0x1  }
0x2d5: {  	[tilespmem:s23+$0x160C0] =	vst v5;
	v5 =	vld [tilespmem:s23+$0xB8D0]  }
0x2d6: {  	v6 =	vld [tilespmem:s26+$0x50];
	_ =	sdelay $0x3  }
0x2d7: {  	v7 =	vld [tilespmem:s23+$0x160D0]  }
0x2d8: {  	v5 =	vmul.f32 v5, v4;
	v6 =	vmul.f32 v6, v3;
	_ =	sdelay $0x1  }
0x2d9: {  	v5 =	vadd.f32 v6, v5;
	_ =	sdelay $0x1  }
0x2da: {  	v5 =	vadd.f32 v5, v7;
	_ =	sdelay $0x1  }
0x2db: {  	[tilespmem:s23+$0x160D0] =	vst v5;
	v5 =	vld [tilespmem:s23+$0xB8E0]  }
0x2dc: {  	v6 =	vld [tilespmem:s26+$0x60];
	_ =	sdelay $0x3  }
0x2dd: {  	v7 =	vld [tilespmem:s23+$0x160E0]  }
0x2de: {  	v5 =	vmul.f32 v5, v4;
	v6 =	vmul.f32 v6, v3;
	_ =	sdelay $0x1  }
0x2df: {  	v5 =	vadd.f32 v6, v5;
	_ =	sdelay $0x1  }
0x2e0: {  	v5 =	vadd.f32 v5, v7  }
0x2e1: {  	v7 =	vld [tilespmem:s23+$0xB8F0]  }
0x2e2: {  	[tilespmem:s23+$0x160E0] =	vst v5  }
0x2e3: {  	v5 =	vld [tilespmem:s26+$0x70];
	_ =	sdelay $0x2  }
0x2e4: {  	s29 =	simm.s32 $0x2;
	s28 =	simm.s32 $0x0;
	s25 =	sadd.s32 $0x1, s17;
	v6 =	vld [tilespmem:s23+$0x160F0];
	v4 =	vmul.f32 v7, v4  }
.LBB2_7:
0x2e5: {  	s8 =	smul.u32 $0xC00, s28  }
0x2e6: {  	v3 =	vmul.f32 v5, v3;
	s24 =	sadd.s32 $0x80, s24;
	s28 =	smov.u32 s29;
	s26 =	sadd.s32 $0x1, s29  }
0x2e7: {  	p0 =	sne.s32 s29, $0x37;
	s29 =	sand.u32 $0x380, s24  }
0x2e8: {  	s8 =	sor.u32 s29, s8;
	v3 =	vadd.f32 v3, v4  }
0x2e9: {  	v5 =	vld [tilespmem:s8+$0x10C80]  }
0x2ea: {  	v7 =	vld [tilespmem:s8+$0xB480];
	v3 =	vadd.f32 v3, v6  }
0x2eb: {  	v8 =	vld [tilespmem:s8+$0x10880]  }
0x2ec: {  	v6 =	vld [tilespmem:s8+$0xB080];
	[tilespmem:s23+$0x160F0] =	vst v3;
	s23 =	smov.u32 s8  }
0x2ed: {  	v4 =	vld.msk [tilespmem:s25+$0xFFFFFE78 ss:$0x0], $0xffff  }
0x2ee: {  	v3 =	vld.msk [tilespmem:s25+$0x0 ss:$0x0], $0xffff  }
0x2ef: {  	v9 =	vld [tilespmem:s23+$0x10480]  }
0x2f0: {  	v10 =	vld [tilespmem:s23+$0xB880];
	_ =	sdelay $0x1  }
0x2f1: {  	v11 =	vld [tilespmem:s23+$0x15880]  }
0x2f2: {  	v12 =	vmul.f32 v6, v4;
	v6 =	vmul.f32 v7, v4  }
0x2f3: {  	v7 =	vmul.f32 v8, v3;
	v9 =	vmul.f32 v9, v3  }
0x2f4: {  	v5 =	vmul.f32 v5, v3;
	v8 =	vmul.f32 v10, v4  }
0x2f5: {  	s29 =	sadd.s32 $0x10480, s23;
	v9 =	vadd.f32 v9, v12  }
0x2f6: {  	v10 =	vld [tilespmem:s23+$0xB090];
	v5 =	vadd.f32 v5, v8  }
0x2f7: {  	v8 =	vadd.f32 v9, v11;
	_ =	sdelay $0x1  }
0x2f8: {  	[tilespmem:s23+$0x15880] =	vst v8  }
0x2f9: {  	v8 =	vld [tilespmem:s29+$0x10]  }
0x2fa: {  	v9 =	vmul.f32 v10, v4;
	_ =	sdelay $0x2  }
0x2fb: {  	v10 =	vld [tilespmem:s23+$0x15890]  }
0x2fc: {  	v8 =	vmul.f32 v8, v3;
	_ =	sdelay $0x1  }
0x2fd: {  	v8 =	vadd.f32 v8, v9  }
0x2fe: {  	v9 =	vld [tilespmem:s23+$0xB0A0]  }
0x2ff: {  	v8 =	vadd.f32 v8, v10;
	_ =	sdelay $0x1  }
0x300: {  	[tilespmem:s23+$0x15890] =	vst v8  }
0x301: {  	v8 =	vld [tilespmem:s29+$0x20]  }
0x302: {  	v9 =	vmul.f32 v9, v4;
	_ =	sdelay $0x2  }
0x303: {  	v10 =	vld [tilespmem:s23+$0x158A0]  }
0x304: {  	v8 =	vmul.f32 v8, v3;
	_ =	sdelay $0x1  }
0x305: {  	v8 =	vadd.f32 v8, v9  }
0x306: {  	v9 =	vld [tilespmem:s23+$0xB0B0]  }
0x307: {  	v8 =	vadd.f32 v8, v10;
	_ =	sdelay $0x1  }
0x308: {  	[tilespmem:s23+$0x158A0] =	vst v8  }
0x309: {  	v8 =	vld [tilespmem:s29+$0x30]  }
0x30a: {  	v9 =	vmul.f32 v9, v4;
	_ =	sdelay $0x2  }
0x30b: {  	v10 =	vld [tilespmem:s23+$0x158B0]  }
0x30c: {  	v8 =	vmul.f32 v8, v3;
	_ =	sdelay $0x1  }
0x30d: {  	v8 =	vadd.f32 v8, v9  }
0x30e: {  	v9 =	vld [tilespmem:s23+$0xB0C0]  }
0x30f: {  	v8 =	vadd.f32 v8, v10;
	_ =	sdelay $0x1  }
0x310: {  	[tilespmem:s23+$0x158B0] =	vst v8  }
0x311: {  	v8 =	vld [tilespmem:s29+$0x40]  }
0x312: {  	v9 =	vmul.f32 v9, v4;
	_ =	sdelay $0x2  }
0x313: {  	v10 =	vld [tilespmem:s23+$0x158C0]  }
0x314: {  	v8 =	vmul.f32 v8, v3;
	_ =	sdelay $0x1  }
0x315: {  	v8 =	vadd.f32 v8, v9  }
0x316: {  	v9 =	vld [tilespmem:s23+$0xB0D0]  }
0x317: {  	v8 =	vadd.f32 v8, v10;
	_ =	sdelay $0x1  }
0x318: {  	[tilespmem:s23+$0x158C0] =	vst v8  }
0x319: {  	v8 =	vld [tilespmem:s29+$0x50]  }
0x31a: {  	v9 =	vmul.f32 v9, v4;
	_ =	sdelay $0x2  }
0x31b: {  	v10 =	vld [tilespmem:s23+$0x158D0]  }
0x31c: {  	v8 =	vmul.f32 v8, v3;
	_ =	sdelay $0x1  }
0x31d: {  	v8 =	vadd.f32 v8, v9  }
0x31e: {  	v9 =	vld [tilespmem:s23+$0xB0E0]  }
0x31f: {  	v8 =	vadd.f32 v8, v10;
	_ =	sdelay $0x1  }
0x320: {  	[tilespmem:s23+$0x158D0] =	vst v8  }
0x321: {  	v8 =	vld [tilespmem:s29+$0x60]  }
0x322: {  	v9 =	vmul.f32 v9, v4;
	_ =	sdelay $0x2  }
0x323: {  	v10 =	vld [tilespmem:s23+$0x158E0]  }
0x324: {  	v8 =	vmul.f32 v8, v3;
	_ =	sdelay $0x1  }
0x325: {  	v8 =	vadd.f32 v8, v9;
	_ =	sdelay $0x1  }
0x326: {  	v8 =	vadd.f32 v8, v10  }
0x327: {  	v9 =	vld [tilespmem:s23+$0xB0F0]  }
0x328: {  	[tilespmem:s23+$0x158E0] =	vst v8  }
0x329: {  	v8 =	vld [tilespmem:s29+$0x70]  }
0x32a: {  	v10 =	vld [tilespmem:s23+$0x15C80]  }
0x32b: {  	v11 =	vld [tilespmem:s23+$0x158F0]  }
0x32c: {  	v9 =	vmul.f32 v9, v4  }
0x32d: {  	v6 =	vadd.f32 v7, v6  }
0x32e: {  	v7 =	vmul.f32 v8, v3  }
0x32f: {  	v6 =	vadd.f32 v6, v10  }
0x330: {  	v7 =	vadd.f32 v7, v9;
	_ =	sdelay $0x1  }
0x331: {  	s29 =	sadd.s32 $0x10880, s23;
	v7 =	vadd.f32 v7, v11  }
0x332: {  	[tilespmem:s23+$0x15C80] =	vst v6;
	v6 =	vld [tilespmem:s23+$0xB490]  }
0x333: {  	[tilespmem:s23+$0x158F0] =	vst v7  }
0x334: {  	v7 =	vld [tilespmem:s29+$0x10];
	_ =	sdelay $0x1  }
0x335: {  	v8 =	vld [tilespmem:s23+$0x15C90]  }
0x336: {  	v6 =	vmul.f32 v6, v4;
	_ =	sdelay $0x1  }
0x337: {  	v7 =	vmul.f32 v7, v3;
	_ =	sdelay $0x1  }
0x338: {  	v6 =	vadd.f32 v7, v6;
	_ =	sdelay $0x1  }
0x339: {  	v6 =	vadd.f32 v6, v8  }
0x33a: {  	v7 =	vld [tilespmem:s23+$0xB4A0]  }
0x33b: {  	[tilespmem:s23+$0x15C90] =	vst v6  }
0x33c: {  	v6 =	vld [tilespmem:s29+$0x20];
	_ =	sdelay $0x1  }
0x33d: {  	v8 =	vld [tilespmem:s23+$0x15CA0]  }
0x33e: {  	v7 =	vmul.f32 v7, v4;
	_ =	sdelay $0x1  }
0x33f: {  	v6 =	vmul.f32 v6, v3;
	_ =	sdelay $0x1  }
0x340: {  	v6 =	vadd.f32 v6, v7;
	_ =	sdelay $0x1  }
0x341: {  	v6 =	vadd.f32 v6, v8  }
0x342: {  	v7 =	vld [tilespmem:s23+$0xB4B0]  }
0x343: {  	[tilespmem:s23+$0x15CA0] =	vst v6  }
0x344: {  	v6 =	vld [tilespmem:s29+$0x30];
	_ =	sdelay $0x1  }
0x345: {  	v8 =	vld [tilespmem:s23+$0x15CB0]  }
0x346: {  	v7 =	vmul.f32 v7, v4;
	_ =	sdelay $0x1  }
0x347: {  	v6 =	vmul.f32 v6, v3;
	_ =	sdelay $0x1  }
0x348: {  	v6 =	vadd.f32 v6, v7;
	_ =	sdelay $0x1  }
0x349: {  	v6 =	vadd.f32 v6, v8  }
0x34a: {  	v7 =	vld [tilespmem:s23+$0xB4C0]  }
0x34b: {  	[tilespmem:s23+$0x15CB0] =	vst v6  }
0x34c: {  	v6 =	vld [tilespmem:s29+$0x40];
	_ =	sdelay $0x1  }
0x34d: {  	v8 =	vld [tilespmem:s23+$0x15CC0]  }
0x34e: {  	v7 =	vmul.f32 v7, v4;
	_ =	sdelay $0x1  }
0x34f: {  	v6 =	vmul.f32 v6, v3;
	_ =	sdelay $0x1  }
0x350: {  	v6 =	vadd.f32 v6, v7;
	_ =	sdelay $0x1  }
0x351: {  	v6 =	vadd.f32 v6, v8  }
0x352: {  	v7 =	vld [tilespmem:s23+$0xB4D0]  }
0x353: {  	[tilespmem:s23+$0x15CC0] =	vst v6  }
0x354: {  	v6 =	vld [tilespmem:s29+$0x50];
	_ =	sdelay $0x1  }
0x355: {  	v8 =	vld [tilespmem:s23+$0x15CD0]  }
0x356: {  	v7 =	vmul.f32 v7, v4;
	_ =	sdelay $0x1  }
0x357: {  	v6 =	vmul.f32 v6, v3;
	_ =	sdelay $0x1  }
0x358: {  	v6 =	vadd.f32 v6, v7;
	_ =	sdelay $0x1  }
0x359: {  	v6 =	vadd.f32 v6, v8;
	_ =	sdelay $0x1  }
0x35a: {  	[tilespmem:s23+$0x15CD0] =	vst v6;
	v6 =	vld [tilespmem:s23+$0xB4E0]  }
0x35b: {  	v7 =	vld [tilespmem:s29+$0x60];
	_ =	sdelay $0x2  }
0x35c: {  	v8 =	vld [tilespmem:s23+$0x15CE0]  }
0x35d: {  	v6 =	vmul.f32 v6, v4  }
0x35e: {  	v7 =	vmul.f32 v7, v3  }
0x35f: {  	v9 =	vld [tilespmem:s23+$0x16080]  }
0x360: {  	v6 =	vadd.f32 v7, v6;
	_ =	sdelay $0x1  }
0x361: {  	v6 =	vadd.f32 v6, v8;
	_ =	sdelay $0x1  }
0x362: {  	[tilespmem:s23+$0x15CE0] =	vst v6;
	v6 =	vld [tilespmem:s23+$0xB4F0];
	v5 =	vadd.f32 v5, v9  }
0x363: {  	v7 =	vld [tilespmem:s29+$0x70]  }
0x364: {  	[tilespmem:s23+$0x16080] =	vst v5;
	_ =	sdelay $0x1  }
0x365: {  	v5 =	vld [tilespmem:s23+$0x15CF0]  }
0x366: {  	v6 =	vmul.f32 v6, v4  }
0x367: {  	v7 =	vmul.f32 v7, v3;
	_ =	sdelay $0x1  }
0x368: {  	v6 =	vadd.f32 v7, v6;
	_ =	sdelay $0x1  }
0x369: {  	v5 =	vadd.f32 v6, v5  }
0x36a: {  	s29 =	sadd.s32 $0x10C80, s23  }
0x36b: {  	[tilespmem:s23+$0x15CF0] =	vst v5;
	v5 =	vld [tilespmem:s23+$0xB890]  }
0x36c: {  	v6 =	vld [tilespmem:s29+$0x10];
	_ =	sdelay $0x2  }
0x36d: {  	v7 =	vld [tilespmem:s23+$0x16090]  }
0x36e: {  	v5 =	vmul.f32 v5, v4  }
0x36f: {  	v6 =	vmul.f32 v6, v3;
	_ =	sdelay $0x1  }
0x370: {  	v5 =	vadd.f32 v6, v5;
	_ =	sdelay $0x1  }
0x371: {  	v5 =	vadd.f32 v5, v7;
	_ =	sdelay $0x1  }
0x372: {  	[tilespmem:s23+$0x16090] =	vst v5;
	v5 =	vld [tilespmem:s23+$0xB8A0]  }
0x373: {  	v6 =	vld [tilespmem:s29+$0x20];
	_ =	sdelay $0x2  }
0x374: {  	v7 =	vld [tilespmem:s23+$0x160A0]  }
0x375: {  	v5 =	vmul.f32 v5, v4  }
0x376: {  	v6 =	vmul.f32 v6, v3;
	_ =	sdelay $0x1  }
0x377: {  	v5 =	vadd.f32 v6, v5;
	_ =	sdelay $0x1  }
0x378: {  	v5 =	vadd.f32 v5, v7;
	_ =	sdelay $0x1  }
0x379: {  	[tilespmem:s23+$0x160A0] =	vst v5;
	v5 =	vld [tilespmem:s23+$0xB8B0]  }
0x37a: {  	v6 =	vld [tilespmem:s29+$0x30];
	_ =	sdelay $0x2  }
0x37b: {  	v7 =	vld [tilespmem:s23+$0x160B0]  }
0x37c: {  	v5 =	vmul.f32 v5, v4  }
0x37d: {  	v6 =	vmul.f32 v6, v3;
	_ =	sdelay $0x1  }
0x37e: {  	v5 =	vadd.f32 v6, v5;
	_ =	sdelay $0x1  }
0x37f: {  	v5 =	vadd.f32 v5, v7;
	_ =	sdelay $0x1  }
0x380: {  	[tilespmem:s23+$0x160B0] =	vst v5;
	v5 =	vld [tilespmem:s23+$0xB8C0]  }
0x381: {  	v6 =	vld [tilespmem:s29+$0x40];
	_ =	sdelay $0x2  }
0x382: {  	v7 =	vld [tilespmem:s23+$0x160C0]  }
0x383: {  	v5 =	vmul.f32 v5, v4  }
0x384: {  	v6 =	vmul.f32 v6, v3;
	_ =	sdelay $0x1  }
0x385: {  	v5 =	vadd.f32 v6, v5;
	_ =	sdelay $0x1  }
0x386: {  	v5 =	vadd.f32 v5, v7;
	_ =	sdelay $0x1  }
0x387: {  	[tilespmem:s23+$0x160C0] =	vst v5;
	v5 =	vld [tilespmem:s23+$0xB8D0]  }
0x388: {  	v6 =	vld [tilespmem:s29+$0x50];
	_ =	sdelay $0x2  }
0x389: {  	v7 =	vld [tilespmem:s23+$0x160D0]  }
0x38a: {  	v5 =	vmul.f32 v5, v4  }
0x38b: {  	v6 =	vmul.f32 v6, v3;
	_ =	sdelay $0x1  }
0x38c: {  	v5 =	vadd.f32 v6, v5;
	_ =	sdelay $0x1  }
0x38d: {  	v5 =	vadd.f32 v5, v7;
	_ =	sdelay $0x1  }
0x38e: {  	[tilespmem:s23+$0x160D0] =	vst v5;
	v5 =	vld [tilespmem:s23+$0xB8E0]  }
0x38f: {  	v6 =	vld [tilespmem:s29+$0x60];
	_ =	sdelay $0x2  }
0x390: {  	v7 =	vld [tilespmem:s23+$0x160E0]  }
0x391: {  	v5 =	vmul.f32 v5, v4  }
0x392: {  	v6 =	vmul.f32 v6, v3;
	_ =	sdelay $0x1  }
0x393: {  	v5 =	vadd.f32 v6, v5;
	_ =	sdelay $0x1  }
0x394: {  	v5 =	vadd.f32 v5, v7;
	_ =	sdelay $0x1  }
0x395: {  	[tilespmem:s23+$0x160E0] =	vst v5;
	v7 =	vld [tilespmem:s23+$0xB8F0]  }
.Ltmp2:
0x396: {  	v5 =	vld [tilespmem:s29+$0x70];
	(pc) =	sbr.rel @p0 .LBB2_7-.Ltmp2, $3  }
0x397: {  	_ =	sdelay $0x1  }
0x398: {  	v6 =	vld [tilespmem:s23+$0x160F0]  }
0x399: {  	s28 =	sshrl.u32 s28, $0x3;
	s25 =	sadd.s32 $0x1, s25;
	s29 =	smov.u32 s26;
	v4 =	vmul.f32 v7, v4  }
0x39a: {  	s8 =	smul.u32 $0xC00, s28;
	s24 =	sadd.s32 $0x80, s24;
	v3 =	vmul.f32 v5, v3  }
0x39b: {  	s24 =	sand.u32 $0x380, s24  }
0x39c: {  	s24 =	sor.u32 s24, s8;
	v3 =	vadd.f32 v3, v4  }
0x39d: {  	v61 =	vld [tilespmem:s24+$0x10C80]  }
0x39e: {  	v7 =	vld [tilespmem:s24+$0xB480];
	v3 =	vadd.f32 v3, v6  }
0x39f: {  	v62 =	vld [tilespmem:s24+$0x10880]  }
0x3a0: {  	v8 =	vld [tilespmem:s24+$0xB080];
	[tilespmem:s23+$0x160F0] =	vst v3  }
0x3a1: {  	v3 =	vld.msk [tilespmem:s25+$0xFFFFFE78 ss:$0x0], $0xffff  }
0x3a2: {  	v4 =	vld.msk [tilespmem:s25+$0x0 ss:$0x0], $0xffff  }
0x3a3: {  	v9 =	vld [tilespmem:s24+$0x10480];
	_ =	sdelay $0x3  }
0x3a4: {  	v10 =	vld [tilespmem:s24+$0x15880]  }
0x3a5: {  	v8 =	vmul.f32 v8, v3;
	v9 =	vmul.f32 v9, v4;
	_ =	sdelay $0x1  }
0x3a6: {  	v8 =	vadd.f32 v9, v8;
	_ =	sdelay $0x1  }
0x3a7: {  	v8 =	vadd.f32 v8, v10;
	_ =	sdelay $0x1  }
0x3a8: {  	s8 =	sadd.s32 $0x10480, s24;
	v63 =	vld [tilespmem:s24+$0xB090];
	[tilespmem:s24+$0x15880] =	vst v8  }
0x3a9: {  	v8 =	vld [tilespmem:s8+$0x10];
	_ =	sdelay $0x3  }
0x3aa: {  	v12 =	vld [tilespmem:s24+$0x15890]  }
0x3ab: {  	v9 =	vmul.f32 v63, v3;
	v8 =	vmul.f32 v8, v4;
	_ =	sdelay $0x1  }
0x3ac: {  	v8 =	vadd.f32 v8, v9;
	_ =	sdelay $0x1  }
0x3ad: {  	v8 =	vadd.f32 v8, v12;
	_ =	sdelay $0x1  }
0x3ae: {  	v13 =	vld [tilespmem:s24+$0xB0A0];
	[tilespmem:s24+$0x15890] =	vst v8  }
0x3af: {  	v8 =	vld [tilespmem:s8+$0x20];
	_ =	sdelay $0x3  }
0x3b0: {  	v14 =	vld [tilespmem:s24+$0x158A0]  }
0x3b1: {  	v9 =	vmul.f32 v13, v3;
	v8 =	vmul.f32 v8, v4;
	_ =	sdelay $0x1  }
0x3b2: {  	v8 =	vadd.f32 v8, v9;
	_ =	sdelay $0x1  }
0x3b3: {  	v8 =	vadd.f32 v8, v14;
	_ =	sdelay $0x1  }
0x3b4: {  	v15 =	vld [tilespmem:s24+$0xB0B0];
	[tilespmem:s24+$0x158A0] =	vst v8  }
0x3b5: {  	v8 =	vld [tilespmem:s8+$0x30];
	_ =	sdelay $0x3  }
0x3b6: {  	v16 =	vld [tilespmem:s24+$0x158B0]  }
0x3b7: {  	v9 =	vmul.f32 v15, v3;
	v8 =	vmul.f32 v8, v4;
	_ =	sdelay $0x1  }
0x3b8: {  	v8 =	vadd.f32 v8, v9;
	_ =	sdelay $0x1  }
0x3b9: {  	v8 =	vadd.f32 v8, v16;
	_ =	sdelay $0x1  }
0x3ba: {  	v17 =	vld [tilespmem:s24+$0xB0C0];
	[tilespmem:s24+$0x158B0] =	vst v8  }
0x3bb: {  	v8 =	vld [tilespmem:s8+$0x40];
	_ =	sdelay $0x3  }
0x3bc: {  	v18 =	vld [tilespmem:s24+$0x158C0]  }
0x3bd: {  	v9 =	vmul.f32 v17, v3;
	v8 =	vmul.f32 v8, v4;
	_ =	sdelay $0x1  }
0x3be: {  	v8 =	vadd.f32 v8, v9;
	_ =	sdelay $0x1  }
0x3bf: {  	v8 =	vadd.f32 v8, v18;
	_ =	sdelay $0x1  }
0x3c0: {  	v19 =	vld [tilespmem:s24+$0xB0D0];
	[tilespmem:s24+$0x158C0] =	vst v8  }
0x3c1: {  	v8 =	vld [tilespmem:s8+$0x50];
	_ =	sdelay $0x3  }
0x3c2: {  	v20 =	vld [tilespmem:s24+$0x158D0]  }
0x3c3: {  	v9 =	vmul.f32 v19, v3;
	v8 =	vmul.f32 v8, v4;
	_ =	sdelay $0x1  }
0x3c4: {  	v8 =	vadd.f32 v8, v9;
	_ =	sdelay $0x1  }
0x3c5: {  	v8 =	vadd.f32 v8, v20;
	_ =	sdelay $0x1  }
0x3c6: {  	v21 =	vld [tilespmem:s24+$0xB0E0];
	[tilespmem:s24+$0x158D0] =	vst v8  }
0x3c7: {  	v8 =	vld [tilespmem:s8+$0x60];
	_ =	sdelay $0x3  }
0x3c8: {  	v22 =	vld [tilespmem:s24+$0x158E0]  }
0x3c9: {  	v9 =	vmul.f32 v21, v3;
	v8 =	vmul.f32 v8, v4;
	_ =	sdelay $0x1  }
0x3ca: {  	v8 =	vadd.f32 v8, v9;
	_ =	sdelay $0x1  }
0x3cb: {  	v8 =	vadd.f32 v8, v22;
	_ =	sdelay $0x1  }
0x3cc: {  	v23 =	vld [tilespmem:s24+$0xB0F0];
	[tilespmem:s24+$0x158E0] =	vst v8  }
0x3cd: {  	v8 =	vld [tilespmem:s8+$0x70];
	_ =	sdelay $0x2  }
0x3ce: {  	v24 =	vld [tilespmem:s24+$0x15C80]  }
0x3cf: {  	v11 =	vld [tilespmem:s24+$0x158F0];
	v7 =	vmul.f32 v7, v3;
	v6 =	vmul.f32 v62, v4  }
0x3d0: {  	v9 =	vmul.f32 v23, v3;
	v8 =	vmul.f32 v8, v4  }
0x3d1: {  	v6 =	vadd.f32 v6, v7  }
0x3d2: {  	v25 =	vadd.f32 v8, v9  }
0x3d3: {  	v6 =	vadd.f32 v6, v24  }
0x3d4: {  	v7 =	vadd.f32 v25, v11  }
0x3d5: {  	[tilespmem:s24+$0x15C80] =	vst v6  }
0x3d6: {  	s26 =	sadd.s32 $0x10880, s24;
	v26 =	vld [tilespmem:s24+$0xB490];
	[tilespmem:s24+$0x158F0] =	vst v7  }
0x3d7: {  	v7 =	vld [tilespmem:s26+$0x10];
	_ =	sdelay $0x3  }
0x3d8: {  	v27 =	vld [tilespmem:s24+$0x15C90]  }
0x3d9: {  	v6 =	vmul.f32 v26, v3;
	v7 =	vmul.f32 v7, v4;
	_ =	sdelay $0x1  }
0x3da: {  	v6 =	vadd.f32 v7, v6;
	_ =	sdelay $0x1  }
0x3db: {  	v6 =	vadd.f32 v6, v27;
	_ =	sdelay $0x1  }
0x3dc: {  	v28 =	vld [tilespmem:s24+$0xB4A0];
	[tilespmem:s24+$0x15C90] =	vst v6  }
0x3dd: {  	v6 =	vld [tilespmem:s26+$0x20];
	_ =	sdelay $0x3  }
0x3de: {  	v29 =	vld [tilespmem:s24+$0x15CA0]  }
0x3df: {  	v7 =	vmul.f32 v28, v3;
	v6 =	vmul.f32 v6, v4;
	_ =	sdelay $0x1  }
0x3e0: {  	v6 =	vadd.f32 v6, v7;
	_ =	sdelay $0x1  }
0x3e1: {  	v6 =	vadd.f32 v6, v29;
	_ =	sdelay $0x1  }
0x3e2: {  	v30 =	vld [tilespmem:s24+$0xB4B0];
	[tilespmem:s24+$0x15CA0] =	vst v6  }
0x3e3: {  	v6 =	vld [tilespmem:s26+$0x30];
	_ =	sdelay $0x3  }
0x3e4: {  	v31 =	vld [tilespmem:s24+$0x15CB0]  }
0x3e5: {  	v7 =	vmul.f32 v30, v3;
	v6 =	vmul.f32 v6, v4;
	_ =	sdelay $0x1  }
0x3e6: {  	v6 =	vadd.f32 v6, v7;
	_ =	sdelay $0x1  }
0x3e7: {  	v6 =	vadd.f32 v6, v31;
	_ =	sdelay $0x1  }
0x3e8: {  	v32 =	vld [tilespmem:s24+$0xB4C0];
	[tilespmem:s24+$0x15CB0] =	vst v6  }
0x3e9: {  	v6 =	vld [tilespmem:s26+$0x40];
	_ =	sdelay $0x3  }
0x3ea: {  	v33 =	vld [tilespmem:s24+$0x15CC0]  }
0x3eb: {  	v7 =	vmul.f32 v32, v3;
	v6 =	vmul.f32 v6, v4;
	_ =	sdelay $0x1  }
0x3ec: {  	v6 =	vadd.f32 v6, v7;
	_ =	sdelay $0x1  }
0x3ed: {  	v6 =	vadd.f32 v6, v33;
	_ =	sdelay $0x1  }
0x3ee: {  	v34 =	vld [tilespmem:s24+$0xB4D0];
	[tilespmem:s24+$0x15CC0] =	vst v6  }
0x3ef: {  	v6 =	vld [tilespmem:s26+$0x50];
	_ =	sdelay $0x3  }
0x3f0: {  	v35 =	vld [tilespmem:s24+$0x15CD0]  }
0x3f1: {  	v7 =	vmul.f32 v34, v3;
	v6 =	vmul.f32 v6, v4;
	_ =	sdelay $0x1  }
0x3f2: {  	v6 =	vadd.f32 v6, v7;
	_ =	sdelay $0x1  }
0x3f3: {  	v6 =	vadd.f32 v6, v35;
	_ =	sdelay $0x1  }
0x3f4: {  	v36 =	vld [tilespmem:s24+$0xB4E0];
	[tilespmem:s24+$0x15CD0] =	vst v6  }
0x3f5: {  	v37 =	vld [tilespmem:s26+$0x60];
	_ =	sdelay $0x3  }
0x3f6: {  	v38 =	vld [tilespmem:s24+$0x15CE0]  }
0x3f7: {  	v6 =	vmul.f32 v36, v3;
	v7 =	vmul.f32 v37, v4;
	_ =	sdelay $0x1  }
0x3f8: {  	v6 =	vadd.f32 v7, v6;
	_ =	sdelay $0x1  }
0x3f9: {  	v6 =	vadd.f32 v6, v38  }
0x3fa: {  	v39 =	vld [tilespmem:s24+$0xB880]  }
0x3fb: {  	v40 =	vld [tilespmem:s24+$0xB4F0];
	[tilespmem:s24+$0x15CE0] =	vst v6  }
0x3fc: {  	v41 =	vld [tilespmem:s26+$0x70];
	_ =	sdelay $0x2  }
0x3fd: {  	v42 =	vld [tilespmem:s24+$0x16080]  }
0x3fe: {  	v43 =	vld [tilespmem:s24+$0x15CF0];
	v5 =	vmul.f32 v61, v4;
	v7 =	vmul.f32 v39, v3  }
0x3ff: {  	v6 =	vmul.f32 v40, v3;
	v8 =	vmul.f32 v41, v4  }
0x400: {  	v5 =	vadd.f32 v5, v7  }
0x401: {  	v6 =	vadd.f32 v8, v6  }
0x402: {  	v5 =	vadd.f32 v5, v42  }
0x403: {  	v6 =	vadd.f32 v6, v43  }
0x404: {  	[tilespmem:s24+$0x16080] =	vst v5  }
0x405: {  	s28 =	sadd.s32 $0x10C80, s24;
	v44 =	vld [tilespmem:s24+$0xB890];
	[tilespmem:s24+$0x15CF0] =	vst v6  }
0x406: {  	v6 =	vld [tilespmem:s28+$0x10];
	_ =	sdelay $0x3  }
0x407: {  	v45 =	vld [tilespmem:s24+$0x16090]  }
0x408: {  	v5 =	vmul.f32 v44, v3;
	v6 =	vmul.f32 v6, v4;
	_ =	sdelay $0x1  }
0x409: {  	v5 =	vadd.f32 v6, v5;
	_ =	sdelay $0x1  }
0x40a: {  	v5 =	vadd.f32 v5, v45;
	_ =	sdelay $0x1  }
0x40b: {  	v46 =	vld [tilespmem:s24+$0xB8A0];
	[tilespmem:s24+$0x16090] =	vst v5  }
0x40c: {  	v47 =	vld [tilespmem:s28+$0x20];
	_ =	sdelay $0x3  }
0x40d: {  	v48 =	vld [tilespmem:s24+$0x160A0]  }
0x40e: {  	v5 =	vmul.f32 v46, v3;
	v6 =	vmul.f32 v47, v4;
	_ =	sdelay $0x1  }
0x40f: {  	v5 =	vadd.f32 v6, v5;
	_ =	sdelay $0x1  }
0x410: {  	v5 =	vadd.f32 v5, v48;
	_ =	sdelay $0x1  }
0x411: {  	v49 =	vld [tilespmem:s24+$0xB8B0];
	[tilespmem:s24+$0x160A0] =	vst v5  }
0x412: {  	v50 =	vld [tilespmem:s28+$0x30];
	_ =	sdelay $0x3  }
0x413: {  	v51 =	vld [tilespmem:s24+$0x160B0]  }
0x414: {  	v5 =	vmul.f32 v49, v3;
	v6 =	vmul.f32 v50, v4;
	_ =	sdelay $0x1  }
0x415: {  	v5 =	vadd.f32 v6, v5;
	_ =	sdelay $0x1  }
0x416: {  	v5 =	vadd.f32 v5, v51;
	_ =	sdelay $0x1  }
0x417: {  	v52 =	vld [tilespmem:s24+$0xB8C0];
	[tilespmem:s24+$0x160B0] =	vst v5  }
0x418: {  	v53 =	vld [tilespmem:s28+$0x40];
	_ =	sdelay $0x3  }
0x419: {  	v54 =	vld [tilespmem:s24+$0x160C0]  }
0x41a: {  	v5 =	vmul.f32 v52, v3;
	v6 =	vmul.f32 v53, v4;
	_ =	sdelay $0x1  }
0x41b: {  	v5 =	vadd.f32 v6, v5;
	_ =	sdelay $0x1  }
0x41c: {  	v5 =	vadd.f32 v5, v54;
	_ =	sdelay $0x1  }
0x41d: {  	v55 =	vld [tilespmem:s24+$0xB8D0];
	[tilespmem:s24+$0x160C0] =	vst v5  }
0x41e: {  	v56 =	vld [tilespmem:s28+$0x50];
	_ =	sdelay $0x3  }
0x41f: {  	v57 =	vld [tilespmem:s24+$0x160D0]  }
0x420: {  	v5 =	vmul.f32 v55, v3;
	v6 =	vmul.f32 v56, v4;
	_ =	sdelay $0x1  }
0x421: {  	v5 =	vadd.f32 v6, v5;
	_ =	sdelay $0x1  }
0x422: {  	v5 =	vadd.f32 v5, v57;
	_ =	sdelay $0x1  }
0x423: {  	v58 =	vld [tilespmem:s24+$0xB8E0];
	[tilespmem:s24+$0x160D0] =	vst v5  }
0x424: {  	v59 =	vld [tilespmem:s28+$0x60];
	_ =	sdelay $0x3  }
0x425: {  	v60 =	vld [tilespmem:s24+$0x160E0]  }
0x426: {  	v5 =	vmul.f32 v58, v3;
	v6 =	vmul.f32 v59, v4;
	_ =	sdelay $0x1  }
0x427: {  	v5 =	vadd.f32 v6, v5;
	_ =	sdelay $0x1  }
0x428: {  	v5 =	vadd.f32 v5, v60;
	_ =	sdelay $0x1  }
0x429: {  	v61 =	vld [tilespmem:s24+$0xB8F0];
	[tilespmem:s24+$0x160E0] =	vst v5  }
0x42a: {  	v62 =	vld [tilespmem:s28+$0x70];
	_ =	sdelay $0x3  }
0x42b: {  	v63 =	vld [tilespmem:s24+$0x160F0]  }
0x42c: {  	v3 =	vmul.f32 v61, v3;
	v4 =	vmul.f32 v62, v4;
	_ =	sdelay $0x1  }
0x42d: {  	s29 =	sadd.s32 s5, s21;
	v3 =	vadd.f32 v4, v3  }
0x42e: {  	s8 =	sshrl.u32 s29, $0x3  }
0x42f: {  	s8 =	smul.u32 $0x180, s8;
	v3 =	vadd.f32 v3, v63  }
0x430: {  	p0 =	sne.s32 s22, $0x7  }
.Ltmp3:
0x431: {  	s8 =	sadd.s32 s6, s8;
	[tilespmem:s24+$0x160F0] =	vst v3;
	(pc) =	sbr.rel @p0 .LBB2_2-.Ltmp3, $4  }
0x432: {  	[hbm4b:s8+s4] =	stream.linear.scatter [tilespmem:s14], [sflag:$0x3], $0x5400, $0x38;
	[tilespmem:$0x1AC80] =	vst v63  }
0x433: {  	_ =	swait.ge [sflag:s19], $0x5400  }
0x434: {  	[sflag:s19] =	ssyncset.done $0x0  }
0x435: {  	s16 =	sadd.s32 $0x38, s16;
	s17 =	sadd.s32 $0x38, s17;
	[sflag:s19] =	ssyncadd.s32 $0xFFFFAC00  }
0x436: {  	s16 =	rddreg [dreg:$0xc]  }
0x437: {  	s8 =	rddreg [dreg:$0xb];
	s16 =	sadd.s32 $0x1, s16  }
0x438: {  	p0 =	sne.s32 s16, s8  }
.Ltmp4:
0x439: {  	_ = 	snop;
	(pc) =	sbr.rel @p0 .LBB2_1-.Ltmp4, $1  }
0x43a: {  	_ =	sdelay $0x3  }
0x43b: {  	_ =	sfence.sel $0x180000  }
0x43c: {  	[bflag:$0x0] =	sbarrier.arrive $0xFFFF  }
0x43d: {  	_ =	strace $0x90000047  }
0x43e: {  	s0 =	stileid.u32;
	[bflag:$0x2] =	sbarrier.arrive $0xFFFF  }
0x43f: {  	p0 =	sne.s32 s0, $0x0;
	s0 =	rddreg [dreg:$0x3]  }
0x440: {  	s0 =	sadd.s32 @!p0 $0x100000, s0  }
0x441: {  	[sflag:s0] =	ssyncadd.tile.s32 @!p0 $0x1;
	_ =	shalt  }
.Lfunc_end2:
_tile_overlayer_lowered:
.L_overlay_start_2:
0x442: {  	(tag) =	ssettag $0x2  }
0x443: {  	s0 =	rddreg [dreg:$0x0];
	s2 =	stileid.u32  }
0x444: {  	s1 =	rddreg [dreg:$0x1];
	p0 =	sne.s32 s2, $0x0  }
0x445: {  	s3 =	rddreg [dreg:$0x2];
	[bflag:$0x3] =	sbarrier.arrive $0xFFFF;
	s2 =	simm.s32 @!p0 $0x1C03  }
0x446: {  	[timem:s3], [sflag:s2] =	dma.local @!p0 [hbm:s0], s1  }
0x447: {  	s0 =	simm.s32 @!p0 $0x3  }
0x448: {  	_ =	swait.ge @!p0 [sflag:s0], s1  }
0x449: {  	s1 =	ssub.s32 @!p0 $0x0, s1;
	[sflag:s0] =	ssyncset.done @!p0 $0x0  }
0x44a: {  	[sflag:s0] =	ssyncadd.s32 @!p0 s1  }
0x44b: {  	[bflag:$0x3] =	sbarrier.arrive $0xFFFF  }
0x44c: {  	_ =	shalt  }

</sc_bundles>
